<compile_context>
chip_gen: v7x
topology: tpu7x:2x2x1
jax: 0.10.2.dev20260603
libtpu: 0.0.44.dev20260713+nightly
codegen_flags: <defaults>
</compile_context>

<pallas_src>
import functools

import jax
import jax.numpy as jnp
from jax import lax
from jax.experimental import pallas as pl
from jax.experimental.pallas import tpu as pltpu
from jax.experimental.pallas import tpu_sc as plsc

_PREC = jax.lax.Precision.HIGHEST
_NC, _NS = 2, 16
_NW = _NC * _NS
_CH = 100


def _dot(a, b):
    return jnp.dot(a, b, preferred_element_type=jnp.float32, precision=_PREC)


def _mesh():
    return plsc.VectorSubcoreMesh(core_axis_name="c", subcore_axis_name="s")


def _sc_degree(dst3, ones_ch, zeros_n):
    nchunk = dst3.shape[1]
    n = zeros_n.shape[0]

    @functools.partial(
        pl.kernel,
        out_type=jax.ShapeDtypeStruct((_NC, n), jnp.float32),
        mesh=_mesh(),
        scratch_types=[
            pltpu.VMEM((nchunk, _CH), jnp.int32),
            pltpu.VMEM((_CH,), jnp.float32),
            pltpu.VMEM_SHARED((n,), jnp.float32),
        ],
    )
    def k(dst_hbm, ones_hbm, zeros_hbm, deg_out, idx_v, ones_v, deg_sp):
        c = lax.axis_index("c")
        s = lax.axis_index("s")
        wid = c * _NS + s

        @pl.when(s == 0)
        def _():
            pltpu.sync_copy(zeros_hbm, deg_sp)

        pltpu.sync_copy(dst_hbm.at[wid], idx_v)
        pltpu.sync_copy(ones_hbm, ones_v)
        plsc.subcore_barrier()

        @pl.loop(0, nchunk)
        def _(j):
            pltpu.sync_copy(ones_v, deg_sp.at[idx_v.at[j]], add=True)

        plsc.subcore_barrier()

        @pl.when(s == 0)
        def _():
            pltpu.sync_copy(deg_sp, deg_out.at[c])

    return k(dst3, ones_ch, zeros_n)


def _sc_gather_scatter(src4, dst4, g, zeros_blk):
    nph, pch = src4.shape[1], src4.shape[2]
    n, hdim = g.shape
    rows_s = 1000
    nsplit = n // rows_s

    @functools.partial(
        pl.kernel,
        out_type=jax.ShapeDtypeStruct((_NC, n, hdim), jnp.float32),
        mesh=_mesh(),
        scratch_types=[
            pltpu.VMEM((pch, _CH), jnp.int32),
            pltpu.VMEM((pch, _CH), jnp.int32),
            pltpu.VMEM((_CH, hdim), jnp.float32),
            pltpu.VMEM((_CH, hdim), jnp.float32),
            pltpu.VMEM_SHARED((n, hdim), jnp.float32),
            pltpu.SemaphoreType.DMA((2,)),
        ],
    )
    def k(src_hbm, dst_hbm, g_hbm, z_hbm, acc_out,
          sidx_v, didx_v, r0_v, r1_v, acc_sp, gsem):
        c = lax.axis_index("c")
        s = lax.axis_index("s")
        wid = c * _NS + s

        @pl.when(s < nsplit)
        def _():
            pltpu.sync_copy(z_hbm, acc_sp.at[pl.ds(s * rows_s, rows_s)])

        plsc.subcore_barrier()

        for p in range(nph):
            pltpu.sync_copy(src_hbm.at[wid, p], sidx_v)
            pltpu.sync_copy(dst_hbm.at[wid, p], didx_v)
            pltpu.async_copy(g_hbm.at[sidx_v.at[0]], r0_v, gsem.at[0])

            @pl.loop(0, pch, step=2)
            def _(j):
                pltpu.make_async_copy(
                    g_hbm.at[sidx_v.at[j]], r0_v, gsem.at[0]).wait()
                pltpu.async_copy(
                    g_hbm.at[sidx_v.at[j + 1]], r1_v, gsem.at[1])
                pltpu.sync_copy(r0_v, acc_sp.at[didx_v.at[j]], add=True)
                pltpu.make_async_copy(
                    g_hbm.at[sidx_v.at[j + 1]], r1_v, gsem.at[1]).wait()

                @pl.when(j + 2 < pch)
                def _():
                    pltpu.async_copy(
                        g_hbm.at[sidx_v.at[j + 2]], r0_v, gsem.at[0])

                pltpu.sync_copy(r1_v, acc_sp.at[didx_v.at[j + 1]], add=True)

        plsc.subcore_barrier()

        @pl.when(s < nsplit)
        def _():
            pltpu.sync_copy(acc_sp.at[pl.ds(s * rows_s, rows_s)],
                            acc_out.at[c, pl.ds(s * rows_s, rows_s)])

    return k(src4, dst4, g, zeros_blk)


def _sc_edge_sum(src3, dst3, p1, p2):
    nchunk, ch = src3.shape[1], src3.shape[2]
    n, hdim = p1.shape
    e = _NW * nchunk * ch

    @functools.partial(
        pl.kernel,
        out_type=jax.ShapeDtypeStruct((e, hdim // 2), jnp.int32),
        mesh=_mesh(),
        scratch_types=[
            pltpu.VMEM((nchunk, ch), jnp.int32),
            pltpu.VMEM((nchunk, ch), jnp.int32),
            pltpu.VMEM((ch, hdim), jnp.float32),
            pltpu.VMEM((ch, hdim), jnp.float32),
            pltpu.VMEM((ch, hdim), jnp.float32),
            pltpu.VMEM((ch, hdim), jnp.float32),
            pltpu.VMEM((ch, hdim // 2), jnp.int32),
            pltpu.VMEM((ch, hdim // 2), jnp.int32),
            pltpu.SemaphoreType.DMA((2,)),
            pltpu.SemaphoreType.DMA((2,)),
            pltpu.SemaphoreType.DMA((2,)),
        ],
    )
    def k(src_hbm, dst_hbm, p1_hbm, p2_hbm, s_out,
          sidx_v, didx_v, a0_v, a1_v, b0_v, b1_v, o0_v, o1_v,
          asem, bsem, osem):
        c = lax.axis_index("c")
        s = lax.axis_index("s")
        wid = c * _NS + s
        base_w = wid * nchunk * ch

        pltpu.sync_copy(src_hbm.at[wid], sidx_v)
        pltpu.sync_copy(dst_hbm.at[wid], didx_v)

        def add_pack(a_v, b_v, o_v):
            @pl.loop(0, ch)
            def _(r):
                for t in range(hdim // 32):
                    lo = a_v[r, pl.ds(32 * t, 16)] + b_v[r, pl.ds(32 * t, 16)]
                    hi = (a_v[r, pl.ds(32 * t + 16, 16)]
                          + b_v[r, pl.ds(32 * t + 16, 16)])
                    lob = jax.lax.bitcast_convert_type(lo, jnp.int32) + jnp.int32(0x8000)
                    hib = jax.lax.bitcast_convert_type(hi, jnp.int32) + jnp.int32(0x8000)
                    o_v[r, pl.ds(16 * t, 16)] = (
                        jax.lax.shift_right_logical(lob, 16)
                        | (hib & jnp.int32(-65536)))

        def gather(j, a_v, b_v, islot):
            pltpu.async_copy(p1_hbm.at[sidx_v.at[j]], a_v, asem.at[islot])
            pltpu.async_copy(p2_hbm.at[didx_v.at[j]], b_v, bsem.at[islot])

        def wait_gather(j, a_v, b_v, islot):
            pltpu.make_async_copy(
                p1_hbm.at[sidx_v.at[j]], a_v, asem.at[islot]).wait()
            pltpu.make_async_copy(
                p2_hbm.at[didx_v.at[j]], b_v, bsem.at[islot]).wait()

        def out_rows(j):
            return s_out.at[pl.ds(base_w + j * ch, ch)]

        gather(0, a0_v, b0_v, 0)

        @pl.loop(0, nchunk - (nchunk % 2), step=2)
        def _(j):
            wait_gather(j, a0_v, b0_v, 0)
            gather(j + 1, a1_v, b1_v, 1)

            @pl.when(j > 0)
            def _():
                pltpu.make_async_copy(
                    o0_v, out_rows(j - 2), osem.at[0]).wait()

            add_pack(a0_v, b0_v, o0_v)
            pltpu.async_copy(o0_v, out_rows(j), osem.at[0])

            wait_gather(j + 1, a1_v, b1_v, 1)

            @pl.when(j + 2 < nchunk)
            def _():
                gather(j + 2, a0_v, b0_v, 0)

            @pl.when(j > 0)
            def _():
                pltpu.make_async_copy(
                    o1_v, out_rows(j - 1), osem.at[1]).wait()

            add_pack(a1_v, b1_v, o1_v)
            pltpu.async_copy(o1_v, out_rows(j + 1), osem.at[1])

        if nchunk % 2 == 1:
            jt = nchunk - 1
            wait_gather(jt, a0_v, b0_v, 0)
            if nchunk > 1:
                pltpu.make_async_copy(
                    o0_v, out_rows(jt - 2), osem.at[0]).wait()
            add_pack(a0_v, b0_v, o0_v)
            pltpu.sync_copy(o0_v, out_rows(jt))
            if nchunk > 1:
                pltpu.make_async_copy(
                    o1_v, out_rows(jt - 1), osem.at[1]).wait()
        else:
            pltpu.make_async_copy(
                o0_v, out_rows(nchunk - 2), osem.at[0]).wait()
            pltpu.make_async_copy(
                o1_v, out_rows(nchunk - 1), osem.at[1]).wait()

    return k(src3, dst3, p1, p2)


def _mm_body(x_ref, w_ref, h_ref):
    h_ref[...] = _dot(x_ref[...], w_ref[...])


def _tc_matmul(x, W_enc, blk=2000):
    n = x.shape[0]
    grid = (n // blk,)
    col = lambda i: (i, 0)
    return pl.pallas_call(
        _mm_body,
        grid=grid,
        in_specs=[
            pl.BlockSpec((blk, x.shape[1]), col),
            pl.BlockSpec(W_enc.shape, lambda i: (0, 0)),
        ],
        out_specs=pl.BlockSpec((blk, W_enc.shape[1]), col),
        out_shape=jax.ShapeDtypeStruct((n, W_enc.shape[1]), jnp.float32),
    )(x, W_enc)


def _enc_body(d0_ref, d1_ref, h_ref, g_ref, dis_ref):
    deg = d0_ref[...] + d1_ref[...] + 1.0
    dis = jax.lax.rsqrt(jnp.maximum(deg, 1.0))
    g_ref[...] = dis * h_ref[...]
    dis_ref[...] = dis


def _tc_scale(deg0, deg1, h, blk=2000):
    n, hdim = h.shape
    grid = (n // blk,)
    col = lambda i: (i, 0)
    return pl.pallas_call(
        _enc_body,
        grid=grid,
        in_specs=[
            pl.BlockSpec((blk, 1), col),
            pl.BlockSpec((blk, 1), col),
            pl.BlockSpec((blk, hdim), col),
        ],
        out_specs=[
            pl.BlockSpec((blk, hdim), col),
            pl.BlockSpec((blk, 1), col),
        ],
        out_shape=[
            jax.ShapeDtypeStruct((n, hdim), jnp.float32),
            jax.ShapeDtypeStruct((n, 1), jnp.float32),
        ],
    )(deg0, deg1, h)


def _tail_body(acc0_ref, acc1_ref, g_ref, dis_ref, eps_ref, benc_ref,
               wmu_ref, bmu_ref, wls_ref, bls_ref, wd1a_ref, bd1_ref,
               wd1b_ref, mu_ref, ls_ref, p1_ref, p2_ref):
    acc = acc0_ref[...] + acc1_ref[...]
    agg = dis_ref[...] * (acc + g_ref[...]) + benc_ref[...]
    henc = jnp.maximum(agg, 0.0)
    mu = _dot(henc, wmu_ref[...]) + bmu_ref[...]
    ls = _dot(henc, wls_ref[...]) + bls_ref[...]
    z = mu + eps_ref[...] * jnp.exp(0.5 * ls)
    mu_ref[...] = mu
    ls_ref[...] = ls
    p1_ref[...] = _dot(z, wd1a_ref[...]) + bd1_ref[...]
    p2_ref[...] = _dot(z, wd1b_ref[...])


def _tc_tail(acc0, acc1, g, dis, eps, b_enc, W_mu, b_mu, W_ls, b_ls,
             W_d1a, b_d1, W_d1b, blk=2000):
    n, hdim = g.shape
    grid = (n // blk,)
    row = lambda i: (i, 0)
    fix = lambda i: (0, 0)
    rb = pl.BlockSpec((blk, hdim), row)
    wfix = lambda w: pl.BlockSpec(w.shape, fix)
    return pl.pallas_call(
        _tail_body,
        grid=grid,
        in_specs=[rb, rb, rb, pl.BlockSpec((blk, 1), row), rb,
                  wfix(b_enc), wfix(W_mu), wfix(b_mu),
                  wfix(W_ls), wfix(b_ls), wfix(W_d1a), wfix(b_d1),
                  wfix(W_d1b)],
        out_specs=[rb, rb, rb, rb],
        out_shape=[jax.ShapeDtypeStruct((n, hdim), jnp.float32)] * 4,
    )(acc0, acc1, g, dis, eps, b_enc, W_mu, b_mu, W_ls, b_ls,
      W_d1a, b_d1, W_d1b)


def _dec_body(s_ref, wa_ref, wb_ref, b_ref, score_ref, dec_ref):
    w = s_ref[...]
    lo = jax.lax.bitcast_convert_type(
        jax.lax.shift_left(w, 16), jnp.float32)
    hi = jax.lax.bitcast_convert_type(
        jnp.bitwise_and(w, jnp.int32(-65536)), jnp.float32)
    dec = (jnp.dot(jnp.maximum(lo, 0.0), wa_ref[...],
                   preferred_element_type=jnp.float32)
           + jnp.dot(jnp.maximum(hi, 0.0), wb_ref[...],
                     preferred_element_type=jnp.float32)
           + b_ref[...])
    dec_ref[...] = dec
    score_ref[...] = jax.nn.sigmoid(dec)


def _dec_body_alias(s_ref, wa_ref, wb_ref, b_ref, sa_ref, da_ref,
                    score_ref, dec_ref):
    del sa_ref, da_ref
    _dec_body(s_ref, wa_ref, wb_ref, b_ref, score_ref, dec_ref)


def _tc_decode_slice(s_sl, W_a, W_b, b_d2, e, blk_base, blk=2560):
    out_dim = W_a.shape[1]
    grid = (s_sl.shape[0] // blk,)
    return pl.pallas_call(
        _dec_body,
        grid=grid,
        in_specs=[
            pl.BlockSpec((blk, s_sl.shape[1]), lambda i: (i, 0)),
            pl.BlockSpec(W_a.shape, lambda i: (0, 0)),
            pl.BlockSpec(W_b.shape, lambda i: (0, 0)),
            pl.BlockSpec(b_d2.shape, lambda i: (0, 0)),
        ],
        out_specs=[
            pl.BlockSpec((blk, out_dim), lambda i: (i + blk_base, 0))] * 2,
        out_shape=[jax.ShapeDtypeStruct((e, out_dim), jnp.float32)] * 2,
    )(s_sl, W_a, W_b, b_d2)


def _tc_decode_slice_alias(s_sl, W_a, W_b, b_d2, score_a, dec_a, blk_base,
                           blk=2560):
    e, out_dim = score_a.shape
    grid = (s_sl.shape[0] // blk,)
    return pl.pallas_call(
        _dec_body_alias,
        grid=grid,
        in_specs=[
            pl.BlockSpec((blk, s_sl.shape[1]), lambda i: (i, 0)),
            pl.BlockSpec(W_a.shape, lambda i: (0, 0)),
            pl.BlockSpec(W_b.shape, lambda i: (0, 0)),
            pl.BlockSpec(b_d2.shape, lambda i: (0, 0)),
            pl.BlockSpec(memory_space=pl.ANY),
            pl.BlockSpec(memory_space=pl.ANY),
        ],
        out_specs=[
            pl.BlockSpec((blk, out_dim), lambda i: (i + blk_base, 0))] * 2,
        out_shape=[jax.ShapeDtypeStruct((e, out_dim), jnp.float32)] * 2,
        input_output_aliases={4: 0, 5: 1},
    )(s_sl, W_a, W_b, b_d2, score_a, dec_a)


def kernel(x, edge_index, W_enc, b_enc, W_mu, b_mu, W_ls, b_ls, W_d1, b_d1, W_d2, b_d2):
    n, hdim = x.shape[0], W_enc.shape[1]
    e = edge_index.shape[1]
    nchunk = e // (_NW * _CH)
    src3 = edge_index[0].reshape(_NW, nchunk, _CH)
    dst3 = edge_index[1].reshape(_NW, nchunk, _CH)

    ones_ch = jnp.ones((_CH,), jnp.float32)
    zeros_n = jnp.zeros((n,), jnp.float32)
    zeros_blk = jnp.zeros((1000, hdim), jnp.float32)

    degp = _sc_degree(dst3, ones_ch, zeros_n)
    h = _tc_matmul(x, W_enc)
    g, dis = _tc_scale(degp[0][:, None], degp[1][:, None], h)

    accp = _sc_gather_scatter(
        src3.reshape(_NW, 2, nchunk // 2, _CH),
        dst3.reshape(_NW, 2, nchunk // 2, _CH), g, zeros_blk)

    eps = jax.random.normal(jax.random.key(42), (n, hdim), dtype=jnp.float32)
    mu, logstd, P1, P2 = _tc_tail(
        accp[0], accp[1], g, dis, eps, b_enc[None, :], W_mu, b_mu[None, :],
        W_ls, b_ls[None, :], W_d1[:hdim], b_d1[None, :], W_d1[hdim:])

    srcc = edge_index[0].reshape(e // 80, 80)
    dstc = edge_index[1].reshape(e // 80, 80)
    ca = 2016
    s_a = _sc_edge_sum(srcc[:ca].reshape(_NW, ca // _NW, 80),
                       dstc[:ca].reshape(_NW, ca // _NW, 80), P1, P2)
    s_b = _sc_edge_sum(srcc[ca:].reshape(_NW, -1, 80),
                       dstc[ca:].reshape(_NW, -1, 80), P1, P2)

    perm = jnp.arange(hdim).reshape(hdim // 32, 2, 16)
    W_a = W_d2[perm[:, 0, :].reshape(-1)]
    W_b = W_d2[perm[:, 1, :].reshape(-1)]

    blk = 2560
    score_a, dec_a = _tc_decode_slice(s_a, W_a, W_b, b_d2[None, :], e, 0, blk)
    edge_score, dec = _tc_decode_slice_alias(
        s_b, W_a, W_b, b_d2[None, :], score_a, dec_a, s_a.shape[0] // blk, blk)
    return (edge_score, mu, logstd, dec)

# --- scband reference (transcript-rebuilt; emitter-appended) ---
"""Pipeline reference for scband-gvae-9878424781050 (READ-ONLY COPY).

The authoritative reference and input builder live on the scoring server;
editing this copy changes nothing except your own understanding.
"""

import jax, jax.numpy as jnp
import numpy as np

N = 10000
E = 320000
IN = 128
HID = 128


def _glorot(key, shape):
    fan_in, fan_out = shape[0], shape[1]
    s = jnp.sqrt(2.0 / (fan_in + fan_out))
    return jax.random.normal(key, shape, dtype=jnp.float32) * s


def setup_inputs(seed: int = 0) -> dict:
    key = jax.random.key(seed)
    ks = jax.random.split(key, 12)
    x = jax.random.normal(ks[0], (N, IN), dtype=jnp.float32)
    edge_index = jax.random.randint(ks[1], (2, E), 0, N, dtype=jnp.int32)
    W_enc = _glorot(ks[2], (IN, HID))
    b_enc = jnp.zeros((HID,), dtype=jnp.float32)
    W_mu = _glorot(ks[3], (HID, HID))
    b_mu = jnp.zeros((HID,), dtype=jnp.float32)
    W_ls = _glorot(ks[4], (HID, HID))
    b_ls = jnp.zeros((HID,), dtype=jnp.float32)
    W_d1 = _glorot(ks[5], (2 * HID, HID))
    b_d1 = jnp.zeros((HID,), dtype=jnp.float32)
    W_d2 = _glorot(ks[6], (HID, IN))
    b_d2 = jnp.zeros((IN,), dtype=jnp.float32)
    return {"x": x, "edge_index": edge_index, "W_enc": W_enc, "b_enc": b_enc,
            "W_mu": W_mu, "b_mu": b_mu, "W_ls": W_ls, "b_ls": b_ls,
            "W_d1": W_d1, "b_d1": b_d1, "W_d2": W_d2, "b_d2": b_d2}


def reference(x, edge_index, W_enc, b_enc, W_mu, b_mu, W_ls, b_ls, W_d1, b_d1, W_d2, b_d2):
    n = x.shape[0]
    src, dst = edge_index[0], edge_index[1]
    # GCNConv: add self-loops + symmetric normalization
    loop = jnp.arange(n, dtype=src.dtype)
    s = jnp.concatenate([src, loop])
    d = jnp.concatenate([dst, loop])
    deg = jnp.zeros((n,), x.dtype).at[d].add(1.0)
    dis = 1.0 / jnp.sqrt(jnp.maximum(deg, 1.0))
    norm = dis[s] * dis[d]
    h = x @ W_enc
    msg = h[s] * norm[:, None]
    agg = jnp.zeros((n, h.shape[1]), x.dtype).at[d].add(msg) + b_enc
    henc = jax.nn.relu(agg)
    mu = henc @ W_mu + b_mu
    logstd = henc @ W_ls + b_ls
    # reparameterize (fixed key for determinism)
    std = jnp.exp(0.5 * logstd)
    eps = jax.random.normal(jax.random.key(42), std.shape, dtype=std.dtype)
    z = mu + eps * std
    # decode: gather both endpoints, concat, MLP
    z_cat = jnp.concatenate([z[src], z[dst]], axis=-1)
    dec = jax.nn.relu(z_cat @ W_d1 + b_d1) @ W_d2 + b_d2
    edge_score = jax.nn.sigmoid(dec)  # squeeze is a no-op (last dim = input_dim)
    reconstructed_features = dec  # torch recomputes decoder on identical input
    return (edge_score, mu, logstd, reconstructed_features)

if __name__ == "__main__":
    import jax
    _d = setup_inputs()
    print(jax.jit(kernel)(*tuple(_d.values())))

</pallas_src>

<mosaic_0001>
#map = affine_map<(d0, d1) -> (0, 0, 0)>
#map1 = affine_map<(d0, d1) -> (0, 0)>
module attributes {stable_mosaic.version = 14 : i64} {
  func.func @k(%arg0: i32, %arg1: i32, %arg2: memref<32x63x80xi32, #tpu.memory_space<hbm>>, %arg3: memref<32x63x80xi32, #tpu.memory_space<hbm>>, %arg4: memref<10000x128xf32, #tpu.memory_space<hbm>>, %arg5: memref<10000x128xf32, #tpu.memory_space<hbm>>, %arg6: memref<161280x64xi32, #tpu.memory_space<hbm>>, %arg7: memref<63x80xi32, #tpu.memory_space<vmem>>, %arg8: memref<63x80xi32, #tpu.memory_space<vmem>>, %arg9: memref<80x128xf32, #tpu.memory_space<vmem>>, %arg10: memref<80x128xf32, #tpu.memory_space<vmem>>, %arg11: memref<80x128xf32, #tpu.memory_space<vmem>>, %arg12: memref<80x128xf32, #tpu.memory_space<vmem>>, %arg13: memref<80x64xi32, #tpu.memory_space<vmem>>, %arg14: memref<80x64xi32, #tpu.memory_space<vmem>>, %arg15: memref<2x!tpu.dma_semaphore, #tpu.memory_space<semaphore_mem>>, %arg16: memref<2x!tpu.dma_semaphore, #tpu.memory_space<semaphore_mem>>, %arg17: memref<2x!tpu.dma_semaphore, #tpu.memory_space<semaphore_mem>>) attributes {dimension_semantics = [#tpu.dimension_semantics<core_parallel>, #tpu.dimension_semantics<subcore_parallel>], iteration_bounds = array<i64: 2, 16>, scalar_prefetch = 0 : i64, scratch_operands = 11 : i64, tpu.core_type = #tpu.core_type<sc_vector_subcore>, window_params = [{transform_indices = #map}, {transform_indices = #map}, {transform_indices = #map1}, {transform_indices = #map1}, {transform_indices = #map1}]} {
    %mul3A = arith.constant 16 : i32
    %mul3A_0 = arith.muli %arg0, %mul3A : i32
    %add3A = arith.addi %mul3A_0, %arg1 : i32
    %mul3A_1 = arith.constant 63 : i32
    %mul3A_2 = arith.muli %add3A, %mul3A_1 : i32
    %mul3A_3 = arith.constant 80 : i32
    %mul3A_4 = arith.muli %mul3A_2, %mul3A_3 : i32
    "tpu.region"() ({
      %run_scoped3A = tpu.sem_alloc : memref<!tpu.dma_semaphore, #tpu.memory_space<semaphore_mem>>
      %dma_start3A_72 = arith.constant 0 : i32
      %dma_start3A_73 = arith.constant 0 : i32
      %dma_start3A_74 = tpu.memref_slice %arg2[%add3A, %dma_start3A_72, %dma_start3A_73] : memref<32x63x80xi32, #tpu.memory_space<hbm>> -> memref<1x63x80xi32, #tpu.memory_space<hbm>>
      %dma_start3A_75 = tpu.memref_squeeze %dma_start3A_74 : memref<1x63x80xi32, #tpu.memory_space<hbm>> -> memref<63x80xi32, #tpu.memory_space<hbm>>
      %dma_start3A_76 = arith.constant 0 : i32
      %dma_start3A_77 = arith.constant 0 : i32
      %dma_start3A_78 = tpu.memref_slice %arg2[%add3A, %dma_start3A_76, %dma_start3A_77] : memref<32x63x80xi32, #tpu.memory_space<hbm>> -> memref<1x63x80xi32, #tpu.memory_space<hbm>>
      %dma_start3A_79 = tpu.memref_squeeze %dma_start3A_78 : memref<1x63x80xi32, #tpu.memory_space<hbm>> -> memref<63x80xi32, #tpu.memory_space<hbm>>
      tpu.enqueue_dma source(%dma_start3A_79 : memref<63x80xi32, #tpu.memory_space<hbm>>) target(%arg7 : memref<63x80xi32, #tpu.memory_space<vmem>>) target_semaphore(%run_scoped3A : memref<!tpu.dma_semaphore, #tpu.memory_space<semaphore_mem>>)
      %dma_wait3A_80 = arith.constant 0 : i32
      %dma_wait3A_81 = arith.constant 0 : i32
      %dma_wait3A_82 = tpu.memref_slice %arg2[%add3A, %dma_wait3A_80, %dma_wait3A_81] : memref<32x63x80xi32, #tpu.memory_space<hbm>> -> memref<1x63x80xi32, #tpu.memory_space<hbm>>
      %dma_wait3A_83 = tpu.memref_squeeze %dma_wait3A_82 : memref<1x63x80xi32, #tpu.memory_space<hbm>> -> memref<63x80xi32, #tpu.memory_space<hbm>>
      %dma_wait3A_84 = arith.constant 0 : i32
      %dma_wait3A_85 = arith.constant 0 : i32
      %dma_wait3A_86 = tpu.memref_slice %arg2[%add3A, %dma_wait3A_84, %dma_wait3A_85] : memref<32x63x80xi32, #tpu.memory_space<hbm>> -> memref<1x63x80xi32, #tpu.memory_space<hbm>>
      %dma_wait3A_87 = tpu.memref_squeeze %dma_wait3A_86 : memref<1x63x80xi32, #tpu.memory_space<hbm>> -> memref<63x80xi32, #tpu.memory_space<hbm>>
      tpu.wait_dma2 semaphore(%run_scoped3A : memref<!tpu.dma_semaphore, #tpu.memory_space<semaphore_mem>>) src(%dma_wait3A_87 : memref<63x80xi32, #tpu.memory_space<hbm>>) dst(%arg7 : memref<63x80xi32, #tpu.memory_space<vmem>>)
      tpu.yield
    }) : () -> ()
    "tpu.region"() ({
      %run_scoped3A = tpu.sem_alloc : memref<!tpu.dma_semaphore, #tpu.memory_space<semaphore_mem>>
      %dma_start3A_72 = arith.constant 0 : i32
      %dma_start3A_73 = arith.constant 0 : i32
      %dma_start3A_74 = tpu.memref_slice %arg3[%add3A, %dma_start3A_72, %dma_start3A_73] : memref<32x63x80xi32, #tpu.memory_space<hbm>> -> memref<1x63x80xi32, #tpu.memory_space<hbm>>
      %dma_start3A_75 = tpu.memref_squeeze %dma_start3A_74 : memref<1x63x80xi32, #tpu.memory_space<hbm>> -> memref<63x80xi32, #tpu.memory_space<hbm>>
      %dma_start3A_76 = arith.constant 0 : i32
      %dma_start3A_77 = arith.constant 0 : i32
      %dma_start3A_78 = tpu.memref_slice %arg3[%add3A, %dma_start3A_76, %dma_start3A_77] : memref<32x63x80xi32, #tpu.memory_space<hbm>> -> memref<1x63x80xi32, #tpu.memory_space<hbm>>
      %dma_start3A_79 = tpu.memref_squeeze %dma_start3A_78 : memref<1x63x80xi32, #tpu.memory_space<hbm>> -> memref<63x80xi32, #tpu.memory_space<hbm>>
      tpu.enqueue_dma source(%dma_start3A_79 : memref<63x80xi32, #tpu.memory_space<hbm>>) target(%arg8 : memref<63x80xi32, #tpu.memory_space<vmem>>) target_semaphore(%run_scoped3A : memref<!tpu.dma_semaphore, #tpu.memory_space<semaphore_mem>>)
      %dma_wait3A_80 = arith.constant 0 : i32
      %dma_wait3A_81 = arith.constant 0 : i32
      %dma_wait3A_82 = tpu.memref_slice %arg3[%add3A, %dma_wait3A_80, %dma_wait3A_81] : memref<32x63x80xi32, #tpu.memory_space<hbm>> -> memref<1x63x80xi32, #tpu.memory_space<hbm>>
      %dma_wait3A_83 = tpu.memref_squeeze %dma_wait3A_82 : memref<1x63x80xi32, #tpu.memory_space<hbm>> -> memref<63x80xi32, #tpu.memory_space<hbm>>
      %dma_wait3A_84 = arith.constant 0 : i32
      %dma_wait3A_85 = arith.constant 0 : i32
      %dma_wait3A_86 = tpu.memref_slice %arg3[%add3A, %dma_wait3A_84, %dma_wait3A_85] : memref<32x63x80xi32, #tpu.memory_space<hbm>> -> memref<1x63x80xi32, #tpu.memory_space<hbm>>
      %dma_wait3A_87 = tpu.memref_squeeze %dma_wait3A_86 : memref<1x63x80xi32, #tpu.memory_space<hbm>> -> memref<63x80xi32, #tpu.memory_space<hbm>>
      tpu.wait_dma2 semaphore(%run_scoped3A : memref<!tpu.dma_semaphore, #tpu.memory_space<semaphore_mem>>) src(%dma_wait3A_87 : memref<63x80xi32, #tpu.memory_space<hbm>>) dst(%arg8 : memref<63x80xi32, #tpu.memory_space<vmem>>)
      tpu.yield
    }) : () -> ()
    %dma_start3A = arith.constant 0 : i32
    %dma_start3A_5 = arith.constant 0 : i32
    %dma_start3A_6 = arith.constant 0 : i32
    %dma_start3A_7 = tpu.memref_slice %arg7[%dma_start3A, %dma_start3A_6] : memref<63x80xi32, #tpu.memory_space<vmem>> -> memref<1x80xi32, #tpu.memory_space<vmem>>
    %dma_start3A_8 = tpu.memref_squeeze %dma_start3A_7 : memref<1x80xi32, #tpu.memory_space<vmem>> -> memref<80xi32, #tpu.memory_space<vmem>>
    %dma_start3A_9 = arith.constant 0 : i32
    %dma_start3A_10 = arith.constant 0 : i32
    %dma_start3A_11 = tpu.memref_slice %arg4[%dma_start3A_9, %dma_start3A_10] : memref<10000x128xf32, #tpu.memory_space<hbm>> -> memref<10000x128xf32, #tpu.memory_space<hbm>>
    %dma_start3A_12 = tpu.memref_slice %arg15[%dma_start3A_5] : memref<2x!tpu.dma_semaphore, #tpu.memory_space<semaphore_mem>> -> memref<1x!tpu.dma_semaphore, #tpu.memory_space<semaphore_mem>>
    %dma_start3A_13 = tpu.memref_squeeze %dma_start3A_12 : memref<1x!tpu.dma_semaphore, #tpu.memory_space<semaphore_mem>> -> memref<!tpu.dma_semaphore, #tpu.memory_space<semaphore_mem>>
    tpu.enqueue_indirect_dma source(%dma_start3A_11 : memref<10000x128xf32, #tpu.memory_space<hbm>>) target(%arg9 : memref<80x128xf32, #tpu.memory_space<vmem>>) offsets(%dma_start3A_8 : memref<80xi32, #tpu.memory_space<vmem>>) semaphore(%dma_start3A_13 : memref<!tpu.dma_semaphore, #tpu.memory_space<semaphore_mem>>)
    %dma_start3A_14 = arith.constant 0 : i32
    %dma_start3A_15 = arith.constant 0 : i32
    %dma_start3A_16 = arith.constant 0 : i32
    %dma_start3A_17 = tpu.memref_slice %arg8[%dma_start3A_14, %dma_start3A_16] : memref<63x80xi32, #tpu.memory_space<vmem>> -> memref<1x80xi32, #tpu.memory_space<vmem>>
    %dma_start3A_18 = tpu.memref_squeeze %dma_start3A_17 : memref<1x80xi32, #tpu.memory_space<vmem>> -> memref<80xi32, #tpu.memory_space<vmem>>
    %dma_start3A_19 = arith.constant 0 : i32
    %dma_start3A_20 = arith.constant 0 : i32
    %dma_start3A_21 = tpu.memref_slice %arg5[%dma_start3A_19, %dma_start3A_20] : memref<10000x128xf32, #tpu.memory_space<hbm>> -> memref<10000x128xf32, #tpu.memory_space<hbm>>
    %dma_start3A_22 = tpu.memref_slice %arg16[%dma_start3A_15] : memref<2x!tpu.dma_semaphore, #tpu.memory_space<semaphore_mem>> -> memref<1x!tpu.dma_semaphore, #tpu.memory_space<semaphore_mem>>
    %dma_start3A_23 = tpu.memref_squeeze %dma_start3A_22 : memref<1x!tpu.dma_semaphore, #tpu.memory_space<semaphore_mem>> -> memref<!tpu.dma_semaphore, #tpu.memory_space<semaphore_mem>>
    tpu.enqueue_indirect_dma source(%dma_start3A_21 : memref<10000x128xf32, #tpu.memory_space<hbm>>) target(%arg11 : memref<80x128xf32, #tpu.memory_space<vmem>>) offsets(%dma_start3A_18 : memref<80xi32, #tpu.memory_space<vmem>>) semaphore(%dma_start3A_23 : memref<!tpu.dma_semaphore, #tpu.memory_space<semaphore_mem>>)
    %scan3A = arith.constant 0 : i32
    %scan3A_24 = arith.constant 31 : i32
    %scan3A_25 = arith.addi %scan3A, %scan3A_24 : i32
    %scan3A_26 = arith.constant 1 : i32
    scf.for %scan3A_72 = %scan3A to %scan3A_25 step %scan3A_26  : i32 {
      %mul3A_73 = arith.constant 2 : i32
      %mul3A_74 = arith.muli %scan3A_72, %mul3A_73 : i32
      %add3A_75 = arith.constant 0 : i32
      %add3A_76 = arith.addi %add3A_75, %mul3A_74 : i32
      %dma_wait3A_77 = arith.constant 0 : i32
      %dma_wait3A_78 = arith.constant 0 : i32
      %dma_wait3A_79 = tpu.memref_slice %arg7[%add3A_76, %dma_wait3A_78] : memref<63x80xi32, #tpu.memory_space<vmem>> -> memref<1x80xi32, #tpu.memory_space<vmem>>
      %dma_wait3A_80 = tpu.memref_squeeze %dma_wait3A_79 : memref<1x80xi32, #tpu.memory_space<vmem>> -> memref<80xi32, #tpu.memory_space<vmem>>
      %dma_wait3A_81 = arith.constant 0 : i32
      %dma_wait3A_82 = arith.constant 0 : i32
      %dma_wait3A_83 = tpu.memref_slice %arg4[%dma_wait3A_81, %dma_wait3A_82] : memref<10000x128xf32, #tpu.memory_space<hbm>> -> memref<10000x128xf32, #tpu.memory_space<hbm>>
      %dma_wait3A_84 = tpu.memref_slice %arg15[%dma_wait3A_77] : memref<2x!tpu.dma_semaphore, #tpu.memory_space<semaphore_mem>> -> memref<1x!tpu.dma_semaphore, #tpu.memory_space<semaphore_mem>>
      %dma_wait3A_85 = tpu.memref_squeeze %dma_wait3A_84 : memref<1x!tpu.dma_semaphore, #tpu.memory_space<semaphore_mem>> -> memref<!tpu.dma_semaphore, #tpu.memory_space<semaphore_mem>>
      tpu.wait_indirect_dma semaphore(%dma_wait3A_85 : memref<!tpu.dma_semaphore, #tpu.memory_space<semaphore_mem>>) src(%dma_wait3A_83 : memref<10000x128xf32, #tpu.memory_space<hbm>>) dst(%arg9 : memref<80x128xf32, #tpu.memory_space<vmem>>)
      %dma_wait3A_86 = arith.constant 0 : i32
      %dma_wait3A_87 = arith.constant 0 : i32
      %dma_wait3A_88 = tpu.memref_slice %arg8[%add3A_76, %dma_wait3A_87] : memref<63x80xi32, #tpu.memory_space<vmem>> -> memref<1x80xi32, #tpu.memory_space<vmem>>
      %dma_wait3A_89 = tpu.memref_squeeze %dma_wait3A_88 : memref<1x80xi32, #tpu.memory_space<vmem>> -> memref<80xi32, #tpu.memory_space<vmem>>
      %dma_wait3A_90 = arith.constant 0 : i32
      %dma_wait3A_91 = arith.constant 0 : i32
      %dma_wait3A_92 = tpu.memref_slice %arg5[%dma_wait3A_90, %dma_wait3A_91] : memref<10000x128xf32, #tpu.memory_space<hbm>> -> memref<10000x128xf32, #tpu.memory_space<hbm>>
      %dma_wait3A_93 = tpu.memref_slice %arg16[%dma_wait3A_86] : memref<2x!tpu.dma_semaphore, #tpu.memory_space<semaphore_mem>> -> memref<1x!tpu.dma_semaphore, #tpu.memory_space<semaphore_mem>>
      %dma_wait3A_94 = tpu.memref_squeeze %dma_wait3A_93 : memref<1x!tpu.dma_semaphore, #tpu.memory_space<semaphore_mem>> -> memref<!tpu.dma_semaphore, #tpu.memory_space<semaphore_mem>>
      tpu.wait_indirect_dma semaphore(%dma_wait3A_94 : memref<!tpu.dma_semaphore, #tpu.memory_space<semaphore_mem>>) src(%dma_wait3A_92 : memref<10000x128xf32, #tpu.memory_space<hbm>>) dst(%arg11 : memref<80x128xf32, #tpu.memory_space<vmem>>)
      %add3A_95 = arith.constant 1 : i32
      %add3A_96 = arith.addi %add3A_76, %add3A_95 : i32
      %dma_start3A_97 = arith.constant 1 : i32
      %dma_start3A_98 = arith.constant 0 : i32
      %dma_start3A_99 = tpu.memref_slice %arg7[%add3A_96, %dma_start3A_98] : memref<63x80xi32, #tpu.memory_space<vmem>> -> memref<1x80xi32, #tpu.memory_space<vmem>>
      %dma_start3A_100 = tpu.memref_squeeze %dma_start3A_99 : memref<1x80xi32, #tpu.memory_space<vmem>> -> memref<80xi32, #tpu.memory_space<vmem>>
      %dma_start3A_101 = arith.constant 0 : i32
      %dma_start3A_102 = arith.constant 0 : i32
      %dma_start3A_103 = tpu.memref_slice %arg4[%dma_start3A_101, %dma_start3A_102] : memref<10000x128xf32, #tpu.memory_space<hbm>> -> memref<10000x128xf32, #tpu.memory_space<hbm>>
      %dma_start3A_104 = tpu.memref_slice %arg15[%dma_start3A_97] : memref<2x!tpu.dma_semaphore, #tpu.memory_space<semaphore_mem>> -> memref<1x!tpu.dma_semaphore, #tpu.memory_space<semaphore_mem>>
      %dma_start3A_105 = tpu.memref_squeeze %dma_start3A_104 : memref<1x!tpu.dma_semaphore, #tpu.memory_space<semaphore_mem>> -> memref<!tpu.dma_semaphore, #tpu.memory_space<semaphore_mem>>
      tpu.enqueue_indirect_dma source(%dma_start3A_103 : memref<10000x128xf32, #tpu.memory_space<hbm>>) target(%arg10 : memref<80x128xf32, #tpu.memory_space<vmem>>) offsets(%dma_start3A_100 : memref<80xi32, #tpu.memory_space<vmem>>) semaphore(%dma_start3A_105 : memref<!tpu.dma_semaphore, #tpu.memory_space<semaphore_mem>>)
      %dma_start3A_106 = arith.constant 1 : i32
      %dma_start3A_107 = arith.constant 0 : i32
      %dma_start3A_108 = tpu.memref_slice %arg8[%add3A_96, %dma_start3A_107] : memref<63x80xi32, #tpu.memory_space<vmem>> -> memref<1x80xi32, #tpu.memory_space<vmem>>
      %dma_start3A_109 = tpu.memref_squeeze %dma_start3A_108 : memref<1x80xi32, #tpu.memory_space<vmem>> -> memref<80xi32, #tpu.memory_space<vmem>>
      %dma_start3A_110 = arith.constant 0 : i32
      %dma_start3A_111 = arith.constant 0 : i32
      %dma_start3A_112 = tpu.memref_slice %arg5[%dma_start3A_110, %dma_start3A_111] : memref<10000x128xf32, #tpu.memory_space<hbm>> -> memref<10000x128xf32, #tpu.memory_space<hbm>>
      %dma_start3A_113 = tpu.memref_slice %arg16[%dma_start3A_106] : memref<2x!tpu.dma_semaphore, #tpu.memory_space<semaphore_mem>> -> memref<1x!tpu.dma_semaphore, #tpu.memory_space<semaphore_mem>>
      %dma_start3A_114 = tpu.memref_squeeze %dma_start3A_113 : memref<1x!tpu.dma_semaphore, #tpu.memory_space<semaphore_mem>> -> memref<!tpu.dma_semaphore, #tpu.memory_space<semaphore_mem>>
      tpu.enqueue_indirect_dma source(%dma_start3A_112 : memref<10000x128xf32, #tpu.memory_space<hbm>>) target(%arg12 : memref<80x128xf32, #tpu.memory_space<vmem>>) offsets(%dma_start3A_109 : memref<80xi32, #tpu.memory_space<vmem>>) semaphore(%dma_start3A_114 : memref<!tpu.dma_semaphore, #tpu.memory_space<semaphore_mem>>)
      %gt3A = arith.constant 0 : i32
      %gt3A_115 = arith.cmpi sgt, %add3A_76, %gt3A : i32
      %convert_element_type3A = arith.extui %gt3A_115 : i1 to i32
      %cond3A = arith.constant 0 : i32
      %cond3A_116 = arith.cmpi ne, %convert_element_type3A, %cond3A : i32
      scf.if %cond3A_116 {
        %sub3A = arith.constant 2 : i32
        %sub3A_180 = arith.subi %add3A_76, %sub3A : i32
        %mul3A_181 = arith.constant 80 : i32
        %mul3A_182 = arith.muli %sub3A_180, %mul3A_181 : i32
        %add3A_183 = arith.addi %mul3A_4, %mul3A_182 : i32
        %dma_wait3A_184 = arith.constant 0 : i32
        %dma_wait3A_185 = arith.constant 0 : i32
        %dma_wait3A_186 = tpu.memref_slice %arg6[%add3A_183, %dma_wait3A_185] : memref<161280x64xi32, #tpu.memory_space<hbm>> -> memref<80x64xi32, #tpu.memory_space<hbm>>
        %dma_wait3A_187 = tpu.memref_slice %arg17[%dma_wait3A_184] : memref<2x!tpu.dma_semaphore, #tpu.memory_space<semaphore_mem>> -> memref<1x!tpu.dma_semaphore, #tpu.memory_space<semaphore_mem>>
        %dma_wait3A_188 = tpu.memref_squeeze %dma_wait3A_187 : memref<1x!tpu.dma_semaphore, #tpu.memory_space<semaphore_mem>> -> memref<!tpu.dma_semaphore, #tpu.memory_space<semaphore_mem>>
        %dma_wait3A_189 = arith.constant 0 : i32
        %dma_wait3A_190 = tpu.memref_slice %arg6[%add3A_183, %dma_wait3A_189] : memref<161280x64xi32, #tpu.memory_space<hbm>> -> memref<80x64xi32, #tpu.memory_space<hbm>>
        tpu.wait_dma2 semaphore(%dma_wait3A_188 : memref<!tpu.dma_semaphore, #tpu.memory_space<semaphore_mem>>) src(%arg13 : memref<80x64xi32, #tpu.memory_space<vmem>>) dst(%dma_wait3A_190 : memref<80x64xi32, #tpu.memory_space<hbm>>)
      } else {
      }
      %scan3A_117 = arith.constant 0 : i32
      %scan3A_118 = arith.constant 80 : i32
      %scan3A_119 = arith.addi %scan3A_117, %scan3A_118 : i32
      %scan3A_120 = arith.constant 1 : i32
      scf.for %scan3A_180 = %scan3A_117 to %scan3A_119 step %scan3A_120  : i32 {
        %mul3A_181 = arith.constant 1 : i32
        %mul3A_182 = arith.muli %scan3A_180, %mul3A_181 : i32
        %add3A_183 = arith.constant 0 : i32
        %add3A_184 = arith.addi %add3A_183, %mul3A_182 : i32
        %get3A = arith.index_cast %add3A_184 : i32 to index
        %get3A_185 = arith.constant 0 : index
        %get3A_186 = tpu.vector_load %arg9[%get3A, %get3A_185] {strides = array<i32>} : memref<80x128xf32, #tpu.memory_space<vmem>>, vector<1x16xf32>,
        %get3A_187 = vector.shape_cast %get3A_186 : vector<1x16xf32> to vector<16xf32>
        %get3A_188 = arith.index_cast %add3A_184 : i32 to index
        %get3A_189 = arith.constant 0 : index
        %get3A_190 = tpu.vector_load %arg11[%get3A_188, %get3A_189] {strides = array<i32>} : memref<80x128xf32, #tpu.memory_space<vmem>>, vector<1x16xf32>,
        %get3A_191 = vector.shape_cast %get3A_190 : vector<1x16xf32> to vector<16xf32>
        %add3A_192 = arith.addf %get3A_187, %get3A_191 : vector<16xf32>
        %get3A_193 = arith.index_cast %add3A_184 : i32 to index
        %get3A_194 = arith.constant 16 : index
        %get3A_195 = tpu.vector_load %arg9[%get3A_193, %get3A_194] {strides = array<i32>} : memref<80x128xf32, #tpu.memory_space<vmem>>, vector<1x16xf32>,
        %get3A_196 = vector.shape_cast %get3A_195 : vector<1x16xf32> to vector<16xf32>
        %get3A_197 = arith.index_cast %add3A_184 : i32 to index
        %get3A_198 = arith.constant 16 : index
        %get3A_199 = tpu.vector_load %arg11[%get3A_197, %get3A_198] {strides = array<i32>} : memref<80x128xf32, #tpu.memory_space<vmem>>, vector<1x16xf32>,
        %get3A_200 = vector.shape_cast %get3A_199 : vector<1x16xf32> to vector<16xf32>
        %add3A_201 = arith.addf %get3A_196, %get3A_200 : vector<16xf32>
        %bitcast_convert_type3A = tpu.bitcast %add3A_192 : vector<16xf32> -> vector<16xi32>
        %add3A_202 = arith.constant 32768 : i32
        %add3A_203 = vector.broadcast %add3A_202 : i32 to vector<16xi32>
        %add3A_204 = arith.addi %bitcast_convert_type3A, %add3A_203 : vector<16xi32>
        %bitcast_convert_type3A_205 = tpu.bitcast %add3A_201 : vector<16xf32> -> vector<16xi32>
        %add3A_206 = arith.constant 32768 : i32
        %add3A_207 = vector.broadcast %add3A_206 : i32 to vector<16xi32>
        %add3A_208 = arith.addi %bitcast_convert_type3A_205, %add3A_207 : vector<16xi32>
        %shift_right_logical3A = arith.constant 16 : i32
        %shift_right_logical3A_209 = vector.broadcast %shift_right_logical3A : i32 to vector<16xi32>
        %shift_right_logical3A_210 = arith.shrui %add3A_204, %shift_right_logical3A_209 : vector<16xi32>
        %and3A = arith.constant -65536 : i32
        %and3A_211 = vector.broadcast %and3A : i32 to vector<16xi32>
        %and3A_212 = arith.andi %add3A_208, %and3A_211 : vector<16xi32>
        %or3A = arith.ori %shift_right_logical3A_210, %and3A_212 : vector<16xi32>
        %swap3A = arith.index_cast %add3A_184 : i32 to index
        %swap3A_213 = arith.constant 0 : index
        %swap3A_214 = tpu.vector_load %arg13[%swap3A, %swap3A_213] {strides = array<i32>} : memref<80x64xi32, #tpu.memory_space<vmem>>, vector<1x16xi32>,
        %swap3A_215 = vector.shape_cast %swap3A_214 : vector<1x16xi32> to vector<16xi32>
        %swap3A_216 = vector.shape_cast %or3A : vector<16xi32> to vector<1x16xi32>
        tpu.vector_store %arg13[%swap3A, %swap3A_213], %swap3A_216 {strides = array<i32>} : memref<80x64xi32, #tpu.memory_space<vmem>>, vector<1x16xi32>,
        %get3A_217 = arith.index_cast %add3A_184 : i32 to index
        %get3A_218 = arith.constant 32 : index
        %get3A_219 = tpu.vector_load %arg9[%get3A_217, %get3A_218] {strides = array<i32>} : memref<80x128xf32, #tpu.memory_space<vmem>>, vector<1x16xf32>,
        %get3A_220 = vector.shape_cast %get3A_219 : vector<1x16xf32> to vector<16xf32>
        %get3A_221 = arith.index_cast %add3A_184 : i32 to index
        %get3A_222 = arith.constant 32 : index
        %get3A_223 = tpu.vector_load %arg11[%get3A_221, %get3A_222] {strides = array<i32>} : memref<80x128xf32, #tpu.memory_space<vmem>>, vector<1x16xf32>,
        %get3A_224 = vector.shape_cast %get3A_223 : vector<1x16xf32> to vector<16xf32>
        %add3A_225 = arith.addf %get3A_220, %get3A_224 : vector<16xf32>
        %get3A_226 = arith.index_cast %add3A_184 : i32 to index
        %get3A_227 = arith.constant 48 : index
        %get3A_228 = tpu.vector_load %arg9[%get3A_226, %get3A_227] {strides = array<i32>} : memref<80x128xf32, #tpu.memory_space<vmem>>, vector<1x16xf32>,
        %get3A_229 = vector.shape_cast %get3A_228 : vector<1x16xf32> to vector<16xf32>
        %get3A_230 = arith.index_cast %add3A_184 : i32 to index
        %get3A_231 = arith.constant 48 : index
        %get3A_232 = tpu.vector_load %arg11[%get3A_230, %get3A_231] {strides = array<i32>} : memref<80x128xf32, #tpu.memory_space<vmem>>, vector<1x16xf32>,
        %get3A_233 = vector.shape_cast %get3A_232 : vector<1x16xf32> to vector<16xf32>
        %add3A_234 = arith.addf %get3A_229, %get3A_233 : vector<16xf32>
        %bitcast_convert_type3A_235 = tpu.bitcast %add3A_225 : vector<16xf32> -> vector<16xi32>
        %add3A_236 = arith.constant 32768 : i32
        %add3A_237 = vector.broadcast %add3A_236 : i32 to vector<16xi32>
        %add3A_238 = arith.addi %bitcast_convert_type3A_235, %add3A_237 : vector<16xi32>
        %bitcast_convert_type3A_239 = tpu.bitcast %add3A_234 : vector<16xf32> -> vector<16xi32>
        %add3A_240 = arith.constant 32768 : i32
        %add3A_241 = vector.broadcast %add3A_240 : i32 to vector<16xi32>
        %add3A_242 = arith.addi %bitcast_convert_type3A_239, %add3A_241 : vector<16xi32>
        %shift_right_logical3A_243 = arith.constant 16 : i32
        %shift_right_logical3A_244 = vector.broadcast %shift_right_logical3A_243 : i32 to vector<16xi32>
        %shift_right_logical3A_245 = arith.shrui %add3A_238, %shift_right_logical3A_244 : vector<16xi32>
        %and3A_246 = arith.constant -65536 : i32
        %and3A_247 = vector.broadcast %and3A_246 : i32 to vector<16xi32>
        %and3A_248 = arith.andi %add3A_242, %and3A_247 : vector<16xi32>
        %or3A_249 = arith.ori %shift_right_logical3A_245, %and3A_248 : vector<16xi32>
        %swap3A_250 = arith.index_cast %add3A_184 : i32 to index
        %swap3A_251 = arith.constant 16 : index
        %swap3A_252 = tpu.vector_load %arg13[%swap3A_250, %swap3A_251] {strides = array<i32>} : memref<80x64xi32, #tpu.memory_space<vmem>>, vector<1x16xi32>,
        %swap3A_253 = vector.shape_cast %swap3A_252 : vector<1x16xi32> to vector<16xi32>
        %swap3A_254 = vector.shape_cast %or3A_249 : vector<16xi32> to vector<1x16xi32>
        tpu.vector_store %arg13[%swap3A_250, %swap3A_251], %swap3A_254 {strides = array<i32>} : memref<80x64xi32, #tpu.memory_space<vmem>>, vector<1x16xi32>,
        %get3A_255 = arith.index_cast %add3A_184 : i32 to index
        %get3A_256 = arith.constant 64 : index
        %get3A_257 = tpu.vector_load %arg9[%get3A_255, %get3A_256] {strides = array<i32>} : memref<80x128xf32, #tpu.memory_space<vmem>>, vector<1x16xf32>,
        %get3A_258 = vector.shape_cast %get3A_257 : vector<1x16xf32> to vector<16xf32>
        %get3A_259 = arith.index_cast %add3A_184 : i32 to index
        %get3A_260 = arith.constant 64 : index
        %get3A_261 = tpu.vector_load %arg11[%get3A_259, %get3A_260] {strides = array<i32>} : memref<80x128xf32, #tpu.memory_space<vmem>>, vector<1x16xf32>,
        %get3A_262 = vector.shape_cast %get3A_261 : vector<1x16xf32> to vector<16xf32>
        %add3A_263 = arith.addf %get3A_258, %get3A_262 : vector<16xf32>
        %get3A_264 = arith.index_cast %add3A_184 : i32 to index
        %get3A_265 = arith.constant 80 : index
        %get3A_266 = tpu.vector_load %arg9[%get3A_264, %get3A_265] {strides = array<i32>} : memref<80x128xf32, #tpu.memory_space<vmem>>, vector<1x16xf32>,
        %get3A_267 = vector.shape_cast %get3A_266 : vector<1x16xf32> to vector<16xf32>
        %get3A_268 = arith.index_cast %add3A_184 : i32 to index
        %get3A_269 = arith.constant 80 : index
        %get3A_270 = tpu.vector_load %arg11[%get3A_268, %get3A_269] {strides = array<i32>} : memref<80x128xf32, #tpu.memory_space<vmem>>, vector<1x16xf32>,
        %get3A_271 = vector.shape_cast %get3A_270 : vector<1x16xf32> to vector<16xf32>
        %add3A_272 = arith.addf %get3A_267, %get3A_271 : vector<16xf32>
        %bitcast_convert_type3A_273 = tpu.bitcast %add3A_263 : vector<16xf32> -> vector<16xi32>
        %add3A_274 = arith.constant 32768 : i32
        %add3A_275 = vector.broadcast %add3A_274 : i32 to vector<16xi32>
        %add3A_276 = arith.addi %bitcast_convert_type3A_273, %add3A_275 : vector<16xi32>
        %bitcast_convert_type3A_277 = tpu.bitcast %add3A_272 : vector<16xf32> -> vector<16xi32>
        %add3A_278 = arith.constant 32768 : i32
        %add3A_279 = vector.broadcast %add3A_278 : i32 to vector<16xi32>
        %add3A_280 = arith.addi %bitcast_convert_type3A_277, %add3A_279 : vector<16xi32>
        %shift_right_logical3A_281 = arith.constant 16 : i32
        %shift_right_logical3A_282 = vector.broadcast %shift_right_logical3A_281 : i32 to vector<16xi32>
        %shift_right_logical3A_283 = arith.shrui %add3A_276, %shift_right_logical3A_282 : vector<16xi32>
        %and3A_284 = arith.constant -65536 : i32
        %and3A_285 = vector.broadcast %and3A_284 : i32 to vector<16xi32>
        %and3A_286 = arith.andi %add3A_280, %and3A_285 : vector<16xi32>
        %or3A_287 = arith.ori %shift_right_logical3A_283, %and3A_286 : vector<16xi32>
        %swap3A_288 = arith.index_cast %add3A_184 : i32 to index
        %swap3A_289 = arith.constant 32 : index
        %swap3A_290 = tpu.vector_load %arg13[%swap3A_288, %swap3A_289] {strides = array<i32>} : memref<80x64xi32, #tpu.memory_space<vmem>>, vector<1x16xi32>,
        %swap3A_291 = vector.shape_cast %swap3A_290 : vector<1x16xi32> to vector<16xi32>
        %swap3A_292 = vector.shape_cast %or3A_287 : vector<16xi32> to vector<1x16xi32>
        tpu.vector_store %arg13[%swap3A_288, %swap3A_289], %swap3A_292 {strides = array<i32>} : memref<80x64xi32, #tpu.memory_space<vmem>>, vector<1x16xi32>,
        %get3A_293 = arith.index_cast %add3A_184 : i32 to index
        %get3A_294 = arith.constant 96 : index
        %get3A_295 = tpu.vector_load %arg9[%get3A_293, %get3A_294] {strides = array<i32>} : memref<80x128xf32, #tpu.memory_space<vmem>>, vector<1x16xf32>,
        %get3A_296 = vector.shape_cast %get3A_295 : vector<1x16xf32> to vector<16xf32>
        %get3A_297 = arith.index_cast %add3A_184 : i32 to index
        %get3A_298 = arith.constant 96 : index
        %get3A_299 = tpu.vector_load %arg11[%get3A_297, %get3A_298] {strides = array<i32>} : memref<80x128xf32, #tpu.memory_space<vmem>>, vector<1x16xf32>,
        %get3A_300 = vector.shape_cast %get3A_299 : vector<1x16xf32> to vector<16xf32>
        %add3A_301 = arith.addf %get3A_296, %get3A_300 : vector<16xf32>
        %get3A_302 = arith.index_cast %add3A_184 : i32 to index
        %get3A_303 = arith.constant 112 : index
        %get3A_304 = tpu.vector_load %arg9[%get3A_302, %get3A_303] {strides = array<i32>} : memref<80x128xf32, #tpu.memory_space<vmem>>, vector<1x16xf32>,
        %get3A_305 = vector.shape_cast %get3A_304 : vector<1x16xf32> to vector<16xf32>
        %get3A_306 = arith.index_cast %add3A_184 : i32 to index
        %get3A_307 = arith.constant 112 : index
        %get3A_308 = tpu.vector_load %arg11[%get3A_306, %get3A_307] {strides = array<i32>} : memref<80x128xf32, #tpu.memory_space<vmem>>, vector<1x16xf32>,
        %get3A_309 = vector.shape_cast %get3A_308 : vector<1x16xf32> to vector<16xf32>
        %add3A_310 = arith.addf %get3A_305, %get3A_309 : vector<16xf32>
        %bitcast_convert_type3A_311 = tpu.bitcast %add3A_301 : vector<16xf32> -> vector<16xi32>
        %add3A_312 = arith.constant 32768 : i32
        %add3A_313 = vector.broadcast %add3A_312 : i32 to vector<16xi32>
        %add3A_314 = arith.addi %bitcast_convert_type3A_311, %add3A_313 : vector<16xi32>
        %bitcast_convert_type3A_315 = tpu.bitcast %add3A_310 : vector<16xf32> -> vector<16xi32>
        %add3A_316 = arith.constant 32768 : i32
        %add3A_317 = vector.broadcast %add3A_316 : i32 to vector<16xi32>
        %add3A_318 = arith.addi %bitcast_convert_type3A_315, %add3A_317 : vector<16xi32>
        %shift_right_logical3A_319 = arith.constant 16 : i32
        %shift_right_logical3A_320 = vector.broadcast %shift_right_logical3A_319 : i32 to vector<16xi32>
        %shift_right_logical3A_321 = arith.shrui %add3A_314, %shift_right_logical3A_320 : vector<16xi32>
        %and3A_322 = arith.constant -65536 : i32
        %and3A_323 = vector.broadcast %and3A_322 : i32 to vector<16xi32>
        %and3A_324 = arith.andi %add3A_318, %and3A_323 : vector<16xi32>
        %or3A_325 = arith.ori %shift_right_logical3A_321, %and3A_324 : vector<16xi32>
        %swap3A_326 = arith.index_cast %add3A_184 : i32 to index
        %swap3A_327 = arith.constant 48 : index
        %swap3A_328 = tpu.vector_load %arg13[%swap3A_326, %swap3A_327] {strides = array<i32>} : memref<80x64xi32, #tpu.memory_space<vmem>>, vector<1x16xi32>,
        %swap3A_329 = vector.shape_cast %swap3A_328 : vector<1x16xi32> to vector<16xi32>
        %swap3A_330 = vector.shape_cast %or3A_325 : vector<16xi32> to vector<1x16xi32>
        tpu.vector_store %arg13[%swap3A_326, %swap3A_327], %swap3A_330 {strides = array<i32>} : memref<80x64xi32, #tpu.memory_space<vmem>>, vector<1x16xi32>,
      }
      %scan3A_121 = arith.constant 80 : i32
      %mul3A_122 = arith.constant 80 : i32
      %mul3A_123 = arith.muli %add3A_76, %mul3A_122 : i32
      %add3A_124 = arith.addi %mul3A_4, %mul3A_123 : i32
      %dma_start3A_125 = arith.constant 0 : i32
      %dma_start3A_126 = arith.constant 0 : i32
      %dma_start3A_127 = tpu.memref_slice %arg6[%add3A_124, %dma_start3A_126] : memref<161280x64xi32, #tpu.memory_space<hbm>> -> memref<80x64xi32, #tpu.memory_space<hbm>>
      %dma_start3A_128 = tpu.memref_slice %arg17[%dma_start3A_125] : memref<2x!tpu.dma_semaphore, #tpu.memory_space<semaphore_mem>> -> memref<1x!tpu.dma_semaphore, #tpu.memory_space<semaphore_mem>>
      %dma_start3A_129 = tpu.memref_squeeze %dma_start3A_128 : memref<1x!tpu.dma_semaphore, #tpu.memory_space<semaphore_mem>> -> memref<!tpu.dma_semaphore, #tpu.memory_space<semaphore_mem>>
      %dma_start3A_130 = arith.constant 0 : i32
      %dma_start3A_131 = tpu.memref_slice %arg6[%add3A_124, %dma_start3A_130] : memref<161280x64xi32, #tpu.memory_space<hbm>> -> memref<80x64xi32, #tpu.memory_space<hbm>>
      tpu.enqueue_dma source(%arg13 : memref<80x64xi32, #tpu.memory_space<vmem>>) target(%dma_start3A_131 : memref<80x64xi32, #tpu.memory_space<hbm>>) target_semaphore(%dma_start3A_129 : memref<!tpu.dma_semaphore, #tpu.memory_space<semaphore_mem>>)
      %add3A_132 = arith.constant 1 : i32
      %add3A_133 = arith.addi %add3A_76, %add3A_132 : i32
      %dma_wait3A_134 = arith.constant 1 : i32
      %dma_wait3A_135 = arith.constant 0 : i32
      %dma_wait3A_136 = tpu.memref_slice %arg7[%add3A_133, %dma_wait3A_135] : memref<63x80xi32, #tpu.memory_space<vmem>> -> memref<1x80xi32, #tpu.memory_space<vmem>>
      %dma_wait3A_137 = tpu.memref_squeeze %dma_wait3A_136 : memref<1x80xi32, #tpu.memory_space<vmem>> -> memref<80xi32, #tpu.memory_space<vmem>>
      %dma_wait3A_138 = arith.constant 0 : i32
      %dma_wait3A_139 = arith.constant 0 : i32
      %dma_wait3A_140 = tpu.memref_slice %arg4[%dma_wait3A_138, %dma_wait3A_139] : memref<10000x128xf32, #tpu.memory_space<hbm>> -> memref<10000x128xf32, #tpu.memory_space<hbm>>
      %dma_wait3A_141 = tpu.memref_slice %arg15[%dma_wait3A_134] : memref<2x!tpu.dma_semaphore, #tpu.memory_space<semaphore_mem>> -> memref<1x!tpu.dma_semaphore, #tpu.memory_space<semaphore_mem>>
      %dma_wait3A_142 = tpu.memref_squeeze %dma_wait3A_141 : memref<1x!tpu.dma_semaphore, #tpu.memory_space<semaphore_mem>> -> memref<!tpu.dma_semaphore, #tpu.memory_space<semaphore_mem>>
      tpu.wait_indirect_dma semaphore(%dma_wait3A_142 : memref<!tpu.dma_semaphore, #tpu.memory_space<semaphore_mem>>) src(%dma_wait3A_140 : memref<10000x128xf32, #tpu.memory_space<hbm>>) dst(%arg10 : memref<80x128xf32, #tpu.memory_space<vmem>>)
      %dma_wait3A_143 = arith.constant 1 : i32
      %dma_wait3A_144 = arith.constant 0 : i32
      %dma_wait3A_145 = tpu.memref_slice %arg8[%add3A_133, %dma_wait3A_144] : memref<63x80xi32, #tpu.memory_space<vmem>> -> memref<1x80xi32, #tpu.memory_space<vmem>>
      %dma_wait3A_146 = tpu.memref_squeeze %dma_wait3A_145 : memref<1x80xi32, #tpu.memory_space<vmem>> -> memref<80xi32, #tpu.memory_space<vmem>>
      %dma_wait3A_147 = arith.constant 0 : i32
      %dma_wait3A_148 = arith.constant 0 : i32
      %dma_wait3A_149 = tpu.memref_slice %arg5[%dma_wait3A_147, %dma_wait3A_148] : memref<10000x128xf32, #tpu.memory_space<hbm>> -> memref<10000x128xf32, #tpu.memory_space<hbm>>
      %dma_wait3A_150 = tpu.memref_slice %arg16[%dma_wait3A_143] : memref<2x!tpu.dma_semaphore, #tpu.memory_space<semaphore_mem>> -> memref<1x!tpu.dma_semaphore, #tpu.memory_space<semaphore_mem>>
      %dma_wait3A_151 = tpu.memref_squeeze %dma_wait3A_150 : memref<1x!tpu.dma_semaphore, #tpu.memory_space<semaphore_mem>> -> memref<!tpu.dma_semaphore, #tpu.memory_space<semaphore_mem>>
      tpu.wait_indirect_dma semaphore(%dma_wait3A_151 : memref<!tpu.dma_semaphore, #tpu.memory_space<semaphore_mem>>) src(%dma_wait3A_149 : memref<10000x128xf32, #tpu.memory_space<hbm>>) dst(%arg12 : memref<80x128xf32, #tpu.memory_space<vmem>>)
      %add3A_152 = arith.constant 2 : i32
      %add3A_153 = arith.addi %add3A_76, %add3A_152 : i32
      %lt3A = arith.constant 63 : i32
      %lt3A_154 = arith.cmpi slt, %add3A_153, %lt3A : i32
      %convert_element_type3A_155 = arith.extui %lt3A_154 : i1 to i32
      %cond3A_156 = arith.constant 0 : i32
      %cond3A_157 = arith.cmpi ne, %convert_element_type3A_155, %cond3A_156 : i32
      scf.if %cond3A_157 {
        %add3A_180 = arith.constant 2 : i32
        %add3A_181 = arith.addi %add3A_76, %add3A_180 : i32
        %dma_start3A_182 = arith.constant 0 : i32
        %dma_start3A_183 = arith.constant 0 : i32
        %dma_start3A_184 = tpu.memref_slice %arg7[%add3A_181, %dma_start3A_183] : memref<63x80xi32, #tpu.memory_space<vmem>> -> memref<1x80xi32, #tpu.memory_space<vmem>>
        %dma_start3A_185 = tpu.memref_squeeze %dma_start3A_184 : memref<1x80xi32, #tpu.memory_space<vmem>> -> memref<80xi32, #tpu.memory_space<vmem>>
        %dma_start3A_186 = arith.constant 0 : i32
        %dma_start3A_187 = arith.constant 0 : i32
        %dma_start3A_188 = tpu.memref_slice %arg4[%dma_start3A_186, %dma_start3A_187] : memref<10000x128xf32, #tpu.memory_space<hbm>> -> memref<10000x128xf32, #tpu.memory_space<hbm>>
        %dma_start3A_189 = tpu.memref_slice %arg15[%dma_start3A_182] : memref<2x!tpu.dma_semaphore, #tpu.memory_space<semaphore_mem>> -> memref<1x!tpu.dma_semaphore, #tpu.memory_space<semaphore_mem>>
        %dma_start3A_190 = tpu.memref_squeeze %dma_start3A_189 : memref<1x!tpu.dma_semaphore, #tpu.memory_space<semaphore_mem>> -> memref<!tpu.dma_semaphore, #tpu.memory_space<semaphore_mem>>
        tpu.enqueue_indirect_dma source(%dma_start3A_188 : memref<10000x128xf32, #tpu.memory_space<hbm>>) target(%arg9 : memref<80x128xf32, #tpu.memory_space<vmem>>) offsets(%dma_start3A_185 : memref<80xi32, #tpu.memory_space<vmem>>) semaphore(%dma_start3A_190 : memref<!tpu.dma_semaphore, #tpu.memory_space<semaphore_mem>>)
        %dma_start3A_191 = arith.constant 0 : i32
        %dma_start3A_192 = arith.constant 0 : i32
        %dma_start3A_193 = tpu.memref_slice %arg8[%add3A_181, %dma_start3A_192] : memref<63x80xi32, #tpu.memory_space<vmem>> -> memref<1x80xi32, #tpu.memory_space<vmem>>
        %dma_start3A_194 = tpu.memref_squeeze %dma_start3A_193 : memref<1x80xi32, #tpu.memory_space<vmem>> -> memref<80xi32, #tpu.memory_space<vmem>>
        %dma_start3A_195 = arith.constant 0 : i32
        %dma_start3A_196 = arith.constant 0 : i32
        %dma_start3A_197 = tpu.memref_slice %arg5[%dma_start3A_195, %dma_start3A_196] : memref<10000x128xf32, #tpu.memory_space<hbm>> -> memref<10000x128xf32, #tpu.memory_space<hbm>>
        %dma_start3A_198 = tpu.memref_slice %arg16[%dma_start3A_191] : memref<2x!tpu.dma_semaphore, #tpu.memory_space<semaphore_mem>> -> memref<1x!tpu.dma_semaphore, #tpu.memory_space<semaphore_mem>>
        %dma_start3A_199 = tpu.memref_squeeze %dma_start3A_198 : memref<1x!tpu.dma_semaphore, #tpu.memory_space<semaphore_mem>> -> memref<!tpu.dma_semaphore, #tpu.memory_space<semaphore_mem>>
        tpu.enqueue_indirect_dma source(%dma_start3A_197 : memref<10000x128xf32, #tpu.memory_space<hbm>>) target(%arg11 : memref<80x128xf32, #tpu.memory_space<vmem>>) offsets(%dma_start3A_194 : memref<80xi32, #tpu.memory_space<vmem>>) semaphore(%dma_start3A_199 : memref<!tpu.dma_semaphore, #tpu.memory_space<semaphore_mem>>)
      } else {
      }
      %gt3A_158 = arith.constant 0 : i32
      %gt3A_159 = arith.cmpi sgt, %add3A_76, %gt3A_158 : i32
      %convert_element_type3A_160 = arith.extui %gt3A_159 : i1 to i32
      %cond3A_161 = arith.constant 0 : i32
      %cond3A_162 = arith.cmpi ne, %convert_element_type3A_160, %cond3A_161 : i32
      scf.if %cond3A_162 {
        %sub3A = arith.constant 1 : i32
        %sub3A_180 = arith.subi %add3A_76, %sub3A : i32
        %mul3A_181 = arith.constant 80 : i32
        %mul3A_182 = arith.muli %sub3A_180, %mul3A_181 : i32
        %add3A_183 = arith.addi %mul3A_4, %mul3A_182 : i32
        %dma_wait3A_184 = arith.constant 1 : i32
        %dma_wait3A_185 = arith.constant 0 : i32
        %dma_wait3A_186 = tpu.memref_slice %arg6[%add3A_183, %dma_wait3A_185] : memref<161280x64xi32, #tpu.memory_space<hbm>> -> memref<80x64xi32, #tpu.memory_space<hbm>>
        %dma_wait3A_187 = tpu.memref_slice %arg17[%dma_wait3A_184] : memref<2x!tpu.dma_semaphore, #tpu.memory_space<semaphore_mem>> -> memref<1x!tpu.dma_semaphore, #tpu.memory_space<semaphore_mem>>
        %dma_wait3A_188 = tpu.memref_squeeze %dma_wait3A_187 : memref<1x!tpu.dma_semaphore, #tpu.memory_space<semaphore_mem>> -> memref<!tpu.dma_semaphore, #tpu.memory_space<semaphore_mem>>
        %dma_wait3A_189 = arith.constant 0 : i32
        %dma_wait3A_190 = tpu.memref_slice %arg6[%add3A_183, %dma_wait3A_189] : memref<161280x64xi32, #tpu.memory_space<hbm>> -> memref<80x64xi32, #tpu.memory_space<hbm>>
        tpu.wait_dma2 semaphore(%dma_wait3A_188 : memref<!tpu.dma_semaphore, #tpu.memory_space<semaphore_mem>>) src(%arg14 : memref<80x64xi32, #tpu.memory_space<vmem>>) dst(%dma_wait3A_190 : memref<80x64xi32, #tpu.memory_space<hbm>>)
      } else {
      }
      %scan3A_163 = arith.constant 0 : i32
      %scan3A_164 = arith.constant 80 : i32
      %scan3A_165 = arith.addi %scan3A_163, %scan3A_164 : i32
      %scan3A_166 = arith.constant 1 : i32
      scf.for %scan3A_180 = %scan3A_163 to %scan3A_165 step %scan3A_166  : i32 {
        %mul3A_181 = arith.constant 1 : i32
        %mul3A_182 = arith.muli %scan3A_180, %mul3A_181 : i32
        %add3A_183 = arith.constant 0 : i32
        %add3A_184 = arith.addi %add3A_183, %mul3A_182 : i32
        %get3A = arith.index_cast %add3A_184 : i32 to index
        %get3A_185 = arith.constant 0 : index
        %get3A_186 = tpu.vector_load %arg10[%get3A, %get3A_185] {strides = array<i32>} : memref<80x128xf32, #tpu.memory_space<vmem>>, vector<1x16xf32>,
        %get3A_187 = vector.shape_cast %get3A_186 : vector<1x16xf32> to vector<16xf32>
        %get3A_188 = arith.index_cast %add3A_184 : i32 to index
        %get3A_189 = arith.constant 0 : index
        %get3A_190 = tpu.vector_load %arg12[%get3A_188, %get3A_189] {strides = array<i32>} : memref<80x128xf32, #tpu.memory_space<vmem>>, vector<1x16xf32>,
        %get3A_191 = vector.shape_cast %get3A_190 : vector<1x16xf32> to vector<16xf32>
        %add3A_192 = arith.addf %get3A_187, %get3A_191 : vector<16xf32>
        %get3A_193 = arith.index_cast %add3A_184 : i32 to index
        %get3A_194 = arith.constant 16 : index
        %get3A_195 = tpu.vector_load %arg10[%get3A_193, %get3A_194] {strides = array<i32>} : memref<80x128xf32, #tpu.memory_space<vmem>>, vector<1x16xf32>,
        %get3A_196 = vector.shape_cast %get3A_195 : vector<1x16xf32> to vector<16xf32>
        %get3A_197 = arith.index_cast %add3A_184 : i32 to index
        %get3A_198 = arith.constant 16 : index
        %get3A_199 = tpu.vector_load %arg12[%get3A_197, %get3A_198] {strides = array<i32>} : memref<80x128xf32, #tpu.memory_space<vmem>>, vector<1x16xf32>,
        %get3A_200 = vector.shape_cast %get3A_199 : vector<1x16xf32> to vector<16xf32>
        %add3A_201 = arith.addf %get3A_196, %get3A_200 : vector<16xf32>
        %bitcast_convert_type3A = tpu.bitcast %add3A_192 : vector<16xf32> -> vector<16xi32>
        %add3A_202 = arith.constant 32768 : i32
        %add3A_203 = vector.broadcast %add3A_202 : i32 to vector<16xi32>
        %add3A_204 = arith.addi %bitcast_convert_type3A, %add3A_203 : vector<16xi32>
        %bitcast_convert_type3A_205 = tpu.bitcast %add3A_201 : vector<16xf32> -> vector<16xi32>
        %add3A_206 = arith.constant 32768 : i32
        %add3A_207 = vector.broadcast %add3A_206 : i32 to vector<16xi32>
        %add3A_208 = arith.addi %bitcast_convert_type3A_205, %add3A_207 : vector<16xi32>
        %shift_right_logical3A = arith.constant 16 : i32
        %shift_right_logical3A_209 = vector.broadcast %shift_right_logical3A : i32 to vector<16xi32>
        %shift_right_logical3A_210 = arith.shrui %add3A_204, %shift_right_logical3A_209 : vector<16xi32>
        %and3A = arith.constant -65536 : i32
        %and3A_211 = vector.broadcast %and3A : i32 to vector<16xi32>
        %and3A_212 = arith.andi %add3A_208, %and3A_211 : vector<16xi32>
        %or3A = arith.ori %shift_right_logical3A_210, %and3A_212 : vector<16xi32>
        %swap3A = arith.index_cast %add3A_184 : i32 to index
        %swap3A_213 = arith.constant 0 : index
        %swap3A_214 = tpu.vector_load %arg14[%swap3A, %swap3A_213] {strides = array<i32>} : memref<80x64xi32, #tpu.memory_space<vmem>>, vector<1x16xi32>,
        %swap3A_215 = vector.shape_cast %swap3A_214 : vector<1x16xi32> to vector<16xi32>
        %swap3A_216 = vector.shape_cast %or3A : vector<16xi32> to vector<1x16xi32>
        tpu.vector_store %arg14[%swap3A, %swap3A_213], %swap3A_216 {strides = array<i32>} : memref<80x64xi32, #tpu.memory_space<vmem>>, vector<1x16xi32>,
        %get3A_217 = arith.index_cast %add3A_184 : i32 to index
        %get3A_218 = arith.constant 32 : index
        %get3A_219 = tpu.vector_load %arg10[%get3A_217, %get3A_218] {strides = array<i32>} : memref<80x128xf32, #tpu.memory_space<vmem>>, vector<1x16xf32>,
        %get3A_220 = vector.shape_cast %get3A_219 : vector<1x16xf32> to vector<16xf32>
        %get3A_221 = arith.index_cast %add3A_184 : i32 to index
        %get3A_222 = arith.constant 32 : index
        %get3A_223 = tpu.vector_load %arg12[%get3A_221, %get3A_222] {strides = array<i32>} : memref<80x128xf32, #tpu.memory_space<vmem>>, vector<1x16xf32>,
        %get3A_224 = vector.shape_cast %get3A_223 : vector<1x16xf32> to vector<16xf32>
        %add3A_225 = arith.addf %get3A_220, %get3A_224 : vector<16xf32>
        %get3A_226 = arith.index_cast %add3A_184 : i32 to index
        %get3A_227 = arith.constant 48 : index
        %get3A_228 = tpu.vector_load %arg10[%get3A_226, %get3A_227] {strides = array<i32>} : memref<80x128xf32, #tpu.memory_space<vmem>>, vector<1x16xf32>,
        %get3A_229 = vector.shape_cast %get3A_228 : vector<1x16xf32> to vector<16xf32>
        %get3A_230 = arith.index_cast %add3A_184 : i32 to index
        %get3A_231 = arith.constant 48 : index
        %get3A_232 = tpu.vector_load %arg12[%get3A_230, %get3A_231] {strides = array<i32>} : memref<80x128xf32, #tpu.memory_space<vmem>>, vector<1x16xf32>,
        %get3A_233 = vector.shape_cast %get3A_232 : vector<1x16xf32> to vector<16xf32>
        %add3A_234 = arith.addf %get3A_229, %get3A_233 : vector<16xf32>
        %bitcast_convert_type3A_235 = tpu.bitcast %add3A_225 : vector<16xf32> -> vector<16xi32>
        %add3A_236 = arith.constant 32768 : i32
        %add3A_237 = vector.broadcast %add3A_236 : i32 to vector<16xi32>
        %add3A_238 = arith.addi %bitcast_convert_type3A_235, %add3A_237 : vector<16xi32>
        %bitcast_convert_type3A_239 = tpu.bitcast %add3A_234 : vector<16xf32> -> vector<16xi32>
        %add3A_240 = arith.constant 32768 : i32
        %add3A_241 = vector.broadcast %add3A_240 : i32 to vector<16xi32>
        %add3A_242 = arith.addi %bitcast_convert_type3A_239, %add3A_241 : vector<16xi32>
        %shift_right_logical3A_243 = arith.constant 16 : i32
        %shift_right_logical3A_244 = vector.broadcast %shift_right_logical3A_243 : i32 to vector<16xi32>
        %shift_right_logical3A_245 = arith.shrui %add3A_238, %shift_right_logical3A_244 : vector<16xi32>
        %and3A_246 = arith.constant -65536 : i32
        %and3A_247 = vector.broadcast %and3A_246 : i32 to vector<16xi32>
        %and3A_248 = arith.andi %add3A_242, %and3A_247 : vector<16xi32>
        %or3A_249 = arith.ori %shift_right_logical3A_245, %and3A_248 : vector<16xi32>
        %swap3A_250 = arith.index_cast %add3A_184 : i32 to index
        %swap3A_251 = arith.constant 16 : index
        %swap3A_252 = tpu.vector_load %arg14[%swap3A_250, %swap3A_251] {strides = array<i32>} : memref<80x64xi32, #tpu.memory_space<vmem>>, vector<1x16xi32>,
        %swap3A_253 = vector.shape_cast %swap3A_252 : vector<1x16xi32> to vector<16xi32>
        %swap3A_254 = vector.shape_cast %or3A_249 : vector<16xi32> to vector<1x16xi32>
        tpu.vector_store %arg14[%swap3A_250, %swap3A_251], %swap3A_254 {strides = array<i32>} : memref<80x64xi32, #tpu.memory_space<vmem>>, vector<1x16xi32>,
        %get3A_255 = arith.index_cast %add3A_184 : i32 to index
        %get3A_256 = arith.constant 64 : index
        %get3A_257 = tpu.vector_load %arg10[%get3A_255, %get3A_256] {strides = array<i32>} : memref<80x128xf32, #tpu.memory_space<vmem>>, vector<1x16xf32>,
        %get3A_258 = vector.shape_cast %get3A_257 : vector<1x16xf32> to vector<16xf32>
        %get3A_259 = arith.index_cast %add3A_184 : i32 to index
        %get3A_260 = arith.constant 64 : index
        %get3A_261 = tpu.vector_load %arg12[%get3A_259, %get3A_260] {strides = array<i32>} : memref<80x128xf32, #tpu.memory_space<vmem>>, vector<1x16xf32>,
        %get3A_262 = vector.shape_cast %get3A_261 : vector<1x16xf32> to vector<16xf32>
        %add3A_263 = arith.addf %get3A_258, %get3A_262 : vector<16xf32>
        %get3A_264 = arith.index_cast %add3A_184 : i32 to index
        %get3A_265 = arith.constant 80 : index
        %get3A_266 = tpu.vector_load %arg10[%get3A_264, %get3A_265] {strides = array<i32>} : memref<80x128xf32, #tpu.memory_space<vmem>>, vector<1x16xf32>,
        %get3A_267 = vector.shape_cast %get3A_266 : vector<1x16xf32> to vector<16xf32>
        %get3A_268 = arith.index_cast %add3A_184 : i32 to index
        %get3A_269 = arith.constant 80 : index
        %get3A_270 = tpu.vector_load %arg12[%get3A_268, %get3A_269] {strides = array<i32>} : memref<80x128xf32, #tpu.memory_space<vmem>>, vector<1x16xf32>,
        %get3A_271 = vector.shape_cast %get3A_270 : vector<1x16xf32> to vector<16xf32>
        %add3A_272 = arith.addf %get3A_267, %get3A_271 : vector<16xf32>
        %bitcast_convert_type3A_273 = tpu.bitcast %add3A_263 : vector<16xf32> -> vector<16xi32>
        %add3A_274 = arith.constant 32768 : i32
        %add3A_275 = vector.broadcast %add3A_274 : i32 to vector<16xi32>
        %add3A_276 = arith.addi %bitcast_convert_type3A_273, %add3A_275 : vector<16xi32>
        %bitcast_convert_type3A_277 = tpu.bitcast %add3A_272 : vector<16xf32> -> vector<16xi32>
        %add3A_278 = arith.constant 32768 : i32
        %add3A_279 = vector.broadcast %add3A_278 : i32 to vector<16xi32>
        %add3A_280 = arith.addi %bitcast_convert_type3A_277, %add3A_279 : vector<16xi32>
        %shift_right_logical3A_281 = arith.constant 16 : i32
        %shift_right_logical3A_282 = vector.broadcast %shift_right_logical3A_281 : i32 to vector<16xi32>
        %shift_right_logical3A_283 = arith.shrui %add3A_276, %shift_right_logical3A_282 : vector<16xi32>
        %and3A_284 = arith.constant -65536 : i32
        %and3A_285 = vector.broadcast %and3A_284 : i32 to vector<16xi32>
        %and3A_286 = arith.andi %add3A_280, %and3A_285 : vector<16xi32>
        %or3A_287 = arith.ori %shift_right_logical3A_283, %and3A_286 : vector<16xi32>
        %swap3A_288 = arith.index_cast %add3A_184 : i32 to index
        %swap3A_289 = arith.constant 32 : index
        %swap3A_290 = tpu.vector_load %arg14[%swap3A_288, %swap3A_289] {strides = array<i32>} : memref<80x64xi32, #tpu.memory_space<vmem>>, vector<1x16xi32>,
        %swap3A_291 = vector.shape_cast %swap3A_290 : vector<1x16xi32> to vector<16xi32>
        %swap3A_292 = vector.shape_cast %or3A_287 : vector<16xi32> to vector<1x16xi32>
        tpu.vector_store %arg14[%swap3A_288, %swap3A_289], %swap3A_292 {strides = array<i32>} : memref<80x64xi32, #tpu.memory_space<vmem>>, vector<1x16xi32>,
        %get3A_293 = arith.index_cast %add3A_184 : i32 to index
        %get3A_294 = arith.constant 96 : index
        %get3A_295 = tpu.vector_load %arg10[%get3A_293, %get3A_294] {strides = array<i32>} : memref<80x128xf32, #tpu.memory_space<vmem>>, vector<1x16xf32>,
        %get3A_296 = vector.shape_cast %get3A_295 : vector<1x16xf32> to vector<16xf32>
        %get3A_297 = arith.index_cast %add3A_184 : i32 to index
        %get3A_298 = arith.constant 96 : index
        %get3A_299 = tpu.vector_load %arg12[%get3A_297, %get3A_298] {strides = array<i32>} : memref<80x128xf32, #tpu.memory_space<vmem>>, vector<1x16xf32>,
        %get3A_300 = vector.shape_cast %get3A_299 : vector<1x16xf32> to vector<16xf32>
        %add3A_301 = arith.addf %get3A_296, %get3A_300 : vector<16xf32>
        %get3A_302 = arith.index_cast %add3A_184 : i32 to index
        %get3A_303 = arith.constant 112 : index
        %get3A_304 = tpu.vector_load %arg10[%get3A_302, %get3A_303] {strides = array<i32>} : memref<80x128xf32, #tpu.memory_space<vmem>>, vector<1x16xf32>,
        %get3A_305 = vector.shape_cast %get3A_304 : vector<1x16xf32> to vector<16xf32>
        %get3A_306 = arith.index_cast %add3A_184 : i32 to index
        %get3A_307 = arith.constant 112 : index
        %get3A_308 = tpu.vector_load %arg12[%get3A_306, %get3A_307] {strides = array<i32>} : memref<80x128xf32, #tpu.memory_space<vmem>>, vector<1x16xf32>,
        %get3A_309 = vector.shape_cast %get3A_308 : vector<1x16xf32> to vector<16xf32>
        %add3A_310 = arith.addf %get3A_305, %get3A_309 : vector<16xf32>
        %bitcast_convert_type3A_311 = tpu.bitcast %add3A_301 : vector<16xf32> -> vector<16xi32>
        %add3A_312 = arith.constant 32768 : i32
        %add3A_313 = vector.broadcast %add3A_312 : i32 to vector<16xi32>
        %add3A_314 = arith.addi %bitcast_convert_type3A_311, %add3A_313 : vector<16xi32>
        %bitcast_convert_type3A_315 = tpu.bitcast %add3A_310 : vector<16xf32> -> vector<16xi32>
        %add3A_316 = arith.constant 32768 : i32
        %add3A_317 = vector.broadcast %add3A_316 : i32 to vector<16xi32>
        %add3A_318 = arith.addi %bitcast_convert_type3A_315, %add3A_317 : vector<16xi32>
        %shift_right_logical3A_319 = arith.constant 16 : i32
        %shift_right_logical3A_320 = vector.broadcast %shift_right_logical3A_319 : i32 to vector<16xi32>
        %shift_right_logical3A_321 = arith.shrui %add3A_314, %shift_right_logical3A_320 : vector<16xi32>
        %and3A_322 = arith.constant -65536 : i32
        %and3A_323 = vector.broadcast %and3A_322 : i32 to vector<16xi32>
        %and3A_324 = arith.andi %add3A_318, %and3A_323 : vector<16xi32>
        %or3A_325 = arith.ori %shift_right_logical3A_321, %and3A_324 : vector<16xi32>
        %swap3A_326 = arith.index_cast %add3A_184 : i32 to index
        %swap3A_327 = arith.constant 48 : index
        %swap3A_328 = tpu.vector_load %arg14[%swap3A_326, %swap3A_327] {strides = array<i32>} : memref<80x64xi32, #tpu.memory_space<vmem>>, vector<1x16xi32>,
        %swap3A_329 = vector.shape_cast %swap3A_328 : vector<1x16xi32> to vector<16xi32>
        %swap3A_330 = vector.shape_cast %or3A_325 : vector<16xi32> to vector<1x16xi32>
        tpu.vector_store %arg14[%swap3A_326, %swap3A_327], %swap3A_330 {strides = array<i32>} : memref<80x64xi32, #tpu.memory_space<vmem>>, vector<1x16xi32>,
      }
      %scan3A_167 = arith.constant 80 : i32
      %add3A_168 = arith.constant 1 : i32
      %add3A_169 = arith.addi %add3A_76, %add3A_168 : i32
      %mul3A_170 = arith.constant 80 : i32
      %mul3A_171 = arith.muli %add3A_169, %mul3A_170 : i32
      %add3A_172 = arith.addi %mul3A_4, %mul3A_171 : i32
      %dma_start3A_173 = arith.constant 1 : i32
      %dma_start3A_174 = arith.constant 0 : i32
      %dma_start3A_175 = tpu.memref_slice %arg6[%add3A_172, %dma_start3A_174] : memref<161280x64xi32, #tpu.memory_space<hbm>> -> memref<80x64xi32, #tpu.memory_space<hbm>>
      %dma_start3A_176 = tpu.memref_slice %arg17[%dma_start3A_173] : memref<2x!tpu.dma_semaphore, #tpu.memory_space<semaphore_mem>> -> memref<1x!tpu.dma_semaphore, #tpu.memory_space<semaphore_mem>>
      %dma_start3A_177 = tpu.memref_squeeze %dma_start3A_176 : memref<1x!tpu.dma_semaphore, #tpu.memory_space<semaphore_mem>> -> memref<!tpu.dma_semaphore, #tpu.memory_space<semaphore_mem>>
      %dma_start3A_178 = arith.constant 0 : i32
      %dma_start3A_179 = tpu.memref_slice %arg6[%add3A_172, %dma_start3A_178] : memref<161280x64xi32, #tpu.memory_space<hbm>> -> memref<80x64xi32, #tpu.memory_space<hbm>>
      tpu.enqueue_dma source(%arg14 : memref<80x64xi32, #tpu.memory_space<vmem>>) target(%dma_start3A_179 : memref<80x64xi32, #tpu.memory_space<hbm>>) target_semaphore(%dma_start3A_177 : memref<!tpu.dma_semaphore, #tpu.memory_space<semaphore_mem>>)
    }
    %scan3A_27 = arith.constant 31 : i32
    %dma_wait3A = arith.constant 62 : i32
    %dma_wait3A_28 = arith.constant 0 : i32
    %dma_wait3A_29 = arith.constant 0 : i32
    %dma_wait3A_30 = tpu.memref_slice %arg7[%dma_wait3A, %dma_wait3A_29] : memref<63x80xi32, #tpu.memory_space<vmem>> -> memref<1x80xi32, #tpu.memory_space<vmem>>
    %dma_wait3A_31 = tpu.memref_squeeze %dma_wait3A_30 : memref<1x80xi32, #tpu.memory_space<vmem>> -> memref<80xi32, #tpu.memory_space<vmem>>
    %dma_wait3A_32 = arith.constant 0 : i32
    %dma_wait3A_33 = arith.constant 0 : i32
    %dma_wait3A_34 = tpu.memref_slice %arg4[%dma_wait3A_32, %dma_wait3A_33] : memref<10000x128xf32, #tpu.memory_space<hbm>> -> memref<10000x128xf32, #tpu.memory_space<hbm>>
    %dma_wait3A_35 = tpu.memref_slice %arg15[%dma_wait3A_28] : memref<2x!tpu.dma_semaphore, #tpu.memory_space<semaphore_mem>> -> memref<1x!tpu.dma_semaphore, #tpu.memory_space<semaphore_mem>>
    %dma_wait3A_36 = tpu.memref_squeeze %dma_wait3A_35 : memref<1x!tpu.dma_semaphore, #tpu.memory_space<semaphore_mem>> -> memref<!tpu.dma_semaphore, #tpu.memory_space<semaphore_mem>>
    tpu.wait_indirect_dma semaphore(%dma_wait3A_36 : memref<!tpu.dma_semaphore, #tpu.memory_space<semaphore_mem>>) src(%dma_wait3A_34 : memref<10000x128xf32, #tpu.memory_space<hbm>>) dst(%arg9 : memref<80x128xf32, #tpu.memory_space<vmem>>)
    %dma_wait3A_37 = arith.constant 62 : i32
    %dma_wait3A_38 = arith.constant 0 : i32
    %dma_wait3A_39 = arith.constant 0 : i32
    %dma_wait3A_40 = tpu.memref_slice %arg8[%dma_wait3A_37, %dma_wait3A_39] : memref<63x80xi32, #tpu.memory_space<vmem>> -> memref<1x80xi32, #tpu.memory_space<vmem>>
    %dma_wait3A_41 = tpu.memref_squeeze %dma_wait3A_40 : memref<1x80xi32, #tpu.memory_space<vmem>> -> memref<80xi32, #tpu.memory_space<vmem>>
    %dma_wait3A_42 = arith.constant 0 : i32
    %dma_wait3A_43 = arith.constant 0 : i32
    %dma_wait3A_44 = tpu.memref_slice %arg5[%dma_wait3A_42, %dma_wait3A_43] : memref<10000x128xf32, #tpu.memory_space<hbm>> -> memref<10000x128xf32, #tpu.memory_space<hbm>>
    %dma_wait3A_45 = tpu.memref_slice %arg16[%dma_wait3A_38] : memref<2x!tpu.dma_semaphore, #tpu.memory_space<semaphore_mem>> -> memref<1x!tpu.dma_semaphore, #tpu.memory_space<semaphore_mem>>
    %dma_wait3A_46 = tpu.memref_squeeze %dma_wait3A_45 : memref<1x!tpu.dma_semaphore, #tpu.memory_space<semaphore_mem>> -> memref<!tpu.dma_semaphore, #tpu.memory_space<semaphore_mem>>
    tpu.wait_indirect_dma semaphore(%dma_wait3A_46 : memref<!tpu.dma_semaphore, #tpu.memory_space<semaphore_mem>>) src(%dma_wait3A_44 : memref<10000x128xf32, #tpu.memory_space<hbm>>) dst(%arg11 : memref<80x128xf32, #tpu.memory_space<vmem>>)
    %add3A_47 = arith.constant 4800 : i32
    %add3A_48 = arith.addi %mul3A_4, %add3A_47 : i32
    %dma_wait3A_49 = arith.constant 0 : i32
    %dma_wait3A_50 = arith.constant 0 : i32
    %dma_wait3A_51 = tpu.memref_slice %arg6[%add3A_48, %dma_wait3A_50] : memref<161280x64xi32, #tpu.memory_space<hbm>> -> memref<80x64xi32, #tpu.memory_space<hbm>>
    %dma_wait3A_52 = tpu.memref_slice %arg17[%dma_wait3A_49] : memref<2x!tpu.dma_semaphore, #tpu.memory_space<semaphore_mem>> -> memref<1x!tpu.dma_semaphore, #tpu.memory_space<semaphore_mem>>
    %dma_wait3A_53 = tpu.memref_squeeze %dma_wait3A_52 : memref<1x!tpu.dma_semaphore, #tpu.memory_space<semaphore_mem>> -> memref<!tpu.dma_semaphore, #tpu.memory_space<semaphore_mem>>
    %dma_wait3A_54 = arith.constant 0 : i32
    %dma_wait3A_55 = tpu.memref_slice %arg6[%add3A_48, %dma_wait3A_54] : memref<161280x64xi32, #tpu.memory_space<hbm>> -> memref<80x64xi32, #tpu.memory_space<hbm>>
    tpu.wait_dma2 semaphore(%dma_wait3A_53 : memref<!tpu.dma_semaphore, #tpu.memory_space<semaphore_mem>>) src(%arg13 : memref<80x64xi32, #tpu.memory_space<vmem>>) dst(%dma_wait3A_55 : memref<80x64xi32, #tpu.memory_space<hbm>>)
    %scan3A_56 = arith.constant 0 : i32
    %scan3A_57 = arith.constant 80 : i32
    %scan3A_58 = arith.addi %scan3A_56, %scan3A_57 : i32
    %scan3A_59 = arith.constant 1 : i32
    scf.for %scan3A_72 = %scan3A_56 to %scan3A_58 step %scan3A_59  : i32 {
      %mul3A_73 = arith.constant 1 : i32
      %mul3A_74 = arith.muli %scan3A_72, %mul3A_73 : i32
      %add3A_75 = arith.constant 0 : i32
      %add3A_76 = arith.addi %add3A_75, %mul3A_74 : i32
      %get3A = arith.index_cast %add3A_76 : i32 to index
      %get3A_77 = arith.constant 0 : index
      %get3A_78 = tpu.vector_load %arg9[%get3A, %get3A_77] {strides = array<i32>} : memref<80x128xf32, #tpu.memory_space<vmem>>, vector<1x16xf32>,
      %get3A_79 = vector.shape_cast %get3A_78 : vector<1x16xf32> to vector<16xf32>
      %get3A_80 = arith.index_cast %add3A_76 : i32 to index
      %get3A_81 = arith.constant 0 : index
      %get3A_82 = tpu.vector_load %arg11[%get3A_80, %get3A_81] {strides = array<i32>} : memref<80x128xf32, #tpu.memory_space<vmem>>, vector<1x16xf32>,
      %get3A_83 = vector.shape_cast %get3A_82 : vector<1x16xf32> to vector<16xf32>
      %add3A_84 = arith.addf %get3A_79, %get3A_83 : vector<16xf32>
      %get3A_85 = arith.index_cast %add3A_76 : i32 to index
      %get3A_86 = arith.constant 16 : index
      %get3A_87 = tpu.vector_load %arg9[%get3A_85, %get3A_86] {strides = array<i32>} : memref<80x128xf32, #tpu.memory_space<vmem>>, vector<1x16xf32>,
      %get3A_88 = vector.shape_cast %get3A_87 : vector<1x16xf32> to vector<16xf32>
      %get3A_89 = arith.index_cast %add3A_76 : i32 to index
      %get3A_90 = arith.constant 16 : index
      %get3A_91 = tpu.vector_load %arg11[%get3A_89, %get3A_90] {strides = array<i32>} : memref<80x128xf32, #tpu.memory_space<vmem>>, vector<1x16xf32>,
      %get3A_92 = vector.shape_cast %get3A_91 : vector<1x16xf32> to vector<16xf32>
      %add3A_93 = arith.addf %get3A_88, %get3A_92 : vector<16xf32>
      %bitcast_convert_type3A = tpu.bitcast %add3A_84 : vector<16xf32> -> vector<16xi32>
      %add3A_94 = arith.constant 32768 : i32
      %add3A_95 = vector.broadcast %add3A_94 : i32 to vector<16xi32>
      %add3A_96 = arith.addi %bitcast_convert_type3A, %add3A_95 : vector<16xi32>
      %bitcast_convert_type3A_97 = tpu.bitcast %add3A_93 : vector<16xf32> -> vector<16xi32>
      %add3A_98 = arith.constant 32768 : i32
      %add3A_99 = vector.broadcast %add3A_98 : i32 to vector<16xi32>
      %add3A_100 = arith.addi %bitcast_convert_type3A_97, %add3A_99 : vector<16xi32>
      %shift_right_logical3A = arith.constant 16 : i32
      %shift_right_logical3A_101 = vector.broadcast %shift_right_logical3A : i32 to vector<16xi32>
      %shift_right_logical3A_102 = arith.shrui %add3A_96, %shift_right_logical3A_101 : vector<16xi32>
      %and3A = arith.constant -65536 : i32
      %and3A_103 = vector.broadcast %and3A : i32 to vector<16xi32>
      %and3A_104 = arith.andi %add3A_100, %and3A_103 : vector<16xi32>
      %or3A = arith.ori %shift_right_logical3A_102, %and3A_104 : vector<16xi32>
      %swap3A = arith.index_cast %add3A_76 : i32 to index
      %swap3A_105 = arith.constant 0 : index
      %swap3A_106 = tpu.vector_load %arg13[%swap3A, %swap3A_105] {strides = array<i32>} : memref<80x64xi32, #tpu.memory_space<vmem>>, vector<1x16xi32>,
      %swap3A_107 = vector.shape_cast %swap3A_106 : vector<1x16xi32> to vector<16xi32>
      %swap3A_108 = vector.shape_cast %or3A : vector<16xi32> to vector<1x16xi32>
      tpu.vector_store %arg13[%swap3A, %swap3A_105], %swap3A_108 {strides = array<i32>} : memref<80x64xi32, #tpu.memory_space<vmem>>, vector<1x16xi32>,
      %get3A_109 = arith.index_cast %add3A_76 : i32 to index
      %get3A_110 = arith.constant 32 : index
      %get3A_111 = tpu.vector_load %arg9[%get3A_109, %get3A_110] {strides = array<i32>} : memref<80x128xf32, #tpu.memory_space<vmem>>, vector<1x16xf32>,
      %get3A_112 = vector.shape_cast %get3A_111 : vector<1x16xf32> to vector<16xf32>
      %get3A_113 = arith.index_cast %add3A_76 : i32 to index
      %get3A_114 = arith.constant 32 : index
      %get3A_115 = tpu.vector_load %arg11[%get3A_113, %get3A_114] {strides = array<i32>} : memref<80x128xf32, #tpu.memory_space<vmem>>, vector<1x16xf32>,
      %get3A_116 = vector.shape_cast %get3A_115 : vector<1x16xf32> to vector<16xf32>
      %add3A_117 = arith.addf %get3A_112, %get3A_116 : vector<16xf32>
      %get3A_118 = arith.index_cast %add3A_76 : i32 to index
      %get3A_119 = arith.constant 48 : index
      %get3A_120 = tpu.vector_load %arg9[%get3A_118, %get3A_119] {strides = array<i32>} : memref<80x128xf32, #tpu.memory_space<vmem>>, vector<1x16xf32>,
      %get3A_121 = vector.shape_cast %get3A_120 : vector<1x16xf32> to vector<16xf32>
      %get3A_122 = arith.index_cast %add3A_76 : i32 to index
      %get3A_123 = arith.constant 48 : index
      %get3A_124 = tpu.vector_load %arg11[%get3A_122, %get3A_123] {strides = array<i32>} : memref<80x128xf32, #tpu.memory_space<vmem>>, vector<1x16xf32>,
      %get3A_125 = vector.shape_cast %get3A_124 : vector<1x16xf32> to vector<16xf32>
      %add3A_126 = arith.addf %get3A_121, %get3A_125 : vector<16xf32>
      %bitcast_convert_type3A_127 = tpu.bitcast %add3A_117 : vector<16xf32> -> vector<16xi32>
      %add3A_128 = arith.constant 32768 : i32
      %add3A_129 = vector.broadcast %add3A_128 : i32 to vector<16xi32>
      %add3A_130 = arith.addi %bitcast_convert_type3A_127, %add3A_129 : vector<16xi32>
      %bitcast_convert_type3A_131 = tpu.bitcast %add3A_126 : vector<16xf32> -> vector<16xi32>
      %add3A_132 = arith.constant 32768 : i32
      %add3A_133 = vector.broadcast %add3A_132 : i32 to vector<16xi32>
      %add3A_134 = arith.addi %bitcast_convert_type3A_131, %add3A_133 : vector<16xi32>
      %shift_right_logical3A_135 = arith.constant 16 : i32
      %shift_right_logical3A_136 = vector.broadcast %shift_right_logical3A_135 : i32 to vector<16xi32>
      %shift_right_logical3A_137 = arith.shrui %add3A_130, %shift_right_logical3A_136 : vector<16xi32>
      %and3A_138 = arith.constant -65536 : i32
      %and3A_139 = vector.broadcast %and3A_138 : i32 to vector<16xi32>
      %and3A_140 = arith.andi %add3A_134, %and3A_139 : vector<16xi32>
      %or3A_141 = arith.ori %shift_right_logical3A_137, %and3A_140 : vector<16xi32>
      %swap3A_142 = arith.index_cast %add3A_76 : i32 to index
      %swap3A_143 = arith.constant 16 : index
      %swap3A_144 = tpu.vector_load %arg13[%swap3A_142, %swap3A_143] {strides = array<i32>} : memref<80x64xi32, #tpu.memory_space<vmem>>, vector<1x16xi32>,
      %swap3A_145 = vector.shape_cast %swap3A_144 : vector<1x16xi32> to vector<16xi32>
      %swap3A_146 = vector.shape_cast %or3A_141 : vector<16xi32> to vector<1x16xi32>
      tpu.vector_store %arg13[%swap3A_142, %swap3A_143], %swap3A_146 {strides = array<i32>} : memref<80x64xi32, #tpu.memory_space<vmem>>, vector<1x16xi32>,
      %get3A_147 = arith.index_cast %add3A_76 : i32 to index
      %get3A_148 = arith.constant 64 : index
      %get3A_149 = tpu.vector_load %arg9[%get3A_147, %get3A_148] {strides = array<i32>} : memref<80x128xf32, #tpu.memory_space<vmem>>, vector<1x16xf32>,
      %get3A_150 = vector.shape_cast %get3A_149 : vector<1x16xf32> to vector<16xf32>
      %get3A_151 = arith.index_cast %add3A_76 : i32 to index
      %get3A_152 = arith.constant 64 : index
      %get3A_153 = tpu.vector_load %arg11[%get3A_151, %get3A_152] {strides = array<i32>} : memref<80x128xf32, #tpu.memory_space<vmem>>, vector<1x16xf32>,
      %get3A_154 = vector.shape_cast %get3A_153 : vector<1x16xf32> to vector<16xf32>
      %add3A_155 = arith.addf %get3A_150, %get3A_154 : vector<16xf32>
      %get3A_156 = arith.index_cast %add3A_76 : i32 to index
      %get3A_157 = arith.constant 80 : index
      %get3A_158 = tpu.vector_load %arg9[%get3A_156, %get3A_157] {strides = array<i32>} : memref<80x128xf32, #tpu.memory_space<vmem>>, vector<1x16xf32>,
      %get3A_159 = vector.shape_cast %get3A_158 : vector<1x16xf32> to vector<16xf32>
      %get3A_160 = arith.index_cast %add3A_76 : i32 to index
      %get3A_161 = arith.constant 80 : index
      %get3A_162 = tpu.vector_load %arg11[%get3A_160, %get3A_161] {strides = array<i32>} : memref<80x128xf32, #tpu.memory_space<vmem>>, vector<1x16xf32>,
      %get3A_163 = vector.shape_cast %get3A_162 : vector<1x16xf32> to vector<16xf32>
      %add3A_164 = arith.addf %get3A_159, %get3A_163 : vector<16xf32>
      %bitcast_convert_type3A_165 = tpu.bitcast %add3A_155 : vector<16xf32> -> vector<16xi32>
      %add3A_166 = arith.constant 32768 : i32
      %add3A_167 = vector.broadcast %add3A_166 : i32 to vector<16xi32>
      %add3A_168 = arith.addi %bitcast_convert_type3A_165, %add3A_167 : vector<16xi32>
      %bitcast_convert_type3A_169 = tpu.bitcast %add3A_164 : vector<16xf32> -> vector<16xi32>
      %add3A_170 = arith.constant 32768 : i32
      %add3A_171 = vector.broadcast %add3A_170 : i32 to vector<16xi32>
      %add3A_172 = arith.addi %bitcast_convert_type3A_169, %add3A_171 : vector<16xi32>
      %shift_right_logical3A_173 = arith.constant 16 : i32
      %shift_right_logical3A_174 = vector.broadcast %shift_right_logical3A_173 : i32 to vector<16xi32>
      %shift_right_logical3A_175 = arith.shrui %add3A_168, %shift_right_logical3A_174 : vector<16xi32>
      %and3A_176 = arith.constant -65536 : i32
      %and3A_177 = vector.broadcast %and3A_176 : i32 to vector<16xi32>
      %and3A_178 = arith.andi %add3A_172, %and3A_177 : vector<16xi32>
      %or3A_179 = arith.ori %shift_right_logical3A_175, %and3A_178 : vector<16xi32>
      %swap3A_180 = arith.index_cast %add3A_76 : i32 to index
      %swap3A_181 = arith.constant 32 : index
      %swap3A_182 = tpu.vector_load %arg13[%swap3A_180, %swap3A_181] {strides = array<i32>} : memref<80x64xi32, #tpu.memory_space<vmem>>, vector<1x16xi32>,
      %swap3A_183 = vector.shape_cast %swap3A_182 : vector<1x16xi32> to vector<16xi32>
      %swap3A_184 = vector.shape_cast %or3A_179 : vector<16xi32> to vector<1x16xi32>
      tpu.vector_store %arg13[%swap3A_180, %swap3A_181], %swap3A_184 {strides = array<i32>} : memref<80x64xi32, #tpu.memory_space<vmem>>, vector<1x16xi32>,
      %get3A_185 = arith.index_cast %add3A_76 : i32 to index
      %get3A_186 = arith.constant 96 : index
      %get3A_187 = tpu.vector_load %arg9[%get3A_185, %get3A_186] {strides = array<i32>} : memref<80x128xf32, #tpu.memory_space<vmem>>, vector<1x16xf32>,
      %get3A_188 = vector.shape_cast %get3A_187 : vector<1x16xf32> to vector<16xf32>
      %get3A_189 = arith.index_cast %add3A_76 : i32 to index
      %get3A_190 = arith.constant 96 : index
      %get3A_191 = tpu.vector_load %arg11[%get3A_189, %get3A_190] {strides = array<i32>} : memref<80x128xf32, #tpu.memory_space<vmem>>, vector<1x16xf32>,
      %get3A_192 = vector.shape_cast %get3A_191 : vector<1x16xf32> to vector<16xf32>
      %add3A_193 = arith.addf %get3A_188, %get3A_192 : vector<16xf32>
      %get3A_194 = arith.index_cast %add3A_76 : i32 to index
      %get3A_195 = arith.constant 112 : index
      %get3A_196 = tpu.vector_load %arg9[%get3A_194, %get3A_195] {strides = array<i32>} : memref<80x128xf32, #tpu.memory_space<vmem>>, vector<1x16xf32>,
      %get3A_197 = vector.shape_cast %get3A_196 : vector<1x16xf32> to vector<16xf32>
      %get3A_198 = arith.index_cast %add3A_76 : i32 to index
      %get3A_199 = arith.constant 112 : index
      %get3A_200 = tpu.vector_load %arg11[%get3A_198, %get3A_199] {strides = array<i32>} : memref<80x128xf32, #tpu.memory_space<vmem>>, vector<1x16xf32>,
      %get3A_201 = vector.shape_cast %get3A_200 : vector<1x16xf32> to vector<16xf32>
      %add3A_202 = arith.addf %get3A_197, %get3A_201 : vector<16xf32>
      %bitcast_convert_type3A_203 = tpu.bitcast %add3A_193 : vector<16xf32> -> vector<16xi32>
      %add3A_204 = arith.constant 32768 : i32
      %add3A_205 = vector.broadcast %add3A_204 : i32 to vector<16xi32>
      %add3A_206 = arith.addi %bitcast_convert_type3A_203, %add3A_205 : vector<16xi32>
      %bitcast_convert_type3A_207 = tpu.bitcast %add3A_202 : vector<16xf32> -> vector<16xi32>
      %add3A_208 = arith.constant 32768 : i32
      %add3A_209 = vector.broadcast %add3A_208 : i32 to vector<16xi32>
      %add3A_210 = arith.addi %bitcast_convert_type3A_207, %add3A_209 : vector<16xi32>
      %shift_right_logical3A_211 = arith.constant 16 : i32
      %shift_right_logical3A_212 = vector.broadcast %shift_right_logical3A_211 : i32 to vector<16xi32>
      %shift_right_logical3A_213 = arith.shrui %add3A_206, %shift_right_logical3A_212 : vector<16xi32>
      %and3A_214 = arith.constant -65536 : i32
      %and3A_215 = vector.broadcast %and3A_214 : i32 to vector<16xi32>
      %and3A_216 = arith.andi %add3A_210, %and3A_215 : vector<16xi32>
      %or3A_217 = arith.ori %shift_right_logical3A_213, %and3A_216 : vector<16xi32>
      %swap3A_218 = arith.index_cast %add3A_76 : i32 to index
      %swap3A_219 = arith.constant 48 : index
      %swap3A_220 = tpu.vector_load %arg13[%swap3A_218, %swap3A_219] {strides = array<i32>} : memref<80x64xi32, #tpu.memory_space<vmem>>, vector<1x16xi32>,
      %swap3A_221 = vector.shape_cast %swap3A_220 : vector<1x16xi32> to vector<16xi32>
      %swap3A_222 = vector.shape_cast %or3A_217 : vector<16xi32> to vector<1x16xi32>
      tpu.vector_store %arg13[%swap3A_218, %swap3A_219], %swap3A_222 {strides = array<i32>} : memref<80x64xi32, #tpu.memory_space<vmem>>, vector<1x16xi32>,
    }
    %scan3A_60 = arith.constant 80 : i32
    %add3A_61 = arith.constant 4960 : i32
    %add3A_62 = arith.addi %mul3A_4, %add3A_61 : i32
    "tpu.region"() ({
      %run_scoped3A = tpu.sem_alloc : memref<!tpu.dma_semaphore, #tpu.memory_space<semaphore_mem>>
      %dma_start3A_72 = arith.constant 0 : i32
      %dma_start3A_73 = tpu.memref_slice %arg6[%add3A_62, %dma_start3A_72] : memref<161280x64xi32, #tpu.memory_space<hbm>> -> memref<80x64xi32, #tpu.memory_space<hbm>>
      %dma_start3A_74 = arith.constant 0 : i32
      %dma_start3A_75 = tpu.memref_slice %arg6[%add3A_62, %dma_start3A_74] : memref<161280x64xi32, #tpu.memory_space<hbm>> -> memref<80x64xi32, #tpu.memory_space<hbm>>
      tpu.enqueue_dma source(%arg13 : memref<80x64xi32, #tpu.memory_space<vmem>>) target(%dma_start3A_75 : memref<80x64xi32, #tpu.memory_space<hbm>>) target_semaphore(%run_scoped3A : memref<!tpu.dma_semaphore, #tpu.memory_space<semaphore_mem>>)
      %dma_wait3A_76 = arith.constant 0 : i32
      %dma_wait3A_77 = tpu.memref_slice %arg6[%add3A_62, %dma_wait3A_76] : memref<161280x64xi32, #tpu.memory_space<hbm>> -> memref<80x64xi32, #tpu.memory_space<hbm>>
      %dma_wait3A_78 = arith.constant 0 : i32
      %dma_wait3A_79 = tpu.memref_slice %arg6[%add3A_62, %dma_wait3A_78] : memref<161280x64xi32, #tpu.memory_space<hbm>> -> memref<80x64xi32, #tpu.memory_space<hbm>>
      tpu.wait_dma2 semaphore(%run_scoped3A : memref<!tpu.dma_semaphore, #tpu.memory_space<semaphore_mem>>) src(%arg13 : memref<80x64xi32, #tpu.memory_space<vmem>>) dst(%dma_wait3A_79 : memref<80x64xi32, #tpu.memory_space<hbm>>)
      tpu.yield
    }) : () -> ()
    %add3A_63 = arith.constant 4880 : i32
    %add3A_64 = arith.addi %mul3A_4, %add3A_63 : i32
    %dma_wait3A_65 = arith.constant 1 : i32
    %dma_wait3A_66 = arith.constant 0 : i32
    %dma_wait3A_67 = tpu.memref_slice %arg6[%add3A_64, %dma_wait3A_66] : memref<161280x64xi32, #tpu.memory_space<hbm>> -> memref<80x64xi32, #tpu.memory_space<hbm>>
    %dma_wait3A_68 = tpu.memref_slice %arg17[%dma_wait3A_65] : memref<2x!tpu.dma_semaphore, #tpu.memory_space<semaphore_mem>> -> memref<1x!tpu.dma_semaphore, #tpu.memory_space<semaphore_mem>>
    %dma_wait3A_69 = tpu.memref_squeeze %dma_wait3A_68 : memref<1x!tpu.dma_semaphore, #tpu.memory_space<semaphore_mem>> -> memref<!tpu.dma_semaphore, #tpu.memory_space<semaphore_mem>>
    %dma_wait3A_70 = arith.constant 0 : i32
    %dma_wait3A_71 = tpu.memref_slice %arg6[%add3A_64, %dma_wait3A_70] : memref<161280x64xi32, #tpu.memory_space<hbm>> -> memref<80x64xi32, #tpu.memory_space<hbm>>
    tpu.wait_dma2 semaphore(%dma_wait3A_69 : memref<!tpu.dma_semaphore, #tpu.memory_space<semaphore_mem>>) src(%arg14 : memref<80x64xi32, #tpu.memory_space<vmem>>) dst(%dma_wait3A_71 : memref<80x64xi32, #tpu.memory_space<hbm>>)
    return
  }
}

#map = affine_map<(d0, d1) -> (0, 0, 0)>
#map1 = affine_map<(d0, d1) -> (0, 0)>
module attributes {stable_mosaic.version = 14 : i64} {
  func.func @k(%arg0: i32, %arg1: i32, %arg2: memref<32x62x80xi32, #tpu.memory_space<hbm>>, %arg3: memref<32x62x80xi32, #tpu.memory_space<hbm>>, %arg4: memref<10000x128xf32, #tpu.memory_space<hbm>>, %arg5: memref<10000x128xf32, #tpu.memory_space<hbm>>, %arg6: memref<158720x64xi32, #tpu.memory_space<hbm>>, %arg7: memref<62x80xi32, #tpu.memory_space<vmem>>, %arg8: memref<62x80xi32, #tpu.memory_space<vmem>>, %arg9: memref<80x128xf32, #tpu.memory_space<vmem>>, %arg10: memref<80x128xf32, #tpu.memory_space<vmem>>, %arg11: memref<80x128xf32, #tpu.memory_space<vmem>>, %arg12: memref<80x128xf32, #tpu.memory_space<vmem>>, %arg13: memref<80x64xi32, #tpu.memory_space<vmem>>, %arg14: memref<80x64xi32, #tpu.memory_space<vmem>>, %arg15: memref<2x!tpu.dma_semaphore, #tpu.memory_space<semaphore_mem>>, %arg16: memref<2x!tpu.dma_semaphore, #tpu.memory_space<semaphore_mem>>, %arg17: memref<2x!tpu.dma_semaphore, #tpu.memory_space<semaphore_mem>>) attributes {dimension_semantics = [#tpu.dimension_semantics<core_parallel>, #tpu.dimension_semantics<subcore_parallel>], iteration_bounds = array<i64: 2, 16>, scalar_prefetch = 0 : i64, scratch_operands = 11 : i64, tpu.core_type = #tpu.core_type<sc_vector_subcore>, window_params = [{transform_indices = #map}, {transform_indices = #map}, {transform_indices = #map1}, {transform_indices = #map1}, {transform_indices = #map1}]} {
    %mul3A = arith.constant 16 : i32
    %mul3A_0 = arith.muli %arg0, %mul3A : i32
    %add3A = arith.addi %mul3A_0, %arg1 : i32
    %mul3A_1 = arith.constant 62 : i32
    %mul3A_2 = arith.muli %add3A, %mul3A_1 : i32
    %mul3A_3 = arith.constant 80 : i32
    %mul3A_4 = arith.muli %mul3A_2, %mul3A_3 : i32
    "tpu.region"() ({
      %run_scoped3A = tpu.sem_alloc : memref<!tpu.dma_semaphore, #tpu.memory_space<semaphore_mem>>
      %dma_start3A_45 = arith.constant 0 : i32
      %dma_start3A_46 = arith.constant 0 : i32
      %dma_start3A_47 = tpu.memref_slice %arg2[%add3A, %dma_start3A_45, %dma_start3A_46] : memref<32x62x80xi32, #tpu.memory_space<hbm>> -> memref<1x62x80xi32, #tpu.memory_space<hbm>>
      %dma_start3A_48 = tpu.memref_squeeze %dma_start3A_47 : memref<1x62x80xi32, #tpu.memory_space<hbm>> -> memref<62x80xi32, #tpu.memory_space<hbm>>
      %dma_start3A_49 = arith.constant 0 : i32
      %dma_start3A_50 = arith.constant 0 : i32
      %dma_start3A_51 = tpu.memref_slice %arg2[%add3A, %dma_start3A_49, %dma_start3A_50] : memref<32x62x80xi32, #tpu.memory_space<hbm>> -> memref<1x62x80xi32, #tpu.memory_space<hbm>>
      %dma_start3A_52 = tpu.memref_squeeze %dma_start3A_51 : memref<1x62x80xi32, #tpu.memory_space<hbm>> -> memref<62x80xi32, #tpu.memory_space<hbm>>
      tpu.enqueue_dma source(%dma_start3A_52 : memref<62x80xi32, #tpu.memory_space<hbm>>) target(%arg7 : memref<62x80xi32, #tpu.memory_space<vmem>>) target_semaphore(%run_scoped3A : memref<!tpu.dma_semaphore, #tpu.memory_space<semaphore_mem>>)
      %dma_wait3A_53 = arith.constant 0 : i32
      %dma_wait3A_54 = arith.constant 0 : i32
      %dma_wait3A_55 = tpu.memref_slice %arg2[%add3A, %dma_wait3A_53, %dma_wait3A_54] : memref<32x62x80xi32, #tpu.memory_space<hbm>> -> memref<1x62x80xi32, #tpu.memory_space<hbm>>
      %dma_wait3A_56 = tpu.memref_squeeze %dma_wait3A_55 : memref<1x62x80xi32, #tpu.memory_space<hbm>> -> memref<62x80xi32, #tpu.memory_space<hbm>>
      %dma_wait3A_57 = arith.constant 0 : i32
      %dma_wait3A_58 = arith.constant 0 : i32
      %dma_wait3A_59 = tpu.memref_slice %arg2[%add3A, %dma_wait3A_57, %dma_wait3A_58] : memref<32x62x80xi32, #tpu.memory_space<hbm>> -> memref<1x62x80xi32, #tpu.memory_space<hbm>>
      %dma_wait3A_60 = tpu.memref_squeeze %dma_wait3A_59 : memref<1x62x80xi32, #tpu.memory_space<hbm>> -> memref<62x80xi32, #tpu.memory_space<hbm>>
      tpu.wait_dma2 semaphore(%run_scoped3A : memref<!tpu.dma_semaphore, #tpu.memory_space<semaphore_mem>>) src(%dma_wait3A_60 : memref<62x80xi32, #tpu.memory_space<hbm>>) dst(%arg7 : memref<62x80xi32, #tpu.memory_space<vmem>>)
      tpu.yield
    }) : () -> ()
    "tpu.region"() ({
      %run_scoped3A = tpu.sem_alloc : memref<!tpu.dma_semaphore, #tpu.memory_space<semaphore_mem>>
      %dma_start3A_45 = arith.constant 0 : i32
      %dma_start3A_46 = arith.constant 0 : i32
      %dma_start3A_47 = tpu.memref_slice %arg3[%add3A, %dma_start3A_45, %dma_start3A_46] : memref<32x62x80xi32, #tpu.memory_space<hbm>> -> memref<1x62x80xi32, #tpu.memory_space<hbm>>
      %dma_start3A_48 = tpu.memref_squeeze %dma_start3A_47 : memref<1x62x80xi32, #tpu.memory_space<hbm>> -> memref<62x80xi32, #tpu.memory_space<hbm>>
      %dma_start3A_49 = arith.constant 0 : i32
      %dma_start3A_50 = arith.constant 0 : i32
      %dma_start3A_51 = tpu.memref_slice %arg3[%add3A, %dma_start3A_49, %dma_start3A_50] : memref<32x62x80xi32, #tpu.memory_space<hbm>> -> memref<1x62x80xi32, #tpu.memory_space<hbm>>
      %dma_start3A_52 = tpu.memref_squeeze %dma_start3A_51 : memref<1x62x80xi32, #tpu.memory_space<hbm>> -> memref<62x80xi32, #tpu.memory_space<hbm>>
      tpu.enqueue_dma source(%dma_start3A_52 : memref<62x80xi32, #tpu.memory_space<hbm>>) target(%arg8 : memref<62x80xi32, #tpu.memory_space<vmem>>) target_semaphore(%run_scoped3A : memref<!tpu.dma_semaphore, #tpu.memory_space<semaphore_mem>>)
      %dma_wait3A_53 = arith.constant 0 : i32
      %dma_wait3A_54 = arith.constant 0 : i32
      %dma_wait3A_55 = tpu.memref_slice %arg3[%add3A, %dma_wait3A_53, %dma_wait3A_54] : memref<32x62x80xi32, #tpu.memory_space<hbm>> -> memref<1x62x80xi32, #tpu.memory_space<hbm>>
      %dma_wait3A_56 = tpu.memref_squeeze %dma_wait3A_55 : memref<1x62x80xi32, #tpu.memory_space<hbm>> -> memref<62x80xi32, #tpu.memory_space<hbm>>
      %dma_wait3A_57 = arith.constant 0 : i32
      %dma_wait3A_58 = arith.constant 0 : i32
      %dma_wait3A_59 = tpu.memref_slice %arg3[%add3A, %dma_wait3A_57, %dma_wait3A_58] : memref<32x62x80xi32, #tpu.memory_space<hbm>> -> memref<1x62x80xi32, #tpu.memory_space<hbm>>
      %dma_wait3A_60 = tpu.memref_squeeze %dma_wait3A_59 : memref<1x62x80xi32, #tpu.memory_space<hbm>> -> memref<62x80xi32, #tpu.memory_space<hbm>>
      tpu.wait_dma2 semaphore(%run_scoped3A : memref<!tpu.dma_semaphore, #tpu.memory_space<semaphore_mem>>) src(%dma_wait3A_60 : memref<62x80xi32, #tpu.memory_space<hbm>>) dst(%arg8 : memref<62x80xi32, #tpu.memory_space<vmem>>)
      tpu.yield
    }) : () -> ()
    %dma_start3A = arith.constant 0 : i32
    %dma_start3A_5 = arith.constant 0 : i32
    %dma_start3A_6 = arith.constant 0 : i32
    %dma_start3A_7 = tpu.memref_slice %arg7[%dma_start3A, %dma_start3A_6] : memref<62x80xi32, #tpu.memory_space<vmem>> -> memref<1x80xi32, #tpu.memory_space<vmem>>
    %dma_start3A_8 = tpu.memref_squeeze %dma_start3A_7 : memref<1x80xi32, #tpu.memory_space<vmem>> -> memref<80xi32, #tpu.memory_space<vmem>>
    %dma_start3A_9 = arith.constant 0 : i32
    %dma_start3A_10 = arith.constant 0 : i32
    %dma_start3A_11 = tpu.memref_slice %arg4[%dma_start3A_9, %dma_start3A_10] : memref<10000x128xf32, #tpu.memory_space<hbm>> -> memref<10000x128xf32, #tpu.memory_space<hbm>>
    %dma_start3A_12 = tpu.memref_slice %arg15[%dma_start3A_5] : memref<2x!tpu.dma_semaphore, #tpu.memory_space<semaphore_mem>> -> memref<1x!tpu.dma_semaphore, #tpu.memory_space<semaphore_mem>>
    %dma_start3A_13 = tpu.memref_squeeze %dma_start3A_12 : memref<1x!tpu.dma_semaphore, #tpu.memory_space<semaphore_mem>> -> memref<!tpu.dma_semaphore, #tpu.memory_space<semaphore_mem>>
    tpu.enqueue_indirect_dma source(%dma_start3A_11 : memref<10000x128xf32, #tpu.memory_space<hbm>>) target(%arg9 : memref<80x128xf32, #tpu.memory_space<vmem>>) offsets(%dma_start3A_8 : memref<80xi32, #tpu.memory_space<vmem>>) semaphore(%dma_start3A_13 : memref<!tpu.dma_semaphore, #tpu.memory_space<semaphore_mem>>)
    %dma_start3A_14 = arith.constant 0 : i32
    %dma_start3A_15 = arith.constant 0 : i32
    %dma_start3A_16 = arith.constant 0 : i32
    %dma_start3A_17 = tpu.memref_slice %arg8[%dma_start3A_14, %dma_start3A_16] : memref<62x80xi32, #tpu.memory_space<vmem>> -> memref<1x80xi32, #tpu.memory_space<vmem>>
    %dma_start3A_18 = tpu.memref_squeeze %dma_start3A_17 : memref<1x80xi32, #tpu.memory_space<vmem>> -> memref<80xi32, #tpu.memory_space<vmem>>
    %dma_start3A_19 = arith.constant 0 : i32
    %dma_start3A_20 = arith.constant 0 : i32
    %dma_start3A_21 = tpu.memref_slice %arg5[%dma_start3A_19, %dma_start3A_20] : memref<10000x128xf32, #tpu.memory_space<hbm>> -> memref<10000x128xf32, #tpu.memory_space<hbm>>
    %dma_start3A_22 = tpu.memref_slice %arg16[%dma_start3A_15] : memref<2x!tpu.dma_semaphore, #tpu.memory_space<semaphore_mem>> -> memref<1x!tpu.dma_semaphore, #tpu.memory_space<semaphore_mem>>
    %dma_start3A_23 = tpu.memref_squeeze %dma_start3A_22 : memref<1x!tpu.dma_semaphore, #tpu.memory_space<semaphore_mem>> -> memref<!tpu.dma_semaphore, #tpu.memory_space<semaphore_mem>>
    tpu.enqueue_indirect_dma source(%dma_start3A_21 : memref<10000x128xf32, #tpu.memory_space<hbm>>) target(%arg11 : memref<80x128xf32, #tpu.memory_space<vmem>>) offsets(%dma_start3A_18 : memref<80xi32, #tpu.memory_space<vmem>>) semaphore(%dma_start3A_23 : memref<!tpu.dma_semaphore, #tpu.memory_space<semaphore_mem>>)
    %scan3A = arith.constant 0 : i32
    %scan3A_24 = arith.constant 31 : i32
    %scan3A_25 = arith.addi %scan3A, %scan3A_24 : i32
    %scan3A_26 = arith.constant 1 : i32
    scf.for %scan3A_45 = %scan3A to %scan3A_25 step %scan3A_26  : i32 {
      %mul3A_46 = arith.constant 2 : i32
      %mul3A_47 = arith.muli %scan3A_45, %mul3A_46 : i32
      %add3A_48 = arith.constant 0 : i32
      %add3A_49 = arith.addi %add3A_48, %mul3A_47 : i32
      %dma_wait3A_50 = arith.constant 0 : i32
      %dma_wait3A_51 = arith.constant 0 : i32
      %dma_wait3A_52 = tpu.memref_slice %arg7[%add3A_49, %dma_wait3A_51] : memref<62x80xi32, #tpu.memory_space<vmem>> -> memref<1x80xi32, #tpu.memory_space<vmem>>
      %dma_wait3A_53 = tpu.memref_squeeze %dma_wait3A_52 : memref<1x80xi32, #tpu.memory_space<vmem>> -> memref<80xi32, #tpu.memory_space<vmem>>
      %dma_wait3A_54 = arith.constant 0 : i32
      %dma_wait3A_55 = arith.constant 0 : i32
      %dma_wait3A_56 = tpu.memref_slice %arg4[%dma_wait3A_54, %dma_wait3A_55] : memref<10000x128xf32, #tpu.memory_space<hbm>> -> memref<10000x128xf32, #tpu.memory_space<hbm>>
      %dma_wait3A_57 = tpu.memref_slice %arg15[%dma_wait3A_50] : memref<2x!tpu.dma_semaphore, #tpu.memory_space<semaphore_mem>> -> memref<1x!tpu.dma_semaphore, #tpu.memory_space<semaphore_mem>>
      %dma_wait3A_58 = tpu.memref_squeeze %dma_wait3A_57 : memref<1x!tpu.dma_semaphore, #tpu.memory_space<semaphore_mem>> -> memref<!tpu.dma_semaphore, #tpu.memory_space<semaphore_mem>>
      tpu.wait_indirect_dma semaphore(%dma_wait3A_58 : memref<!tpu.dma_semaphore, #tpu.memory_space<semaphore_mem>>) src(%dma_wait3A_56 : memref<10000x128xf32, #tpu.memory_space<hbm>>) dst(%arg9 : memref<80x128xf32, #tpu.memory_space<vmem>>)
      %dma_wait3A_59 = arith.constant 0 : i32
      %dma_wait3A_60 = arith.constant 0 : i32
      %dma_wait3A_61 = tpu.memref_slice %arg8[%add3A_49, %dma_wait3A_60] : memref<62x80xi32, #tpu.memory_space<vmem>> -> memref<1x80xi32, #tpu.memory_space<vmem>>
      %dma_wait3A_62 = tpu.memref_squeeze %dma_wait3A_61 : memref<1x80xi32, #tpu.memory_space<vmem>> -> memref<80xi32, #tpu.memory_space<vmem>>
      %dma_wait3A_63 = arith.constant 0 : i32
      %dma_wait3A_64 = arith.constant 0 : i32
      %dma_wait3A_65 = tpu.memref_slice %arg5[%dma_wait3A_63, %dma_wait3A_64] : memref<10000x128xf32, #tpu.memory_space<hbm>> -> memref<10000x128xf32, #tpu.memory_space<hbm>>
      %dma_wait3A_66 = tpu.memref_slice %arg16[%dma_wait3A_59] : memref<2x!tpu.dma_semaphore, #tpu.memory_space<semaphore_mem>> -> memref<1x!tpu.dma_semaphore, #tpu.memory_space<semaphore_mem>>
      %dma_wait3A_67 = tpu.memref_squeeze %dma_wait3A_66 : memref<1x!tpu.dma_semaphore, #tpu.memory_space<semaphore_mem>> -> memref<!tpu.dma_semaphore, #tpu.memory_space<semaphore_mem>>
      tpu.wait_indirect_dma semaphore(%dma_wait3A_67 : memref<!tpu.dma_semaphore, #tpu.memory_space<semaphore_mem>>) src(%dma_wait3A_65 : memref<10000x128xf32, #tpu.memory_space<hbm>>) dst(%arg11 : memref<80x128xf32, #tpu.memory_space<vmem>>)
      %add3A_68 = arith.constant 1 : i32
      %add3A_69 = arith.addi %add3A_49, %add3A_68 : i32
      %dma_start3A_70 = arith.constant 1 : i32
      %dma_start3A_71 = arith.constant 0 : i32
      %dma_start3A_72 = tpu.memref_slice %arg7[%add3A_69, %dma_start3A_71] : memref<62x80xi32, #tpu.memory_space<vmem>> -> memref<1x80xi32, #tpu.memory_space<vmem>>
      %dma_start3A_73 = tpu.memref_squeeze %dma_start3A_72 : memref<1x80xi32, #tpu.memory_space<vmem>> -> memref<80xi32, #tpu.memory_space<vmem>>
      %dma_start3A_74 = arith.constant 0 : i32
      %dma_start3A_75 = arith.constant 0 : i32
      %dma_start3A_76 = tpu.memref_slice %arg4[%dma_start3A_74, %dma_start3A_75] : memref<10000x128xf32, #tpu.memory_space<hbm>> -> memref<10000x128xf32, #tpu.memory_space<hbm>>
      %dma_start3A_77 = tpu.memref_slice %arg15[%dma_start3A_70] : memref<2x!tpu.dma_semaphore, #tpu.memory_space<semaphore_mem>> -> memref<1x!tpu.dma_semaphore, #tpu.memory_space<semaphore_mem>>
      %dma_start3A_78 = tpu.memref_squeeze %dma_start3A_77 : memref<1x!tpu.dma_semaphore, #tpu.memory_space<semaphore_mem>> -> memref<!tpu.dma_semaphore, #tpu.memory_space<semaphore_mem>>
      tpu.enqueue_indirect_dma source(%dma_start3A_76 : memref<10000x128xf32, #tpu.memory_space<hbm>>) target(%arg10 : memref<80x128xf32, #tpu.memory_space<vmem>>) offsets(%dma_start3A_73 : memref<80xi32, #tpu.memory_space<vmem>>) semaphore(%dma_start3A_78 : memref<!tpu.dma_semaphore, #tpu.memory_space<semaphore_mem>>)
      %dma_start3A_79 = arith.constant 1 : i32
      %dma_start3A_80 = arith.constant 0 : i32
      %dma_start3A_81 = tpu.memref_slice %arg8[%add3A_69, %dma_start3A_80] : memref<62x80xi32, #tpu.memory_space<vmem>> -> memref<1x80xi32, #tpu.memory_space<vmem>>
      %dma_start3A_82 = tpu.memref_squeeze %dma_start3A_81 : memref<1x80xi32, #tpu.memory_space<vmem>> -> memref<80xi32, #tpu.memory_space<vmem>>
      %dma_start3A_83 = arith.constant 0 : i32
      %dma_start3A_84 = arith.constant 0 : i32
      %dma_start3A_85 = tpu.memref_slice %arg5[%dma_start3A_83, %dma_start3A_84] : memref<10000x128xf32, #tpu.memory_space<hbm>> -> memref<10000x128xf32, #tpu.memory_space<hbm>>
      %dma_start3A_86 = tpu.memref_slice %arg16[%dma_start3A_79] : memref<2x!tpu.dma_semaphore, #tpu.memory_space<semaphore_mem>> -> memref<1x!tpu.dma_semaphore, #tpu.memory_space<semaphore_mem>>
      %dma_start3A_87 = tpu.memref_squeeze %dma_start3A_86 : memref<1x!tpu.dma_semaphore, #tpu.memory_space<semaphore_mem>> -> memref<!tpu.dma_semaphore, #tpu.memory_space<semaphore_mem>>
      tpu.enqueue_indirect_dma source(%dma_start3A_85 : memref<10000x128xf32, #tpu.memory_space<hbm>>) target(%arg12 : memref<80x128xf32, #tpu.memory_space<vmem>>) offsets(%dma_start3A_82 : memref<80xi32, #tpu.memory_space<vmem>>) semaphore(%dma_start3A_87 : memref<!tpu.dma_semaphore, #tpu.memory_space<semaphore_mem>>)
      %gt3A = arith.constant 0 : i32
      %gt3A_88 = arith.cmpi sgt, %add3A_49, %gt3A : i32
      %convert_element_type3A = arith.extui %gt3A_88 : i1 to i32
      %cond3A = arith.constant 0 : i32
      %cond3A_89 = arith.cmpi ne, %convert_element_type3A, %cond3A : i32
      scf.if %cond3A_89 {
        %sub3A = arith.constant 2 : i32
        %sub3A_153 = arith.subi %add3A_49, %sub3A : i32
        %mul3A_154 = arith.constant 80 : i32
        %mul3A_155 = arith.muli %sub3A_153, %mul3A_154 : i32
        %add3A_156 = arith.addi %mul3A_4, %mul3A_155 : i32
        %dma_wait3A_157 = arith.constant 0 : i32
        %dma_wait3A_158 = arith.constant 0 : i32
        %dma_wait3A_159 = tpu.memref_slice %arg6[%add3A_156, %dma_wait3A_158] : memref<158720x64xi32, #tpu.memory_space<hbm>> -> memref<80x64xi32, #tpu.memory_space<hbm>>
        %dma_wait3A_160 = tpu.memref_slice %arg17[%dma_wait3A_157] : memref<2x!tpu.dma_semaphore, #tpu.memory_space<semaphore_mem>> -> memref<1x!tpu.dma_semaphore, #tpu.memory_space<semaphore_mem>>
        %dma_wait3A_161 = tpu.memref_squeeze %dma_wait3A_160 : memref<1x!tpu.dma_semaphore, #tpu.memory_space<semaphore_mem>> -> memref<!tpu.dma_semaphore, #tpu.memory_space<semaphore_mem>>
        %dma_wait3A_162 = arith.constant 0 : i32
        %dma_wait3A_163 = tpu.memref_slice %arg6[%add3A_156, %dma_wait3A_162] : memref<158720x64xi32, #tpu.memory_space<hbm>> -> memref<80x64xi32, #tpu.memory_space<hbm>>
        tpu.wait_dma2 semaphore(%dma_wait3A_161 : memref<!tpu.dma_semaphore, #tpu.memory_space<semaphore_mem>>) src(%arg13 : memref<80x64xi32, #tpu.memory_space<vmem>>) dst(%dma_wait3A_163 : memref<80x64xi32, #tpu.memory_space<hbm>>)
      } else {
      }
      %scan3A_90 = arith.constant 0 : i32
      %scan3A_91 = arith.constant 80 : i32
      %scan3A_92 = arith.addi %scan3A_90, %scan3A_91 : i32
      %scan3A_93 = arith.constant 1 : i32
      scf.for %scan3A_153 = %scan3A_90 to %scan3A_92 step %scan3A_93  : i32 {
        %mul3A_154 = arith.constant 1 : i32
        %mul3A_155 = arith.muli %scan3A_153, %mul3A_154 : i32
        %add3A_156 = arith.constant 0 : i32
        %add3A_157 = arith.addi %add3A_156, %mul3A_155 : i32
        %get3A = arith.index_cast %add3A_157 : i32 to index
        %get3A_158 = arith.constant 0 : index
        %get3A_159 = tpu.vector_load %arg9[%get3A, %get3A_158] {strides = array<i32>} : memref<80x128xf32, #tpu.memory_space<vmem>>, vector<1x16xf32>,
        %get3A_160 = vector.shape_cast %get3A_159 : vector<1x16xf32> to vector<16xf32>
        %get3A_161 = arith.index_cast %add3A_157 : i32 to index
        %get3A_162 = arith.constant 0 : index
        %get3A_163 = tpu.vector_load %arg11[%get3A_161, %get3A_162] {strides = array<i32>} : memref<80x128xf32, #tpu.memory_space<vmem>>, vector<1x16xf32>,
        %get3A_164 = vector.shape_cast %get3A_163 : vector<1x16xf32> to vector<16xf32>
        %add3A_165 = arith.addf %get3A_160, %get3A_164 : vector<16xf32>
        %get3A_166 = arith.index_cast %add3A_157 : i32 to index
        %get3A_167 = arith.constant 16 : index
        %get3A_168 = tpu.vector_load %arg9[%get3A_166, %get3A_167] {strides = array<i32>} : memref<80x128xf32, #tpu.memory_space<vmem>>, vector<1x16xf32>,
        %get3A_169 = vector.shape_cast %get3A_168 : vector<1x16xf32> to vector<16xf32>
        %get3A_170 = arith.index_cast %add3A_157 : i32 to index
        %get3A_171 = arith.constant 16 : index
        %get3A_172 = tpu.vector_load %arg11[%get3A_170, %get3A_171] {strides = array<i32>} : memref<80x128xf32, #tpu.memory_space<vmem>>, vector<1x16xf32>,
        %get3A_173 = vector.shape_cast %get3A_172 : vector<1x16xf32> to vector<16xf32>
        %add3A_174 = arith.addf %get3A_169, %get3A_173 : vector<16xf32>
        %bitcast_convert_type3A = tpu.bitcast %add3A_165 : vector<16xf32> -> vector<16xi32>
        %add3A_175 = arith.constant 32768 : i32
        %add3A_176 = vector.broadcast %add3A_175 : i32 to vector<16xi32>
        %add3A_177 = arith.addi %bitcast_convert_type3A, %add3A_176 : vector<16xi32>
        %bitcast_convert_type3A_178 = tpu.bitcast %add3A_174 : vector<16xf32> -> vector<16xi32>
        %add3A_179 = arith.constant 32768 : i32
        %add3A_180 = vector.broadcast %add3A_179 : i32 to vector<16xi32>
        %add3A_181 = arith.addi %bitcast_convert_type3A_178, %add3A_180 : vector<16xi32>
        %shift_right_logical3A = arith.constant 16 : i32
        %shift_right_logical3A_182 = vector.broadcast %shift_right_logical3A : i32 to vector<16xi32>
        %shift_right_logical3A_183 = arith.shrui %add3A_177, %shift_right_logical3A_182 : vector<16xi32>
        %and3A = arith.constant -65536 : i32
        %and3A_184 = vector.broadcast %and3A : i32 to vector<16xi32>
        %and3A_185 = arith.andi %add3A_181, %and3A_184 : vector<16xi32>
        %or3A = arith.ori %shift_right_logical3A_183, %and3A_185 : vector<16xi32>
        %swap3A = arith.index_cast %add3A_157 : i32 to index
        %swap3A_186 = arith.constant 0 : index
        %swap3A_187 = tpu.vector_load %arg13[%swap3A, %swap3A_186] {strides = array<i32>} : memref<80x64xi32, #tpu.memory_space<vmem>>, vector<1x16xi32>,
        %swap3A_188 = vector.shape_cast %swap3A_187 : vector<1x16xi32> to vector<16xi32>
        %swap3A_189 = vector.shape_cast %or3A : vector<16xi32> to vector<1x16xi32>
        tpu.vector_store %arg13[%swap3A, %swap3A_186], %swap3A_189 {strides = array<i32>} : memref<80x64xi32, #tpu.memory_space<vmem>>, vector<1x16xi32>,
        %get3A_190 = arith.index_cast %add3A_157 : i32 to index
        %get3A_191 = arith.constant 32 : index
        %get3A_192 = tpu.vector_load %arg9[%get3A_190, %get3A_191] {strides = array<i32>} : memref<80x128xf32, #tpu.memory_space<vmem>>, vector<1x16xf32>,
        %get3A_193 = vector.shape_cast %get3A_192 : vector<1x16xf32> to vector<16xf32>
        %get3A_194 = arith.index_cast %add3A_157 : i32 to index
        %get3A_195 = arith.constant 32 : index
        %get3A_196 = tpu.vector_load %arg11[%get3A_194, %get3A_195] {strides = array<i32>} : memref<80x128xf32, #tpu.memory_space<vmem>>, vector<1x16xf32>,
        %get3A_197 = vector.shape_cast %get3A_196 : vector<1x16xf32> to vector<16xf32>
        %add3A_198 = arith.addf %get3A_193, %get3A_197 : vector<16xf32>
        %get3A_199 = arith.index_cast %add3A_157 : i32 to index
        %get3A_200 = arith.constant 48 : index
        %get3A_201 = tpu.vector_load %arg9[%get3A_199, %get3A_200] {strides = array<i32>} : memref<80x128xf32, #tpu.memory_space<vmem>>, vector<1x16xf32>,
        %get3A_202 = vector.shape_cast %get3A_201 : vector<1x16xf32> to vector<16xf32>
        %get3A_203 = arith.index_cast %add3A_157 : i32 to index
        %get3A_204 = arith.constant 48 : index
        %get3A_205 = tpu.vector_load %arg11[%get3A_203, %get3A_204] {strides = array<i32>} : memref<80x128xf32, #tpu.memory_space<vmem>>, vector<1x16xf32>,
        %get3A_206 = vector.shape_cast %get3A_205 : vector<1x16xf32> to vector<16xf32>
        %add3A_207 = arith.addf %get3A_202, %get3A_206 : vector<16xf32>
        %bitcast_convert_type3A_208 = tpu.bitcast %add3A_198 : vector<16xf32> -> vector<16xi32>
        %add3A_209 = arith.constant 32768 : i32
        %add3A_210 = vector.broadcast %add3A_209 : i32 to vector<16xi32>
        %add3A_211 = arith.addi %bitcast_convert_type3A_208, %add3A_210 : vector<16xi32>
        %bitcast_convert_type3A_212 = tpu.bitcast %add3A_207 : vector<16xf32> -> vector<16xi32>
        %add3A_213 = arith.constant 32768 : i32
        %add3A_214 = vector.broadcast %add3A_213 : i32 to vector<16xi32>
        %add3A_215 = arith.addi %bitcast_convert_type3A_212, %add3A_214 : vector<16xi32>
        %shift_right_logical3A_216 = arith.constant 16 : i32
        %shift_right_logical3A_217 = vector.broadcast %shift_right_logical3A_216 : i32 to vector<16xi32>
        %shift_right_logical3A_218 = arith.shrui %add3A_211, %shift_right_logical3A_217 : vector<16xi32>
        %and3A_219 = arith.constant -65536 : i32
        %and3A_220 = vector.broadcast %and3A_219 : i32 to vector<16xi32>
        %and3A_221 = arith.andi %add3A_215, %and3A_220 : vector<16xi32>
        %or3A_222 = arith.ori %shift_right_logical3A_218, %and3A_221 : vector<16xi32>
        %swap3A_223 = arith.index_cast %add3A_157 : i32 to index
        %swap3A_224 = arith.constant 16 : index
        %swap3A_225 = tpu.vector_load %arg13[%swap3A_223, %swap3A_224] {strides = array<i32>} : memref<80x64xi32, #tpu.memory_space<vmem>>, vector<1x16xi32>,
        %swap3A_226 = vector.shape_cast %swap3A_225 : vector<1x16xi32> to vector<16xi32>
        %swap3A_227 = vector.shape_cast %or3A_222 : vector<16xi32> to vector<1x16xi32>
        tpu.vector_store %arg13[%swap3A_223, %swap3A_224], %swap3A_227 {strides = array<i32>} : memref<80x64xi32, #tpu.memory_space<vmem>>, vector<1x16xi32>,
        %get3A_228 = arith.index_cast %add3A_157 : i32 to index
        %get3A_229 = arith.constant 64 : index
        %get3A_230 = tpu.vector_load %arg9[%get3A_228, %get3A_229] {strides = array<i32>} : memref<80x128xf32, #tpu.memory_space<vmem>>, vector<1x16xf32>,
        %get3A_231 = vector.shape_cast %get3A_230 : vector<1x16xf32> to vector<16xf32>
        %get3A_232 = arith.index_cast %add3A_157 : i32 to index
        %get3A_233 = arith.constant 64 : index
        %get3A_234 = tpu.vector_load %arg11[%get3A_232, %get3A_233] {strides = array<i32>} : memref<80x128xf32, #tpu.memory_space<vmem>>, vector<1x16xf32>,
        %get3A_235 = vector.shape_cast %get3A_234 : vector<1x16xf32> to vector<16xf32>
        %add3A_236 = arith.addf %get3A_231, %get3A_235 : vector<16xf32>
        %get3A_237 = arith.index_cast %add3A_157 : i32 to index
        %get3A_238 = arith.constant 80 : index
        %get3A_239 = tpu.vector_load %arg9[%get3A_237, %get3A_238] {strides = array<i32>} : memref<80x128xf32, #tpu.memory_space<vmem>>, vector<1x16xf32>,
        %get3A_240 = vector.shape_cast %get3A_239 : vector<1x16xf32> to vector<16xf32>
        %get3A_241 = arith.index_cast %add3A_157 : i32 to index
        %get3A_242 = arith.constant 80 : index
        %get3A_243 = tpu.vector_load %arg11[%get3A_241, %get3A_242] {strides = array<i32>} : memref<80x128xf32, #tpu.memory_space<vmem>>, vector<1x16xf32>,
        %get3A_244 = vector.shape_cast %get3A_243 : vector<1x16xf32> to vector<16xf32>
        %add3A_245 = arith.addf %get3A_240, %get3A_244 : vector<16xf32>
        %bitcast_convert_type3A_246 = tpu.bitcast %add3A_236 : vector<16xf32> -> vector<16xi32>
        %add3A_247 = arith.constant 32768 : i32
        %add3A_248 = vector.broadcast %add3A_247 : i32 to vector<16xi32>
        %add3A_249 = arith.addi %bitcast_convert_type3A_246, %add3A_248 : vector<16xi32>
        %bitcast_convert_type3A_250 = tpu.bitcast %add3A_245 : vector<16xf32> -> vector<16xi32>
        %add3A_251 = arith.constant 32768 : i32
        %add3A_252 = vector.broadcast %add3A_251 : i32 to vector<16xi32>
        %add3A_253 = arith.addi %bitcast_convert_type3A_250, %add3A_252 : vector<16xi32>
        %shift_right_logical3A_254 = arith.constant 16 : i32
        %shift_right_logical3A_255 = vector.broadcast %shift_right_logical3A_254 : i32 to vector<16xi32>
        %shift_right_logical3A_256 = arith.shrui %add3A_249, %shift_right_logical3A_255 : vector<16xi32>
        %and3A_257 = arith.constant -65536 : i32
        %and3A_258 = vector.broadcast %and3A_257 : i32 to vector<16xi32>
        %and3A_259 = arith.andi %add3A_253, %and3A_258 : vector<16xi32>
        %or3A_260 = arith.ori %shift_right_logical3A_256, %and3A_259 : vector<16xi32>
        %swap3A_261 = arith.index_cast %add3A_157 : i32 to index
        %swap3A_262 = arith.constant 32 : index
        %swap3A_263 = tpu.vector_load %arg13[%swap3A_261, %swap3A_262] {strides = array<i32>} : memref<80x64xi32, #tpu.memory_space<vmem>>, vector<1x16xi32>,
        %swap3A_264 = vector.shape_cast %swap3A_263 : vector<1x16xi32> to vector<16xi32>
        %swap3A_265 = vector.shape_cast %or3A_260 : vector<16xi32> to vector<1x16xi32>
        tpu.vector_store %arg13[%swap3A_261, %swap3A_262], %swap3A_265 {strides = array<i32>} : memref<80x64xi32, #tpu.memory_space<vmem>>, vector<1x16xi32>,
        %get3A_266 = arith.index_cast %add3A_157 : i32 to index
        %get3A_267 = arith.constant 96 : index
        %get3A_268 = tpu.vector_load %arg9[%get3A_266, %get3A_267] {strides = array<i32>} : memref<80x128xf32, #tpu.memory_space<vmem>>, vector<1x16xf32>,
        %get3A_269 = vector.shape_cast %get3A_268 : vector<1x16xf32> to vector<16xf32>
        %get3A_270 = arith.index_cast %add3A_157 : i32 to index
        %get3A_271 = arith.constant 96 : index
        %get3A_272 = tpu.vector_load %arg11[%get3A_270, %get3A_271] {strides = array<i32>} : memref<80x128xf32, #tpu.memory_space<vmem>>, vector<1x16xf32>,
        %get3A_273 = vector.shape_cast %get3A_272 : vector<1x16xf32> to vector<16xf32>
        %add3A_274 = arith.addf %get3A_269, %get3A_273 : vector<16xf32>
        %get3A_275 = arith.index_cast %add3A_157 : i32 to index
        %get3A_276 = arith.constant 112 : index
        %get3A_277 = tpu.vector_load %arg9[%get3A_275, %get3A_276] {strides = array<i32>} : memref<80x128xf32, #tpu.memory_space<vmem>>, vector<1x16xf32>,
        %get3A_278 = vector.shape_cast %get3A_277 : vector<1x16xf32> to vector<16xf32>
        %get3A_279 = arith.index_cast %add3A_157 : i32 to index
        %get3A_280 = arith.constant 112 : index
        %get3A_281 = tpu.vector_load %arg11[%get3A_279, %get3A_280] {strides = array<i32>} : memref<80x128xf32, #tpu.memory_space<vmem>>, vector<1x16xf32>,
        %get3A_282 = vector.shape_cast %get3A_281 : vector<1x16xf32> to vector<16xf32>
        %add3A_283 = arith.addf %get3A_278, %get3A_282 : vector<16xf32>
        %bitcast_convert_type3A_284 = tpu.bitcast %add3A_274 : vector<16xf32> -> vector<16xi32>
        %add3A_285 = arith.constant 32768 : i32
        %add3A_286 = vector.broadcast %add3A_285 : i32 to vector<16xi32>
        %add3A_287 = arith.addi %bitcast_convert_type3A_284, %add3A_286 : vector<16xi32>
        %bitcast_convert_type3A_288 = tpu.bitcast %add3A_283 : vector<16xf32> -> vector<16xi32>
        %add3A_289 = arith.constant 32768 : i32
        %add3A_290 = vector.broadcast %add3A_289 : i32 to vector<16xi32>
        %add3A_291 = arith.addi %bitcast_convert_type3A_288, %add3A_290 : vector<16xi32>
        %shift_right_logical3A_292 = arith.constant 16 : i32
        %shift_right_logical3A_293 = vector.broadcast %shift_right_logical3A_292 : i32 to vector<16xi32>
        %shift_right_logical3A_294 = arith.shrui %add3A_287, %shift_right_logical3A_293 : vector<16xi32>
        %and3A_295 = arith.constant -65536 : i32
        %and3A_296 = vector.broadcast %and3A_295 : i32 to vector<16xi32>
        %and3A_297 = arith.andi %add3A_291, %and3A_296 : vector<16xi32>
        %or3A_298 = arith.ori %shift_right_logical3A_294, %and3A_297 : vector<16xi32>
        %swap3A_299 = arith.index_cast %add3A_157 : i32 to index
        %swap3A_300 = arith.constant 48 : index
        %swap3A_301 = tpu.vector_load %arg13[%swap3A_299, %swap3A_300] {strides = array<i32>} : memref<80x64xi32, #tpu.memory_space<vmem>>, vector<1x16xi32>,
        %swap3A_302 = vector.shape_cast %swap3A_301 : vector<1x16xi32> to vector<16xi32>
        %swap3A_303 = vector.shape_cast %or3A_298 : vector<16xi32> to vector<1x16xi32>
        tpu.vector_store %arg13[%swap3A_299, %swap3A_300], %swap3A_303 {strides = array<i32>} : memref<80x64xi32, #tpu.memory_space<vmem>>, vector<1x16xi32>,
      }
      %scan3A_94 = arith.constant 80 : i32
      %mul3A_95 = arith.constant 80 : i32
      %mul3A_96 = arith.muli %add3A_49, %mul3A_95 : i32
      %add3A_97 = arith.addi %mul3A_4, %mul3A_96 : i32
      %dma_start3A_98 = arith.constant 0 : i32
      %dma_start3A_99 = arith.constant 0 : i32
      %dma_start3A_100 = tpu.memref_slice %arg6[%add3A_97, %dma_start3A_99] : memref<158720x64xi32, #tpu.memory_space<hbm>> -> memref<80x64xi32, #tpu.memory_space<hbm>>
      %dma_start3A_101 = tpu.memref_slice %arg17[%dma_start3A_98] : memref<2x!tpu.dma_semaphore, #tpu.memory_space<semaphore_mem>> -> memref<1x!tpu.dma_semaphore, #tpu.memory_space<semaphore_mem>>
      %dma_start3A_102 = tpu.memref_squeeze %dma_start3A_101 : memref<1x!tpu.dma_semaphore, #tpu.memory_space<semaphore_mem>> -> memref<!tpu.dma_semaphore, #tpu.memory_space<semaphore_mem>>
      %dma_start3A_103 = arith.constant 0 : i32
      %dma_start3A_104 = tpu.memref_slice %arg6[%add3A_97, %dma_start3A_103] : memref<158720x64xi32, #tpu.memory_space<hbm>> -> memref<80x64xi32, #tpu.memory_space<hbm>>
      tpu.enqueue_dma source(%arg13 : memref<80x64xi32, #tpu.memory_space<vmem>>) target(%dma_start3A_104 : memref<80x64xi32, #tpu.memory_space<hbm>>) target_semaphore(%dma_start3A_102 : memref<!tpu.dma_semaphore, #tpu.memory_space<semaphore_mem>>)
      %add3A_105 = arith.constant 1 : i32
      %add3A_106 = arith.addi %add3A_49, %add3A_105 : i32
      %dma_wait3A_107 = arith.constant 1 : i32
      %dma_wait3A_108 = arith.constant 0 : i32
      %dma_wait3A_109 = tpu.memref_slice %arg7[%add3A_106, %dma_wait3A_108] : memref<62x80xi32, #tpu.memory_space<vmem>> -> memref<1x80xi32, #tpu.memory_space<vmem>>
      %dma_wait3A_110 = tpu.memref_squeeze %dma_wait3A_109 : memref<1x80xi32, #tpu.memory_space<vmem>> -> memref<80xi32, #tpu.memory_space<vmem>>
      %dma_wait3A_111 = arith.constant 0 : i32
      %dma_wait3A_112 = arith.constant 0 : i32
      %dma_wait3A_113 = tpu.memref_slice %arg4[%dma_wait3A_111, %dma_wait3A_112] : memref<10000x128xf32, #tpu.memory_space<hbm>> -> memref<10000x128xf32, #tpu.memory_space<hbm>>
      %dma_wait3A_114 = tpu.memref_slice %arg15[%dma_wait3A_107] : memref<2x!tpu.dma_semaphore, #tpu.memory_space<semaphore_mem>> -> memref<1x!tpu.dma_semaphore, #tpu.memory_space<semaphore_mem>>
      %dma_wait3A_115 = tpu.memref_squeeze %dma_wait3A_114 : memref<1x!tpu.dma_semaphore, #tpu.memory_space<semaphore_mem>> -> memref<!tpu.dma_semaphore, #tpu.memory_space<semaphore_mem>>
      tpu.wait_indirect_dma semaphore(%dma_wait3A_115 : memref<!tpu.dma_semaphore, #tpu.memory_space<semaphore_mem>>) src(%dma_wait3A_113 : memref<10000x128xf32, #tpu.memory_space<hbm>>) dst(%arg10 : memref<80x128xf32, #tpu.memory_space<vmem>>)
      %dma_wait3A_116 = arith.constant 1 : i32
      %dma_wait3A_117 = arith.constant 0 : i32
      %dma_wait3A_118 = tpu.memref_slice %arg8[%add3A_106, %dma_wait3A_117] : memref<62x80xi32, #tpu.memory_space<vmem>> -> memref<1x80xi32, #tpu.memory_space<vmem>>
      %dma_wait3A_119 = tpu.memref_squeeze %dma_wait3A_118 : memref<1x80xi32, #tpu.memory_space<vmem>> -> memref<80xi32, #tpu.memory_space<vmem>>
      %dma_wait3A_120 = arith.constant 0 : i32
      %dma_wait3A_121 = arith.constant 0 : i32
      %dma_wait3A_122 = tpu.memref_slice %arg5[%dma_wait3A_120, %dma_wait3A_121] : memref<10000x128xf32, #tpu.memory_space<hbm>> -> memref<10000x128xf32, #tpu.memory_space<hbm>>
      %dma_wait3A_123 = tpu.memref_slice %arg16[%dma_wait3A_116] : memref<2x!tpu.dma_semaphore, #tpu.memory_space<semaphore_mem>> -> memref<1x!tpu.dma_semaphore, #tpu.memory_space<semaphore_mem>>
      %dma_wait3A_124 = tpu.memref_squeeze %dma_wait3A_123 : memref<1x!tpu.dma_semaphore, #tpu.memory_space<semaphore_mem>> -> memref<!tpu.dma_semaphore, #tpu.memory_space<semaphore_mem>>
      tpu.wait_indirect_dma semaphore(%dma_wait3A_124 : memref<!tpu.dma_semaphore, #tpu.memory_space<semaphore_mem>>) src(%dma_wait3A_122 : memref<10000x128xf32, #tpu.memory_space<hbm>>) dst(%arg12 : memref<80x128xf32, #tpu.memory_space<vmem>>)
      %add3A_125 = arith.constant 2 : i32
      %add3A_126 = arith.addi %add3A_49, %add3A_125 : i32
      %lt3A = arith.constant 62 : i32
      %lt3A_127 = arith.cmpi slt, %add3A_126, %lt3A : i32
      %convert_element_type3A_128 = arith.extui %lt3A_127 : i1 to i32
      %cond3A_129 = arith.constant 0 : i32
      %cond3A_130 = arith.cmpi ne, %convert_element_type3A_128, %cond3A_129 : i32
      scf.if %cond3A_130 {
        %add3A_153 = arith.constant 2 : i32
        %add3A_154 = arith.addi %add3A_49, %add3A_153 : i32
        %dma_start3A_155 = arith.constant 0 : i32
        %dma_start3A_156 = arith.constant 0 : i32
        %dma_start3A_157 = tpu.memref_slice %arg7[%add3A_154, %dma_start3A_156] : memref<62x80xi32, #tpu.memory_space<vmem>> -> memref<1x80xi32, #tpu.memory_space<vmem>>
        %dma_start3A_158 = tpu.memref_squeeze %dma_start3A_157 : memref<1x80xi32, #tpu.memory_space<vmem>> -> memref<80xi32, #tpu.memory_space<vmem>>
        %dma_start3A_159 = arith.constant 0 : i32
        %dma_start3A_160 = arith.constant 0 : i32
        %dma_start3A_161 = tpu.memref_slice %arg4[%dma_start3A_159, %dma_start3A_160] : memref<10000x128xf32, #tpu.memory_space<hbm>> -> memref<10000x128xf32, #tpu.memory_space<hbm>>
        %dma_start3A_162 = tpu.memref_slice %arg15[%dma_start3A_155] : memref<2x!tpu.dma_semaphore, #tpu.memory_space<semaphore_mem>> -> memref<1x!tpu.dma_semaphore, #tpu.memory_space<semaphore_mem>>
        %dma_start3A_163 = tpu.memref_squeeze %dma_start3A_162 : memref<1x!tpu.dma_semaphore, #tpu.memory_space<semaphore_mem>> -> memref<!tpu.dma_semaphore, #tpu.memory_space<semaphore_mem>>
        tpu.enqueue_indirect_dma source(%dma_start3A_161 : memref<10000x128xf32, #tpu.memory_space<hbm>>) target(%arg9 : memref<80x128xf32, #tpu.memory_space<vmem>>) offsets(%dma_start3A_158 : memref<80xi32, #tpu.memory_space<vmem>>) semaphore(%dma_start3A_163 : memref<!tpu.dma_semaphore, #tpu.memory_space<semaphore_mem>>)
        %dma_start3A_164 = arith.constant 0 : i32
        %dma_start3A_165 = arith.constant 0 : i32
        %dma_start3A_166 = tpu.memref_slice %arg8[%add3A_154, %dma_start3A_165] : memref<62x80xi32, #tpu.memory_space<vmem>> -> memref<1x80xi32, #tpu.memory_space<vmem>>
        %dma_start3A_167 = tpu.memref_squeeze %dma_start3A_166 : memref<1x80xi32, #tpu.memory_space<vmem>> -> memref<80xi32, #tpu.memory_space<vmem>>
        %dma_start3A_168 = arith.constant 0 : i32
        %dma_start3A_169 = arith.constant 0 : i32
        %dma_start3A_170 = tpu.memref_slice %arg5[%dma_start3A_168, %dma_start3A_169] : memref<10000x128xf32, #tpu.memory_space<hbm>> -> memref<10000x128xf32, #tpu.memory_space<hbm>>
        %dma_start3A_171 = tpu.memref_slice %arg16[%dma_start3A_164] : memref<2x!tpu.dma_semaphore, #tpu.memory_space<semaphore_mem>> -> memref<1x!tpu.dma_semaphore, #tpu.memory_space<semaphore_mem>>
        %dma_start3A_172 = tpu.memref_squeeze %dma_start3A_171 : memref<1x!tpu.dma_semaphore, #tpu.memory_space<semaphore_mem>> -> memref<!tpu.dma_semaphore, #tpu.memory_space<semaphore_mem>>
        tpu.enqueue_indirect_dma source(%dma_start3A_170 : memref<10000x128xf32, #tpu.memory_space<hbm>>) target(%arg11 : memref<80x128xf32, #tpu.memory_space<vmem>>) offsets(%dma_start3A_167 : memref<80xi32, #tpu.memory_space<vmem>>) semaphore(%dma_start3A_172 : memref<!tpu.dma_semaphore, #tpu.memory_space<semaphore_mem>>)
      } else {
      }
      %gt3A_131 = arith.constant 0 : i32
      %gt3A_132 = arith.cmpi sgt, %add3A_49, %gt3A_131 : i32
      %convert_element_type3A_133 = arith.extui %gt3A_132 : i1 to i32
      %cond3A_134 = arith.constant 0 : i32
      %cond3A_135 = arith.cmpi ne, %convert_element_type3A_133, %cond3A_134 : i32
      scf.if %cond3A_135 {
        %sub3A = arith.constant 1 : i32
        %sub3A_153 = arith.subi %add3A_49, %sub3A : i32
        %mul3A_154 = arith.constant 80 : i32
        %mul3A_155 = arith.muli %sub3A_153, %mul3A_154 : i32
        %add3A_156 = arith.addi %mul3A_4, %mul3A_155 : i32
        %dma_wait3A_157 = arith.constant 1 : i32
        %dma_wait3A_158 = arith.constant 0 : i32
        %dma_wait3A_159 = tpu.memref_slice %arg6[%add3A_156, %dma_wait3A_158] : memref<158720x64xi32, #tpu.memory_space<hbm>> -> memref<80x64xi32, #tpu.memory_space<hbm>>
        %dma_wait3A_160 = tpu.memref_slice %arg17[%dma_wait3A_157] : memref<2x!tpu.dma_semaphore, #tpu.memory_space<semaphore_mem>> -> memref<1x!tpu.dma_semaphore, #tpu.memory_space<semaphore_mem>>
        %dma_wait3A_161 = tpu.memref_squeeze %dma_wait3A_160 : memref<1x!tpu.dma_semaphore, #tpu.memory_space<semaphore_mem>> -> memref<!tpu.dma_semaphore, #tpu.memory_space<semaphore_mem>>
        %dma_wait3A_162 = arith.constant 0 : i32
        %dma_wait3A_163 = tpu.memref_slice %arg6[%add3A_156, %dma_wait3A_162] : memref<158720x64xi32, #tpu.memory_space<hbm>> -> memref<80x64xi32, #tpu.memory_space<hbm>>
        tpu.wait_dma2 semaphore(%dma_wait3A_161 : memref<!tpu.dma_semaphore, #tpu.memory_space<semaphore_mem>>) src(%arg14 : memref<80x64xi32, #tpu.memory_space<vmem>>) dst(%dma_wait3A_163 : memref<80x64xi32, #tpu.memory_space<hbm>>)
      } else {
      }
      %scan3A_136 = arith.constant 0 : i32
      %scan3A_137 = arith.constant 80 : i32
      %scan3A_138 = arith.addi %scan3A_136, %scan3A_137 : i32
      %scan3A_139 = arith.constant 1 : i32
      scf.for %scan3A_153 = %scan3A_136 to %scan3A_138 step %scan3A_139  : i32 {
        %mul3A_154 = arith.constant 1 : i32
        %mul3A_155 = arith.muli %scan3A_153, %mul3A_154 : i32
        %add3A_156 = arith.constant 0 : i32
        %add3A_157 = arith.addi %add3A_156, %mul3A_155 : i32
        %get3A = arith.index_cast %add3A_157 : i32 to index
        %get3A_158 = arith.constant 0 : index
        %get3A_159 = tpu.vector_load %arg10[%get3A, %get3A_158] {strides = array<i32>} : memref<80x128xf32, #tpu.memory_space<vmem>>, vector<1x16xf32>,
        %get3A_160 = vector.shape_cast %get3A_159 : vector<1x16xf32> to vector<16xf32>
        %get3A_161 = arith.index_cast %add3A_157 : i32 to index
        %get3A_162 = arith.constant 0 : index
        %get3A_163 = tpu.vector_load %arg12[%get3A_161, %get3A_162] {strides = array<i32>} : memref<80x128xf32, #tpu.memory_space<vmem>>, vector<1x16xf32>,
        %get3A_164 = vector.shape_cast %get3A_163 : vector<1x16xf32> to vector<16xf32>
        %add3A_165 = arith.addf %get3A_160, %get3A_164 : vector<16xf32>
        %get3A_166 = arith.index_cast %add3A_157 : i32 to index
        %get3A_167 = arith.constant 16 : index
        %get3A_168 = tpu.vector_load %arg10[%get3A_166, %get3A_167] {strides = array<i32>} : memref<80x128xf32, #tpu.memory_space<vmem>>, vector<1x16xf32>,
        %get3A_169 = vector.shape_cast %get3A_168 : vector<1x16xf32> to vector<16xf32>
        %get3A_170 = arith.index_cast %add3A_157 : i32 to index
        %get3A_171 = arith.constant 16 : index
        %get3A_172 = tpu.vector_load %arg12[%get3A_170, %get3A_171] {strides = array<i32>} : memref<80x128xf32, #tpu.memory_space<vmem>>, vector<1x16xf32>,
        %get3A_173 = vector.shape_cast %get3A_172 : vector<1x16xf32> to vector<16xf32>
        %add3A_174 = arith.addf %get3A_169, %get3A_173 : vector<16xf32>
        %bitcast_convert_type3A = tpu.bitcast %add3A_165 : vector<16xf32> -> vector<16xi32>
        %add3A_175 = arith.constant 32768 : i32
        %add3A_176 = vector.broadcast %add3A_175 : i32 to vector<16xi32>
        %add3A_177 = arith.addi %bitcast_convert_type3A, %add3A_176 : vector<16xi32>
        %bitcast_convert_type3A_178 = tpu.bitcast %add3A_174 : vector<16xf32> -> vector<16xi32>
        %add3A_179 = arith.constant 32768 : i32
        %add3A_180 = vector.broadcast %add3A_179 : i32 to vector<16xi32>
        %add3A_181 = arith.addi %bitcast_convert_type3A_178, %add3A_180 : vector<16xi32>
        %shift_right_logical3A = arith.constant 16 : i32
        %shift_right_logical3A_182 = vector.broadcast %shift_right_logical3A : i32 to vector<16xi32>
        %shift_right_logical3A_183 = arith.shrui %add3A_177, %shift_right_logical3A_182 : vector<16xi32>
        %and3A = arith.constant -65536 : i32
        %and3A_184 = vector.broadcast %and3A : i32 to vector<16xi32>
        %and3A_185 = arith.andi %add3A_181, %and3A_184 : vector<16xi32>
        %or3A = arith.ori %shift_right_logical3A_183, %and3A_185 : vector<16xi32>
        %swap3A = arith.index_cast %add3A_157 : i32 to index
        %swap3A_186 = arith.constant 0 : index
        %swap3A_187 = tpu.vector_load %arg14[%swap3A, %swap3A_186] {strides = array<i32>} : memref<80x64xi32, #tpu.memory_space<vmem>>, vector<1x16xi32>,
        %swap3A_188 = vector.shape_cast %swap3A_187 : vector<1x16xi32> to vector<16xi32>
        %swap3A_189 = vector.shape_cast %or3A : vector<16xi32> to vector<1x16xi32>
        tpu.vector_store %arg14[%swap3A, %swap3A_186], %swap3A_189 {strides = array<i32>} : memref<80x64xi32, #tpu.memory_space<vmem>>, vector<1x16xi32>,
        %get3A_190 = arith.index_cast %add3A_157 : i32 to index
        %get3A_191 = arith.constant 32 : index
        %get3A_192 = tpu.vector_load %arg10[%get3A_190, %get3A_191] {strides = array<i32>} : memref<80x128xf32, #tpu.memory_space<vmem>>, vector<1x16xf32>,
        %get3A_193 = vector.shape_cast %get3A_192 : vector<1x16xf32> to vector<16xf32>
        %get3A_194 = arith.index_cast %add3A_157 : i32 to index
        %get3A_195 = arith.constant 32 : index
        %get3A_196 = tpu.vector_load %arg12[%get3A_194, %get3A_195] {strides = array<i32>} : memref<80x128xf32, #tpu.memory_space<vmem>>, vector<1x16xf32>,
        %get3A_197 = vector.shape_cast %get3A_196 : vector<1x16xf32> to vector<16xf32>
        %add3A_198 = arith.addf %get3A_193, %get3A_197 : vector<16xf32>
        %get3A_199 = arith.index_cast %add3A_157 : i32 to index
        %get3A_200 = arith.constant 48 : index
        %get3A_201 = tpu.vector_load %arg10[%get3A_199, %get3A_200] {strides = array<i32>} : memref<80x128xf32, #tpu.memory_space<vmem>>, vector<1x16xf32>,
        %get3A_202 = vector.shape_cast %get3A_201 : vector<1x16xf32> to vector<16xf32>
        %get3A_203 = arith.index_cast %add3A_157 : i32 to index
        %get3A_204 = arith.constant 48 : index
        %get3A_205 = tpu.vector_load %arg12[%get3A_203, %get3A_204] {strides = array<i32>} : memref<80x128xf32, #tpu.memory_space<vmem>>, vector<1x16xf32>,
        %get3A_206 = vector.shape_cast %get3A_205 : vector<1x16xf32> to vector<16xf32>
        %add3A_207 = arith.addf %get3A_202, %get3A_206 : vector<16xf32>
        %bitcast_convert_type3A_208 = tpu.bitcast %add3A_198 : vector<16xf32> -> vector<16xi32>
        %add3A_209 = arith.constant 32768 : i32
        %add3A_210 = vector.broadcast %add3A_209 : i32 to vector<16xi32>
        %add3A_211 = arith.addi %bitcast_convert_type3A_208, %add3A_210 : vector<16xi32>
        %bitcast_convert_type3A_212 = tpu.bitcast %add3A_207 : vector<16xf32> -> vector<16xi32>
        %add3A_213 = arith.constant 32768 : i32
        %add3A_214 = vector.broadcast %add3A_213 : i32 to vector<16xi32>
        %add3A_215 = arith.addi %bitcast_convert_type3A_212, %add3A_214 : vector<16xi32>
        %shift_right_logical3A_216 = arith.constant 16 : i32
        %shift_right_logical3A_217 = vector.broadcast %shift_right_logical3A_216 : i32 to vector<16xi32>
        %shift_right_logical3A_218 = arith.shrui %add3A_211, %shift_right_logical3A_217 : vector<16xi32>
        %and3A_219 = arith.constant -65536 : i32
        %and3A_220 = vector.broadcast %and3A_219 : i32 to vector<16xi32>
        %and3A_221 = arith.andi %add3A_215, %and3A_220 : vector<16xi32>
        %or3A_222 = arith.ori %shift_right_logical3A_218, %and3A_221 : vector<16xi32>
        %swap3A_223 = arith.index_cast %add3A_157 : i32 to index
        %swap3A_224 = arith.constant 16 : index
        %swap3A_225 = tpu.vector_load %arg14[%swap3A_223, %swap3A_224] {strides = array<i32>} : memref<80x64xi32, #tpu.memory_space<vmem>>, vector<1x16xi32>,
        %swap3A_226 = vector.shape_cast %swap3A_225 : vector<1x16xi32> to vector<16xi32>
        %swap3A_227 = vector.shape_cast %or3A_222 : vector<16xi32> to vector<1x16xi32>
        tpu.vector_store %arg14[%swap3A_223, %swap3A_224], %swap3A_227 {strides = array<i32>} : memref<80x64xi32, #tpu.memory_space<vmem>>, vector<1x16xi32>,
        %get3A_228 = arith.index_cast %add3A_157 : i32 to index
        %get3A_229 = arith.constant 64 : index
        %get3A_230 = tpu.vector_load %arg10[%get3A_228, %get3A_229] {strides = array<i32>} : memref<80x128xf32, #tpu.memory_space<vmem>>, vector<1x16xf32>,
        %get3A_231 = vector.shape_cast %get3A_230 : vector<1x16xf32> to vector<16xf32>
        %get3A_232 = arith.index_cast %add3A_157 : i32 to index
        %get3A_233 = arith.constant 64 : index
        %get3A_234 = tpu.vector_load %arg12[%get3A_232, %get3A_233] {strides = array<i32>} : memref<80x128xf32, #tpu.memory_space<vmem>>, vector<1x16xf32>,
        %get3A_235 = vector.shape_cast %get3A_234 : vector<1x16xf32> to vector<16xf32>
        %add3A_236 = arith.addf %get3A_231, %get3A_235 : vector<16xf32>
        %get3A_237 = arith.index_cast %add3A_157 : i32 to index
        %get3A_238 = arith.constant 80 : index
        %get3A_239 = tpu.vector_load %arg10[%get3A_237, %get3A_238] {strides = array<i32>} : memref<80x128xf32, #tpu.memory_space<vmem>>, vector<1x16xf32>,
        %get3A_240 = vector.shape_cast %get3A_239 : vector<1x16xf32> to vector<16xf32>
        %get3A_241 = arith.index_cast %add3A_157 : i32 to index
        %get3A_242 = arith.constant 80 : index
        %get3A_243 = tpu.vector_load %arg12[%get3A_241, %get3A_242] {strides = array<i32>} : memref<80x128xf32, #tpu.memory_space<vmem>>, vector<1x16xf32>,
        %get3A_244 = vector.shape_cast %get3A_243 : vector<1x16xf32> to vector<16xf32>
        %add3A_245 = arith.addf %get3A_240, %get3A_244 : vector<16xf32>
        %bitcast_convert_type3A_246 = tpu.bitcast %add3A_236 : vector<16xf32> -> vector<16xi32>
        %add3A_247 = arith.constant 32768 : i32
        %add3A_248 = vector.broadcast %add3A_247 : i32 to vector<16xi32>
        %add3A_249 = arith.addi %bitcast_convert_type3A_246, %add3A_248 : vector<16xi32>
        %bitcast_convert_type3A_250 = tpu.bitcast %add3A_245 : vector<16xf32> -> vector<16xi32>
        %add3A_251 = arith.constant 32768 : i32
        %add3A_252 = vector.broadcast %add3A_251 : i32 to vector<16xi32>
        %add3A_253 = arith.addi %bitcast_convert_type3A_250, %add3A_252 : vector<16xi32>
        %shift_right_logical3A_254 = arith.constant 16 : i32
        %shift_right_logical3A_255 = vector.broadcast %shift_right_logical3A_254 : i32 to vector<16xi32>
        %shift_right_logical3A_256 = arith.shrui %add3A_249, %shift_right_logical3A_255 : vector<16xi32>
        %and3A_257 = arith.constant -65536 : i32
        %and3A_258 = vector.broadcast %and3A_257 : i32 to vector<16xi32>
        %and3A_259 = arith.andi %add3A_253, %and3A_258 : vector<16xi32>
        %or3A_260 = arith.ori %shift_right_logical3A_256, %and3A_259 : vector<16xi32>
        %swap3A_261 = arith.index_cast %add3A_157 : i32 to index
        %swap3A_262 = arith.constant 32 : index
        %swap3A_263 = tpu.vector_load %arg14[%swap3A_261, %swap3A_262] {strides = array<i32>} : memref<80x64xi32, #tpu.memory_space<vmem>>, vector<1x16xi32>,
        %swap3A_264 = vector.shape_cast %swap3A_263 : vector<1x16xi32> to vector<16xi32>
        %swap3A_265 = vector.shape_cast %or3A_260 : vector<16xi32> to vector<1x16xi32>
        tpu.vector_store %arg14[%swap3A_261, %swap3A_262], %swap3A_265 {strides = array<i32>} : memref<80x64xi32, #tpu.memory_space<vmem>>, vector<1x16xi32>,
        %get3A_266 = arith.index_cast %add3A_157 : i32 to index
        %get3A_267 = arith.constant 96 : index
        %get3A_268 = tpu.vector_load %arg10[%get3A_266, %get3A_267] {strides = array<i32>} : memref<80x128xf32, #tpu.memory_space<vmem>>, vector<1x16xf32>,
        %get3A_269 = vector.shape_cast %get3A_268 : vector<1x16xf32> to vector<16xf32>
        %get3A_270 = arith.index_cast %add3A_157 : i32 to index
        %get3A_271 = arith.constant 96 : index
        %get3A_272 = tpu.vector_load %arg12[%get3A_270, %get3A_271] {strides = array<i32>} : memref<80x128xf32, #tpu.memory_space<vmem>>, vector<1x16xf32>,
        %get3A_273 = vector.shape_cast %get3A_272 : vector<1x16xf32> to vector<16xf32>
        %add3A_274 = arith.addf %get3A_269, %get3A_273 : vector<16xf32>
        %get3A_275 = arith.index_cast %add3A_157 : i32 to index
        %get3A_276 = arith.constant 112 : index
        %get3A_277 = tpu.vector_load %arg10[%get3A_275, %get3A_276] {strides = array<i32>} : memref<80x128xf32, #tpu.memory_space<vmem>>, vector<1x16xf32>,
        %get3A_278 = vector.shape_cast %get3A_277 : vector<1x16xf32> to vector<16xf32>
        %get3A_279 = arith.index_cast %add3A_157 : i32 to index
        %get3A_280 = arith.constant 112 : index
        %get3A_281 = tpu.vector_load %arg12[%get3A_279, %get3A_280] {strides = array<i32>} : memref<80x128xf32, #tpu.memory_space<vmem>>, vector<1x16xf32>,
        %get3A_282 = vector.shape_cast %get3A_281 : vector<1x16xf32> to vector<16xf32>
        %add3A_283 = arith.addf %get3A_278, %get3A_282 : vector<16xf32>
        %bitcast_convert_type3A_284 = tpu.bitcast %add3A_274 : vector<16xf32> -> vector<16xi32>
        %add3A_285 = arith.constant 32768 : i32
        %add3A_286 = vector.broadcast %add3A_285 : i32 to vector<16xi32>
        %add3A_287 = arith.addi %bitcast_convert_type3A_284, %add3A_286 : vector<16xi32>
        %bitcast_convert_type3A_288 = tpu.bitcast %add3A_283 : vector<16xf32> -> vector<16xi32>
        %add3A_289 = arith.constant 32768 : i32
        %add3A_290 = vector.broadcast %add3A_289 : i32 to vector<16xi32>
        %add3A_291 = arith.addi %bitcast_convert_type3A_288, %add3A_290 : vector<16xi32>
        %shift_right_logical3A_292 = arith.constant 16 : i32
        %shift_right_logical3A_293 = vector.broadcast %shift_right_logical3A_292 : i32 to vector<16xi32>
        %shift_right_logical3A_294 = arith.shrui %add3A_287, %shift_right_logical3A_293 : vector<16xi32>
        %and3A_295 = arith.constant -65536 : i32
        %and3A_296 = vector.broadcast %and3A_295 : i32 to vector<16xi32>
        %and3A_297 = arith.andi %add3A_291, %and3A_296 : vector<16xi32>
        %or3A_298 = arith.ori %shift_right_logical3A_294, %and3A_297 : vector<16xi32>
        %swap3A_299 = arith.index_cast %add3A_157 : i32 to index
        %swap3A_300 = arith.constant 48 : index
        %swap3A_301 = tpu.vector_load %arg14[%swap3A_299, %swap3A_300] {strides = array<i32>} : memref<80x64xi32, #tpu.memory_space<vmem>>, vector<1x16xi32>,
        %swap3A_302 = vector.shape_cast %swap3A_301 : vector<1x16xi32> to vector<16xi32>
        %swap3A_303 = vector.shape_cast %or3A_298 : vector<16xi32> to vector<1x16xi32>
        tpu.vector_store %arg14[%swap3A_299, %swap3A_300], %swap3A_303 {strides = array<i32>} : memref<80x64xi32, #tpu.memory_space<vmem>>, vector<1x16xi32>,
      }
      %scan3A_140 = arith.constant 80 : i32
      %add3A_141 = arith.constant 1 : i32
      %add3A_142 = arith.addi %add3A_49, %add3A_141 : i32
      %mul3A_143 = arith.constant 80 : i32
      %mul3A_144 = arith.muli %add3A_142, %mul3A_143 : i32
      %add3A_145 = arith.addi %mul3A_4, %mul3A_144 : i32
      %dma_start3A_146 = arith.constant 1 : i32
      %dma_start3A_147 = arith.constant 0 : i32
      %dma_start3A_148 = tpu.memref_slice %arg6[%add3A_145, %dma_start3A_147] : memref<158720x64xi32, #tpu.memory_space<hbm>> -> memref<80x64xi32, #tpu.memory_space<hbm>>
      %dma_start3A_149 = tpu.memref_slice %arg17[%dma_start3A_146] : memref<2x!tpu.dma_semaphore, #tpu.memory_space<semaphore_mem>> -> memref<1x!tpu.dma_semaphore, #tpu.memory_space<semaphore_mem>>
      %dma_start3A_150 = tpu.memref_squeeze %dma_start3A_149 : memref<1x!tpu.dma_semaphore, #tpu.memory_space<semaphore_mem>> -> memref<!tpu.dma_semaphore, #tpu.memory_space<semaphore_mem>>
      %dma_start3A_151 = arith.constant 0 : i32
      %dma_start3A_152 = tpu.memref_slice %arg6[%add3A_145, %dma_start3A_151] : memref<158720x64xi32, #tpu.memory_space<hbm>> -> memref<80x64xi32, #tpu.memory_space<hbm>>
      tpu.enqueue_dma source(%arg14 : memref<80x64xi32, #tpu.memory_space<vmem>>) target(%dma_start3A_152 : memref<80x64xi32, #tpu.memory_space<hbm>>) target_semaphore(%dma_start3A_150 : memref<!tpu.dma_semaphore, #tpu.memory_space<semaphore_mem>>)
    }
    %scan3A_27 = arith.constant 31 : i32
    %add3A_28 = arith.constant 4800 : i32
    %add3A_29 = arith.addi %mul3A_4, %add3A_28 : i32
    %dma_wait3A = arith.constant 0 : i32
    %dma_wait3A_30 = arith.constant 0 : i32
    %dma_wait3A_31 = tpu.memref_slice %arg6[%add3A_29, %dma_wait3A_30] : memref<158720x64xi32, #tpu.memory_space<hbm>> -> memref<80x64xi32, #tpu.memory_space<hbm>>
    %dma_wait3A_32 = tpu.memref_slice %arg17[%dma_wait3A] : memref<2x!tpu.dma_semaphore, #tpu.memory_space<semaphore_mem>> -> memref<1x!tpu.dma_semaphore, #tpu.memory_space<semaphore_mem>>
    %dma_wait3A_33 = tpu.memref_squeeze %dma_wait3A_32 : memref<1x!tpu.dma_semaphore, #tpu.memory_space<semaphore_mem>> -> memref<!tpu.dma_semaphore, #tpu.memory_space<semaphore_mem>>
    %dma_wait3A_34 = arith.constant 0 : i32
    %dma_wait3A_35 = tpu.memref_slice %arg6[%add3A_29, %dma_wait3A_34] : memref<158720x64xi32, #tpu.memory_space<hbm>> -> memref<80x64xi32, #tpu.memory_space<hbm>>
    tpu.wait_dma2 semaphore(%dma_wait3A_33 : memref<!tpu.dma_semaphore, #tpu.memory_space<semaphore_mem>>) src(%arg13 : memref<80x64xi32, #tpu.memory_space<vmem>>) dst(%dma_wait3A_35 : memref<80x64xi32, #tpu.memory_space<hbm>>)
    %add3A_36 = arith.constant 4880 : i32
    %add3A_37 = arith.addi %mul3A_4, %add3A_36 : i32
    %dma_wait3A_38 = arith.constant 1 : i32
    %dma_wait3A_39 = arith.constant 0 : i32
    %dma_wait3A_40 = tpu.memref_slice %arg6[%add3A_37, %dma_wait3A_39] : memref<158720x64xi32, #tpu.memory_space<hbm>> -> memref<80x64xi32, #tpu.memory_space<hbm>>
    %dma_wait3A_41 = tpu.memref_slice %arg17[%dma_wait3A_38] : memref<2x!tpu.dma_semaphore, #tpu.memory_space<semaphore_mem>> -> memref<1x!tpu.dma_semaphore, #tpu.memory_space<semaphore_mem>>
    %dma_wait3A_42 = tpu.memref_squeeze %dma_wait3A_41 : memref<1x!tpu.dma_semaphore, #tpu.memory_space<semaphore_mem>> -> memref<!tpu.dma_semaphore, #tpu.memory_space<semaphore_mem>>
    %dma_wait3A_43 = arith.constant 0 : i32
    %dma_wait3A_44 = tpu.memref_slice %arg6[%add3A_37, %dma_wait3A_43] : memref<158720x64xi32, #tpu.memory_space<hbm>> -> memref<80x64xi32, #tpu.memory_space<hbm>>
    tpu.wait_dma2 semaphore(%dma_wait3A_42 : memref<!tpu.dma_semaphore, #tpu.memory_space<semaphore_mem>>) src(%arg14 : memref<80x64xi32, #tpu.memory_space<vmem>>) dst(%dma_wait3A_44 : memref<80x64xi32, #tpu.memory_space<hbm>>)
    return
  }
}

#map = affine_map<(d0, d1) -> (0, 0, 0, 0)>
#map1 = affine_map<(d0, d1) -> (0, 0)>
#map2 = affine_map<(d0, d1) -> (0, 0, 0)>
module attributes {stable_mosaic.version = 14 : i64} {
  func.func @k(%arg0: i32, %arg1: i32, %arg2: memref<32x2x50x100xi32, #tpu.memory_space<hbm>>, %arg3: memref<32x2x50x100xi32, #tpu.memory_space<hbm>>, %arg4: memref<10000x128xf32, #tpu.memory_space<hbm>>, %arg5: memref<1000x128xf32, #tpu.memory_space<hbm>>, %arg6: memref<2x10000x128xf32, #tpu.memory_space<hbm>>, %arg7: memref<50x100xi32, #tpu.memory_space<vmem>>, %arg8: memref<50x100xi32, #tpu.memory_space<vmem>>, %arg9: memref<100x128xf32, #tpu.memory_space<vmem>>, %arg10: memref<100x128xf32, #tpu.memory_space<vmem>>, %arg11: memref<10000x128xf32, #tpu.memory_space<vmem_shared>>, %arg12: memref<2x!tpu.dma_semaphore, #tpu.memory_space<semaphore_mem>>) attributes {dimension_semantics = [#tpu.dimension_semantics<core_parallel>, #tpu.dimension_semantics<subcore_parallel>], iteration_bounds = array<i64: 2, 16>, scalar_prefetch = 0 : i64, scratch_operands = 6 : i64, tpu.core_type = #tpu.core_type<sc_vector_subcore>, window_params = [{transform_indices = #map}, {transform_indices = #map}, {transform_indices = #map1}, {transform_indices = #map1}, {transform_indices = #map2}]} {
    %mul3A = arith.constant 16 : i32
    %mul3A_0 = arith.muli %arg0, %mul3A : i32
    %add3A = arith.addi %mul3A_0, %arg1 : i32
    %lt3A = arith.constant 10 : i32
    %lt3A_1 = arith.cmpi slt, %arg1, %lt3A : i32
    %convert_element_type3A = arith.extui %lt3A_1 : i1 to i32
    %cond3A = arith.constant 0 : i32
    %cond3A_2 = arith.cmpi ne, %convert_element_type3A, %cond3A : i32
    scf.if %cond3A_2 {
      %mul3A_40 = arith.constant 1000 : i32
      %mul3A_41 = arith.muli %arg1, %mul3A_40 : i32
      "tpu.region"() ({
        %run_scoped3A_42 = tpu.sem_alloc : memref<!tpu.dma_semaphore, #tpu.memory_space<semaphore_mem>>
        %dma_start3A_43 = arith.constant 0 : i32
        %dma_start3A_44 = tpu.memref_slice %arg11[%mul3A_41, %dma_start3A_43] : memref<10000x128xf32, #tpu.memory_space<vmem_shared>> -> memref<1000x128xf32, #tpu.memory_space<vmem_shared>>
        tpu.enqueue_dma source(%arg5 : memref<1000x128xf32, #tpu.memory_space<hbm>>) target(%dma_start3A_44 : memref<1000x128xf32, #tpu.memory_space<vmem_shared>>) target_semaphore(%run_scoped3A_42 : memref<!tpu.dma_semaphore, #tpu.memory_space<semaphore_mem>>)
        %dma_wait3A = arith.constant 0 : i32
        %dma_wait3A_45 = tpu.memref_slice %arg11[%mul3A_41, %dma_wait3A] : memref<10000x128xf32, #tpu.memory_space<vmem_shared>> -> memref<1000x128xf32, #tpu.memory_space<vmem_shared>>
        tpu.wait_dma2 semaphore(%run_scoped3A_42 : memref<!tpu.dma_semaphore, #tpu.memory_space<semaphore_mem>>) src(%arg5 : memref<1000x128xf32, #tpu.memory_space<hbm>>) dst(%dma_wait3A_45 : memref<1000x128xf32, #tpu.memory_space<vmem_shared>>)
        tpu.yield
      }) : () -> ()
    } else {
    }
    %barrier3A = arith.constant 0 : index
    tpu.barrier barrier_id(%barrier3A)
    %run_scoped3A = arith.constant 0 : i32
    "tpu.region"() ({
      %run_scoped3A_40 = tpu.sem_alloc : memref<!tpu.dma_semaphore, #tpu.memory_space<semaphore_mem>>
      %dma_start3A_41 = arith.constant 0 : i32
      %dma_start3A_42 = arith.constant 0 : i32
      %dma_start3A_43 = tpu.memref_slice %arg2[%add3A, %run_scoped3A, %dma_start3A_41, %dma_start3A_42] : memref<32x2x50x100xi32, #tpu.memory_space<hbm>> -> memref<1x1x50x100xi32, #tpu.memory_space<hbm>>
      %dma_start3A_44 = tpu.memref_squeeze %dma_start3A_43 : memref<1x1x50x100xi32, #tpu.memory_space<hbm>> -> memref<50x100xi32, #tpu.memory_space<hbm>>
      %dma_start3A_45 = arith.constant 0 : i32
      %dma_start3A_46 = arith.constant 0 : i32
      %dma_start3A_47 = tpu.memref_slice %arg2[%add3A, %run_scoped3A, %dma_start3A_45, %dma_start3A_46] : memref<32x2x50x100xi32, #tpu.memory_space<hbm>> -> memref<1x1x50x100xi32, #tpu.memory_space<hbm>>
      %dma_start3A_48 = tpu.memref_squeeze %dma_start3A_47 : memref<1x1x50x100xi32, #tpu.memory_space<hbm>> -> memref<50x100xi32, #tpu.memory_space<hbm>>
      tpu.enqueue_dma source(%dma_start3A_48 : memref<50x100xi32, #tpu.memory_space<hbm>>) target(%arg7 : memref<50x100xi32, #tpu.memory_space<vmem>>) target_semaphore(%run_scoped3A_40 : memref<!tpu.dma_semaphore, #tpu.memory_space<semaphore_mem>>)
      %dma_wait3A = arith.constant 0 : i32
      %dma_wait3A_49 = arith.constant 0 : i32
      %dma_wait3A_50 = tpu.memref_slice %arg2[%add3A, %run_scoped3A, %dma_wait3A, %dma_wait3A_49] : memref<32x2x50x100xi32, #tpu.memory_space<hbm>> -> memref<1x1x50x100xi32, #tpu.memory_space<hbm>>
      %dma_wait3A_51 = tpu.memref_squeeze %dma_wait3A_50 : memref<1x1x50x100xi32, #tpu.memory_space<hbm>> -> memref<50x100xi32, #tpu.memory_space<hbm>>
      %dma_wait3A_52 = arith.constant 0 : i32
      %dma_wait3A_53 = arith.constant 0 : i32
      %dma_wait3A_54 = tpu.memref_slice %arg2[%add3A, %run_scoped3A, %dma_wait3A_52, %dma_wait3A_53] : memref<32x2x50x100xi32, #tpu.memory_space<hbm>> -> memref<1x1x50x100xi32, #tpu.memory_space<hbm>>
      %dma_wait3A_55 = tpu.memref_squeeze %dma_wait3A_54 : memref<1x1x50x100xi32, #tpu.memory_space<hbm>> -> memref<50x100xi32, #tpu.memory_space<hbm>>
      tpu.wait_dma2 semaphore(%run_scoped3A_40 : memref<!tpu.dma_semaphore, #tpu.memory_space<semaphore_mem>>) src(%dma_wait3A_55 : memref<50x100xi32, #tpu.memory_space<hbm>>) dst(%arg7 : memref<50x100xi32, #tpu.memory_space<vmem>>)
      tpu.yield
    }) : () -> ()
    %run_scoped3A_3 = arith.constant 0 : i32
    "tpu.region"() ({
      %run_scoped3A_40 = tpu.sem_alloc : memref<!tpu.dma_semaphore, #tpu.memory_space<semaphore_mem>>
      %dma_start3A_41 = arith.constant 0 : i32
      %dma_start3A_42 = arith.constant 0 : i32
      %dma_start3A_43 = tpu.memref_slice %arg3[%add3A, %run_scoped3A_3, %dma_start3A_41, %dma_start3A_42] : memref<32x2x50x100xi32, #tpu.memory_space<hbm>> -> memref<1x1x50x100xi32, #tpu.memory_space<hbm>>
      %dma_start3A_44 = tpu.memref_squeeze %dma_start3A_43 : memref<1x1x50x100xi32, #tpu.memory_space<hbm>> -> memref<50x100xi32, #tpu.memory_space<hbm>>
      %dma_start3A_45 = arith.constant 0 : i32
      %dma_start3A_46 = arith.constant 0 : i32
      %dma_start3A_47 = tpu.memref_slice %arg3[%add3A, %run_scoped3A_3, %dma_start3A_45, %dma_start3A_46] : memref<32x2x50x100xi32, #tpu.memory_space<hbm>> -> memref<1x1x50x100xi32, #tpu.memory_space<hbm>>
      %dma_start3A_48 = tpu.memref_squeeze %dma_start3A_47 : memref<1x1x50x100xi32, #tpu.memory_space<hbm>> -> memref<50x100xi32, #tpu.memory_space<hbm>>
      tpu.enqueue_dma source(%dma_start3A_48 : memref<50x100xi32, #tpu.memory_space<hbm>>) target(%arg8 : memref<50x100xi32, #tpu.memory_space<vmem>>) target_semaphore(%run_scoped3A_40 : memref<!tpu.dma_semaphore, #tpu.memory_space<semaphore_mem>>)
      %dma_wait3A = arith.constant 0 : i32
      %dma_wait3A_49 = arith.constant 0 : i32
      %dma_wait3A_50 = tpu.memref_slice %arg3[%add3A, %run_scoped3A_3, %dma_wait3A, %dma_wait3A_49] : memref<32x2x50x100xi32, #tpu.memory_space<hbm>> -> memref<1x1x50x100xi32, #tpu.memory_space<hbm>>
      %dma_wait3A_51 = tpu.memref_squeeze %dma_wait3A_50 : memref<1x1x50x100xi32, #tpu.memory_space<hbm>> -> memref<50x100xi32, #tpu.memory_space<hbm>>
      %dma_wait3A_52 = arith.constant 0 : i32
      %dma_wait3A_53 = arith.constant 0 : i32
      %dma_wait3A_54 = tpu.memref_slice %arg3[%add3A, %run_scoped3A_3, %dma_wait3A_52, %dma_wait3A_53] : memref<32x2x50x100xi32, #tpu.memory_space<hbm>> -> memref<1x1x50x100xi32, #tpu.memory_space<hbm>>
      %dma_wait3A_55 = tpu.memref_squeeze %dma_wait3A_54 : memref<1x1x50x100xi32, #tpu.memory_space<hbm>> -> memref<50x100xi32, #tpu.memory_space<hbm>>
      tpu.wait_dma2 semaphore(%run_scoped3A_40 : memref<!tpu.dma_semaphore, #tpu.memory_space<semaphore_mem>>) src(%dma_wait3A_55 : memref<50x100xi32, #tpu.memory_space<hbm>>) dst(%arg8 : memref<50x100xi32, #tpu.memory_space<vmem>>)
      tpu.yield
    }) : () -> ()
    %dma_start3A = arith.constant 0 : i32
    %dma_start3A_4 = arith.constant 0 : i32
    %dma_start3A_5 = arith.constant 0 : i32
    %dma_start3A_6 = tpu.memref_slice %arg7[%dma_start3A, %dma_start3A_5] : memref<50x100xi32, #tpu.memory_space<vmem>> -> memref<1x100xi32, #tpu.memory_space<vmem>>
    %dma_start3A_7 = tpu.memref_squeeze %dma_start3A_6 : memref<1x100xi32, #tpu.memory_space<vmem>> -> memref<100xi32, #tpu.memory_space<vmem>>
    %dma_start3A_8 = arith.constant 0 : i32
    %dma_start3A_9 = arith.constant 0 : i32
    %dma_start3A_10 = tpu.memref_slice %arg4[%dma_start3A_8, %dma_start3A_9] : memref<10000x128xf32, #tpu.memory_space<hbm>> -> memref<10000x128xf32, #tpu.memory_space<hbm>>
    %dma_start3A_11 = tpu.memref_slice %arg12[%dma_start3A_4] : memref<2x!tpu.dma_semaphore, #tpu.memory_space<semaphore_mem>> -> memref<1x!tpu.dma_semaphore, #tpu.memory_space<semaphore_mem>>
    %dma_start3A_12 = tpu.memref_squeeze %dma_start3A_11 : memref<1x!tpu.dma_semaphore, #tpu.memory_space<semaphore_mem>> -> memref<!tpu.dma_semaphore, #tpu.memory_space<semaphore_mem>>
    tpu.enqueue_indirect_dma source(%dma_start3A_10 : memref<10000x128xf32, #tpu.memory_space<hbm>>) target(%arg9 : memref<100x128xf32, #tpu.memory_space<vmem>>) offsets(%dma_start3A_7 : memref<100xi32, #tpu.memory_space<vmem>>) semaphore(%dma_start3A_12 : memref<!tpu.dma_semaphore, #tpu.memory_space<semaphore_mem>>)
    %scan3A = arith.constant 0 : i32
    %scan3A_13 = arith.constant 25 : i32
    %scan3A_14 = arith.addi %scan3A, %scan3A_13 : i32
    %scan3A_15 = arith.constant 1 : i32
    scf.for %scan3A_40 = %scan3A to %scan3A_14 step %scan3A_15  : i32 {
      %mul3A_41 = arith.constant 2 : i32
      %mul3A_42 = arith.muli %scan3A_40, %mul3A_41 : i32
      %add3A_43 = arith.constant 0 : i32
      %add3A_44 = arith.addi %add3A_43, %mul3A_42 : i32
      %dma_wait3A = arith.constant 0 : i32
      %dma_wait3A_45 = arith.constant 0 : i32
      %dma_wait3A_46 = tpu.memref_slice %arg7[%add3A_44, %dma_wait3A_45] : memref<50x100xi32, #tpu.memory_space<vmem>> -> memref<1x100xi32, #tpu.memory_space<vmem>>
      %dma_wait3A_47 = tpu.memref_squeeze %dma_wait3A_46 : memref<1x100xi32, #tpu.memory_space<vmem>> -> memref<100xi32, #tpu.memory_space<vmem>>
      %dma_wait3A_48 = arith.constant 0 : i32
      %dma_wait3A_49 = arith.constant 0 : i32
      %dma_wait3A_50 = tpu.memref_slice %arg4[%dma_wait3A_48, %dma_wait3A_49] : memref<10000x128xf32, #tpu.memory_space<hbm>> -> memref<10000x128xf32, #tpu.memory_space<hbm>>
      %dma_wait3A_51 = tpu.memref_slice %arg12[%dma_wait3A] : memref<2x!tpu.dma_semaphore, #tpu.memory_space<semaphore_mem>> -> memref<1x!tpu.dma_semaphore, #tpu.memory_space<semaphore_mem>>
      %dma_wait3A_52 = tpu.memref_squeeze %dma_wait3A_51 : memref<1x!tpu.dma_semaphore, #tpu.memory_space<semaphore_mem>> -> memref<!tpu.dma_semaphore, #tpu.memory_space<semaphore_mem>>
      tpu.wait_indirect_dma semaphore(%dma_wait3A_52 : memref<!tpu.dma_semaphore, #tpu.memory_space<semaphore_mem>>) src(%dma_wait3A_50 : memref<10000x128xf32, #tpu.memory_space<hbm>>) dst(%arg9 : memref<100x128xf32, #tpu.memory_space<vmem>>)
      %add3A_53 = arith.constant 1 : i32
      %add3A_54 = arith.addi %add3A_44, %add3A_53 : i32
      %dma_start3A_55 = arith.constant 1 : i32
      %dma_start3A_56 = arith.constant 0 : i32
      %dma_start3A_57 = tpu.memref_slice %arg7[%add3A_54, %dma_start3A_56] : memref<50x100xi32, #tpu.memory_space<vmem>> -> memref<1x100xi32, #tpu.memory_space<vmem>>
      %dma_start3A_58 = tpu.memref_squeeze %dma_start3A_57 : memref<1x100xi32, #tpu.memory_space<vmem>> -> memref<100xi32, #tpu.memory_space<vmem>>
      %dma_start3A_59 = arith.constant 0 : i32
      %dma_start3A_60 = arith.constant 0 : i32
      %dma_start3A_61 = tpu.memref_slice %arg4[%dma_start3A_59, %dma_start3A_60] : memref<10000x128xf32, #tpu.memory_space<hbm>> -> memref<10000x128xf32, #tpu.memory_space<hbm>>
      %dma_start3A_62 = tpu.memref_slice %arg12[%dma_start3A_55] : memref<2x!tpu.dma_semaphore, #tpu.memory_space<semaphore_mem>> -> memref<1x!tpu.dma_semaphore, #tpu.memory_space<semaphore_mem>>
      %dma_start3A_63 = tpu.memref_squeeze %dma_start3A_62 : memref<1x!tpu.dma_semaphore, #tpu.memory_space<semaphore_mem>> -> memref<!tpu.dma_semaphore, #tpu.memory_space<semaphore_mem>>
      tpu.enqueue_indirect_dma source(%dma_start3A_61 : memref<10000x128xf32, #tpu.memory_space<hbm>>) target(%arg10 : memref<100x128xf32, #tpu.memory_space<vmem>>) offsets(%dma_start3A_58 : memref<100xi32, #tpu.memory_space<vmem>>) semaphore(%dma_start3A_63 : memref<!tpu.dma_semaphore, #tpu.memory_space<semaphore_mem>>)
      "tpu.region"() ({
        %run_scoped3A_84 = tpu.sem_alloc : memref<!tpu.dma_semaphore, #tpu.memory_space<semaphore_mem>>
        %dma_start3A_85 = arith.constant 0 : i32
        %dma_start3A_86 = tpu.memref_slice %arg8[%add3A_44, %dma_start3A_85] : memref<50x100xi32, #tpu.memory_space<vmem>> -> memref<1x100xi32, #tpu.memory_space<vmem>>
        %dma_start3A_87 = tpu.memref_squeeze %dma_start3A_86 : memref<1x100xi32, #tpu.memory_space<vmem>> -> memref<100xi32, #tpu.memory_space<vmem>>
        %dma_start3A_88 = arith.constant 0 : i32
        %dma_start3A_89 = arith.constant 0 : i32
        %dma_start3A_90 = tpu.memref_slice %arg11[%dma_start3A_88, %dma_start3A_89] : memref<10000x128xf32, #tpu.memory_space<vmem_shared>> -> memref<10000x128xf32, #tpu.memory_space<vmem_shared>>
        tpu.enqueue_indirect_dma source(%arg9 : memref<100x128xf32, #tpu.memory_space<vmem>>) target(%dma_start3A_90 : memref<10000x128xf32, #tpu.memory_space<vmem_shared>>) offsets(%dma_start3A_87 : memref<100xi32, #tpu.memory_space<vmem>>) semaphore(%run_scoped3A_84 : memref<!tpu.dma_semaphore, #tpu.memory_space<semaphore_mem>>) {add = true}
        %dma_wait3A_91 = arith.constant 0 : i32
        %dma_wait3A_92 = tpu.memref_slice %arg8[%add3A_44, %dma_wait3A_91] : memref<50x100xi32, #tpu.memory_space<vmem>> -> memref<1x100xi32, #tpu.memory_space<vmem>>
        %dma_wait3A_93 = tpu.memref_squeeze %dma_wait3A_92 : memref<1x100xi32, #tpu.memory_space<vmem>> -> memref<100xi32, #tpu.memory_space<vmem>>
        %dma_wait3A_94 = arith.constant 0 : i32
        %dma_wait3A_95 = arith.constant 0 : i32
        %dma_wait3A_96 = tpu.memref_slice %arg11[%dma_wait3A_94, %dma_wait3A_95] : memref<10000x128xf32, #tpu.memory_space<vmem_shared>> -> memref<10000x128xf32, #tpu.memory_space<vmem_shared>>
        tpu.wait_indirect_dma semaphore(%run_scoped3A_84 : memref<!tpu.dma_semaphore, #tpu.memory_space<semaphore_mem>>) src(%arg9 : memref<100x128xf32, #tpu.memory_space<vmem>>) dst(%dma_wait3A_96 : memref<10000x128xf32, #tpu.memory_space<vmem_shared>>)
        tpu.yield
      }) : () -> ()
      %add3A_64 = arith.constant 1 : i32
      %add3A_65 = arith.addi %add3A_44, %add3A_64 : i32
      %dma_wait3A_66 = arith.constant 1 : i32
      %dma_wait3A_67 = arith.constant 0 : i32
      %dma_wait3A_68 = tpu.memref_slice %arg7[%add3A_65, %dma_wait3A_67] : memref<50x100xi32, #tpu.memory_space<vmem>> -> memref<1x100xi32, #tpu.memory_space<vmem>>
      %dma_wait3A_69 = tpu.memref_squeeze %dma_wait3A_68 : memref<1x100xi32, #tpu.memory_space<vmem>> -> memref<100xi32, #tpu.memory_space<vmem>>
      %dma_wait3A_70 = arith.constant 0 : i32
      %dma_wait3A_71 = arith.constant 0 : i32
      %dma_wait3A_72 = tpu.memref_slice %arg4[%dma_wait3A_70, %dma_wait3A_71] : memref<10000x128xf32, #tpu.memory_space<hbm>> -> memref<10000x128xf32, #tpu.memory_space<hbm>>
      %dma_wait3A_73 = tpu.memref_slice %arg12[%dma_wait3A_66] : memref<2x!tpu.dma_semaphore, #tpu.memory_space<semaphore_mem>> -> memref<1x!tpu.dma_semaphore, #tpu.memory_space<semaphore_mem>>
      %dma_wait3A_74 = tpu.memref_squeeze %dma_wait3A_73 : memref<1x!tpu.dma_semaphore, #tpu.memory_space<semaphore_mem>> -> memref<!tpu.dma_semaphore, #tpu.memory_space<semaphore_mem>>
      tpu.wait_indirect_dma semaphore(%dma_wait3A_74 : memref<!tpu.dma_semaphore, #tpu.memory_space<semaphore_mem>>) src(%dma_wait3A_72 : memref<10000x128xf32, #tpu.memory_space<hbm>>) dst(%arg10 : memref<100x128xf32, #tpu.memory_space<vmem>>)
      %add3A_75 = arith.constant 2 : i32
      %add3A_76 = arith.addi %add3A_44, %add3A_75 : i32
      %lt3A_77 = arith.constant 50 : i32
      %lt3A_78 = arith.cmpi slt, %add3A_76, %lt3A_77 : i32
      %convert_element_type3A_79 = arith.extui %lt3A_78 : i1 to i32
      %cond3A_80 = arith.constant 0 : i32
      %cond3A_81 = arith.cmpi ne, %convert_element_type3A_79, %cond3A_80 : i32
      scf.if %cond3A_81 {
        %add3A_84 = arith.constant 2 : i32
        %add3A_85 = arith.addi %add3A_44, %add3A_84 : i32
        %dma_start3A_86 = arith.constant 0 : i32
        %dma_start3A_87 = arith.constant 0 : i32
        %dma_start3A_88 = tpu.memref_slice %arg7[%add3A_85, %dma_start3A_87] : memref<50x100xi32, #tpu.memory_space<vmem>> -> memref<1x100xi32, #tpu.memory_space<vmem>>
        %dma_start3A_89 = tpu.memref_squeeze %dma_start3A_88 : memref<1x100xi32, #tpu.memory_space<vmem>> -> memref<100xi32, #tpu.memory_space<vmem>>
        %dma_start3A_90 = arith.constant 0 : i32
        %dma_start3A_91 = arith.constant 0 : i32
        %dma_start3A_92 = tpu.memref_slice %arg4[%dma_start3A_90, %dma_start3A_91] : memref<10000x128xf32, #tpu.memory_space<hbm>> -> memref<10000x128xf32, #tpu.memory_space<hbm>>
        %dma_start3A_93 = tpu.memref_slice %arg12[%dma_start3A_86] : memref<2x!tpu.dma_semaphore, #tpu.memory_space<semaphore_mem>> -> memref<1x!tpu.dma_semaphore, #tpu.memory_space<semaphore_mem>>
        %dma_start3A_94 = tpu.memref_squeeze %dma_start3A_93 : memref<1x!tpu.dma_semaphore, #tpu.memory_space<semaphore_mem>> -> memref<!tpu.dma_semaphore, #tpu.memory_space<semaphore_mem>>
        tpu.enqueue_indirect_dma source(%dma_start3A_92 : memref<10000x128xf32, #tpu.memory_space<hbm>>) target(%arg9 : memref<100x128xf32, #tpu.memory_space<vmem>>) offsets(%dma_start3A_89 : memref<100xi32, #tpu.memory_space<vmem>>) semaphore(%dma_start3A_94 : memref<!tpu.dma_semaphore, #tpu.memory_space<semaphore_mem>>)
      } else {
      }
      %add3A_82 = arith.constant 1 : i32
      %add3A_83 = arith.addi %add3A_44, %add3A_82 : i32
      "tpu.region"() ({
        %run_scoped3A_84 = tpu.sem_alloc : memref<!tpu.dma_semaphore, #tpu.memory_space<semaphore_mem>>
        %dma_start3A_85 = arith.constant 0 : i32
        %dma_start3A_86 = tpu.memref_slice %arg8[%add3A_83, %dma_start3A_85] : memref<50x100xi32, #tpu.memory_space<vmem>> -> memref<1x100xi32, #tpu.memory_space<vmem>>
        %dma_start3A_87 = tpu.memref_squeeze %dma_start3A_86 : memref<1x100xi32, #tpu.memory_space<vmem>> -> memref<100xi32, #tpu.memory_space<vmem>>
        %dma_start3A_88 = arith.constant 0 : i32
        %dma_start3A_89 = arith.constant 0 : i32
        %dma_start3A_90 = tpu.memref_slice %arg11[%dma_start3A_88, %dma_start3A_89] : memref<10000x128xf32, #tpu.memory_space<vmem_shared>> -> memref<10000x128xf32, #tpu.memory_space<vmem_shared>>
        tpu.enqueue_indirect_dma source(%arg10 : memref<100x128xf32, #tpu.memory_space<vmem>>) target(%dma_start3A_90 : memref<10000x128xf32, #tpu.memory_space<vmem_shared>>) offsets(%dma_start3A_87 : memref<100xi32, #tpu.memory_space<vmem>>) semaphore(%run_scoped3A_84 : memref<!tpu.dma_semaphore, #tpu.memory_space<semaphore_mem>>) {add = true}
        %dma_wait3A_91 = arith.constant 0 : i32
        %dma_wait3A_92 = tpu.memref_slice %arg8[%add3A_83, %dma_wait3A_91] : memref<50x100xi32, #tpu.memory_space<vmem>> -> memref<1x100xi32, #tpu.memory_space<vmem>>
        %dma_wait3A_93 = tpu.memref_squeeze %dma_wait3A_92 : memref<1x100xi32, #tpu.memory_space<vmem>> -> memref<100xi32, #tpu.memory_space<vmem>>
        %dma_wait3A_94 = arith.constant 0 : i32
        %dma_wait3A_95 = arith.constant 0 : i32
        %dma_wait3A_96 = tpu.memref_slice %arg11[%dma_wait3A_94, %dma_wait3A_95] : memref<10000x128xf32, #tpu.memory_space<vmem_shared>> -> memref<10000x128xf32, #tpu.memory_space<vmem_shared>>
        tpu.wait_indirect_dma semaphore(%run_scoped3A_84 : memref<!tpu.dma_semaphore, #tpu.memory_space<semaphore_mem>>) src(%arg10 : memref<100x128xf32, #tpu.memory_space<vmem>>) dst(%dma_wait3A_96 : memref<10000x128xf32, #tpu.memory_space<vmem_shared>>)
        tpu.yield
      }) : () -> ()
    }
    %scan3A_16 = arith.constant 25 : i32
    %run_scoped3A_17 = arith.constant 1 : i32
    "tpu.region"() ({
      %run_scoped3A_40 = tpu.sem_alloc : memref<!tpu.dma_semaphore, #tpu.memory_space<semaphore_mem>>
      %dma_start3A_41 = arith.constant 0 : i32
      %dma_start3A_42 = arith.constant 0 : i32
      %dma_start3A_43 = tpu.memref_slice %arg2[%add3A, %run_scoped3A_17, %dma_start3A_41, %dma_start3A_42] : memref<32x2x50x100xi32, #tpu.memory_space<hbm>> -> memref<1x1x50x100xi32, #tpu.memory_space<hbm>>
      %dma_start3A_44 = tpu.memref_squeeze %dma_start3A_43 : memref<1x1x50x100xi32, #tpu.memory_space<hbm>> -> memref<50x100xi32, #tpu.memory_space<hbm>>
      %dma_start3A_45 = arith.constant 0 : i32
      %dma_start3A_46 = arith.constant 0 : i32
      %dma_start3A_47 = tpu.memref_slice %arg2[%add3A, %run_scoped3A_17, %dma_start3A_45, %dma_start3A_46] : memref<32x2x50x100xi32, #tpu.memory_space<hbm>> -> memref<1x1x50x100xi32, #tpu.memory_space<hbm>>
      %dma_start3A_48 = tpu.memref_squeeze %dma_start3A_47 : memref<1x1x50x100xi32, #tpu.memory_space<hbm>> -> memref<50x100xi32, #tpu.memory_space<hbm>>
      tpu.enqueue_dma source(%dma_start3A_48 : memref<50x100xi32, #tpu.memory_space<hbm>>) target(%arg7 : memref<50x100xi32, #tpu.memory_space<vmem>>) target_semaphore(%run_scoped3A_40 : memref<!tpu.dma_semaphore, #tpu.memory_space<semaphore_mem>>)
      %dma_wait3A = arith.constant 0 : i32
      %dma_wait3A_49 = arith.constant 0 : i32
      %dma_wait3A_50 = tpu.memref_slice %arg2[%add3A, %run_scoped3A_17, %dma_wait3A, %dma_wait3A_49] : memref<32x2x50x100xi32, #tpu.memory_space<hbm>> -> memref<1x1x50x100xi32, #tpu.memory_space<hbm>>
      %dma_wait3A_51 = tpu.memref_squeeze %dma_wait3A_50 : memref<1x1x50x100xi32, #tpu.memory_space<hbm>> -> memref<50x100xi32, #tpu.memory_space<hbm>>
      %dma_wait3A_52 = arith.constant 0 : i32
      %dma_wait3A_53 = arith.constant 0 : i32
      %dma_wait3A_54 = tpu.memref_slice %arg2[%add3A, %run_scoped3A_17, %dma_wait3A_52, %dma_wait3A_53] : memref<32x2x50x100xi32, #tpu.memory_space<hbm>> -> memref<1x1x50x100xi32, #tpu.memory_space<hbm>>
      %dma_wait3A_55 = tpu.memref_squeeze %dma_wait3A_54 : memref<1x1x50x100xi32, #tpu.memory_space<hbm>> -> memref<50x100xi32, #tpu.memory_space<hbm>>
      tpu.wait_dma2 semaphore(%run_scoped3A_40 : memref<!tpu.dma_semaphore, #tpu.memory_space<semaphore_mem>>) src(%dma_wait3A_55 : memref<50x100xi32, #tpu.memory_space<hbm>>) dst(%arg7 : memref<50x100xi32, #tpu.memory_space<vmem>>)
      tpu.yield
    }) : () -> ()
    %run_scoped3A_18 = arith.constant 1 : i32
    "tpu.region"() ({
      %run_scoped3A_40 = tpu.sem_alloc : memref<!tpu.dma_semaphore, #tpu.memory_space<semaphore_mem>>
      %dma_start3A_41 = arith.constant 0 : i32
      %dma_start3A_42 = arith.constant 0 : i32
      %dma_start3A_43 = tpu.memref_slice %arg3[%add3A, %run_scoped3A_18, %dma_start3A_41, %dma_start3A_42] : memref<32x2x50x100xi32, #tpu.memory_space<hbm>> -> memref<1x1x50x100xi32, #tpu.memory_space<hbm>>
      %dma_start3A_44 = tpu.memref_squeeze %dma_start3A_43 : memref<1x1x50x100xi32, #tpu.memory_space<hbm>> -> memref<50x100xi32, #tpu.memory_space<hbm>>
      %dma_start3A_45 = arith.constant 0 : i32
      %dma_start3A_46 = arith.constant 0 : i32
      %dma_start3A_47 = tpu.memref_slice %arg3[%add3A, %run_scoped3A_18, %dma_start3A_45, %dma_start3A_46] : memref<32x2x50x100xi32, #tpu.memory_space<hbm>> -> memref<1x1x50x100xi32, #tpu.memory_space<hbm>>
      %dma_start3A_48 = tpu.memref_squeeze %dma_start3A_47 : memref<1x1x50x100xi32, #tpu.memory_space<hbm>> -> memref<50x100xi32, #tpu.memory_space<hbm>>
      tpu.enqueue_dma source(%dma_start3A_48 : memref<50x100xi32, #tpu.memory_space<hbm>>) target(%arg8 : memref<50x100xi32, #tpu.memory_space<vmem>>) target_semaphore(%run_scoped3A_40 : memref<!tpu.dma_semaphore, #tpu.memory_space<semaphore_mem>>)
      %dma_wait3A = arith.constant 0 : i32
      %dma_wait3A_49 = arith.constant 0 : i32
      %dma_wait3A_50 = tpu.memref_slice %arg3[%add3A, %run_scoped3A_18, %dma_wait3A, %dma_wait3A_49] : memref<32x2x50x100xi32, #tpu.memory_space<hbm>> -> memref<1x1x50x100xi32, #tpu.memory_space<hbm>>
      %dma_wait3A_51 = tpu.memref_squeeze %dma_wait3A_50 : memref<1x1x50x100xi32, #tpu.memory_space<hbm>> -> memref<50x100xi32, #tpu.memory_space<hbm>>
      %dma_wait3A_52 = arith.constant 0 : i32
      %dma_wait3A_53 = arith.constant 0 : i32
      %dma_wait3A_54 = tpu.memref_slice %arg3[%add3A, %run_scoped3A_18, %dma_wait3A_52, %dma_wait3A_53] : memref<32x2x50x100xi32, #tpu.memory_space<hbm>> -> memref<1x1x50x100xi32, #tpu.memory_space<hbm>>
      %dma_wait3A_55 = tpu.memref_squeeze %dma_wait3A_54 : memref<1x1x50x100xi32, #tpu.memory_space<hbm>> -> memref<50x100xi32, #tpu.memory_space<hbm>>
      tpu.wait_dma2 semaphore(%run_scoped3A_40 : memref<!tpu.dma_semaphore, #tpu.memory_space<semaphore_mem>>) src(%dma_wait3A_55 : memref<50x100xi32, #tpu.memory_space<hbm>>) dst(%arg8 : memref<50x100xi32, #tpu.memory_space<vmem>>)
      tpu.yield
    }) : () -> ()
    %dma_start3A_19 = arith.constant 0 : i32
    %dma_start3A_20 = arith.constant 0 : i32
    %dma_start3A_21 = arith.constant 0 : i32
    %dma_start3A_22 = tpu.memref_slice %arg7[%dma_start3A_19, %dma_start3A_21] : memref<50x100xi32, #tpu.memory_space<vmem>> -> memref<1x100xi32, #tpu.memory_space<vmem>>
    %dma_start3A_23 = tpu.memref_squeeze %dma_start3A_22 : memref<1x100xi32, #tpu.memory_space<vmem>> -> memref<100xi32, #tpu.memory_space<vmem>>
    %dma_start3A_24 = arith.constant 0 : i32
    %dma_start3A_25 = arith.constant 0 : i32
    %dma_start3A_26 = tpu.memref_slice %arg4[%dma_start3A_24, %dma_start3A_25] : memref<10000x128xf32, #tpu.memory_space<hbm>> -> memref<10000x128xf32, #tpu.memory_space<hbm>>
    %dma_start3A_27 = tpu.memref_slice %arg12[%dma_start3A_20] : memref<2x!tpu.dma_semaphore, #tpu.memory_space<semaphore_mem>> -> memref<1x!tpu.dma_semaphore, #tpu.memory_space<semaphore_mem>>
    %dma_start3A_28 = tpu.memref_squeeze %dma_start3A_27 : memref<1x!tpu.dma_semaphore, #tpu.memory_space<semaphore_mem>> -> memref<!tpu.dma_semaphore, #tpu.memory_space<semaphore_mem>>
    tpu.enqueue_indirect_dma source(%dma_start3A_26 : memref<10000x128xf32, #tpu.memory_space<hbm>>) target(%arg9 : memref<100x128xf32, #tpu.memory_space<vmem>>) offsets(%dma_start3A_23 : memref<100xi32, #tpu.memory_space<vmem>>) semaphore(%dma_start3A_28 : memref<!tpu.dma_semaphore, #tpu.memory_space<semaphore_mem>>)
    %scan3A_29 = arith.constant 0 : i32
    %scan3A_30 = arith.constant 25 : i32
    %scan3A_31 = arith.addi %scan3A_29, %scan3A_30 : i32
    %scan3A_32 = arith.constant 1 : i32
    scf.for %scan3A_40 = %scan3A_29 to %scan3A_31 step %scan3A_32  : i32 {
      %mul3A_41 = arith.constant 2 : i32
      %mul3A_42 = arith.muli %scan3A_40, %mul3A_41 : i32
      %add3A_43 = arith.constant 0 : i32
      %add3A_44 = arith.addi %add3A_43, %mul3A_42 : i32
      %dma_wait3A = arith.constant 0 : i32
      %dma_wait3A_45 = arith.constant 0 : i32
      %dma_wait3A_46 = tpu.memref_slice %arg7[%add3A_44, %dma_wait3A_45] : memref<50x100xi32, #tpu.memory_space<vmem>> -> memref<1x100xi32, #tpu.memory_space<vmem>>
      %dma_wait3A_47 = tpu.memref_squeeze %dma_wait3A_46 : memref<1x100xi32, #tpu.memory_space<vmem>> -> memref<100xi32, #tpu.memory_space<vmem>>
      %dma_wait3A_48 = arith.constant 0 : i32
      %dma_wait3A_49 = arith.constant 0 : i32
      %dma_wait3A_50 = tpu.memref_slice %arg4[%dma_wait3A_48, %dma_wait3A_49] : memref<10000x128xf32, #tpu.memory_space<hbm>> -> memref<10000x128xf32, #tpu.memory_space<hbm>>
      %dma_wait3A_51 = tpu.memref_slice %arg12[%dma_wait3A] : memref<2x!tpu.dma_semaphore, #tpu.memory_space<semaphore_mem>> -> memref<1x!tpu.dma_semaphore, #tpu.memory_space<semaphore_mem>>
      %dma_wait3A_52 = tpu.memref_squeeze %dma_wait3A_51 : memref<1x!tpu.dma_semaphore, #tpu.memory_space<semaphore_mem>> -> memref<!tpu.dma_semaphore, #tpu.memory_space<semaphore_mem>>
      tpu.wait_indirect_dma semaphore(%dma_wait3A_52 : memref<!tpu.dma_semaphore, #tpu.memory_space<semaphore_mem>>) src(%dma_wait3A_50 : memref<10000x128xf32, #tpu.memory_space<hbm>>) dst(%arg9 : memref<100x128xf32, #tpu.memory_space<vmem>>)
      %add3A_53 = arith.constant 1 : i32
      %add3A_54 = arith.addi %add3A_44, %add3A_53 : i32
      %dma_start3A_55 = arith.constant 1 : i32
      %dma_start3A_56 = arith.constant 0 : i32
      %dma_start3A_57 = tpu.memref_slice %arg7[%add3A_54, %dma_start3A_56] : memref<50x100xi32, #tpu.memory_space<vmem>> -> memref<1x100xi32, #tpu.memory_space<vmem>>
      %dma_start3A_58 = tpu.memref_squeeze %dma_start3A_57 : memref<1x100xi32, #tpu.memory_space<vmem>> -> memref<100xi32, #tpu.memory_space<vmem>>
      %dma_start3A_59 = arith.constant 0 : i32
      %dma_start3A_60 = arith.constant 0 : i32
      %dma_start3A_61 = tpu.memref_slice %arg4[%dma_start3A_59, %dma_start3A_60] : memref<10000x128xf32, #tpu.memory_space<hbm>> -> memref<10000x128xf32, #tpu.memory_space<hbm>>
      %dma_start3A_62 = tpu.memref_slice %arg12[%dma_start3A_55] : memref<2x!tpu.dma_semaphore, #tpu.memory_space<semaphore_mem>> -> memref<1x!tpu.dma_semaphore, #tpu.memory_space<semaphore_mem>>
      %dma_start3A_63 = tpu.memref_squeeze %dma_start3A_62 : memref<1x!tpu.dma_semaphore, #tpu.memory_space<semaphore_mem>> -> memref<!tpu.dma_semaphore, #tpu.memory_space<semaphore_mem>>
      tpu.enqueue_indirect_dma source(%dma_start3A_61 : memref<10000x128xf32, #tpu.memory_space<hbm>>) target(%arg10 : memref<100x128xf32, #tpu.memory_space<vmem>>) offsets(%dma_start3A_58 : memref<100xi32, #tpu.memory_space<vmem>>) semaphore(%dma_start3A_63 : memref<!tpu.dma_semaphore, #tpu.memory_space<semaphore_mem>>)
      "tpu.region"() ({
        %run_scoped3A_84 = tpu.sem_alloc : memref<!tpu.dma_semaphore, #tpu.memory_space<semaphore_mem>>
        %dma_start3A_85 = arith.constant 0 : i32
        %dma_start3A_86 = tpu.memref_slice %arg8[%add3A_44, %dma_start3A_85] : memref<50x100xi32, #tpu.memory_space<vmem>> -> memref<1x100xi32, #tpu.memory_space<vmem>>
        %dma_start3A_87 = tpu.memref_squeeze %dma_start3A_86 : memref<1x100xi32, #tpu.memory_space<vmem>> -> memref<100xi32, #tpu.memory_space<vmem>>
        %dma_start3A_88 = arith.constant 0 : i32
        %dma_start3A_89 = arith.constant 0 : i32
        %dma_start3A_90 = tpu.memref_slice %arg11[%dma_start3A_88, %dma_start3A_89] : memref<10000x128xf32, #tpu.memory_space<vmem_shared>> -> memref<10000x128xf32, #tpu.memory_space<vmem_shared>>
        tpu.enqueue_indirect_dma source(%arg9 : memref<100x128xf32, #tpu.memory_space<vmem>>) target(%dma_start3A_90 : memref<10000x128xf32, #tpu.memory_space<vmem_shared>>) offsets(%dma_start3A_87 : memref<100xi32, #tpu.memory_space<vmem>>) semaphore(%run_scoped3A_84 : memref<!tpu.dma_semaphore, #tpu.memory_space<semaphore_mem>>) {add = true}
        %dma_wait3A_91 = arith.constant 0 : i32
        %dma_wait3A_92 = tpu.memref_slice %arg8[%add3A_44, %dma_wait3A_91] : memref<50x100xi32, #tpu.memory_space<vmem>> -> memref<1x100xi32, #tpu.memory_space<vmem>>
        %dma_wait3A_93 = tpu.memref_squeeze %dma_wait3A_92 : memref<1x100xi32, #tpu.memory_space<vmem>> -> memref<100xi32, #tpu.memory_space<vmem>>
        %dma_wait3A_94 = arith.constant 0 : i32
        %dma_wait3A_95 = arith.constant 0 : i32
        %dma_wait3A_96 = tpu.memref_slice %arg11[%dma_wait3A_94, %dma_wait3A_95] : memref<10000x128xf32, #tpu.memory_space<vmem_shared>> -> memref<10000x128xf32, #tpu.memory_space<vmem_shared>>
        tpu.wait_indirect_dma semaphore(%run_scoped3A_84 : memref<!tpu.dma_semaphore, #tpu.memory_space<semaphore_mem>>) src(%arg9 : memref<100x128xf32, #tpu.memory_space<vmem>>) dst(%dma_wait3A_96 : memref<10000x128xf32, #tpu.memory_space<vmem_shared>>)
        tpu.yield
      }) : () -> ()
      %add3A_64 = arith.constant 1 : i32
      %add3A_65 = arith.addi %add3A_44, %add3A_64 : i32
      %dma_wait3A_66 = arith.constant 1 : i32
      %dma_wait3A_67 = arith.constant 0 : i32
      %dma_wait3A_68 = tpu.memref_slice %arg7[%add3A_65, %dma_wait3A_67] : memref<50x100xi32, #tpu.memory_space<vmem>> -> memref<1x100xi32, #tpu.memory_space<vmem>>
      %dma_wait3A_69 = tpu.memref_squeeze %dma_wait3A_68 : memref<1x100xi32, #tpu.memory_space<vmem>> -> memref<100xi32, #tpu.memory_space<vmem>>
      %dma_wait3A_70 = arith.constant 0 : i32
      %dma_wait3A_71 = arith.constant 0 : i32
      %dma_wait3A_72 = tpu.memref_slice %arg4[%dma_wait3A_70, %dma_wait3A_71] : memref<10000x128xf32, #tpu.memory_space<hbm>> -> memref<10000x128xf32, #tpu.memory_space<hbm>>
      %dma_wait3A_73 = tpu.memref_slice %arg12[%dma_wait3A_66] : memref<2x!tpu.dma_semaphore, #tpu.memory_space<semaphore_mem>> -> memref<1x!tpu.dma_semaphore, #tpu.memory_space<semaphore_mem>>
      %dma_wait3A_74 = tpu.memref_squeeze %dma_wait3A_73 : memref<1x!tpu.dma_semaphore, #tpu.memory_space<semaphore_mem>> -> memref<!tpu.dma_semaphore, #tpu.memory_space<semaphore_mem>>
      tpu.wait_indirect_dma semaphore(%dma_wait3A_74 : memref<!tpu.dma_semaphore, #tpu.memory_space<semaphore_mem>>) src(%dma_wait3A_72 : memref<10000x128xf32, #tpu.memory_space<hbm>>) dst(%arg10 : memref<100x128xf32, #tpu.memory_space<vmem>>)
      %add3A_75 = arith.constant 2 : i32
      %add3A_76 = arith.addi %add3A_44, %add3A_75 : i32
      %lt3A_77 = arith.constant 50 : i32
      %lt3A_78 = arith.cmpi slt, %add3A_76, %lt3A_77 : i32
      %convert_element_type3A_79 = arith.extui %lt3A_78 : i1 to i32
      %cond3A_80 = arith.constant 0 : i32
      %cond3A_81 = arith.cmpi ne, %convert_element_type3A_79, %cond3A_80 : i32
      scf.if %cond3A_81 {
        %add3A_84 = arith.constant 2 : i32
        %add3A_85 = arith.addi %add3A_44, %add3A_84 : i32
        %dma_start3A_86 = arith.constant 0 : i32
        %dma_start3A_87 = arith.constant 0 : i32
        %dma_start3A_88 = tpu.memref_slice %arg7[%add3A_85, %dma_start3A_87] : memref<50x100xi32, #tpu.memory_space<vmem>> -> memref<1x100xi32, #tpu.memory_space<vmem>>
        %dma_start3A_89 = tpu.memref_squeeze %dma_start3A_88 : memref<1x100xi32, #tpu.memory_space<vmem>> -> memref<100xi32, #tpu.memory_space<vmem>>
        %dma_start3A_90 = arith.constant 0 : i32
        %dma_start3A_91 = arith.constant 0 : i32
        %dma_start3A_92 = tpu.memref_slice %arg4[%dma_start3A_90, %dma_start3A_91] : memref<10000x128xf32, #tpu.memory_space<hbm>> -> memref<10000x128xf32, #tpu.memory_space<hbm>>
        %dma_start3A_93 = tpu.memref_slice %arg12[%dma_start3A_86] : memref<2x!tpu.dma_semaphore, #tpu.memory_space<semaphore_mem>> -> memref<1x!tpu.dma_semaphore, #tpu.memory_space<semaphore_mem>>
        %dma_start3A_94 = tpu.memref_squeeze %dma_start3A_93 : memref<1x!tpu.dma_semaphore, #tpu.memory_space<semaphore_mem>> -> memref<!tpu.dma_semaphore, #tpu.memory_space<semaphore_mem>>
        tpu.enqueue_indirect_dma source(%dma_start3A_92 : memref<10000x128xf32, #tpu.memory_space<hbm>>) target(%arg9 : memref<100x128xf32, #tpu.memory_space<vmem>>) offsets(%dma_start3A_89 : memref<100xi32, #tpu.memory_space<vmem>>) semaphore(%dma_start3A_94 : memref<!tpu.dma_semaphore, #tpu.memory_space<semaphore_mem>>)
      } else {
      }
      %add3A_82 = arith.constant 1 : i32
      %add3A_83 = arith.addi %add3A_44, %add3A_82 : i32
      "tpu.region"() ({
        %run_scoped3A_84 = tpu.sem_alloc : memref<!tpu.dma_semaphore, #tpu.memory_space<semaphore_mem>>
        %dma_start3A_85 = arith.constant 0 : i32
        %dma_start3A_86 = tpu.memref_slice %arg8[%add3A_83, %dma_start3A_85] : memref<50x100xi32, #tpu.memory_space<vmem>> -> memref<1x100xi32, #tpu.memory_space<vmem>>
        %dma_start3A_87 = tpu.memref_squeeze %dma_start3A_86 : memref<1x100xi32, #tpu.memory_space<vmem>> -> memref<100xi32, #tpu.memory_space<vmem>>
        %dma_start3A_88 = arith.constant 0 : i32
        %dma_start3A_89 = arith.constant 0 : i32
        %dma_start3A_90 = tpu.memref_slice %arg11[%dma_start3A_88, %dma_start3A_89] : memref<10000x128xf32, #tpu.memory_space<vmem_shared>> -> memref<10000x128xf32, #tpu.memory_space<vmem_shared>>
        tpu.enqueue_indirect_dma source(%arg10 : memref<100x128xf32, #tpu.memory_space<vmem>>) target(%dma_start3A_90 : memref<10000x128xf32, #tpu.memory_space<vmem_shared>>) offsets(%dma_start3A_87 : memref<100xi32, #tpu.memory_space<vmem>>) semaphore(%run_scoped3A_84 : memref<!tpu.dma_semaphore, #tpu.memory_space<semaphore_mem>>) {add = true}
        %dma_wait3A_91 = arith.constant 0 : i32
        %dma_wait3A_92 = tpu.memref_slice %arg8[%add3A_83, %dma_wait3A_91] : memref<50x100xi32, #tpu.memory_space<vmem>> -> memref<1x100xi32, #tpu.memory_space<vmem>>
        %dma_wait3A_93 = tpu.memref_squeeze %dma_wait3A_92 : memref<1x100xi32, #tpu.memory_space<vmem>> -> memref<100xi32, #tpu.memory_space<vmem>>
        %dma_wait3A_94 = arith.constant 0 : i32
        %dma_wait3A_95 = arith.constant 0 : i32
        %dma_wait3A_96 = tpu.memref_slice %arg11[%dma_wait3A_94, %dma_wait3A_95] : memref<10000x128xf32, #tpu.memory_space<vmem_shared>> -> memref<10000x128xf32, #tpu.memory_space<vmem_shared>>
        tpu.wait_indirect_dma semaphore(%run_scoped3A_84 : memref<!tpu.dma_semaphore, #tpu.memory_space<semaphore_mem>>) src(%arg10 : memref<100x128xf32, #tpu.memory_space<vmem>>) dst(%dma_wait3A_96 : memref<10000x128xf32, #tpu.memory_space<vmem_shared>>)
        tpu.yield
      }) : () -> ()
    }
    %scan3A_33 = arith.constant 25 : i32
    %barrier3A_34 = arith.constant 0 : index
    tpu.barrier barrier_id(%barrier3A_34)
    %lt3A_35 = arith.constant 10 : i32
    %lt3A_36 = arith.cmpi slt, %arg1, %lt3A_35 : i32
    %convert_element_type3A_37 = arith.extui %lt3A_36 : i1 to i32
    %cond3A_38 = arith.constant 0 : i32
    %cond3A_39 = arith.cmpi ne, %convert_element_type3A_37, %cond3A_38 : i32
    scf.if %cond3A_39 {
      %mul3A_40 = arith.constant 1000 : i32
      %mul3A_41 = arith.muli %arg1, %mul3A_40 : i32
      %mul3A_42 = arith.constant 1000 : i32
      %mul3A_43 = arith.muli %arg1, %mul3A_42 : i32
      "tpu.region"() ({
        %run_scoped3A_44 = tpu.sem_alloc : memref<!tpu.dma_semaphore, #tpu.memory_space<semaphore_mem>>
        %dma_start3A_45 = arith.constant 0 : i32
        %dma_start3A_46 = tpu.memref_slice %arg6[%arg0, %mul3A_43, %dma_start3A_45] : memref<2x10000x128xf32, #tpu.memory_space<hbm>> -> memref<1x1000x128xf32, #tpu.memory_space<hbm>>
        %dma_start3A_47 = tpu.memref_squeeze %dma_start3A_46 : memref<1x1000x128xf32, #tpu.memory_space<hbm>> -> memref<1000x128xf32, #tpu.memory_space<hbm>>
        %dma_start3A_48 = arith.constant 0 : i32
        %dma_start3A_49 = tpu.memref_slice %arg11[%mul3A_41, %dma_start3A_48] : memref<10000x128xf32, #tpu.memory_space<vmem_shared>> -> memref<1000x128xf32, #tpu.memory_space<vmem_shared>>
        tpu.enqueue_dma source(%dma_start3A_49 : memref<1000x128xf32, #tpu.memory_space<vmem_shared>>) target(%dma_start3A_47 : memref<1000x128xf32, #tpu.memory_space<hbm>>) target_semaphore(%run_scoped3A_44 : memref<!tpu.dma_semaphore, #tpu.memory_space<semaphore_mem>>)
        %dma_wait3A = arith.constant 0 : i32
        %dma_wait3A_50 = tpu.memref_slice %arg6[%arg0, %mul3A_43, %dma_wait3A] : memref<2x10000x128xf32, #tpu.memory_space<hbm>> -> memref<1x1000x128xf32, #tpu.memory_space<hbm>>
        %dma_wait3A_51 = tpu.memref_squeeze %dma_wait3A_50 : memref<1x1000x128xf32, #tpu.memory_space<hbm>> -> memref<1000x128xf32, #tpu.memory_space<hbm>>
        %dma_wait3A_52 = arith.constant 0 : i32
        %dma_wait3A_53 = tpu.memref_slice %arg11[%mul3A_41, %dma_wait3A_52] : memref<10000x128xf32, #tpu.memory_space<vmem_shared>> -> memref<1000x128xf32, #tpu.memory_space<vmem_shared>>
        tpu.wait_dma2 semaphore(%run_scoped3A_44 : memref<!tpu.dma_semaphore, #tpu.memory_space<semaphore_mem>>) src(%dma_wait3A_53 : memref<1000x128xf32, #tpu.memory_space<vmem_shared>>) dst(%dma_wait3A_51 : memref<1000x128xf32, #tpu.memory_space<hbm>>)
        tpu.yield
      }) : () -> ()
    } else {
    }
    return
  }
}

#map = affine_map<(d0, d1) -> (0, 0, 0)>
#map1 = affine_map<(d0, d1) -> (0)>
#map2 = affine_map<(d0, d1) -> (0, 0)>
module attributes {stable_mosaic.version = 14 : i64} {
  func.func @k(%arg0: i32, %arg1: i32, %arg2: memref<32x100x100xi32, #tpu.memory_space<hbm>>, %arg3: memref<100xf32, #tpu.memory_space<hbm>>, %arg4: memref<10000xf32, #tpu.memory_space<hbm>>, %arg5: memref<2x10000xf32, #tpu.memory_space<hbm>>, %arg6: memref<100x100xi32, #tpu.memory_space<vmem>>, %arg7: memref<100xf32, #tpu.memory_space<vmem>>, %arg8: memref<10000xf32, #tpu.memory_space<vmem_shared>>) attributes {dimension_semantics = [#tpu.dimension_semantics<core_parallel>, #tpu.dimension_semantics<subcore_parallel>], iteration_bounds = array<i64: 2, 16>, scalar_prefetch = 0 : i64, scratch_operands = 3 : i64, tpu.core_type = #tpu.core_type<sc_vector_subcore>, window_params = [{transform_indices = #map}, {transform_indices = #map1}, {transform_indices = #map1}, {transform_indices = #map2}]} {
    %mul3A = arith.constant 16 : i32
    %mul3A_0 = arith.muli %arg0, %mul3A : i32
    %add3A = arith.addi %mul3A_0, %arg1 : i32
    %eq3A = arith.constant 0 : i32
    %eq3A_1 = arith.cmpi eq, %arg1, %eq3A : i32
    %convert_element_type3A = arith.extui %eq3A_1 : i1 to i32
    %cond3A = arith.constant 0 : i32
    %cond3A_2 = arith.cmpi ne, %convert_element_type3A, %cond3A : i32
    scf.if %cond3A_2 {
      "tpu.region"() ({
        %run_scoped3A = tpu.sem_alloc : memref<!tpu.dma_semaphore, #tpu.memory_space<semaphore_mem>>
        tpu.enqueue_dma source(%arg4 : memref<10000xf32, #tpu.memory_space<hbm>>) target(%arg8 : memref<10000xf32, #tpu.memory_space<vmem_shared>>) target_semaphore(%run_scoped3A : memref<!tpu.dma_semaphore, #tpu.memory_space<semaphore_mem>>)
        tpu.wait_dma2 semaphore(%run_scoped3A : memref<!tpu.dma_semaphore, #tpu.memory_space<semaphore_mem>>) src(%arg4 : memref<10000xf32, #tpu.memory_space<hbm>>) dst(%arg8 : memref<10000xf32, #tpu.memory_space<vmem_shared>>)
        tpu.yield
      }) : () -> ()
    } else {
    }
    "tpu.region"() ({
      %run_scoped3A = tpu.sem_alloc : memref<!tpu.dma_semaphore, #tpu.memory_space<semaphore_mem>>
      %dma_start3A = arith.constant 0 : i32
      %dma_start3A_13 = arith.constant 0 : i32
      %dma_start3A_14 = tpu.memref_slice %arg2[%add3A, %dma_start3A, %dma_start3A_13] : memref<32x100x100xi32, #tpu.memory_space<hbm>> -> memref<1x100x100xi32, #tpu.memory_space<hbm>>
      %dma_start3A_15 = tpu.memref_squeeze %dma_start3A_14 : memref<1x100x100xi32, #tpu.memory_space<hbm>> -> memref<100x100xi32, #tpu.memory_space<hbm>>
      %dma_start3A_16 = arith.constant 0 : i32
      %dma_start3A_17 = arith.constant 0 : i32
      %dma_start3A_18 = tpu.memref_slice %arg2[%add3A, %dma_start3A_16, %dma_start3A_17] : memref<32x100x100xi32, #tpu.memory_space<hbm>> -> memref<1x100x100xi32, #tpu.memory_space<hbm>>
      %dma_start3A_19 = tpu.memref_squeeze %dma_start3A_18 : memref<1x100x100xi32, #tpu.memory_space<hbm>> -> memref<100x100xi32, #tpu.memory_space<hbm>>
      tpu.enqueue_dma source(%dma_start3A_19 : memref<100x100xi32, #tpu.memory_space<hbm>>) target(%arg6 : memref<100x100xi32, #tpu.memory_space<vmem>>) target_semaphore(%run_scoped3A : memref<!tpu.dma_semaphore, #tpu.memory_space<semaphore_mem>>)
      %dma_wait3A = arith.constant 0 : i32
      %dma_wait3A_20 = arith.constant 0 : i32
      %dma_wait3A_21 = tpu.memref_slice %arg2[%add3A, %dma_wait3A, %dma_wait3A_20] : memref<32x100x100xi32, #tpu.memory_space<hbm>> -> memref<1x100x100xi32, #tpu.memory_space<hbm>>
      %dma_wait3A_22 = tpu.memref_squeeze %dma_wait3A_21 : memref<1x100x100xi32, #tpu.memory_space<hbm>> -> memref<100x100xi32, #tpu.memory_space<hbm>>
      %dma_wait3A_23 = arith.constant 0 : i32
      %dma_wait3A_24 = arith.constant 0 : i32
      %dma_wait3A_25 = tpu.memref_slice %arg2[%add3A, %dma_wait3A_23, %dma_wait3A_24] : memref<32x100x100xi32, #tpu.memory_space<hbm>> -> memref<1x100x100xi32, #tpu.memory_space<hbm>>
      %dma_wait3A_26 = tpu.memref_squeeze %dma_wait3A_25 : memref<1x100x100xi32, #tpu.memory_space<hbm>> -> memref<100x100xi32, #tpu.memory_space<hbm>>
      tpu.wait_dma2 semaphore(%run_scoped3A : memref<!tpu.dma_semaphore, #tpu.memory_space<semaphore_mem>>) src(%dma_wait3A_26 : memref<100x100xi32, #tpu.memory_space<hbm>>) dst(%arg6 : memref<100x100xi32, #tpu.memory_space<vmem>>)
      tpu.yield
    }) : () -> ()
    "tpu.region"() ({
      %run_scoped3A = tpu.sem_alloc : memref<!tpu.dma_semaphore, #tpu.memory_space<semaphore_mem>>
      tpu.enqueue_dma source(%arg3 : memref<100xf32, #tpu.memory_space<hbm>>) target(%arg7 : memref<100xf32, #tpu.memory_space<vmem>>) target_semaphore(%run_scoped3A : memref<!tpu.dma_semaphore, #tpu.memory_space<semaphore_mem>>)
      tpu.wait_dma2 semaphore(%run_scoped3A : memref<!tpu.dma_semaphore, #tpu.memory_space<semaphore_mem>>) src(%arg3 : memref<100xf32, #tpu.memory_space<hbm>>) dst(%arg7 : memref<100xf32, #tpu.memory_space<vmem>>)
      tpu.yield
    }) : () -> ()
    %barrier3A = arith.constant 0 : index
    tpu.barrier barrier_id(%barrier3A)
    %scan3A = arith.constant 0 : i32
    %scan3A_3 = arith.constant 100 : i32
    %scan3A_4 = arith.addi %scan3A, %scan3A_3 : i32
    %scan3A_5 = arith.constant 1 : i32
    scf.for %scan3A_13 = %scan3A to %scan3A_4 step %scan3A_5  : i32 {
      %mul3A_14 = arith.constant 1 : i32
      %mul3A_15 = arith.muli %scan3A_13, %mul3A_14 : i32
      %add3A_16 = arith.constant 0 : i32
      %add3A_17 = arith.addi %add3A_16, %mul3A_15 : i32
      "tpu.region"() ({
        %run_scoped3A = tpu.sem_alloc : memref<!tpu.dma_semaphore, #tpu.memory_space<semaphore_mem>>
        %dma_start3A = arith.constant 0 : i32
        %dma_start3A_18 = tpu.memref_slice %arg6[%add3A_17, %dma_start3A] : memref<100x100xi32, #tpu.memory_space<vmem>> -> memref<1x100xi32, #tpu.memory_space<vmem>>
        %dma_start3A_19 = tpu.memref_squeeze %dma_start3A_18 : memref<1x100xi32, #tpu.memory_space<vmem>> -> memref<100xi32, #tpu.memory_space<vmem>>
        %dma_start3A_20 = arith.constant 0 : i32
        %dma_start3A_21 = tpu.memref_slice %arg8[%dma_start3A_20] : memref<10000xf32, #tpu.memory_space<vmem_shared>> -> memref<10000xf32, #tpu.memory_space<vmem_shared>>
        tpu.enqueue_indirect_dma source(%arg7 : memref<100xf32, #tpu.memory_space<vmem>>) target(%dma_start3A_21 : memref<10000xf32, #tpu.memory_space<vmem_shared>>) offsets(%dma_start3A_19 : memref<100xi32, #tpu.memory_space<vmem>>) semaphore(%run_scoped3A : memref<!tpu.dma_semaphore, #tpu.memory_space<semaphore_mem>>) {add = true}
        %dma_wait3A = arith.constant 0 : i32
        %dma_wait3A_22 = tpu.memref_slice %arg6[%add3A_17, %dma_wait3A] : memref<100x100xi32, #tpu.memory_space<vmem>> -> memref<1x100xi32, #tpu.memory_space<vmem>>
        %dma_wait3A_23 = tpu.memref_squeeze %dma_wait3A_22 : memref<1x100xi32, #tpu.memory_space<vmem>> -> memref<100xi32, #tpu.memory_space<vmem>>
        %dma_wait3A_24 = arith.constant 0 : i32
        %dma_wait3A_25 = tpu.memref_slice %arg8[%dma_wait3A_24] : memref<10000xf32, #tpu.memory_space<vmem_shared>> -> memref<10000xf32, #tpu.memory_space<vmem_shared>>
        tpu.wait_indirect_dma semaphore(%run_scoped3A : memref<!tpu.dma_semaphore, #tpu.memory_space<semaphore_mem>>) src(%arg7 : memref<100xf32, #tpu.memory_space<vmem>>) dst(%dma_wait3A_25 : memref<10000xf32, #tpu.memory_space<vmem_shared>>)
        tpu.yield
      }) : () -> ()
    }
    %scan3A_6 = arith.constant 100 : i32
    %barrier3A_7 = arith.constant 0 : index
    tpu.barrier barrier_id(%barrier3A_7)
    %eq3A_8 = arith.constant 0 : i32
    %eq3A_9 = arith.cmpi eq, %arg1, %eq3A_8 : i32
    %convert_element_type3A_10 = arith.extui %eq3A_9 : i1 to i32
    %cond3A_11 = arith.constant 0 : i32
    %cond3A_12 = arith.cmpi ne, %convert_element_type3A_10, %cond3A_11 : i32
    scf.if %cond3A_12 {
      "tpu.region"() ({
        %run_scoped3A = tpu.sem_alloc : memref<!tpu.dma_semaphore, #tpu.memory_space<semaphore_mem>>
        %dma_start3A = arith.constant 0 : i32
        %dma_start3A_13 = tpu.memref_slice %arg5[%arg0, %dma_start3A] : memref<2x10000xf32, #tpu.memory_space<hbm>> -> memref<1x10000xf32, #tpu.memory_space<hbm>>
        %dma_start3A_14 = tpu.memref_squeeze %dma_start3A_13 : memref<1x10000xf32, #tpu.memory_space<hbm>> -> memref<10000xf32, #tpu.memory_space<hbm>>
        tpu.enqueue_dma source(%arg8 : memref<10000xf32, #tpu.memory_space<vmem_shared>>) target(%dma_start3A_14 : memref<10000xf32, #tpu.memory_space<hbm>>) target_semaphore(%run_scoped3A : memref<!tpu.dma_semaphore, #tpu.memory_space<semaphore_mem>>)
        %dma_wait3A = arith.constant 0 : i32
        %dma_wait3A_15 = tpu.memref_slice %arg5[%arg0, %dma_wait3A] : memref<2x10000xf32, #tpu.memory_space<hbm>> -> memref<1x10000xf32, #tpu.memory_space<hbm>>
        %dma_wait3A_16 = tpu.memref_squeeze %dma_wait3A_15 : memref<1x10000xf32, #tpu.memory_space<hbm>> -> memref<10000xf32, #tpu.memory_space<hbm>>
        tpu.wait_dma2 semaphore(%run_scoped3A : memref<!tpu.dma_semaphore, #tpu.memory_space<semaphore_mem>>) src(%arg8 : memref<10000xf32, #tpu.memory_space<vmem_shared>>) dst(%dma_wait3A_16 : memref<10000xf32, #tpu.memory_space<hbm>>)
        tpu.yield
      }) : () -> ()
    } else {
    }
    return
  }
}

module attributes {stable_mosaic.version = 14 : i64} {
  func.func @_mm_body(%arg0: i32, %arg1: memref<2000x128xf32, #tpu.memory_space<vmem>>, %arg2: memref<128x128xf32, #tpu.memory_space<vmem>>, %arg3: memref<2000x128xf32, #tpu.memory_space<vmem>>) attributes {dimension_semantics = [#tpu.dimension_semantics<arbitrary>], iteration_bounds = array<i64: 5>, scalar_prefetch = 0 : i64, scratch_operands = 0 : i64, tpu.core_type = #tpu.core_type<tc>, window_params = [{transform_indices = @transform_0, window_bounds = array<i64: 2000, 128>}, {pipeline_mode = #tpu.pipeline_mode<synchronous>, transform_indices = @transform_1, window_bounds = array<i64: 128, 128>}, {transform_indices = @transform_2, window_bounds = array<i64: 2000, 128>}]} {
    %get3A = arith.constant 0 : index
    %get3A_0 = arith.constant 0 : index
    %get3A_1 = vector.load %arg1[%get3A, %get3A_0] : memref<2000x128xf32, #tpu.memory_space<vmem>>, vector<2000x128xf32>
    %get3A_2 = arith.constant 0 : index
    %get3A_3 = arith.constant 0 : index
    %get3A_4 = vector.load %arg2[%get3A_2, %get3A_3] : memref<128x128xf32, #tpu.memory_space<vmem>>, vector<128x128xf32>
    %dot_general3A = arith.constant dense<0.000000e+00> : vector<2000x128xf32>
    %dot_general3A_5 = tpu.matmul %get3A_1, %get3A_4, %dot_general3A {dimension_numbers = #tpu.dot_dimension_numbers<[1], [0], [0], [1], [0, 0, 1, 1], [], []>, precision = #tpu.contract_precision<fp32>, transpose_lhs_hint = false} : vector<2000x128xf32>, vector<128x128xf32>, vector<2000x128xf32> -> vector<2000x128xf32>
    %swap3A = arith.constant 0 : index
    %swap3A_6 = arith.constant 0 : index
    %swap3A_7 = vector.load %arg3[%swap3A, %swap3A_6] : memref<2000x128xf32, #tpu.memory_space<vmem>>, vector<2000x128xf32>
    tpu.vector_store %arg3[%swap3A, %swap3A_6], %dot_general3A_5 {strides = array<i32>} : memref<2000x128xf32, #tpu.memory_space<vmem>>, vector<2000x128xf32>,
    return
  }
  func.func @transform_0(%arg0: i32) -> (i32, i32) {
    %c0_i32 = arith.constant 0 : i32
    %c0_i32_0 = arith.constant 0 : i32
    return %arg0, %c0_i32 : i32, i32
  }
  func.func @transform_1(%arg0: i32) -> (i32, i32) {
    %c0_i32 = arith.constant 0 : i32
    %c0_i32_0 = arith.constant 0 : i32
    %c0_i32_1 = arith.constant 0 : i32
    return %c0_i32, %c0_i32_0 : i32, i32
  }
  func.func @transform_2(%arg0: i32) -> (i32, i32) {
    %c0_i32 = arith.constant 0 : i32
    %c0_i32_0 = arith.constant 0 : i32
    return %arg0, %c0_i32 : i32, i32
  }
}

module attributes {stable_mosaic.version = 14 : i64} {
  func.func @_enc_body(%arg0: i32, %arg1: memref<2000x1xf32, #tpu.memory_space<vmem>>, %arg2: memref<2000x1xf32, #tpu.memory_space<vmem>>, %arg3: memref<2000x128xf32, #tpu.memory_space<vmem>>, %arg4: memref<2000x128xf32, #tpu.memory_space<vmem>>, %arg5: memref<2000x1xf32, #tpu.memory_space<vmem>>) attributes {dimension_semantics = [#tpu.dimension_semantics<arbitrary>], iteration_bounds = array<i64: 5>, scalar_prefetch = 0 : i64, scratch_operands = 0 : i64, tpu.core_type = #tpu.core_type<tc>, window_params = [{transform_indices = @transform_0, window_bounds = array<i64: 2000, 1>}, {transform_indices = @transform_1, window_bounds = array<i64: 2000, 1>}, {transform_indices = @transform_2, window_bounds = array<i64: 2000, 128>}, {transform_indices = @transform_3, window_bounds = array<i64: 2000, 128>}, {transform_indices = @transform_4, window_bounds = array<i64: 2000, 1>}]} {
    %get3A = arith.constant 0 : index
    %get3A_0 = arith.constant 0 : index
    %get3A_1 = vector.load %arg1[%get3A, %get3A_0] : memref<2000x1xf32, #tpu.memory_space<vmem>>, vector<2000x1xf32>
    %get3A_2 = arith.constant 0 : index
    %get3A_3 = arith.constant 0 : index
    %get3A_4 = vector.load %arg2[%get3A_2, %get3A_3] : memref<2000x1xf32, #tpu.memory_space<vmem>>, vector<2000x1xf32>
    %add3A = arith.addf %get3A_1, %get3A_4 : vector<2000x1xf32>
    %add3A_5 = arith.constant 1.000000e+00 : f32
    %add3A_6 = vector.broadcast %add3A_5 : f32 to vector<2000x1xf32>
    %add3A_7 = arith.addf %add3A, %add3A_6 : vector<2000x1xf32>
    %max3A = arith.constant 1.000000e+00 : f32
    %max3A_8 = vector.broadcast %max3A : f32 to vector<2000x1xf32>
    %max3A_9 = arith.maximumf %add3A_7, %max3A_8 : vector<2000x1xf32>
    %rsqrt3A = math.rsqrt %max3A_9 : vector<2000x1xf32>
    %get3A_10 = arith.constant 0 : index
    %get3A_11 = arith.constant 0 : index
    %get3A_12 = vector.load %arg3[%get3A_10, %get3A_11] : memref<2000x128xf32, #tpu.memory_space<vmem>>, vector<2000x128xf32>
    %mul3A = vector.broadcast %rsqrt3A : vector<2000x1xf32> to vector<2000x128xf32>
    %mul3A_13 = arith.mulf %mul3A, %get3A_12 : vector<2000x128xf32>
    %swap3A = arith.constant 0 : index
    %swap3A_14 = arith.constant 0 : index
    %swap3A_15 = vector.load %arg4[%swap3A, %swap3A_14] : memref<2000x128xf32, #tpu.memory_space<vmem>>, vector<2000x128xf32>
    tpu.vector_store %arg4[%swap3A, %swap3A_14], %mul3A_13 {strides = array<i32>} : memref<2000x128xf32, #tpu.memory_space<vmem>>, vector<2000x128xf32>,
    %swap3A_16 = arith.constant 0 : index
    %swap3A_17 = arith.constant 0 : index
    %swap3A_18 = vector.load %arg5[%swap3A_16, %swap3A_17] : memref<2000x1xf32, #tpu.memory_space<vmem>>, vector<2000x1xf32>
    tpu.vector_store %arg5[%swap3A_16, %swap3A_17], %rsqrt3A {strides = array<i32>} : memref<2000x1xf32, #tpu.memory_space<vmem>>, vector<2000x1xf32>,
    return
  }
  func.func @transform_0(%arg0: i32) -> (i32, i32) {
    %c0_i32 = arith.constant 0 : i32
    %c0_i32_0 = arith.constant 0 : i32
    return %arg0, %c0_i32 : i32, i32
  }
  func.func @transform_1(%arg0: i32) -> (i32, i32) {
    %c0_i32 = arith.constant 0 : i32
    %c0_i32_0 = arith.constant 0 : i32
    return %arg0, %c0_i32 : i32, i32
  }
  func.func @transform_2(%arg0: i32) -> (i32, i32) {
    %c0_i32 = arith.constant 0 : i32
    %c0_i32_0 = arith.constant 0 : i32
    return %arg0, %c0_i32 : i32, i32
  }
  func.func @transform_3(%arg0: i32) -> (i32, i32) {
    %c0_i32 = arith.constant 0 : i32
    %c0_i32_0 = arith.constant 0 : i32
    return %arg0, %c0_i32 : i32, i32
  }
  func.func @transform_4(%arg0: i32) -> (i32, i32) {
    %c0_i32 = arith.constant 0 : i32
    %c0_i32_0 = arith.constant 0 : i32
    return %arg0, %c0_i32 : i32, i32
  }
}

module attributes {stable_mosaic.version = 14 : i64} {
  func.func @_tail_body(%arg0: i32, %arg1: memref<2000x128xf32, #tpu.memory_space<vmem>>, %arg2: memref<2000x128xf32, #tpu.memory_space<vmem>>, %arg3: memref<2000x128xf32, #tpu.memory_space<vmem>>, %arg4: memref<2000x1xf32, #tpu.memory_space<vmem>>, %arg5: memref<2000x128xf32, #tpu.memory_space<vmem>>, %arg6: memref<1x128xf32, #tpu.memory_space<vmem>>, %arg7: memref<128x128xf32, #tpu.memory_space<vmem>>, %arg8: memref<1x128xf32, #tpu.memory_space<vmem>>, %arg9: memref<128x128xf32, #tpu.memory_space<vmem>>, %arg10: memref<1x128xf32, #tpu.memory_space<vmem>>, %arg11: memref<128x128xf32, #tpu.memory_space<vmem>>, %arg12: memref<1x128xf32, #tpu.memory_space<vmem>>, %arg13: memref<128x128xf32, #tpu.memory_space<vmem>>, %arg14: memref<2000x128xf32, #tpu.memory_space<vmem>>, %arg15: memref<2000x128xf32, #tpu.memory_space<vmem>>, %arg16: memref<2000x128xf32, #tpu.memory_space<vmem>>, %arg17: memref<2000x128xf32, #tpu.memory_space<vmem>>) attributes {dimension_semantics = [#tpu.dimension_semantics<arbitrary>], iteration_bounds = array<i64: 5>, scalar_prefetch = 0 : i64, scratch_operands = 0 : i64, tpu.core_type = #tpu.core_type<tc>, window_params = [{transform_indices = @transform_0, window_bounds = array<i64: 2000, 128>}, {transform_indices = @transform_1, window_bounds = array<i64: 2000, 128>}, {transform_indices = @transform_2, window_bounds = array<i64: 2000, 128>}, {transform_indices = @transform_3, window_bounds = array<i64: 2000, 1>}, {transform_indices = @transform_4, window_bounds = array<i64: 2000, 128>}, {pipeline_mode = #tpu.pipeline_mode<synchronous>, transform_indices = @transform_5, window_bounds = array<i64: 1, 128>}, {pipeline_mode = #tpu.pipeline_mode<synchronous>, transform_indices = @transform_6, window_bounds = array<i64: 128, 128>}, {pipeline_mode = #tpu.pipeline_mode<synchronous>, transform_indices = @transform_7, window_bounds = array<i64: 1, 128>}, {pipeline_mode = #tpu.pipeline_mode<synchronous>, transform_indices = @transform_8, window_bounds = array<i64: 128, 128>}, {pipeline_mode = #tpu.pipeline_mode<synchronous>, transform_indices = @transform_9, window_bounds = array<i64: 1, 128>}, {pipeline_mode = #tpu.pipeline_mode<synchronous>, transform_indices = @transform_10, window_bounds = array<i64: 128, 128>}, {pipeline_mode = #tpu.pipeline_mode<synchronous>, transform_indices = @transform_11, window_bounds = array<i64: 1, 128>}, {pipeline_mode = #tpu.pipeline_mode<synchronous>, transform_indices = @transform_12, window_bounds = array<i64: 128, 128>}, {transform_indices = @transform_13, window_bounds = array<i64: 2000, 128>}, {transform_indices = @transform_14, window_bounds = array<i64: 2000, 128>}, {transform_indices = @transform_15, window_bounds = array<i64: 2000, 128>}, {transform_indices = @transform_16, window_bounds = array<i64: 2000, 128>}]} {
    %get3A = arith.constant 0 : index
    %get3A_0 = arith.constant 0 : index
    %get3A_1 = vector.load %arg1[%get3A, %get3A_0] : memref<2000x128xf32, #tpu.memory_space<vmem>>, vector<2000x128xf32>
    %get3A_2 = arith.constant 0 : index
    %get3A_3 = arith.constant 0 : index
    %get3A_4 = vector.load %arg2[%get3A_2, %get3A_3] : memref<2000x128xf32, #tpu.memory_space<vmem>>, vector<2000x128xf32>
    %add3A = arith.addf %get3A_1, %get3A_4 : vector<2000x128xf32>
    %get3A_5 = arith.constant 0 : index
    %get3A_6 = arith.constant 0 : index
    %get3A_7 = vector.load %arg4[%get3A_5, %get3A_6] : memref<2000x1xf32, #tpu.memory_space<vmem>>, vector<2000x1xf32>
    %get3A_8 = arith.constant 0 : index
    %get3A_9 = arith.constant 0 : index
    %get3A_10 = vector.load %arg3[%get3A_8, %get3A_9] : memref<2000x128xf32, #tpu.memory_space<vmem>>, vector<2000x128xf32>
    %add3A_11 = arith.addf %add3A, %get3A_10 : vector<2000x128xf32>
    %mul3A = vector.broadcast %get3A_7 : vector<2000x1xf32> to vector<2000x128xf32>
    %mul3A_12 = arith.mulf %mul3A, %add3A_11 : vector<2000x128xf32>
    %get3A_13 = arith.constant 0 : index
    %get3A_14 = arith.constant 0 : index
    %get3A_15 = vector.load %arg6[%get3A_13, %get3A_14] : memref<1x128xf32, #tpu.memory_space<vmem>>, vector<1x128xf32>
    %add3A_16 = vector.broadcast %get3A_15 : vector<1x128xf32> to vector<2000x128xf32>
    %add3A_17 = arith.addf %mul3A_12, %add3A_16 : vector<2000x128xf32>
    %max3A = arith.constant 0.000000e+00 : f32
    %max3A_18 = vector.broadcast %max3A : f32 to vector<2000x128xf32>
    %max3A_19 = arith.maximumf %add3A_17, %max3A_18 : vector<2000x128xf32>
    %get3A_20 = arith.constant 0 : index
    %get3A_21 = arith.constant 0 : index
    %get3A_22 = vector.load %arg7[%get3A_20, %get3A_21] : memref<128x128xf32, #tpu.memory_space<vmem>>, vector<128x128xf32>
    %dot_general3A = arith.constant dense<0.000000e+00> : vector<2000x128xf32>
    %dot_general3A_23 = tpu.matmul %max3A_19, %get3A_22, %dot_general3A {dimension_numbers = #tpu.dot_dimension_numbers<[1], [0], [0], [1], [0, 0, 1, 1], [], []>, precision = #tpu.contract_precision<fp32>, transpose_lhs_hint = false} : vector<2000x128xf32>, vector<128x128xf32>, vector<2000x128xf32> -> vector<2000x128xf32>
    %get3A_24 = arith.constant 0 : index
    %get3A_25 = arith.constant 0 : index
    %get3A_26 = vector.load %arg8[%get3A_24, %get3A_25] : memref<1x128xf32, #tpu.memory_space<vmem>>, vector<1x128xf32>
    %add3A_27 = vector.broadcast %get3A_26 : vector<1x128xf32> to vector<2000x128xf32>
    %add3A_28 = arith.addf %dot_general3A_23, %add3A_27 : vector<2000x128xf32>
    %get3A_29 = arith.constant 0 : index
    %get3A_30 = arith.constant 0 : index
    %get3A_31 = vector.load %arg9[%get3A_29, %get3A_30] : memref<128x128xf32, #tpu.memory_space<vmem>>, vector<128x128xf32>
    %dot_general3A_32 = arith.constant dense<0.000000e+00> : vector<2000x128xf32>
    %dot_general3A_33 = tpu.matmul %max3A_19, %get3A_31, %dot_general3A_32 {dimension_numbers = #tpu.dot_dimension_numbers<[1], [0], [0], [1], [0, 0, 1, 1], [], []>, precision = #tpu.contract_precision<fp32>, transpose_lhs_hint = false} : vector<2000x128xf32>, vector<128x128xf32>, vector<2000x128xf32> -> vector<2000x128xf32>
    %get3A_34 = arith.constant 0 : index
    %get3A_35 = arith.constant 0 : index
    %get3A_36 = vector.load %arg10[%get3A_34, %get3A_35] : memref<1x128xf32, #tpu.memory_space<vmem>>, vector<1x128xf32>
    %add3A_37 = vector.broadcast %get3A_36 : vector<1x128xf32> to vector<2000x128xf32>
    %add3A_38 = arith.addf %dot_general3A_33, %add3A_37 : vector<2000x128xf32>
    %get3A_39 = arith.constant 0 : index
    %get3A_40 = arith.constant 0 : index
    %get3A_41 = vector.load %arg5[%get3A_39, %get3A_40] : memref<2000x128xf32, #tpu.memory_space<vmem>>, vector<2000x128xf32>
    %mul3A_42 = arith.constant 5.000000e-01 : f32
    %mul3A_43 = vector.broadcast %mul3A_42 : f32 to vector<2000x128xf32>
    %mul3A_44 = arith.mulf %mul3A_43, %add3A_38 : vector<2000x128xf32>
    %exp3A = math.exp %mul3A_44 : vector<2000x128xf32>
    %mul3A_45 = arith.mulf %get3A_41, %exp3A : vector<2000x128xf32>
    %add3A_46 = arith.addf %add3A_28, %mul3A_45 : vector<2000x128xf32>
    %swap3A = arith.constant 0 : index
    %swap3A_47 = arith.constant 0 : index
    %swap3A_48 = vector.load %arg14[%swap3A, %swap3A_47] : memref<2000x128xf32, #tpu.memory_space<vmem>>, vector<2000x128xf32>
    tpu.vector_store %arg14[%swap3A, %swap3A_47], %add3A_28 {strides = array<i32>} : memref<2000x128xf32, #tpu.memory_space<vmem>>, vector<2000x128xf32>,
    %swap3A_49 = arith.constant 0 : index
    %swap3A_50 = arith.constant 0 : index
    %swap3A_51 = vector.load %arg15[%swap3A_49, %swap3A_50] : memref<2000x128xf32, #tpu.memory_space<vmem>>, vector<2000x128xf32>
    tpu.vector_store %arg15[%swap3A_49, %swap3A_50], %add3A_38 {strides = array<i32>} : memref<2000x128xf32, #tpu.memory_space<vmem>>, vector<2000x128xf32>,
    %get3A_52 = arith.constant 0 : index
    %get3A_53 = arith.constant 0 : index
    %get3A_54 = vector.load %arg11[%get3A_52, %get3A_53] : memref<128x128xf32, #tpu.memory_space<vmem>>, vector<128x128xf32>
    %dot_general3A_55 = arith.constant dense<0.000000e+00> : vector<2000x128xf32>
    %dot_general3A_56 = tpu.matmul %add3A_46, %get3A_54, %dot_general3A_55 {dimension_numbers = #tpu.dot_dimension_numbers<[1], [0], [0], [1], [0, 0, 1, 1], [], []>, precision = #tpu.contract_precision<fp32>, transpose_lhs_hint = false} : vector<2000x128xf32>, vector<128x128xf32>, vector<2000x128xf32> -> vector<2000x128xf32>
    %get3A_57 = arith.constant 0 : index
    %get3A_58 = arith.constant 0 : index
    %get3A_59 = vector.load %arg12[%get3A_57, %get3A_58] : memref<1x128xf32, #tpu.memory_space<vmem>>, vector<1x128xf32>
    %add3A_60 = vector.broadcast %get3A_59 : vector<1x128xf32> to vector<2000x128xf32>
    %add3A_61 = arith.addf %dot_general3A_56, %add3A_60 : vector<2000x128xf32>
    %swap3A_62 = arith.constant 0 : index
    %swap3A_63 = arith.constant 0 : index
    %swap3A_64 = vector.load %arg16[%swap3A_62, %swap3A_63] : memref<2000x128xf32, #tpu.memory_space<vmem>>, vector<2000x128xf32>
    tpu.vector_store %arg16[%swap3A_62, %swap3A_63], %add3A_61 {strides = array<i32>} : memref<2000x128xf32, #tpu.memory_space<vmem>>, vector<2000x128xf32>,
    %get3A_65 = arith.constant 0 : index
    %get3A_66 = arith.constant 0 : index
    %get3A_67 = vector.load %arg13[%get3A_65, %get3A_66] : memref<128x128xf32, #tpu.memory_space<vmem>>, vector<128x128xf32>
    %dot_general3A_68 = arith.constant dense<0.000000e+00> : vector<2000x128xf32>
    %dot_general3A_69 = tpu.matmul %add3A_46, %get3A_67, %dot_general3A_68 {dimension_numbers = #tpu.dot_dimension_numbers<[1], [0], [0], [1], [0, 0, 1, 1], [], []>, precision = #tpu.contract_precision<fp32>, transpose_lhs_hint = false} : vector<2000x128xf32>, vector<128x128xf32>, vector<2000x128xf32> -> vector<2000x128xf32>
    %swap3A_70 = arith.constant 0 : index
    %swap3A_71 = arith.constant 0 : index
    %swap3A_72 = vector.load %arg17[%swap3A_70, %swap3A_71] : memref<2000x128xf32, #tpu.memory_space<vmem>>, vector<2000x128xf32>
    tpu.vector_store %arg17[%swap3A_70, %swap3A_71], %dot_general3A_69 {strides = array<i32>} : memref<2000x128xf32, #tpu.memory_space<vmem>>, vector<2000x128xf32>,
    return
  }
  func.func @transform_0(%arg0: i32) -> (i32, i32) {
    %c0_i32 = arith.constant 0 : i32
    %c0_i32_0 = arith.constant 0 : i32
    return %arg0, %c0_i32 : i32, i32
  }
  func.func @transform_1(%arg0: i32) -> (i32, i32) {
    %c0_i32 = arith.constant 0 : i32
    %c0_i32_0 = arith.constant 0 : i32
    return %arg0, %c0_i32 : i32, i32
  }
  func.func @transform_2(%arg0: i32) -> (i32, i32) {
    %c0_i32 = arith.constant 0 : i32
    %c0_i32_0 = arith.constant 0 : i32
    return %arg0, %c0_i32 : i32, i32
  }
  func.func @transform_3(%arg0: i32) -> (i32, i32) {
    %c0_i32 = arith.constant 0 : i32
    %c0_i32_0 = arith.constant 0 : i32
    return %arg0, %c0_i32 : i32, i32
  }
  func.func @transform_4(%arg0: i32) -> (i32, i32) {
    %c0_i32 = arith.constant 0 : i32
    %c0_i32_0 = arith.constant 0 : i32
    return %arg0, %c0_i32 : i32, i32
  }
  func.func @transform_5(%arg0: i32) -> (i32, i32) {
    %c0_i32 = arith.constant 0 : i32
    %c0_i32_0 = arith.constant 0 : i32
    %c0_i32_1 = arith.constant 0 : i32
    return %c0_i32, %c0_i32_0 : i32, i32
  }
  func.func @transform_6(%arg0: i32) -> (i32, i32) {
    %c0_i32 = arith.constant 0 : i32
    %c0_i32_0 = arith.constant 0 : i32
    %c0_i32_1 = arith.constant 0 : i32
    return %c0_i32, %c0_i32_0 : i32, i32
  }
  func.func @transform_7(%arg0: i32) -> (i32, i32) {
    %c0_i32 = arith.constant 0 : i32
    %c0_i32_0 = arith.constant 0 : i32
    %c0_i32_1 = arith.constant 0 : i32
    return %c0_i32, %c0_i32_0 : i32, i32
  }
  func.func @transform_8(%arg0: i32) -> (i32, i32) {
    %c0_i32 = arith.constant 0 : i32
    %c0_i32_0 = arith.constant 0 : i32
    %c0_i32_1 = arith.constant 0 : i32
    return %c0_i32, %c0_i32_0 : i32, i32
  }
  func.func @transform_9(%arg0: i32) -> (i32, i32) {
    %c0_i32 = arith.constant 0 : i32
    %c0_i32_0 = arith.constant 0 : i32
    %c0_i32_1 = arith.constant 0 : i32
    return %c0_i32, %c0_i32_0 : i32, i32
  }
  func.func @transform_10(%arg0: i32) -> (i32, i32) {
    %c0_i32 = arith.constant 0 : i32
    %c0_i32_0 = arith.constant 0 : i32
    %c0_i32_1 = arith.constant 0 : i32
    return %c0_i32, %c0_i32_0 : i32, i32
  }
  func.func @transform_11(%arg0: i32) -> (i32, i32) {
    %c0_i32 = arith.constant 0 : i32
    %c0_i32_0 = arith.constant 0 : i32
    %c0_i32_1 = arith.constant 0 : i32
    return %c0_i32, %c0_i32_0 : i32, i32
  }
  func.func @transform_12(%arg0: i32) -> (i32, i32) {
    %c0_i32 = arith.constant 0 : i32
    %c0_i32_0 = arith.constant 0 : i32
    %c0_i32_1 = arith.constant 0 : i32
    return %c0_i32, %c0_i32_0 : i32, i32
  }
  func.func @transform_13(%arg0: i32) -> (i32, i32) {
    %c0_i32 = arith.constant 0 : i32
    %c0_i32_0 = arith.constant 0 : i32
    return %arg0, %c0_i32 : i32, i32
  }
  func.func @transform_14(%arg0: i32) -> (i32, i32) {
    %c0_i32 = arith.constant 0 : i32
    %c0_i32_0 = arith.constant 0 : i32
    return %arg0, %c0_i32 : i32, i32
  }
  func.func @transform_15(%arg0: i32) -> (i32, i32) {
    %c0_i32 = arith.constant 0 : i32
    %c0_i32_0 = arith.constant 0 : i32
    return %arg0, %c0_i32 : i32, i32
  }
  func.func @transform_16(%arg0: i32) -> (i32, i32) {
    %c0_i32 = arith.constant 0 : i32
    %c0_i32_0 = arith.constant 0 : i32
    return %arg0, %c0_i32 : i32, i32
  }
}

module attributes {stable_mosaic.version = 14 : i64} {
  func.func @_dec_body(%arg0: i32, %arg1: memref<2560x64xi32, #tpu.memory_space<vmem>>, %arg2: memref<64x128xf32, #tpu.memory_space<vmem>>, %arg3: memref<64x128xf32, #tpu.memory_space<vmem>>, %arg4: memref<1x128xf32, #tpu.memory_space<vmem>>, %arg5: memref<2560x128xf32, #tpu.memory_space<vmem>>, %arg6: memref<2560x128xf32, #tpu.memory_space<vmem>>) attributes {dimension_semantics = [#tpu.dimension_semantics<arbitrary>], iteration_bounds = array<i64: 63>, scalar_prefetch = 0 : i64, scratch_operands = 0 : i64, tpu.core_type = #tpu.core_type<tc>, window_params = [{transform_indices = @transform_0, window_bounds = array<i64: 2560, 64>}, {pipeline_mode = #tpu.pipeline_mode<synchronous>, transform_indices = @transform_1, window_bounds = array<i64: 64, 128>}, {pipeline_mode = #tpu.pipeline_mode<synchronous>, transform_indices = @transform_2, window_bounds = array<i64: 64, 128>}, {pipeline_mode = #tpu.pipeline_mode<synchronous>, transform_indices = @transform_3, window_bounds = array<i64: 1, 128>}, {transform_indices = @transform_4, window_bounds = array<i64: 2560, 128>}, {transform_indices = @transform_5, window_bounds = array<i64: 2560, 128>}]} {
    %get3A = arith.constant 0 : index
    %get3A_0 = arith.constant 0 : index
    %get3A_1 = vector.load %arg1[%get3A, %get3A_0] : memref<2560x64xi32, #tpu.memory_space<vmem>>, vector<2560x64xi32>
    %shift_left3A = arith.constant 16 : i32
    %shift_left3A_2 = vector.broadcast %shift_left3A : i32 to vector<2560x64xi32>
    %shift_left3A_3 = arith.shli %get3A_1, %shift_left3A_2 : vector<2560x64xi32>
    %bitcast_convert_type3A = tpu.bitcast %shift_left3A_3 : vector<2560x64xi32> -> vector<2560x64xf32>
    %and3A = arith.constant -65536 : i32
    %and3A_4 = vector.broadcast %and3A : i32 to vector<2560x64xi32>
    %and3A_5 = arith.andi %get3A_1, %and3A_4 : vector<2560x64xi32>
    %bitcast_convert_type3A_6 = tpu.bitcast %and3A_5 : vector<2560x64xi32> -> vector<2560x64xf32>
    %max3A = arith.constant 0.000000e+00 : f32
    %max3A_7 = vector.broadcast %max3A : f32 to vector<2560x64xf32>
    %max3A_8 = arith.maximumf %bitcast_convert_type3A, %max3A_7 : vector<2560x64xf32>
    %get3A_9 = arith.constant 0 : index
    %get3A_10 = arith.constant 0 : index
    %get3A_11 = vector.load %arg2[%get3A_9, %get3A_10] : memref<64x128xf32, #tpu.memory_space<vmem>>, vector<64x128xf32>
    %dot_general3A = arith.constant dense<0.000000e+00> : vector<2560x128xf32>
    %dot_general3A_12 = tpu.matmul %max3A_8, %get3A_11, %dot_general3A {dimension_numbers = #tpu.dot_dimension_numbers<[1], [0], [0], [1], [0, 0, 1, 1], [], []>, transpose_lhs_hint = false} : vector<2560x64xf32>, vector<64x128xf32>, vector<2560x128xf32> -> vector<2560x128xf32>
    %max3A_13 = arith.constant 0.000000e+00 : f32
    %max3A_14 = vector.broadcast %max3A_13 : f32 to vector<2560x64xf32>
    %max3A_15 = arith.maximumf %bitcast_convert_type3A_6, %max3A_14 : vector<2560x64xf32>
    %get3A_16 = arith.constant 0 : index
    %get3A_17 = arith.constant 0 : index
    %get3A_18 = vector.load %arg3[%get3A_16, %get3A_17] : memref<64x128xf32, #tpu.memory_space<vmem>>, vector<64x128xf32>
    %dot_general3A_19 = arith.constant dense<0.000000e+00> : vector<2560x128xf32>
    %dot_general3A_20 = tpu.matmul %max3A_15, %get3A_18, %dot_general3A_19 {dimension_numbers = #tpu.dot_dimension_numbers<[1], [0], [0], [1], [0, 0, 1, 1], [], []>, transpose_lhs_hint = false} : vector<2560x64xf32>, vector<64x128xf32>, vector<2560x128xf32> -> vector<2560x128xf32>
    %add3A = arith.addf %dot_general3A_12, %dot_general3A_20 : vector<2560x128xf32>
    %get3A_21 = arith.constant 0 : index
    %get3A_22 = arith.constant 0 : index
    %get3A_23 = vector.load %arg4[%get3A_21, %get3A_22] : memref<1x128xf32, #tpu.memory_space<vmem>>, vector<1x128xf32>
    %add3A_24 = vector.broadcast %get3A_23 : vector<1x128xf32> to vector<2560x128xf32>
    %add3A_25 = arith.addf %add3A, %add3A_24 : vector<2560x128xf32>
    %swap3A = arith.constant 0 : index
    %swap3A_26 = arith.constant 0 : index
    %swap3A_27 = vector.load %arg6[%swap3A, %swap3A_26] : memref<2560x128xf32, #tpu.memory_space<vmem>>, vector<2560x128xf32>
    tpu.vector_store %arg6[%swap3A, %swap3A_26], %add3A_25 {strides = array<i32>} : memref<2560x128xf32, #tpu.memory_space<vmem>>, vector<2560x128xf32>,
    %logistic3A = arith.negf %add3A_25 : vector<2560x128xf32>
    %logistic3A_28 = math.exp %logistic3A : vector<2560x128xf32>
    %logistic3A_29 = arith.constant 1.000000e+00 : f32
    %logistic3A_30 = vector.broadcast %logistic3A_29 : f32 to vector<2560x128xf32>
    %logistic3A_31 = arith.addf %logistic3A_30, %logistic3A_28 : vector<2560x128xf32>
    %logistic3A_32 = arith.divf %logistic3A_30, %logistic3A_31 : vector<2560x128xf32>
    %swap3A_33 = arith.constant 0 : index
    %swap3A_34 = arith.constant 0 : index
    %swap3A_35 = vector.load %arg5[%swap3A_33, %swap3A_34] : memref<2560x128xf32, #tpu.memory_space<vmem>>, vector<2560x128xf32>
    tpu.vector_store %arg5[%swap3A_33, %swap3A_34], %logistic3A_32 {strides = array<i32>} : memref<2560x128xf32, #tpu.memory_space<vmem>>, vector<2560x128xf32>,
    return
  }
  func.func @transform_0(%arg0: i32) -> (i32, i32) {
    %c0_i32 = arith.constant 0 : i32
    %c0_i32_0 = arith.constant 0 : i32
    return %arg0, %c0_i32 : i32, i32
  }
  func.func @transform_1(%arg0: i32) -> (i32, i32) {
    %c0_i32 = arith.constant 0 : i32
    %c0_i32_0 = arith.constant 0 : i32
    %c0_i32_1 = arith.constant 0 : i32
    return %c0_i32, %c0_i32_0 : i32, i32
  }
  func.func @transform_2(%arg0: i32) -> (i32, i32) {
    %c0_i32 = arith.constant 0 : i32
    %c0_i32_0 = arith.constant 0 : i32
    %c0_i32_1 = arith.constant 0 : i32
    return %c0_i32, %c0_i32_0 : i32, i32
  }
  func.func @transform_3(%arg0: i32) -> (i32, i32) {
    %c0_i32 = arith.constant 0 : i32
    %c0_i32_0 = arith.constant 0 : i32
    %c0_i32_1 = arith.constant 0 : i32
    return %c0_i32, %c0_i32_0 : i32, i32
  }
  func.func @transform_4(%arg0: i32) -> (i32, i32) {
    %add3A = arith.constant 0 : i32
    %add3A_0 = arith.addi %arg0, %add3A : i32
    %c0_i32 = arith.constant 0 : i32
    %c0_i32_1 = arith.constant 0 : i32
    return %add3A_0, %c0_i32 : i32, i32
  }
  func.func @transform_5(%arg0: i32) -> (i32, i32) {
    %add3A = arith.constant 0 : i32
    %add3A_0 = arith.addi %arg0, %add3A : i32
    %c0_i32 = arith.constant 0 : i32
    %c0_i32_1 = arith.constant 0 : i32
    return %add3A_0, %c0_i32 : i32, i32
  }
}

module attributes {stable_mosaic.version = 14 : i64} {
  func.func @_dec_body_alias(%arg0: i32, %arg1: memref<2560x64xi32, #tpu.memory_space<vmem>>, %arg2: memref<64x128xf32, #tpu.memory_space<vmem>>, %arg3: memref<64x128xf32, #tpu.memory_space<vmem>>, %arg4: memref<1x128xf32, #tpu.memory_space<vmem>>, %arg5: memref<320000x128xf32, #tpu.memory_space<any>>, %arg6: memref<320000x128xf32, #tpu.memory_space<any>>, %arg7: memref<2560x128xf32, #tpu.memory_space<vmem>>, %arg8: memref<2560x128xf32, #tpu.memory_space<vmem>>) attributes {dimension_semantics = [#tpu.dimension_semantics<arbitrary>], iteration_bounds = array<i64: 62>, scalar_prefetch = 0 : i64, scratch_operands = 0 : i64, tpu.core_type = #tpu.core_type<tc>, window_params = [{transform_indices = @transform_0, window_bounds = array<i64: 2560, 64>}, {pipeline_mode = #tpu.pipeline_mode<synchronous>, transform_indices = @transform_1, window_bounds = array<i64: 64, 128>}, {pipeline_mode = #tpu.pipeline_mode<synchronous>, transform_indices = @transform_2, window_bounds = array<i64: 64, 128>}, {pipeline_mode = #tpu.pipeline_mode<synchronous>, transform_indices = @transform_3, window_bounds = array<i64: 1, 128>}, {}, {}, {transform_indices = @transform_6, window_bounds = array<i64: 2560, 128>}, {transform_indices = @transform_7, window_bounds = array<i64: 2560, 128>}]} {
    %get3A = arith.constant 0 : index
    %get3A_0 = arith.constant 0 : index
    %get3A_1 = vector.load %arg1[%get3A, %get3A_0] : memref<2560x64xi32, #tpu.memory_space<vmem>>, vector<2560x64xi32>
    %shift_left3A = arith.constant 16 : i32
    %shift_left3A_2 = vector.broadcast %shift_left3A : i32 to vector<2560x64xi32>
    %shift_left3A_3 = arith.shli %get3A_1, %shift_left3A_2 : vector<2560x64xi32>
    %bitcast_convert_type3A = tpu.bitcast %shift_left3A_3 : vector<2560x64xi32> -> vector<2560x64xf32>
    %and3A = arith.constant -65536 : i32
    %and3A_4 = vector.broadcast %and3A : i32 to vector<2560x64xi32>
    %and3A_5 = arith.andi %get3A_1, %and3A_4 : vector<2560x64xi32>
    %bitcast_convert_type3A_6 = tpu.bitcast %and3A_5 : vector<2560x64xi32> -> vector<2560x64xf32>
    %max3A = arith.constant 0.000000e+00 : f32
    %max3A_7 = vector.broadcast %max3A : f32 to vector<2560x64xf32>
    %max3A_8 = arith.maximumf %bitcast_convert_type3A, %max3A_7 : vector<2560x64xf32>
    %get3A_9 = arith.constant 0 : index
    %get3A_10 = arith.constant 0 : index
    %get3A_11 = vector.load %arg2[%get3A_9, %get3A_10] : memref<64x128xf32, #tpu.memory_space<vmem>>, vector<64x128xf32>
    %dot_general3A = arith.constant dense<0.000000e+00> : vector<2560x128xf32>
    %dot_general3A_12 = tpu.matmul %max3A_8, %get3A_11, %dot_general3A {dimension_numbers = #tpu.dot_dimension_numbers<[1], [0], [0], [1], [0, 0, 1, 1], [], []>, transpose_lhs_hint = false} : vector<2560x64xf32>, vector<64x128xf32>, vector<2560x128xf32> -> vector<2560x128xf32>
    %max3A_13 = arith.constant 0.000000e+00 : f32
    %max3A_14 = vector.broadcast %max3A_13 : f32 to vector<2560x64xf32>
    %max3A_15 = arith.maximumf %bitcast_convert_type3A_6, %max3A_14 : vector<2560x64xf32>
    %get3A_16 = arith.constant 0 : index
    %get3A_17 = arith.constant 0 : index
    %get3A_18 = vector.load %arg3[%get3A_16, %get3A_17] : memref<64x128xf32, #tpu.memory_space<vmem>>, vector<64x128xf32>
    %dot_general3A_19 = arith.constant dense<0.000000e+00> : vector<2560x128xf32>
    %dot_general3A_20 = tpu.matmul %max3A_15, %get3A_18, %dot_general3A_19 {dimension_numbers = #tpu.dot_dimension_numbers<[1], [0], [0], [1], [0, 0, 1, 1], [], []>, transpose_lhs_hint = false} : vector<2560x64xf32>, vector<64x128xf32>, vector<2560x128xf32> -> vector<2560x128xf32>
    %add3A = arith.addf %dot_general3A_12, %dot_general3A_20 : vector<2560x128xf32>
    %get3A_21 = arith.constant 0 : index
    %get3A_22 = arith.constant 0 : index
    %get3A_23 = vector.load %arg4[%get3A_21, %get3A_22] : memref<1x128xf32, #tpu.memory_space<vmem>>, vector<1x128xf32>
    %add3A_24 = vector.broadcast %get3A_23 : vector<1x128xf32> to vector<2560x128xf32>
    %add3A_25 = arith.addf %add3A, %add3A_24 : vector<2560x128xf32>
    %swap3A = arith.constant 0 : index
    %swap3A_26 = arith.constant 0 : index
    %swap3A_27 = vector.load %arg8[%swap3A, %swap3A_26] : memref<2560x128xf32, #tpu.memory_space<vmem>>, vector<2560x128xf32>
    tpu.vector_store %arg8[%swap3A, %swap3A_26], %add3A_25 {strides = array<i32>} : memref<2560x128xf32, #tpu.memory_space<vmem>>, vector<2560x128xf32>,
    %logistic3A = arith.negf %add3A_25 : vector<2560x128xf32>
    %logistic3A_28 = math.exp %logistic3A : vector<2560x128xf32>
    %logistic3A_29 = arith.constant 1.000000e+00 : f32
    %logistic3A_30 = vector.broadcast %logistic3A_29 : f32 to vector<2560x128xf32>
    %logistic3A_31 = arith.addf %logistic3A_30, %logistic3A_28 : vector<2560x128xf32>
    %logistic3A_32 = arith.divf %logistic3A_30, %logistic3A_31 : vector<2560x128xf32>
    %swap3A_33 = arith.constant 0 : index
    %swap3A_34 = arith.constant 0 : index
    %swap3A_35 = vector.load %arg7[%swap3A_33, %swap3A_34] : memref<2560x128xf32, #tpu.memory_space<vmem>>, vector<2560x128xf32>
    tpu.vector_store %arg7[%swap3A_33, %swap3A_34], %logistic3A_32 {strides = array<i32>} : memref<2560x128xf32, #tpu.memory_space<vmem>>, vector<2560x128xf32>,
    return
  }
  func.func @transform_0(%arg0: i32) -> (i32, i32) {
    %c0_i32 = arith.constant 0 : i32
    %c0_i32_0 = arith.constant 0 : i32
    return %arg0, %c0_i32 : i32, i32
  }
  func.func @transform_1(%arg0: i32) -> (i32, i32) {
    %c0_i32 = arith.constant 0 : i32
    %c0_i32_0 = arith.constant 0 : i32
    %c0_i32_1 = arith.constant 0 : i32
    return %c0_i32, %c0_i32_0 : i32, i32
  }
  func.func @transform_2(%arg0: i32) -> (i32, i32) {
    %c0_i32 = arith.constant 0 : i32
    %c0_i32_0 = arith.constant 0 : i32
    %c0_i32_1 = arith.constant 0 : i32
    return %c0_i32, %c0_i32_0 : i32, i32
  }
  func.func @transform_3(%arg0: i32) -> (i32, i32) {
    %c0_i32 = arith.constant 0 : i32
    %c0_i32_0 = arith.constant 0 : i32
    %c0_i32_1 = arith.constant 0 : i32
    return %c0_i32, %c0_i32_0 : i32, i32
  }
  func.func @transform_6(%arg0: i32) -> (i32, i32) {
    %add3A = arith.constant 63 : i32
    %add3A_0 = arith.addi %arg0, %add3A : i32
    %c0_i32 = arith.constant 0 : i32
    %c0_i32_1 = arith.constant 0 : i32
    return %add3A_0, %c0_i32 : i32, i32
  }
  func.func @transform_7(%arg0: i32) -> (i32, i32) {
    %add3A = arith.constant 63 : i32
    %add3A_0 = arith.addi %arg0, %add3A : i32
    %c0_i32 = arith.constant 0 : i32
    %c0_i32_1 = arith.constant 0 : i32
    return %add3A_0, %c0_i32 : i32, i32
  }
}

</mosaic_0001>

<sc_bundles>
// kernel: kernel.11.cloned.1.call-start
scs
__scs_entry_jumppad:
0x0: {  	(pc) =	sbr.rel $0x88, $3  }
0x1: {  	(tag) =	ssettag $0x0;
	lr =	simm.s32 $0x1  }
0x2: {  	[smem:$0x3F95] =	sst lr;
	_ =	strace $0xD0000000  }
0x3: {  	_ = 	snop  }
0x4: {  	_ = 	snop  }
0x5: {  	_ = 	snop  }
0x6: {  	_ = 	snop  }
0x7: {  	_ = 	snop  }
__scs_overlays_trampoline_lowered:
0x8: {  	[smem:$0x3FA4] =	sst s0  }
0x9: {  	[smem:$0x3FA5] =	sst s1  }
0xa: {  	[smem:$0x3FA6] =	sst s2  }
0xb: {  	[smem:$0x3FA7] =	sst s3  }
0xc: {  	[smem:$0x3FA8] =	sst s4  }
0xd: {  	[smem:$0x3FA9] =	sst s5  }
0xe: {  	[smem:$0x3FAA] =	sst s6  }
0xf: {  	[smem:$0x3FAB] =	sst s7  }
0x10: {  	[smem:$0x3FAC] =	sst s8  }
0x11: {  	[smem:$0x3FAD] =	sst s9;
	s0 =	simm.s32 @!p0 $0x0  }
0x12: {  	s1 =	sld [smem:$0x3F93];
	s0 =	simm.s32 @p0 $0x1  }
0x13: {  	[smem:$0x3FAE] =	sst s0;
	s0 =	simm.s32 @!p1 $0x0  }
0x14: {  	s2 =	sld [smem:$0x3F92];
	s0 =	simm.s32 @p1 $0x1  }
0x15: {  	[smem:$0x3FAF] =	sst s0;
	s0 =	simm.s32 @!p2 $0x0  }
0x16: {  	s3 =	sld [smem:$0x3FDB];
	s0 =	simm.s32 @p2 $0x1  }
0x17: {  	s4 =	simm.s32 $0x1BF5;
	[smem:$0x3FB1] =	sst s0  }
0x18: {  	s0 =	sld [smem:$0x3F94];
	_ =	swait.ge [sflag:s4], $0x0  }
0x19: {  	s7 =	sld [smem:$0x3F95]  }
0x1a: {  	s8 =	sadd.s32 $0xFFFFE003, lr  }
0x1b: {  	s9 =	sadd.s32 $0xFFFFFEF7, lr;
	s5 =	simm.s32 $0xFFFFFFFF;
	p2 =	slt.u32 s8, $0xFFFFF086  }
0x1c: {  	p1 =	slt.u32 s9, $0xF7A;
	s5 =	simm.s32 @!p2 $0x0  }
0x1d: {  	s5 =	simm.s32 @p1 $0x1;
	p0 =	seq.s32 s7, s2  }
0x1e: {  	s7 =	smul.u32 @!p0 $0xF7A, s2;
	p2 =	seq.s32 @!p0 s5, $0x0  }
0x1f: {  	s9 =	smul.u32 $0xF7A, s1;
	s8 =	simm.s32 @!p0 $0x1BF5;
	p2 =	por !p2, p0  }
0x20: {  	[sflag:s8] =	ssyncset.s32 @!p0 $0xFFFFF086;
	s6 =	sadd.s32 @!p0 s3, s7;
	s7 =	simm.s32 @!p0 $0x108  }
0x21: {  	s3 =	sadd.s32 s3, s9;
	s6 =	sadd.s32 @!p0 $0x88, s6;
	s7 =	simm.s32 @p2 $0x1082  }
0x22: {  	[simem:s7], [sflag:s8] =	dma.local @!p0 [hbm:s6], $0xF7A  }
0x23: {  	s9 =	sor.u32 $0xD0000000, s2;
	s6 =	simm.s32 $0x108;
	_ =	swait.ge @!p0 [sflag:s8], $0x0  }
0x24: {  	s3 =	sadd.s32 $0x88, s3;
	s6 =	simm.s32 @!p1 $0x1082;
	[sflag:s4] =	ssyncset.s32 $0xFFFFF086  }
0x25: {  	[simem:s6], [sflag:s4] =	dma.local [hbm:s3], $0xF7A  }
0x26: {  	[smem:$0x3F95] =	sst s1;
	(tag) =	ssettag s2;
	_ =	strace s9  }
0x27: {  	s1 =	sld [smem:$0x3FA5]  }
0x28: {  	s2 =	sld [smem:$0x3FA6]  }
0x29: {  	s4 =	sld [smem:$0x3FA8]  }
0x2a: {  	p0 =	seq.s32 s5, $0x0;
	s5 =	sld [smem:$0x3FA9]  }
0x2b: {  	s6 =	sld [smem:$0x3FAA]  }
0x2c: {  	s7 =	sld [smem:$0x3FAB]  }
0x2d: {  	s3 =	simm.s32 $0x108;
	s8 =	sld [smem:$0x3FAC]  }
0x2e: {  	s3 =	simm.s32 @!p0 $0x1082;
	s9 =	sld [smem:$0x3FAD]  }
0x2f: {  	lr =	sadd.s32 s0, s3;
	s0 =	sld [smem:$0x3FA4]  }
0x30: {  	s3 =	sld [smem:$0x3FA7]  }
0x31: {  	[smem:$0x3FB0] =	sst s10  }
0x32: {  	s10 =	sld [smem:$0x3FAE];
	_ =	sdelay $0x3  }
0x33: {  	p0 =	seq.s32 s10, $0x1;
	s10 =	sld [smem:$0x3FB0];
	_ =	sdelay $0x3  }
0x34: {  	[smem:$0x3FB0] =	sst s10  }
0x35: {  	s10 =	sld [smem:$0x3FAF];
	_ =	sdelay $0x3  }
0x36: {  	p1 =	seq.s32 s10, $0x1;
	s10 =	sld [smem:$0x3FB0];
	_ =	sdelay $0x3  }
0x37: {  	[smem:$0x3FB0] =	sst s10  }
0x38: {  	s10 =	sld [smem:$0x3FB1]  }
0x39: {  	_ = 	snop;
	(pc) =	sbr.ind lr, $3  }
0x3a: {  	_ = 	snop  }
0x3b: {  	_ = 	snop  }
0x3c: {  	p2 =	seq.s32 s10, $0x1;
	s10 =	sld [smem:$0x3FB0]  }
0x3d: {  	_ =	shalt  }
0x3e: {  	_ =	shalt  }
0x3f: {  	_ =	shalt  }
0x40: {  	_ =	shalt  }
0x41: {  	_ =	shalt  }
0x42: {  	_ =	shalt  }
0x43: {  	_ =	shalt  }
0x44: {  	_ =	shalt  }
0x45: {  	_ =	shalt  }
0x46: {  	_ =	shalt  }
0x47: {  	_ =	shalt  }
0x48: {  	_ =	shalt  }
0x49: {  	_ =	shalt  }
0x4a: {  	_ =	shalt  }
0x4b: {  	_ =	shalt  }
0x4c: {  	_ =	shalt  }
0x4d: {  	_ =	shalt  }
0x4e: {  	_ =	shalt  }
0x4f: {  	_ =	shalt  }
0x50: {  	_ =	shalt  }
0x51: {  	_ =	shalt  }
0x52: {  	_ =	shalt  }
0x53: {  	_ =	shalt  }
0x54: {  	_ =	shalt  }
0x55: {  	_ =	shalt  }
0x56: {  	_ =	shalt  }
0x57: {  	_ =	shalt  }
0x58: {  	_ =	shalt  }
0x59: {  	_ =	shalt  }
0x5a: {  	_ =	shalt  }
0x5b: {  	_ =	shalt  }
0x5c: {  	_ =	shalt  }
0x5d: {  	_ =	shalt  }
0x5e: {  	_ =	shalt  }
0x5f: {  	_ =	shalt  }
0x60: {  	_ =	shalt  }
0x61: {  	_ =	shalt  }
0x62: {  	_ =	shalt  }
0x63: {  	_ =	shalt  }
0x64: {  	_ =	shalt  }
0x65: {  	_ =	shalt  }
0x66: {  	_ =	shalt  }
0x67: {  	_ =	shalt  }
0x68: {  	_ =	shalt  }
0x69: {  	_ =	shalt  }
0x6a: {  	_ =	shalt  }
0x6b: {  	_ =	shalt  }
0x6c: {  	_ =	shalt  }
0x6d: {  	_ =	shalt  }
0x6e: {  	_ =	shalt  }
0x6f: {  	_ =	shalt  }
0x70: {  	_ =	shalt  }
0x71: {  	_ =	shalt  }
0x72: {  	_ =	shalt  }
0x73: {  	_ =	shalt  }
0x74: {  	_ =	shalt  }
0x75: {  	_ =	shalt  }
0x76: {  	_ =	shalt  }
0x77: {  	_ =	shalt  }
0x78: {  	_ =	shalt  }
0x79: {  	_ =	shalt  }
0x7a: {  	_ =	shalt  }
0x7b: {  	_ =	shalt  }
0x7c: {  	_ =	shalt  }
0x7d: {  	_ =	shalt  }
0x7e: {  	_ =	shalt  }
0x7f: {  	_ =	shalt  }
0x80: {  	_ =	shalt  }
0x81: {  	_ =	shalt  }
0x82: {  	_ =	shalt  }
0x83: {  	_ =	shalt  }
0x84: {  	_ =	shalt  }
0x85: {  	_ =	shalt  }
0x86: {  	_ =	shalt  }
0x87: {  	_ =	shalt  }
.Lfunc_end0:
.L_simem_size_0:
called_computation_lowered:
.L_overlay_start_0:
0x88: {  	s2 =	sld [smem:$0x3FD9]  }
0x89: {  	s3 =	sld [smem:$0x3FFE];
	_ =	sdelay $0x1  }
0x8a: {  	s1 =	srdreg.scid  }
0x8b: {  	s0 =	sand.u32 $0x1, s1  }
0x8c: {  	s14 =	sshll.u32 s0, $0xA;
	s2 =	sadd.s32 s3, s2  }
0x8d: {  	s2 =	sadd.s32 s2, s14  }
0x8e: {  	[smem:$0x3FBC] =	sst s2  }
0x8f: {  	_ = 	snop  }
0x90: {  	s2 =	sld [smem:$0x3FD0];
	_ =	sdelay $0x2  }
0x91: {  	s15 =	simm.s32 $0xB;
	s4 =	simm.s32 $0x10  }
0x92: {  	[smem:s4], [sflag:s15] =	dma.local [hbm:s2], $0x1  }
0x93: {  	_ =	swait.eq [sflag:s15], $0x1  }
0x94: {  	[sflag:s15] =	ssyncset.done $0x0  }
0x95: {  	s16 =	sld [smem:$0x10];
	[sflag:s15] =	ssyncadd.s32 $0xFFFFFFFF  }
0x96: {  	s17 =	sld [smem:$0x13];
	(tm) =	ssettm $0x1  }
0x97: {  	s18 =	sld [smem:$0x3FFB];
	_ =	sdelay $0x3  }
0x98: {  	_ =	strace s18  }
0x99: {  	s4 =	sld [smem:$0x3FFC];
	_ =	sdelay $0x3  }
0x9a: {  	_ =	strace s4  }
0x9b: {  	s4 =	sld [smem:$0x3FFD];
	_ =	sdelay $0x3  }
0x9c: {  	_ =	strace s4  }
0x9d: {  	_ =	strace $0x8FFFFFFF  }
0x9e: {  	s19 =	sld [smem:$0x3FDB];
	_ =	sdelay $0x1  }
0x9f: {  	s5 =	simm.s32 $_scs_section_size  }
0xa0: {  	s6 =	simm.s32 $_size__tile_overlayer_lowered;
	s7 =	simm.s32 $_tile_overlayer_lowered  }
0xa1: {  	s22 =	simm.s32 $0x1BFF;
	s21 =	sshll.u32 s7, $0x1;
	s4 =	sadd.s32 s5, s19  }
0xa2: {  	s8 =	simm.s32 $0x0;
	s20 =	sshll.u32 s6, $0x1;
	s6 =	sadd.s32 s21, s4  }
0xa3: {  	[timem:s8], [sflag:s22] =	dma.local [hbm:s6], s20  }
0xa4: {  	_ =	swait.ge [sflag:s22], s20  }
0xa5: {  	s5 =	ssub.s32 $0x0, s20;
	[sflag:s22] =	ssyncset.done $0x0  }
0xa6: {  	[sflag:s22] =	ssyncadd.s32 s5;
	_ =	sdelay $0x1  }
0xa7: {  	s23 =	simm.s32 $0x1B8B  }
0xa8: {  	_ =	swait.ge [sflag:s23], $0x1  }
0xa9: {  	[sflag:s23] =	ssyncset.done $0x0  }
0xaa: {  	s25 =	simm.s32 $0x1B8E;
	s24 =	sld [smem:$0x3FFE];
	[sflag:s23] =	ssyncadd.s32 $0xFFFFFFFF  }
0xab: {  	s26 =	simm.s32 $execute0_lowered;
	[smem:$0x3FD2] =	sst s25  }
0xac: {  	s6 =	sshll.u32 s26, $0x1;
	_ =	strace $0x80000046;
	[dreg:$0x1] =	wrdreg $0xFFFFFFFF  }
0xad: {  	s28 =	simm.s32 $_size_execute0_lowered;
	s4 =	sadd.s32 s4, s6;
	[dreg:$0x0] =	wrdreg $0x0  }
0xae: {  	s6 =	sshll.u32 s28, $0x1;
	[dreg:$0x2] =	wrdreg s4  }
0xaf: {  	[dreg:$0x3] =	wrdreg s6  }
0xb0: {  	[dreg:$0x4] =	wrdreg $0xC0  }
0xb1: {  	_ =	task [dreg:s8], $0x5FFFF  }
0xb2: {  	[dreg:$0x1] =	wrdreg $0xFFFFFFFF  }
0xb3: {  	[dreg:$0x0] =	wrdreg $0x60  }
0xb4: {  	[dreg:$0x2] =	wrdreg s17  }
0xb5: {  	[dreg:$0x3] =	wrdreg s24  }
0xb6: {  	[dreg:$0x4] =	wrdreg s16  }
0xb7: {  	[dreg:$0x5] =	wrdreg $0x34800  }
0xb8: {  	[dreg:$0x6] =	wrdreg $0x9  }
0xb9: {  	_ =	task.clear_ibuf [dreg:s8], $0x7FFFF;
	_ =	strace $0x90000046  }
0xba: {  	s29 =	simm.s32 $0x9;
	_ =	strace $0x80000048  }
0xbb: {  	_ =	swait.ge [sflag:s29], $0x1  }
0xbc: {  	[sflag:s29] =	ssyncadd.s32 $0xFFFFFFFF  }
0xbd: {  	_ =	strace $0x90000048  }
0xbe: {  	_ =	sfence  }
0xbf: {  	s30 =	sld [smem:$0x0];
	_ =	sdelay $0x2  }
0xc0: {  	s31 =	sshll.u32 s1, $0xD;
	s1 =	sshrl.u32 s1, $0x2  }
0xc1: {  	s3 =	sand.u32 $0x4000, s31;
	s1 =	sadd.s32 s1, s30  }
0xc2: {  	s0 =	sor.u32 s3, s0;
	s1 =	sshll.u32 s1, $0x11  }
0xc3: {  	s0 =	sor.u32 s1, s0  }
0xc4: {  	s0 =	sadd.s32 $0x8F2B, s0  }
0xc5: {  	[sflag:s0] =	ssyncadd.remote.s32 $0x1  }
0xc6: {  	_ =	sfence.sel $0xFFFF  }
0xc7: {  	[dreg:$0x0] =	wrdreg $0xFFFFFFFF;
	(pc) =	sbr.abs _section_cstart, $3  }
0xc8: {  	[dreg:$0x1] =	wrdreg $0xFFFFFFFF  }
0xc9: {  	_ =	task.clear_ibuf [dreg:s8], $0x2FFFF;
	_ =	strace $0x9FFFFFFF  }
0xca: {  	(tm) =	ssettm $0x7FFFFFFF  }
0xcb: {  	_ =	shalt  }
tec
execute0_lowered:
.L_overlay_start_1:
0x0: {  	(tag) =	ssettag $0x1  }
0x1: {  	s5 =	rddreg [dreg:$0x0]  }
0x2: {  	s4 =	rddreg [dreg:$0x1]  }
0x3: {  	s6 =	rddreg [dreg:$0x2]  }
0x4: {  	s1 =	rddreg [dreg:$0x3];
	s2 =	srdreg.scid  }
0x5: {  	s0 =	rddreg [dreg:$0x4];
	s7 =	stileid.u32  }
0x6: {  	s12 =	simm.s32 $0x0;
	s3 =	sand.u32 $0x1, s2;
	s2 =	simm.s32 $0x0  }
0x7: {  	p0 =	sne.s32 s7, $0x0;
	s8 =	sshll.u32 s3, $0x4;
	[smem:$0x7FF] =	sst s2  }
0x8: {  	s9 =	ssub.s32 $0x2, s3;
	s3 =	sadd.s32 $0xDA00, s4;
	s4 =	sadd.s32 $0xDC00, s4  }
0x9: {  	s31 =	sor.u32 s7, s8;
	_ =	strace $0x80000047;
	s10 =	sshrl.u32 s9, $0x1  }
0xa: {  	s6 =	sadd.s32 s6, s8;
	s11 =	smul.u32 $0x680, s31;
	s9 =	ssub.s32 s9, s10  }
0xb: {  	s8 =	sshrl.u32 @!p0 s1, $0x3;
	s10 =	simm.s32 $0x3400;
	s7 =	smax.u32 s9, $0x1  }
0xc: {  	s9 =	simm.s32 $0x1;
	s5 =	sadd.s32 s5, s11;
	s11 =	simm.s32 $0x64  }
.LBB2_1:
0xd: {  	s13 =	simm.s32 @!p0 $0x1C01  }
0xe: {  	[spmem:s8], [sflag:s13] =	dma.local @!p0 [hbm:s4], $0x4F0  }
0xf: {  	s13 =	simm.s32 @!p0 $0x1  }
0x10: {  	_ =	swait.ge @!p0 [sflag:s13], $0x4F0  }
0x11: {  	[sflag:s13] =	ssyncset.done @!p0 $0x0  }
0x12: {  	[sflag:s13] =	ssyncadd.s32 @!p0 $0xFFFFFB10  }
0x13: {  	[tilespmem:s2], [sflag:$0x1] =	stream.linear.gather [hbm4b:s5+s2], $0x3200, $0x38;
	[tilespmem:$0x36F8] =	vst v63  }
0x14: {  	_ =	swait.ge [sflag:s9], $0x3200  }
0x15: {  	[sflag:s9] =	ssyncset.done $0x0  }
0x16: {  	[sflag:s9] =	ssyncadd.s32 $0xFFFFCE00  }
0x17: {  	[tilespmem:s10], [sflag:$0x1] =	stream.linear.gather [hbm4b:s3+s2], $0x80, $0x38;
	[tilespmem:$0x36F8] =	vst v63  }
0x18: {  	_ =	swait.ge [sflag:s9], $0x80  }
0x19: {  	[sflag:s9] =	ssyncset.done $0x0  }
0x1a: {  	[sflag:s9] =	ssyncadd.s32 $0xFFFFFF80  }
0x1b: {  	s31 =	simm.s32 $0x0;
	[bflag:$0x0] =	sbarrier.arrive $0xFFFF  }
0x1c: {  	[spmem:s1] =	stream.indirect.scatter.add.f32 [tilespmem:s10], [sflag:$0x1], $0x1, s31, s11, $0xb8;
	[tilespmem:$0x36F8] =	vst v63  }
0x1d: {  	_ =	swait.ge [sflag:s9], $0x64  }
0x1e: {  	s13 =	simm.s32 $0x200;
	[sflag:s9] =	ssyncset.done $0x0  }
.LBB2_2:
0x1f: {  	s14 =	sshra.s32 s13, $0x2;
	[sflag:s9] =	ssyncadd.s32 $0xFFFFFF9C;
	p1 =	sne.s32 s13, $0xC600  }
0x20: {  	[spmem:s1] =	stream.indirect.scatter.add.f32 [tilespmem:s10], [sflag:$0x1], $0x1, s14, s11, $0xb8;
	[tilespmem:$0x36F8] =	vst v63  }
.Ltmp0:
0x21: {  	_ = 	snop;
	(pc) =	sbr.rel @p1 .LBB2_2-.Ltmp0, $4  }
0x22: {  	_ = 	snop  }
0x23: {  	s13 =	sadd.s32 $0x200, s13  }
0x24: {  	_ =	swait.ge [sflag:s9], $0x64  }
0x25: {  	[sflag:s9] =	ssyncset.done $0x0  }
0x26: {  	[sflag:s9] =	ssyncadd.s32 $0xFFFFFF9C;
	s13 =	simm.s32 @!p0 $0x1;
	s12 =	sadd.s32 $0x1, s12  }
0x27: {  	s14 =	simm.s32 @!p0 $0x20;
	s15 =	simm.s32 @!p0 $0x10;
	p1 =	sne.s32 s12, s7  }
.Ltmp1:
0x28: {  	s16 =	simm.s32 @!p0 $0x1C01;
	[bflag:$0x0] =	sbarrier.arrive $0xFFFF;
	(pc) =	sbr.rel @p1 .LBB2_1-.Ltmp1, $4  }
0x29: {  	[hbm:s6@s14], [sflag:s16] =	dma.strided @!p0 [spmem:s8@s15], $0x4F0, s13, $0x10   }
0x2a: {  	_ =	swait.ge @!p0 [sflag:s13], $0x4F0  }
0x2b: {  	[sflag:s13] =	ssyncset.done @!p0 $0x0  }
0x2c: {  	[sflag:s13] =	ssyncadd.s32 @!p0 $0xFFFFFB10  }
0x2d: {  	_ =	sfence.sel $0x180000  }
0x2e: {  	[bflag:$0x0] =	sbarrier.arrive $0xFFFF  }
0x2f: {  	_ =	strace $0x90000047  }
0x30: {  	s0 =	sadd.s32 @!p0 $0x100000, s0;
	[bflag:$0x2] =	sbarrier.arrive $0xFFFF  }
0x31: {  	[sflag:s0] =	ssyncadd.tile.s32 @!p0 $0x1;
	_ =	shalt  }
.Lfunc_end2:
_tile_overlayer_lowered:
.L_overlay_start_2:
0x32: {  	(tag) =	ssettag $0x2  }
0x33: {  	s0 =	rddreg [dreg:$0x0];
	s2 =	stileid.u32  }
0x34: {  	s1 =	rddreg [dreg:$0x1];
	p0 =	sne.s32 s2, $0x0  }
0x35: {  	s3 =	rddreg [dreg:$0x2];
	[bflag:$0x3] =	sbarrier.arrive $0xFFFF;
	s2 =	simm.s32 @!p0 $0x1C01  }
0x36: {  	[timem:s3], [sflag:s2] =	dma.local @!p0 [hbm:s0], s1  }
0x37: {  	s0 =	simm.s32 @!p0 $0x1  }
0x38: {  	_ =	swait.ge @!p0 [sflag:s0], s1  }
0x39: {  	s1 =	ssub.s32 @!p0 $0x0, s1;
	[sflag:s0] =	ssyncset.done @!p0 $0x0  }
0x3a: {  	[sflag:s0] =	ssyncadd.s32 @!p0 s1  }
0x3b: {  	[bflag:$0x3] =	sbarrier.arrive $0xFFFF  }
0x3c: {  	_ =	shalt  }

// kernel: kernel.14.cloned.1.call-start
scs
__scs_entry_jumppad:
0x0: {  	(pc) =	sbr.rel $0x88, $3  }
0x1: {  	(tag) =	ssettag $0x0;
	lr =	simm.s32 $0x1  }
0x2: {  	[smem:$0x3F95] =	sst lr;
	_ =	strace $0xD0000000  }
0x3: {  	_ = 	snop  }
0x4: {  	_ = 	snop  }
0x5: {  	_ = 	snop  }
0x6: {  	_ = 	snop  }
0x7: {  	_ = 	snop  }
__scs_overlays_trampoline_lowered:
0x8: {  	[smem:$0x3FA4] =	sst s0  }
0x9: {  	[smem:$0x3FA5] =	sst s1  }
0xa: {  	[smem:$0x3FA6] =	sst s2  }
0xb: {  	[smem:$0x3FA7] =	sst s3  }
0xc: {  	[smem:$0x3FA8] =	sst s4  }
0xd: {  	[smem:$0x3FA9] =	sst s5  }
0xe: {  	[smem:$0x3FAA] =	sst s6  }
0xf: {  	[smem:$0x3FAB] =	sst s7  }
0x10: {  	[smem:$0x3FAC] =	sst s8  }
0x11: {  	[smem:$0x3FAD] =	sst s9;
	s0 =	simm.s32 @!p0 $0x0  }
0x12: {  	s1 =	sld [smem:$0x3F93];
	s0 =	simm.s32 @p0 $0x1  }
0x13: {  	[smem:$0x3FAE] =	sst s0;
	s0 =	simm.s32 @!p1 $0x0  }
0x14: {  	s2 =	sld [smem:$0x3F92];
	s0 =	simm.s32 @p1 $0x1  }
0x15: {  	[smem:$0x3FAF] =	sst s0;
	s0 =	simm.s32 @!p2 $0x0  }
0x16: {  	s3 =	sld [smem:$0x3FDB];
	s0 =	simm.s32 @p2 $0x1  }
0x17: {  	s4 =	simm.s32 $0x1BF5;
	[smem:$0x3FB1] =	sst s0  }
0x18: {  	s0 =	sld [smem:$0x3F94];
	_ =	swait.ge [sflag:s4], $0x0  }
0x19: {  	s7 =	sld [smem:$0x3F95]  }
0x1a: {  	s8 =	sadd.s32 $0xFFFFE003, lr  }
0x1b: {  	s9 =	sadd.s32 $0xFFFFFEF7, lr;
	s5 =	simm.s32 $0xFFFFFFFF;
	p2 =	slt.u32 s8, $0xFFFFF086  }
0x1c: {  	p1 =	slt.u32 s9, $0xF7A;
	s5 =	simm.s32 @!p2 $0x0  }
0x1d: {  	s5 =	simm.s32 @p1 $0x1;
	p0 =	seq.s32 s7, s2  }
0x1e: {  	s7 =	smul.u32 @!p0 $0xF7A, s2;
	p2 =	seq.s32 @!p0 s5, $0x0  }
0x1f: {  	s9 =	smul.u32 $0xF7A, s1;
	s8 =	simm.s32 @!p0 $0x1BF5;
	p2 =	por !p2, p0  }
0x20: {  	[sflag:s8] =	ssyncset.s32 @!p0 $0xFFFFF086;
	s6 =	sadd.s32 @!p0 s3, s7;
	s7 =	simm.s32 @!p0 $0x108  }
0x21: {  	s3 =	sadd.s32 s3, s9;
	s6 =	sadd.s32 @!p0 $0x88, s6;
	s7 =	simm.s32 @p2 $0x1082  }
0x22: {  	[simem:s7], [sflag:s8] =	dma.local @!p0 [hbm:s6], $0xF7A  }
0x23: {  	s9 =	sor.u32 $0xD0000000, s2;
	s6 =	simm.s32 $0x108;
	_ =	swait.ge @!p0 [sflag:s8], $0x0  }
0x24: {  	s3 =	sadd.s32 $0x88, s3;
	s6 =	simm.s32 @!p1 $0x1082;
	[sflag:s4] =	ssyncset.s32 $0xFFFFF086  }
0x25: {  	[simem:s6], [sflag:s4] =	dma.local [hbm:s3], $0xF7A  }
0x26: {  	[smem:$0x3F95] =	sst s1;
	(tag) =	ssettag s2;
	_ =	strace s9  }
0x27: {  	s1 =	sld [smem:$0x3FA5]  }
0x28: {  	s2 =	sld [smem:$0x3FA6]  }
0x29: {  	s4 =	sld [smem:$0x3FA8]  }
0x2a: {  	p0 =	seq.s32 s5, $0x0;
	s5 =	sld [smem:$0x3FA9]  }
0x2b: {  	s6 =	sld [smem:$0x3FAA]  }
0x2c: {  	s7 =	sld [smem:$0x3FAB]  }
0x2d: {  	s3 =	simm.s32 $0x108;
	s8 =	sld [smem:$0x3FAC]  }
0x2e: {  	s3 =	simm.s32 @!p0 $0x1082;
	s9 =	sld [smem:$0x3FAD]  }
0x2f: {  	lr =	sadd.s32 s0, s3;
	s0 =	sld [smem:$0x3FA4]  }
0x30: {  	s3 =	sld [smem:$0x3FA7]  }
0x31: {  	[smem:$0x3FB0] =	sst s10  }
0x32: {  	s10 =	sld [smem:$0x3FAE];
	_ =	sdelay $0x3  }
0x33: {  	p0 =	seq.s32 s10, $0x1;
	s10 =	sld [smem:$0x3FB0];
	_ =	sdelay $0x3  }
0x34: {  	[smem:$0x3FB0] =	sst s10  }
0x35: {  	s10 =	sld [smem:$0x3FAF];
	_ =	sdelay $0x3  }
0x36: {  	p1 =	seq.s32 s10, $0x1;
	s10 =	sld [smem:$0x3FB0];
	_ =	sdelay $0x3  }
0x37: {  	[smem:$0x3FB0] =	sst s10  }
0x38: {  	s10 =	sld [smem:$0x3FB1]  }
0x39: {  	_ = 	snop;
	(pc) =	sbr.ind lr, $3  }
0x3a: {  	_ = 	snop  }
0x3b: {  	_ = 	snop  }
0x3c: {  	p2 =	seq.s32 s10, $0x1;
	s10 =	sld [smem:$0x3FB0]  }
0x3d: {  	_ =	shalt  }
0x3e: {  	_ =	shalt  }
0x3f: {  	_ =	shalt  }
0x40: {  	_ =	shalt  }
0x41: {  	_ =	shalt  }
0x42: {  	_ =	shalt  }
0x43: {  	_ =	shalt  }
0x44: {  	_ =	shalt  }
0x45: {  	_ =	shalt  }
0x46: {  	_ =	shalt  }
0x47: {  	_ =	shalt  }
0x48: {  	_ =	shalt  }
0x49: {  	_ =	shalt  }
0x4a: {  	_ =	shalt  }
0x4b: {  	_ =	shalt  }
0x4c: {  	_ =	shalt  }
0x4d: {  	_ =	shalt  }
0x4e: {  	_ =	shalt  }
0x4f: {  	_ =	shalt  }
0x50: {  	_ =	shalt  }
0x51: {  	_ =	shalt  }
0x52: {  	_ =	shalt  }
0x53: {  	_ =	shalt  }
0x54: {  	_ =	shalt  }
0x55: {  	_ =	shalt  }
0x56: {  	_ =	shalt  }
0x57: {  	_ =	shalt  }
0x58: {  	_ =	shalt  }
0x59: {  	_ =	shalt  }
0x5a: {  	_ =	shalt  }
0x5b: {  	_ =	shalt  }
0x5c: {  	_ =	shalt  }
0x5d: {  	_ =	shalt  }
0x5e: {  	_ =	shalt  }
0x5f: {  	_ =	shalt  }
0x60: {  	_ =	shalt  }
0x61: {  	_ =	shalt  }
0x62: {  	_ =	shalt  }
0x63: {  	_ =	shalt  }
0x64: {  	_ =	shalt  }
0x65: {  	_ =	shalt  }
0x66: {  	_ =	shalt  }
0x67: {  	_ =	shalt  }
0x68: {  	_ =	shalt  }
0x69: {  	_ =	shalt  }
0x6a: {  	_ =	shalt  }
0x6b: {  	_ =	shalt  }
0x6c: {  	_ =	shalt  }
0x6d: {  	_ =	shalt  }
0x6e: {  	_ =	shalt  }
0x6f: {  	_ =	shalt  }
0x70: {  	_ =	shalt  }
0x71: {  	_ =	shalt  }
0x72: {  	_ =	shalt  }
0x73: {  	_ =	shalt  }
0x74: {  	_ =	shalt  }
0x75: {  	_ =	shalt  }
0x76: {  	_ =	shalt  }
0x77: {  	_ =	shalt  }
0x78: {  	_ =	shalt  }
0x79: {  	_ =	shalt  }
0x7a: {  	_ =	shalt  }
0x7b: {  	_ =	shalt  }
0x7c: {  	_ =	shalt  }
0x7d: {  	_ =	shalt  }
0x7e: {  	_ =	shalt  }
0x7f: {  	_ =	shalt  }
0x80: {  	_ =	shalt  }
0x81: {  	_ =	shalt  }
0x82: {  	_ =	shalt  }
0x83: {  	_ =	shalt  }
0x84: {  	_ =	shalt  }
0x85: {  	_ =	shalt  }
0x86: {  	_ =	shalt  }
0x87: {  	_ =	shalt  }
.Lfunc_end0:
.L_simem_size_0:
called_computation.1_lowered:
.L_overlay_start_0:
0x88: {  	s2 =	sld [smem:$0x3FD9]  }
0x89: {  	s3 =	sld [smem:$0x3FFE];
	_ =	sdelay $0x1  }
0x8a: {  	s1 =	srdreg.scid  }
0x8b: {  	s0 =	sand.u32 $0x1, s1  }
0x8c: {  	s14 =	sshll.u32 s0, $0xA;
	s2 =	sadd.s32 s3, s2  }
0x8d: {  	s2 =	sadd.s32 s2, s14  }
0x8e: {  	[smem:$0x3FBC] =	sst s2  }
0x8f: {  	_ = 	snop  }
0x90: {  	s2 =	sld [smem:$0x3FD0];
	_ =	sdelay $0x2  }
0x91: {  	s15 =	simm.s32 $0xB;
	s4 =	simm.s32 $0x10  }
0x92: {  	[smem:s4], [sflag:s15] =	dma.local [hbm:s2], $0x1  }
0x93: {  	_ =	swait.eq [sflag:s15], $0x1  }
0x94: {  	s16 =	sld [smem:$0x10]  }
0x95: {  	s17 =	sld [smem:$0x11];
	[sflag:s15] =	ssyncset.done $0x0  }
0x96: {  	s5 =	sld [smem:$0x12];
	[sflag:s15] =	ssyncadd.s32 $0xFFFFFFFF  }
0x97: {  	s18 =	sld [smem:$0x13];
	(tm) =	ssettm $0x1  }
0x98: {  	s6 =	sld [smem:$0x3FFB];
	_ =	sdelay $0x3  }
0x99: {  	_ =	strace s6  }
0x9a: {  	s6 =	sld [smem:$0x3FFC];
	_ =	sdelay $0x3  }
0x9b: {  	_ =	strace s6  }
0x9c: {  	s6 =	sld [smem:$0x3FFD];
	_ =	sdelay $0x3  }
0x9d: {  	_ =	strace s6  }
0x9e: {  	_ =	strace $0x8FFFFFFF  }
0x9f: {  	s19 =	sld [smem:$0x3FDB];
	_ =	sdelay $0x1  }
0xa0: {  	s7 =	simm.s32 $_scs_section_size  }
0xa1: {  	s8 =	simm.s32 $_size__tile_overlayer_lowered;
	s9 =	simm.s32 $_tile_overlayer_lowered  }
0xa2: {  	s22 =	simm.s32 $0x1BFF;
	s21 =	sshll.u32 s9, $0x1;
	s6 =	sadd.s32 s7, s19  }
0xa3: {  	s10 =	simm.s32 $0x0;
	s20 =	sshll.u32 s8, $0x1;
	s8 =	sadd.s32 s21, s6  }
0xa4: {  	[timem:s10], [sflag:s22] =	dma.local [hbm:s8], s20  }
0xa5: {  	_ =	swait.ge [sflag:s22], s20  }
0xa6: {  	s7 =	ssub.s32 $0x0, s20;
	[sflag:s22] =	ssyncset.done $0x0  }
0xa7: {  	[sflag:s22] =	ssyncadd.s32 s7;
	_ =	sdelay $0x1  }
0xa8: {  	s23 =	simm.s32 $0x1B8B  }
0xa9: {  	_ =	swait.ge [sflag:s23], $0x1  }
0xaa: {  	[sflag:s23] =	ssyncset.done $0x0  }
0xab: {  	s25 =	simm.s32 $0x1B8E;
	s24 =	sld [smem:$0x3FFE];
	[sflag:s23] =	ssyncadd.s32 $0xFFFFFFFF  }
0xac: {  	s26 =	simm.s32 $execute0_lowered;
	[smem:$0x3FD2] =	sst s25  }
0xad: {  	s8 =	sshll.u32 s26, $0x1;
	_ =	strace $0x80000049;
	[dreg:$0x1] =	wrdreg $0xFFFFFFFF  }
0xae: {  	s28 =	simm.s32 $_size_execute0_lowered;
	s6 =	sadd.s32 s6, s8;
	[dreg:$0x0] =	wrdreg $0x0  }
0xaf: {  	s8 =	sshll.u32 s28, $0x1;
	[dreg:$0x2] =	wrdreg s6  }
0xb0: {  	[dreg:$0x3] =	wrdreg s8  }
0xb1: {  	[dreg:$0x4] =	wrdreg $0xC0  }
0xb2: {  	_ =	task [dreg:s10], $0x5FFFF  }
0xb3: {  	[dreg:$0x1] =	wrdreg $0xFFFFFFFF  }
0xb4: {  	[dreg:$0x0] =	wrdreg $0x60  }
0xb5: {  	[dreg:$0x2] =	wrdreg s17  }
0xb6: {  	[dreg:$0x3] =	wrdreg s24  }
0xb7: {  	[dreg:$0x4] =	wrdreg s16  }
0xb8: {  	[dreg:$0x5] =	wrdreg s5  }
0xb9: {  	[dreg:$0x6] =	wrdreg s18  }
0xba: {  	[dreg:$0x7] =	wrdreg $0xA0000  }
0xbb: {  	[dreg:$0x8] =	wrdreg $0x9  }
0xbc: {  	_ =	task.clear_ibuf [dreg:s10], $0x9FFFF;
	_ =	strace $0x90000049  }
0xbd: {  	s29 =	simm.s32 $0x9;
	_ =	strace $0x8000004B  }
0xbe: {  	_ =	swait.ge [sflag:s29], $0x1  }
0xbf: {  	[sflag:s29] =	ssyncadd.s32 $0xFFFFFFFF  }
0xc0: {  	_ =	strace $0x9000004B  }
0xc1: {  	_ =	sfence  }
0xc2: {  	s30 =	sld [smem:$0x0];
	_ =	sdelay $0x2  }
0xc3: {  	s31 =	sshll.u32 s1, $0xD;
	s1 =	sshrl.u32 s1, $0x2  }
0xc4: {  	s3 =	sand.u32 $0x4000, s31;
	s1 =	sadd.s32 s1, s30  }
0xc5: {  	s0 =	sor.u32 s3, s0;
	s1 =	sshll.u32 s1, $0x11  }
0xc6: {  	s0 =	sor.u32 s1, s0  }
0xc7: {  	s0 =	sadd.s32 $0x8F2B, s0  }
0xc8: {  	[sflag:s0] =	ssyncadd.remote.s32 $0x1  }
0xc9: {  	_ =	sfence.sel $0xFFFF  }
0xca: {  	[dreg:$0x0] =	wrdreg $0xFFFFFFFF;
	(pc) =	sbr.abs _section_cstart, $3  }
0xcb: {  	[dreg:$0x1] =	wrdreg $0xFFFFFFFF  }
0xcc: {  	_ =	task.clear_ibuf [dreg:s10], $0x2FFFF;
	_ =	strace $0x9FFFFFFF  }
0xcd: {  	(tm) =	ssettm $0x7FFFFFFF  }
tec
execute0_lowered:
.L_overlay_start_1:
0x0: {  	(tag) =	ssettag $0x1  }
0x1: {  	s8 =	rddreg [dreg:$0x0]  }
0x2: {  	s6 =	rddreg [dreg:$0x1]  }
0x3: {  	s1 =	rddreg [dreg:$0x2]  }
0x4: {  	s2 =	rddreg [dreg:$0x3]  }
0x5: {  	s10 =	rddreg [dreg:$0x4]  }
0x6: {  	s3 =	rddreg [dreg:$0x5]  }
0x7: {  	s0 =	rddreg [dreg:$0x6];
	s4 =	simm.s32 $0x0  }
0x8: {  	s5 =	srdreg.scid;
	s16 =	simm.s32 $0x64;
	s17 =	simm.s32 $0x3800  }
0x9: {  	s18 =	simm.s32 $0x1;
	s19 =	simm.s32 $0x6C00;
	s20 =	simm.s32 $0x2  }
0xa: {  	s21 =	simm.s32 $0x1880;
	s22 =	simm.s32 $0x3400;
	s23 =	simm.s32 $0x3480  }
0xb: {  	s24 =	simm.s32 $0x0;
	s7 =	sand.u32 $0x1, s5;
	s5 =	stileid.u32  }
0xc: {  	[smem:$0x7FF] =	sst s4;
	s13 =	sadd.s32 $0xE200, s6;
	s12 =	smul.u32 $0x7D000, s5  }
0xd: {  	_ =	strace $0x8000004A;
	s9 =	sshll.u32 s7, $0x4;
	s31 =	smul.u32 $0x138800, s7  }
0xe: {  	s11 =	ssub.s32 $0x2, s7;
	s15 =	smul.u32 $0x1F400, s5;
	s9 =	sor.u32 s5, s9  }
0xf: {  	p0 =	sgt.u32 s5, $0x9;
	s29 =	sshrl.u32 s11, $0x1;
	s9 =	smul.u32 $0x3800, s9  }
0x10: {  	s11 =	ssub.s32 s11, s29;
	s30 =	sshrl.u32 s12, $0x2;
	s12 =	sadd.s32 s15, s31  }
0x11: {  	s15 =	simm.s32 $0x1C00;
	s14 =	sadd.s32 s30, s3;
	s12 =	sshrl.u32 s12, $0x3  }
0x12: {  	s11 =	smax.u32 s11, $0x1;
	s9 =	sshrl.u32 s9, $0x3;
	s10 =	sadd.s32 s10, s12  }
0x13: {  	s6 =	sadd.s32 s8, s9;
	s7 =	sadd.s32 s13, s9;
	s9 =	sadd.s32 $0x380, s9  }
0x14: {  	s8 =	sadd.s32 s8, s9;
	s9 =	sadd.s32 s13, s9;
	s13 =	sshll.u32 @!p0 s5, $0x6  }
0x15: {  	s12 =	sor.u32 @!p0 $0x1C03, s13;
	s13 =	sshrl.u32 @!p0 s14, $0x3;
	s14 =	simm.s32 $0x3  }
.LBB2_1:
0x16: {  	[spmem:s13], [sflag:s12] =	dma.local @!p0 [hbm:s2], $0x3E80  }
0x17: {  	s25 =	simm.s32 @!p0 $0x3  }
0x18: {  	_ =	swait.ge @!p0 [sflag:s25], $0x3E80  }
0x19: {  	[sflag:s25] =	ssyncset.done @!p0 $0x0  }
0x1a: {  	[sflag:s25] =	ssyncadd.s32 @!p0 $0xFFFFC180  }
0x1b: {  	[bflag:$0x0] =	sbarrier.arrive $0xFFFF  }
0x1c: {  	[tilespmem:s4], [sflag:$0x3] =	stream.linear.gather [hbm4b:s6+s4], $0x1900, $0x38;
	[tilespmem:$0x1D880] =	vst v63  }
0x1d: {  	_ =	swait.ge [sflag:s14], $0x1900  }
0x1e: {  	[sflag:s14] =	ssyncset.done $0x0  }
0x1f: {  	[sflag:s14] =	ssyncadd.s32 $0xFFFFE700  }
0x20: {  	[tilespmem:s15], [sflag:$0x3] =	stream.linear.gather [hbm4b:s7+s4], $0x1900, $0x38;
	[tilespmem:$0x1D880] =	vst v63  }
0x21: {  	_ =	swait.ge [sflag:s14], $0x1900  }
0x22: {  	[sflag:s14] =	ssyncset.done $0x0  }
0x23: {  	[sflag:s14] =	ssyncadd.s32 $0xFFFFE700  }
0x24: {  	[tilespmem:s17], [sflag:$0x1] =	stream.indirect.gather [hbm4b:s1+s16], $0x80, s4, s16, $0xb8;
	[tilespmem:$0x1D880] =	vst v63  }
0x25: {  	_ =	swait.ge [sflag:s18], $0x3200  }
0x26: {  	[sflag:s18] =	ssyncset.done $0x0  }
0x27: {  	s28 =	simm.s32 $0x80;
	[sflag:s18] =	ssyncadd.s32 $0xFFFFCE00  }
0x28: {  	[tilespmem:s19], [sflag:$0x2] =	stream.indirect.gather [hbm4b:s1+s16], $0x80, s28, s16, $0xb8;
	[tilespmem:$0x1D880] =	vst v63  }
0x29: {  	s29 =	simm.s32 $0x1C00  }
0x2a: {  	[spmem:s3] =	stream.indirect.scatter.add.f32 [tilespmem:s17], [sflag:$0x3], $0x80, s29, s16, $0xb8;
	[tilespmem:$0x1D880] =	vst v63  }
0x2b: {  	_ =	swait.ge [sflag:s14], $0x3200  }
0x2c: {  	[sflag:s14] =	ssyncset.done $0x0  }
0x2d: {  	[sflag:s14] =	ssyncadd.s32 $0xFFFFCE00  }
0x2e: {  	_ =	swait.ge [sflag:s20], $0x3200  }
0x2f: {  	[sflag:s20] =	ssyncset.done $0x0  }
0x30: {  	s30 =	simm.s32 $0x100;
	[sflag:s20] =	ssyncadd.s32 $0xFFFFCE00  }
0x31: {  	[tilespmem:s17], [sflag:$0x1] =	stream.indirect.gather [hbm4b:s1+s16], $0x80, s30, s16, $0xb8;
	[tilespmem:$0x1D880] =	vst v63  }
0x32: {  	s31 =	simm.s32 $0x1C80  }
0x33: {  	[spmem:s3] =	stream.indirect.scatter.add.f32 [tilespmem:s19], [sflag:$0x3], $0x80, s31, s16, $0xb8;
	[tilespmem:$0x1D880] =	vst v63  }
0x34: {  	_ =	swait.ge [sflag:s14], $0x3200  }
0x35: {  	s25 =	simm.s32 $0x400;
	[sflag:s14] =	ssyncset.done $0x0  }
.LBB2_2:
0x36: {  	p1 =	sne.s32 s25, $0x5C00  }
0x37: {  	[sflag:s14] =	ssyncadd.s32 $0xFFFFCE00;
	s26 =	smov.u32 s25;
	s25 =	sadd.s32 $0x400, s25  }
0x38: {  	_ = 	snop  }
0x39: {  	_ =	swait.ge [sflag:s18], $0x3200  }
0x3a: {  	s26 =	sshra.s32 s26, $0x2;
	[sflag:s18] =	ssyncset.done $0x0  }
0x3b: {  	s28 =	sadd.s32 $0x80, s26;
	[sflag:s18] =	ssyncadd.s32 $0xFFFFCE00  }
0x3c: {  	[tilespmem:s19], [sflag:$0x2] =	stream.indirect.gather [hbm4b:s1+s16], $0x80, s28, s16, $0xb8;
	[tilespmem:$0x1D880] =	vst v63  }
0x3d: {  	s28 =	sadd.s32 $0x1C00, s26  }
0x3e: {  	[spmem:s3] =	stream.indirect.scatter.add.f32 [tilespmem:s17], [sflag:$0x3], $0x80, s28, s16, $0xb8;
	[tilespmem:$0x1D880] =	vst v63  }
0x3f: {  	_ =	swait.ge [sflag:s14], $0x3200  }
0x40: {  	[sflag:s14] =	ssyncset.done $0x0  }
0x41: {  	[sflag:s14] =	ssyncadd.s32 $0xFFFFCE00  }
0x42: {  	_ =	swait.ge [sflag:s20], $0x3200  }
0x43: {  	[sflag:s20] =	ssyncset.done $0x0  }
0x44: {  	s28 =	sadd.s32 $0x100, s26;
	[sflag:s20] =	ssyncadd.s32 $0xFFFFCE00  }
0x45: {  	[tilespmem:s17], [sflag:$0x1] =	stream.indirect.gather [hbm4b:s1+s16], $0x80, s28, s16, $0xb8;
	[tilespmem:$0x1D880] =	vst v63  }
.Ltmp0:
0x46: {  	_ = 	snop;
	(pc) =	sbr.rel @p1 .LBB2_2-.Ltmp0, $4  }
0x47: {  	s26 =	sadd.s32 $0x1C80, s26  }
0x48: {  	[spmem:s3] =	stream.indirect.scatter.add.f32 [tilespmem:s19], [sflag:$0x3], $0x80, s26, s16, $0xb8;
	[tilespmem:$0x1D880] =	vst v63  }
0x49: {  	_ =	swait.ge [sflag:s14], $0x3200  }
0x4a: {  	[sflag:s14] =	ssyncset.done $0x0  }
0x4b: {  	[sflag:s14] =	ssyncadd.s32 $0xFFFFCE00  }
0x4c: {  	_ =	swait.ge [sflag:s18], $0x3200  }
0x4d: {  	[sflag:s18] =	ssyncset.done $0x0  }
0x4e: {  	[sflag:s18] =	ssyncadd.s32 $0xFFFFCE00  }
0x4f: {  	[tilespmem:s19], [sflag:$0x2] =	stream.indirect.gather [hbm4b:s1+s16], $0x80, s21, s16, $0xb8;
	[tilespmem:$0x1D880] =	vst v63  }
0x50: {  	_ = 	snop  }
0x51: {  	[spmem:s3] =	stream.indirect.scatter.add.f32 [tilespmem:s17], [sflag:$0x3], $0x80, s22, s16, $0xb8;
	[tilespmem:$0x1D880] =	vst v63  }
0x52: {  	_ =	swait.ge [sflag:s14], $0x3200  }
0x53: {  	[sflag:s14] =	ssyncset.done $0x0  }
0x54: {  	[sflag:s14] =	ssyncadd.s32 $0xFFFFCE00  }
0x55: {  	_ =	swait.ge [sflag:s20], $0x3200  }
0x56: {  	[sflag:s20] =	ssyncset.done $0x0  }
0x57: {  	[sflag:s20] =	ssyncadd.s32 $0xFFFFCE00  }
0x58: {  	[spmem:s3] =	stream.indirect.scatter.add.f32 [tilespmem:s19], [sflag:$0x3], $0x80, s23, s16, $0xb8;
	[tilespmem:$0x1D880] =	vst v63  }
0x59: {  	_ =	swait.ge [sflag:s14], $0x3200  }
0x5a: {  	[sflag:s14] =	ssyncset.done $0x0  }
0x5b: {  	s25 =	simm.s32 $0x0;
	[sflag:s14] =	ssyncadd.s32 $0xFFFFCE00  }
0x5c: {  	[tilespmem:s25], [sflag:$0x3] =	stream.linear.gather [hbm4b:s8+s25], $0x1900, $0x38;
	[tilespmem:$0x1D880] =	vst v63  }
0x5d: {  	_ =	swait.ge [sflag:s14], $0x1900  }
0x5e: {  	[sflag:s14] =	ssyncset.done $0x0  }
0x5f: {  	[sflag:s14] =	ssyncadd.s32 $0xFFFFE700  }
0x60: {  	[tilespmem:s15], [sflag:$0x3] =	stream.linear.gather [hbm4b:s9+s25], $0x1900, $0x38;
	[tilespmem:$0x1D880] =	vst v63  }
0x61: {  	_ =	swait.ge [sflag:s14], $0x1900  }
0x62: {  	[sflag:s14] =	ssyncset.done $0x0  }
0x63: {  	[sflag:s14] =	ssyncadd.s32 $0xFFFFE700  }
0x64: {  	[tilespmem:s17], [sflag:$0x1] =	stream.indirect.gather [hbm4b:s1+s16], $0x80, s25, s16, $0xb8;
	[tilespmem:$0x1D880] =	vst v63  }
0x65: {  	_ =	swait.ge [sflag:s18], $0x3200  }
0x66: {  	[sflag:s18] =	ssyncset.done $0x0  }
0x67: {  	s28 =	simm.s32 $0x80;
	[sflag:s18] =	ssyncadd.s32 $0xFFFFCE00  }
0x68: {  	[tilespmem:s19], [sflag:$0x2] =	stream.indirect.gather [hbm4b:s1+s16], $0x80, s28, s16, $0xb8;
	[tilespmem:$0x1D880] =	vst v63  }
0x69: {  	s29 =	simm.s32 $0x1C00  }
0x6a: {  	[spmem:s3] =	stream.indirect.scatter.add.f32 [tilespmem:s17], [sflag:$0x3], $0x80, s29, s16, $0xb8;
	[tilespmem:$0x1D880] =	vst v63  }
0x6b: {  	_ =	swait.ge [sflag:s14], $0x3200  }
0x6c: {  	[sflag:s14] =	ssyncset.done $0x0  }
0x6d: {  	[sflag:s14] =	ssyncadd.s32 $0xFFFFCE00  }
0x6e: {  	_ =	swait.ge [sflag:s20], $0x3200  }
0x6f: {  	[sflag:s20] =	ssyncset.done $0x0  }
0x70: {  	s30 =	simm.s32 $0x100;
	[sflag:s20] =	ssyncadd.s32 $0xFFFFCE00  }
0x71: {  	[tilespmem:s17], [sflag:$0x1] =	stream.indirect.gather [hbm4b:s1+s16], $0x80, s30, s16, $0xb8;
	[tilespmem:$0x1D880] =	vst v63  }
0x72: {  	s31 =	simm.s32 $0x1C80  }
0x73: {  	[spmem:s3] =	stream.indirect.scatter.add.f32 [tilespmem:s19], [sflag:$0x3], $0x80, s31, s16, $0xb8;
	[tilespmem:$0x1D880] =	vst v63  }
0x74: {  	_ =	swait.ge [sflag:s14], $0x3200  }
0x75: {  	s25 =	simm.s32 $0x400;
	[sflag:s14] =	ssyncset.done $0x0  }
.LBB2_4:
0x76: {  	p1 =	sne.s32 s25, $0x5C00  }
0x77: {  	[sflag:s14] =	ssyncadd.s32 $0xFFFFCE00;
	s26 =	smov.u32 s25;
	s25 =	sadd.s32 $0x400, s25  }
0x78: {  	_ = 	snop  }
0x79: {  	_ =	swait.ge [sflag:s18], $0x3200  }
0x7a: {  	s26 =	sshra.s32 s26, $0x2;
	[sflag:s18] =	ssyncset.done $0x0  }
0x7b: {  	s28 =	sadd.s32 $0x80, s26;
	[sflag:s18] =	ssyncadd.s32 $0xFFFFCE00  }
0x7c: {  	[tilespmem:s19], [sflag:$0x2] =	stream.indirect.gather [hbm4b:s1+s16], $0x80, s28, s16, $0xb8;
	[tilespmem:$0x1D880] =	vst v63  }
0x7d: {  	s28 =	sadd.s32 $0x1C00, s26  }
0x7e: {  	[spmem:s3] =	stream.indirect.scatter.add.f32 [tilespmem:s17], [sflag:$0x3], $0x80, s28, s16, $0xb8;
	[tilespmem:$0x1D880] =	vst v63  }
0x7f: {  	_ =	swait.ge [sflag:s14], $0x3200  }
0x80: {  	[sflag:s14] =	ssyncset.done $0x0  }
0x81: {  	[sflag:s14] =	ssyncadd.s32 $0xFFFFCE00  }
0x82: {  	_ =	swait.ge [sflag:s20], $0x3200  }
0x83: {  	[sflag:s20] =	ssyncset.done $0x0  }
0x84: {  	s28 =	sadd.s32 $0x100, s26;
	[sflag:s20] =	ssyncadd.s32 $0xFFFFCE00  }
0x85: {  	[tilespmem:s17], [sflag:$0x1] =	stream.indirect.gather [hbm4b:s1+s16], $0x80, s28, s16, $0xb8;
	[tilespmem:$0x1D880] =	vst v63  }
.Ltmp1:
0x86: {  	_ = 	snop;
	(pc) =	sbr.rel @p1 .LBB2_4-.Ltmp1, $4  }
0x87: {  	s26 =	sadd.s32 $0x1C80, s26  }
0x88: {  	[spmem:s3] =	stream.indirect.scatter.add.f32 [tilespmem:s19], [sflag:$0x3], $0x80, s26, s16, $0xb8;
	[tilespmem:$0x1D880] =	vst v63  }
0x89: {  	_ =	swait.ge [sflag:s14], $0x3200  }
0x8a: {  	[sflag:s14] =	ssyncset.done $0x0  }
0x8b: {  	[sflag:s14] =	ssyncadd.s32 $0xFFFFCE00  }
0x8c: {  	_ =	swait.ge [sflag:s18], $0x3200  }
0x8d: {  	[sflag:s18] =	ssyncset.done $0x0  }
0x8e: {  	[sflag:s18] =	ssyncadd.s32 $0xFFFFCE00  }
0x8f: {  	[tilespmem:s19], [sflag:$0x2] =	stream.indirect.gather [hbm4b:s1+s16], $0x80, s21, s16, $0xb8;
	[tilespmem:$0x1D880] =	vst v63  }
0x90: {  	_ = 	snop  }
0x91: {  	[spmem:s3] =	stream.indirect.scatter.add.f32 [tilespmem:s17], [sflag:$0x3], $0x80, s22, s16, $0xb8;
	[tilespmem:$0x1D880] =	vst v63  }
0x92: {  	_ =	swait.ge [sflag:s14], $0x3200  }
0x93: {  	[sflag:s14] =	ssyncset.done $0x0  }
0x94: {  	[sflag:s14] =	ssyncadd.s32 $0xFFFFCE00  }
0x95: {  	_ =	swait.ge [sflag:s20], $0x3200  }
0x96: {  	[sflag:s20] =	ssyncset.done $0x0  }
0x97: {  	[sflag:s20] =	ssyncadd.s32 $0xFFFFCE00  }
0x98: {  	[spmem:s3] =	stream.indirect.scatter.add.f32 [tilespmem:s19], [sflag:$0x3], $0x80, s23, s16, $0xb8;
	[tilespmem:$0x1D880] =	vst v63  }
0x99: {  	_ =	swait.ge [sflag:s14], $0x3200  }
0x9a: {  	s24 =	sadd.s32 $0x1, s24;
	[sflag:s14] =	ssyncset.done $0x0  }
0x9b: {  	p1 =	sne.s32 s24, s11;
	[sflag:s14] =	ssyncadd.s32 $0xFFFFCE00  }
.Ltmp2:
0x9c: {  	s25 =	simm.s32 @!p0 $0x3;
	[bflag:$0x0] =	sbarrier.arrive $0xFFFF;
	(pc) =	sbr.rel @p1 .LBB2_1-.Ltmp2, $4  }
0x9d: {  	[hbm:s10], [sflag:s12] =	dma.local @!p0 [spmem:s13], $0x3E80  }
0x9e: {  	_ =	swait.ge @!p0 [sflag:s25], $0x3E80  }
0x9f: {  	[sflag:s25] =	ssyncset.done @!p0 $0x0  }
0xa0: {  	[sflag:s25] =	ssyncadd.s32 @!p0 $0xFFFFC180  }
0xa1: {  	_ =	sfence.sel $0x180000  }
0xa2: {  	[bflag:$0x0] =	sbarrier.arrive $0xFFFF  }
0xa3: {  	p0 =	sne.s32 s5, $0x0;
	_ =	strace $0x9000004A  }
0xa4: {  	s0 =	sadd.s32 @!p0 $0x100000, s0;
	[bflag:$0x2] =	sbarrier.arrive $0xFFFF  }
0xa5: {  	[sflag:s0] =	ssyncadd.tile.s32 @!p0 $0x1;
	_ =	shalt  }
.Lfunc_end2:
_tile_overlayer_lowered:
.L_overlay_start_2:
0xa6: {  	(tag) =	ssettag $0x2  }
0xa7: {  	s0 =	rddreg [dreg:$0x0];
	s2 =	stileid.u32  }
0xa8: {  	s1 =	rddreg [dreg:$0x1];
	p0 =	sne.s32 s2, $0x0  }
0xa9: {  	s3 =	rddreg [dreg:$0x2];
	[bflag:$0x3] =	sbarrier.arrive $0xFFFF;
	s2 =	simm.s32 @!p0 $0x1C03  }
0xaa: {  	[timem:s3], [sflag:s2] =	dma.local @!p0 [hbm:s0], s1  }
0xab: {  	s0 =	simm.s32 @!p0 $0x3  }
0xac: {  	_ =	swait.ge @!p0 [sflag:s0], s1  }
0xad: {  	s1 =	ssub.s32 @!p0 $0x0, s1;
	[sflag:s0] =	ssyncset.done @!p0 $0x0  }
0xae: {  	[sflag:s0] =	ssyncadd.s32 @!p0 s1  }
0xaf: {  	[bflag:$0x3] =	sbarrier.arrive $0xFFFF  }
0xb0: {  	_ =	shalt  }

// kernel: kernel.17.cloned.1.call-start
scs
__scs_entry_jumppad:
0x0: {  	(pc) =	sbr.rel $0x88, $3  }
0x1: {  	(tag) =	ssettag $0x0;
	lr =	simm.s32 $0x1  }
0x2: {  	[smem:$0x3F95] =	sst lr;
	_ =	strace $0xD0000000  }
0x3: {  	_ = 	snop  }
0x4: {  	_ = 	snop  }
0x5: {  	_ = 	snop  }
0x6: {  	_ = 	snop  }
0x7: {  	_ = 	snop  }
__scs_overlays_trampoline_lowered:
0x8: {  	[smem:$0x3FA4] =	sst s0  }
0x9: {  	[smem:$0x3FA5] =	sst s1  }
0xa: {  	[smem:$0x3FA6] =	sst s2  }
0xb: {  	[smem:$0x3FA7] =	sst s3  }
0xc: {  	[smem:$0x3FA8] =	sst s4  }
0xd: {  	[smem:$0x3FA9] =	sst s5  }
0xe: {  	[smem:$0x3FAA] =	sst s6  }
0xf: {  	[smem:$0x3FAB] =	sst s7  }
0x10: {  	[smem:$0x3FAC] =	sst s8  }
0x11: {  	[smem:$0x3FAD] =	sst s9;
	s0 =	simm.s32 @!p0 $0x0  }
0x12: {  	s1 =	sld [smem:$0x3F93];
	s0 =	simm.s32 @p0 $0x1  }
0x13: {  	[smem:$0x3FAE] =	sst s0;
	s0 =	simm.s32 @!p1 $0x0  }
0x14: {  	s2 =	sld [smem:$0x3F92];
	s0 =	simm.s32 @p1 $0x1  }
0x15: {  	[smem:$0x3FAF] =	sst s0;
	s0 =	simm.s32 @!p2 $0x0  }
0x16: {  	s3 =	sld [smem:$0x3FDB];
	s0 =	simm.s32 @p2 $0x1  }
0x17: {  	s4 =	simm.s32 $0x1BF5;
	[smem:$0x3FB1] =	sst s0  }
0x18: {  	s0 =	sld [smem:$0x3F94];
	_ =	swait.ge [sflag:s4], $0x0  }
0x19: {  	s7 =	sld [smem:$0x3F95]  }
0x1a: {  	s8 =	sadd.s32 $0xFFFFE003, lr  }
0x1b: {  	s9 =	sadd.s32 $0xFFFFFEF7, lr;
	s5 =	simm.s32 $0xFFFFFFFF;
	p2 =	slt.u32 s8, $0xFFFFF086  }
0x1c: {  	p1 =	slt.u32 s9, $0xF7A;
	s5 =	simm.s32 @!p2 $0x0  }
0x1d: {  	s5 =	simm.s32 @p1 $0x1;
	p0 =	seq.s32 s7, s2  }
0x1e: {  	s7 =	smul.u32 @!p0 $0xF7A, s2;
	p2 =	seq.s32 @!p0 s5, $0x0  }
0x1f: {  	s9 =	smul.u32 $0xF7A, s1;
	s8 =	simm.s32 @!p0 $0x1BF5;
	p2 =	por !p2, p0  }
0x20: {  	[sflag:s8] =	ssyncset.s32 @!p0 $0xFFFFF086;
	s6 =	sadd.s32 @!p0 s3, s7;
	s7 =	simm.s32 @!p0 $0x108  }
0x21: {  	s3 =	sadd.s32 s3, s9;
	s6 =	sadd.s32 @!p0 $0x88, s6;
	s7 =	simm.s32 @p2 $0x1082  }
0x22: {  	[simem:s7], [sflag:s8] =	dma.local @!p0 [hbm:s6], $0xF7A  }
0x23: {  	s9 =	sor.u32 $0xD0000000, s2;
	s6 =	simm.s32 $0x108;
	_ =	swait.ge @!p0 [sflag:s8], $0x0  }
0x24: {  	s3 =	sadd.s32 $0x88, s3;
	s6 =	simm.s32 @!p1 $0x1082;
	[sflag:s4] =	ssyncset.s32 $0xFFFFF086  }
0x25: {  	[simem:s6], [sflag:s4] =	dma.local [hbm:s3], $0xF7A  }
0x26: {  	[smem:$0x3F95] =	sst s1;
	(tag) =	ssettag s2;
	_ =	strace s9  }
0x27: {  	s1 =	sld [smem:$0x3FA5]  }
0x28: {  	s2 =	sld [smem:$0x3FA6]  }
0x29: {  	s4 =	sld [smem:$0x3FA8]  }
0x2a: {  	p0 =	seq.s32 s5, $0x0;
	s5 =	sld [smem:$0x3FA9]  }
0x2b: {  	s6 =	sld [smem:$0x3FAA]  }
0x2c: {  	s7 =	sld [smem:$0x3FAB]  }
0x2d: {  	s3 =	simm.s32 $0x108;
	s8 =	sld [smem:$0x3FAC]  }
0x2e: {  	s3 =	simm.s32 @!p0 $0x1082;
	s9 =	sld [smem:$0x3FAD]  }
0x2f: {  	lr =	sadd.s32 s0, s3;
	s0 =	sld [smem:$0x3FA4]  }
0x30: {  	s3 =	sld [smem:$0x3FA7]  }
0x31: {  	[smem:$0x3FB0] =	sst s10  }
0x32: {  	s10 =	sld [smem:$0x3FAE];
	_ =	sdelay $0x3  }
0x33: {  	p0 =	seq.s32 s10, $0x1;
	s10 =	sld [smem:$0x3FB0];
	_ =	sdelay $0x3  }
0x34: {  	[smem:$0x3FB0] =	sst s10  }
0x35: {  	s10 =	sld [smem:$0x3FAF];
	_ =	sdelay $0x3  }
0x36: {  	p1 =	seq.s32 s10, $0x1;
	s10 =	sld [smem:$0x3FB0];
	_ =	sdelay $0x3  }
0x37: {  	[smem:$0x3FB0] =	sst s10  }
0x38: {  	s10 =	sld [smem:$0x3FB1]  }
0x39: {  	_ = 	snop;
	(pc) =	sbr.ind lr, $3  }
0x3a: {  	_ = 	snop  }
0x3b: {  	_ = 	snop  }
0x3c: {  	p2 =	seq.s32 s10, $0x1;
	s10 =	sld [smem:$0x3FB0]  }
0x3d: {  	_ =	shalt  }
0x3e: {  	_ =	shalt  }
0x3f: {  	_ =	shalt  }
0x40: {  	_ =	shalt  }
0x41: {  	_ =	shalt  }
0x42: {  	_ =	shalt  }
0x43: {  	_ =	shalt  }
0x44: {  	_ =	shalt  }
0x45: {  	_ =	shalt  }
0x46: {  	_ =	shalt  }
0x47: {  	_ =	shalt  }
0x48: {  	_ =	shalt  }
0x49: {  	_ =	shalt  }
0x4a: {  	_ =	shalt  }
0x4b: {  	_ =	shalt  }
0x4c: {  	_ =	shalt  }
0x4d: {  	_ =	shalt  }
0x4e: {  	_ =	shalt  }
0x4f: {  	_ =	shalt  }
0x50: {  	_ =	shalt  }
0x51: {  	_ =	shalt  }
0x52: {  	_ =	shalt  }
0x53: {  	_ =	shalt  }
0x54: {  	_ =	shalt  }
0x55: {  	_ =	shalt  }
0x56: {  	_ =	shalt  }
0x57: {  	_ =	shalt  }
0x58: {  	_ =	shalt  }
0x59: {  	_ =	shalt  }
0x5a: {  	_ =	shalt  }
0x5b: {  	_ =	shalt  }
0x5c: {  	_ =	shalt  }
0x5d: {  	_ =	shalt  }
0x5e: {  	_ =	shalt  }
0x5f: {  	_ =	shalt  }
0x60: {  	_ =	shalt  }
0x61: {  	_ =	shalt  }
0x62: {  	_ =	shalt  }
0x63: {  	_ =	shalt  }
0x64: {  	_ =	shalt  }
0x65: {  	_ =	shalt  }
0x66: {  	_ =	shalt  }
0x67: {  	_ =	shalt  }
0x68: {  	_ =	shalt  }
0x69: {  	_ =	shalt  }
0x6a: {  	_ =	shalt  }
0x6b: {  	_ =	shalt  }
0x6c: {  	_ =	shalt  }
0x6d: {  	_ =	shalt  }
0x6e: {  	_ =	shalt  }
0x6f: {  	_ =	shalt  }
0x70: {  	_ =	shalt  }
0x71: {  	_ =	shalt  }
0x72: {  	_ =	shalt  }
0x73: {  	_ =	shalt  }
0x74: {  	_ =	shalt  }
0x75: {  	_ =	shalt  }
0x76: {  	_ =	shalt  }
0x77: {  	_ =	shalt  }
0x78: {  	_ =	shalt  }
0x79: {  	_ =	shalt  }
0x7a: {  	_ =	shalt  }
0x7b: {  	_ =	shalt  }
0x7c: {  	_ =	shalt  }
0x7d: {  	_ =	shalt  }
0x7e: {  	_ =	shalt  }
0x7f: {  	_ =	shalt  }
0x80: {  	_ =	shalt  }
0x81: {  	_ =	shalt  }
0x82: {  	_ =	shalt  }
0x83: {  	_ =	shalt  }
0x84: {  	_ =	shalt  }
0x85: {  	_ =	shalt  }
0x86: {  	_ =	shalt  }
0x87: {  	_ =	shalt  }
.Lfunc_end0:
.L_simem_size_0:
called_computation.2_lowered:
.L_overlay_start_0:
0x88: {  	s2 =	sld [smem:$0x3FD9]  }
0x89: {  	s3 =	sld [smem:$0x3FFE];
	_ =	sdelay $0x1  }
0x8a: {  	s1 =	srdreg.scid  }
0x8b: {  	s0 =	sand.u32 $0x1, s1  }
0x8c: {  	s17 =	sshll.u32 s0, $0xA;
	s2 =	sadd.s32 s3, s2  }
0x8d: {  	s2 =	sadd.s32 s2, s17  }
0x8e: {  	[smem:$0x3FBC] =	sst s2  }
0x8f: {  	_ = 	snop  }
0x90: {  	(tm) =	ssettm $0x1  }
0x91: {  	s18 =	sld [smem:$0x3FFB];
	_ =	sdelay $0x3  }
0x92: {  	_ =	strace s18  }
0x93: {  	s2 =	sld [smem:$0x3FFC];
	_ =	sdelay $0x3  }
0x94: {  	_ =	strace s2  }
0x95: {  	s2 =	sld [smem:$0x3FFD];
	_ =	sdelay $0x3  }
0x96: {  	_ =	strace s2  }
0x97: {  	_ =	strace $0x8FFFFFFF  }
0x98: {  	s19 =	sld [smem:$0x3FDB];
	_ =	sdelay $0x1  }
0x99: {  	s20 =	simm.s32 $_scs_section_size  }
0x9a: {  	s4 =	simm.s32 $_size__tile_overlayer_lowered;
	s5 =	simm.s32 $_tile_overlayer_lowered  }
0x9b: {  	s6 =	simm.s32 $0x1BFF;
	s21 =	sshll.u32 s5, $0x1;
	s3 =	sadd.s32 s20, s19  }
0x9c: {  	s22 =	simm.s32 $0x0;
	s4 =	sshll.u32 s4, $0x1;
	s5 =	sadd.s32 s21, s3  }
0x9d: {  	[timem:s22], [sflag:s6] =	dma.local [hbm:s5], s4  }
0x9e: {  	_ =	swait.ge [sflag:s6], s4  }
0x9f: {  	s4 =	ssub.s32 $0x0, s4;
	[sflag:s6] =	ssyncset.done $0x0  }
0xa0: {  	[sflag:s6] =	ssyncadd.s32 s4;
	_ =	sdelay $0x1  }
0xa1: {  	s23 =	simm.s32 $0x1B8B  }
0xa2: {  	_ =	swait.ge [sflag:s23], $0x1  }
0xa3: {  	[sflag:s23] =	ssyncset.done $0x0  }
0xa4: {  	[sflag:s23] =	ssyncadd.s32 $0xFFFFFFFF  }
0xa5: {  	s4 =	sld [smem:$0x0]  }
0xa6: {  	s5 =	sand.u32 $0xFFFFFFFE, s1  }
0xa7: {  	p0 =	sne.s32 s1, s5  }
0xa8: {  	s5 =	sshll.u32 @p0 s5, $0xE  }
0xa9: {  	s5 =	sadd.s32 @p0 $0x11B8D, s5;
	s6 =	sshll.u32 @p0 s4, $0x11  }
0xaa: {  	s5 =	sor.u32 @p0 s6, s5  }
0xab: {  	[sflag:s5] =	ssyncadd.remote.s32 @p0 $0x1;
	_ =	sdelay $0x1  }
0xac: {  	s5 =	simm.s32 @p0 $0x1B8D  }
0xad: {  	_ =	swait.eq @p0 [sflag:s5], $0x1  }
0xae: {  	[sflag:s5] =	ssyncadd.s32 @p0 $0xFFFFFFFF  }
0xaf: {  	s6 =	sshll.u32 @!p0 s1, $0xE  }
0xb0: {  	s6 =	sor.u32 @!p0 $0x4000, s6;
	s5 =	simm.s32 @!p0 $0x1B8D  }
0xb1: {  	s4 =	sshll.u32 @!p0 s4, $0x11;
	s6 =	sadd.s32 @!p0 $0x11B8D, s6;
	_ =	swait.eq @!p0 [sflag:s5], $0x1  }
0xb2: {  	s4 =	sor.u32 @!p0 s4, s6;
	[sflag:s5] =	ssyncadd.s32 @!p0 $0xFFFFFFFF  }
0xb3: {  	s25 =	simm.s32 $0x1B8E;
	s24 =	sld [smem:$0x3FFE];
	[sflag:s4] =	ssyncadd.remote.s32 @!p0 $0x1  }
0xb4: {  	s26 =	simm.s32 $execute0_lowered;
	[smem:$0x3FD2] =	sst s25  }
0xb5: {  	s5 =	sshll.u32 s26, $0x1;
	_ =	strace $0x8000004F;
	[dreg:$0x1] =	wrdreg $0xFFFFFFFF  }
0xb6: {  	s28 =	simm.s32 $_size_execute0_lowered;
	s3 =	sadd.s32 s3, s5;
	[dreg:$0x0] =	wrdreg $0x0  }
0xb7: {  	s5 =	sshll.u32 s28, $0x1;
	[dreg:$0x2] =	wrdreg s3  }
0xb8: {  	[dreg:$0x3] =	wrdreg s5  }
0xb9: {  	[dreg:$0x4] =	wrdreg $0xC0  }
0xba: {  	_ =	task [dreg:s22], $0x5FFFF  }
0xbb: {  	[dreg:$0x1] =	wrdreg $0xFFFFFFFF  }
0xbc: {  	[dreg:$0x0] =	wrdreg $0x60  }
0xbd: {  	[dreg:$0x2] =	wrdreg s24  }
0xbe: {  	[dreg:$0x3] =	wrdreg $0x9  }
0xbf: {  	_ =	task.clear_ibuf [dreg:s22], $0x4FFFF;
	_ =	strace $0x9000004F  }
0xc0: {  	s29 =	simm.s32 $0x9;
	_ =	strace $0x80000051  }
0xc1: {  	_ =	swait.ge [sflag:s29], $0x1  }
0xc2: {  	[sflag:s29] =	ssyncadd.s32 $0xFFFFFFFF  }
0xc3: {  	_ =	strace $0x90000051  }
0xc4: {  	_ =	sfence  }
0xc5: {  	s30 =	sld [smem:$0x0];
	_ =	sdelay $0x2  }
0xc6: {  	s31 =	sshll.u32 s1, $0xD;
	s1 =	sshrl.u32 s1, $0x2  }
0xc7: {  	s4 =	sand.u32 $0x4000, s31;
	s1 =	sadd.s32 s1, s30  }
0xc8: {  	s0 =	sor.u32 s4, s0;
	s1 =	sshll.u32 s1, $0x11  }
0xc9: {  	s0 =	sor.u32 s1, s0  }
0xca: {  	s0 =	sadd.s32 $0x8F2B, s0  }
0xcb: {  	[sflag:s0] =	ssyncadd.remote.s32 $0x1  }
0xcc: {  	_ =	sfence.sel $0xFFFF  }
0xcd: {  	[dreg:$0x0] =	wrdreg $0xFFFFFFFF;
	(pc) =	sbr.abs _section_cstart, $3  }
0xce: {  	[dreg:$0x1] =	wrdreg $0xFFFFFFFF  }
0xcf: {  	_ =	task.clear_ibuf [dreg:s22], $0x2FFFF;
	_ =	strace $0x9FFFFFFF  }
0xd0: {  	(tm) =	ssettm $0x7FFFFFFF  }
0xd1: {  	_ =	shalt  }
tec
execute0_lowered:
.L_overlay_start_1:
0x0: {  	(tag) =	ssettag $0x1  }
0x1: {  	s5 =	rddreg [dreg:$0x0]  }
0x2: {  	s1 =	srdreg.scid;
	s2 =	simm.s32 $0x0;
	s10 =	simm.s32 $0x7  }
0x3: {  	s11 =	simm.s32 $0x2000;
	s12 =	simm.s32 $0x50;
	s13 =	simm.s32 $0x4000  }
0x4: {  	s14 =	simm.s32 $0x9000;
	s15 =	simm.s32 $0x1;
	s16 =	simm.s32 $0x3  }
0x5: {  	s17 =	simm.s32 $0x6800;
	s18 =	simm.s32 $0xB800;
	s19 =	simm.s32 $0xE000  }
0x6: {  	s20 =	simm.s32 $0x2;
	s21 =	simm.s32 $0x4;
	s22 =	simm.s32 $0x10800  }
0x7: {  	s23 =	simm.s32 $0x5;
	s24 =	simm.s32 $0x6;
	s25 =	simm.s32 $0x0  }
0x8: {  	s4 =	sand.u32 $0x1, s1;
	s1 =	stileid.u32;
	[smem:$0x7FF] =	sst s2  }
0x9: {  	s3 =	sshll.u32 s4, $0x4;
	_ =	strace $0x80000050;
	s7 =	ssub.s32 $0x2, s4  }
0xa: {  	s4 =	sadd.s32 $0x53400, s5;
	s6 =	sor.u32 s1, s3;
	s9 =	sshrl.u32 s7, $0x1  }
0xb: {  	s3 =	sshll.u32 s6, $0xA;
	s9 =	ssub.s32 s7, s9;
	s6 =	smul.u32 $0x1360, s6  }
0xc: {  	s8 =	sadd.s32 s3, s5;
	s3 =	sadd.s32 $0xDA00, s5;
	s5 =	sadd.s32 $0x2F0600, s5  }
0xd: {  	s9 =	smax.u32 s9, $0x1;
	s7 =	sadd.s32 $0x3C00, s8;
	s8 =	sadd.s32 $0x34C00, s8  }
.LBB2_1:
0xe: {  	[tilespmem:s2], [sflag:$0x7] =	stream.linear.gather [hbm4b:s7+s2], $0x1F00, $0x38;
	[tilespmem:$0x13000] =	vst v63  }
0xf: {  	_ =	swait.ge [sflag:s10], $0x1F00  }
0x10: {  	[sflag:s10] =	ssyncset.done $0x0  }
0x11: {  	[sflag:s10] =	ssyncadd.s32 $0xFFFFE100  }
0x12: {  	[tilespmem:s11], [sflag:$0x7] =	stream.linear.gather [hbm4b:s8+s2], $0x1F00, $0x38;
	[tilespmem:$0x13000] =	vst v63  }
0x13: {  	_ =	swait.ge [sflag:s10], $0x1F00  }
0x14: {  	[sflag:s10] =	ssyncset.done $0x0  }
0x15: {  	[sflag:s10] =	ssyncadd.s32 $0xFFFFE100  }
0x16: {  	[tilespmem:s13], [sflag:$0x1] =	stream.indirect.gather [hbm4b:s3+s12], $0x80, s2, s12, $0xb8;
	[tilespmem:$0x13000] =	vst v63  }
0x17: {  	s26 =	simm.s32 $0x0  }
0x18: {  	[tilespmem:s14], [sflag:$0x3] =	stream.indirect.gather [hbm4b:s4+s12], $0x80, s11, s12, $0xb8;
	[tilespmem:$0x13000] =	vst v63  }
.LBB2_2:
0x19: {  	_ =	swait.ge [sflag:s15], $0x2800  }
0x1a: {  	[sflag:s15] =	ssyncset.done $0x0  }
0x1b: {  	[sflag:s15] =	ssyncadd.s32 $0xFFFFD800  }
0x1c: {  	_ =	swait.ge [sflag:s16], $0x2800  }
0x1d: {  	s28 =	sshllo.u32 s26, $0x1;
	[sflag:s16] =	ssyncset.done $0x0  }
0x1e: {  	s29 =	sshll.u32 s28, $0x7;
	[sflag:s16] =	ssyncadd.s32 $0xFFFFD800  }
0x1f: {  	[tilespmem:s17], [sflag:$0x2] =	stream.indirect.gather [hbm4b:s3+s12], $0x80, s29, s12, $0xb8;
	[tilespmem:$0x13000] =	vst v63  }
0x20: {  	p0 =	seq.s32 s26, $0x0;
	s29 =	sadd.s32 $0x2000, s29  }
0x21: {  	[tilespmem:s18], [sflag:$0x4] =	stream.indirect.gather [hbm4b:s4+s12], $0x80, s29, s12, $0xb8;
	[tilespmem:$0x13000] =	vst v63  }
0x22: {  	s29 =	simm.s32 @!p0 $0x5  }
0x23: {  	_ =	swait.ge @!p0 [sflag:s29], $0x2800  }
0x24: {  	[sflag:s29] =	ssyncset.done @!p0 $0x0  }
0x25: {  	[sflag:s29] =	ssyncadd.s32 @!p0 $0xFFFFD800;
	s29 =	simm.s32 $0x0  }
0x26: {  	v0 =	vld [tilespmem:s29+$0x4060]  }
0x27: {  	v1 =	vld [tilespmem:s29+$0x9060]  }
0x28: {  	v2 =	vld [tilespmem:s29+$0x4070]  }
0x29: {  	v3 =	vld [tilespmem:s29+$0x9070]  }
0x2a: {  	v4 =	vld [tilespmem:s29+$0x4000]  }
0x2b: {  	v5 =	vld [tilespmem:s29+$0x9000]  }
0x2c: {  	v6 =	vld [tilespmem:s29+$0x4010]  }
0x2d: {  	v7 =	vld [tilespmem:s29+$0x9010]  }
0x2e: {  	v8 =	vld [tilespmem:s29+$0x4020];
	v0 =	vadd.f32 v1, v0;
	v1 =	vadd.f32 v3, v2  }
0x2f: {  	v9 =	vld [tilespmem:s29+$0x4030]  }
0x30: {  	v3 =	vld [tilespmem:s29+$0x9020];
	v0 =	vadd.s32 $0x8000, v0;
	v1 =	vadd.s32 $0x8000, v1  }
0x31: {  	v10 =	vld [tilespmem:s29+$0x9030];
	v0 =	vshrl.u32 v0, $0x10;
	v1 =	vand.u32 $0xFFFF0000, v1  }
0x32: {  	v11 =	vld [tilespmem:s29+$0x4040];
	v0 =	vor.u32 v0, v1;
	v1 =	vadd.f32 v5, v4;
	v4 =	vadd.f32 v7, v6  }
0x33: {  	v12 =	vld [tilespmem:s29+$0x9040]  }
0x34: {  	v2 =	vld [tilespmem:s29+$0x4050];
	[tilespmem:s29+$0xE030] =	vst v0;
	v0 =	vadd.s32 $0x8000, v1;
	v1 =	vadd.s32 $0x8000, v4  }
0x35: {  	s30 =	simm.s32 $0x80;
	v3 =	vadd.f32 v3, v8;
	v4 =	vld [tilespmem:s29+$0x9050];
	v5 =	vshrl.u32 v0, $0x10;
	v1 =	vand.u32 $0xFFFF0000, v1  }
0x36: {  	v6 =	vadd.f32 v10, v9;
	v0 =	vld [tilespmem:s30+$0x4060];
	v5 =	vor.u32 v5, v1  }
0x37: {  	v3 =	vadd.s32 $0x8000, v3;
	v1 =	vld [tilespmem:s30+$0x9060];
	[tilespmem:s29+$0xE000] =	vst v5  }
0x38: {  	s31 =	simm.s32 $0x400;
	v7 =	vadd.s32 $0x8000, v6;
	v6 =	vadd.f32 v12, v11;
	v5 =	vshrl.u32 v3, $0x10;
	v3 =	vld [tilespmem:s30+$0x4070]  }
.LBB2_3:
0x39: {  	p0 =	sne.s32 s31, $0x9E00;
	v8 =	vld [tilespmem:s30+$0x9070];
	v7 =	vand.u32 $0xFFFF0000, v7  }
0x3a: {  	v9 =	vld [tilespmem:s30+$0x4000];
	v5 =	vor.u32 v5, v7;
	v2 =	vadd.f32 v4, v2;
	v4 =	vadd.s32 $0x8000, v6  }
0x3b: {  	v6 =	vld [tilespmem:s30+$0x9000];
	[tilespmem:s29+$0xE010] =	vst v5;
	v4 =	vshrl.u32 v4, $0x10  }
0x3c: {  	v5 =	vld [tilespmem:s30+$0x4010];
	v2 =	vadd.s32 $0x8000, v2  }
0x3d: {  	v7 =	vld [tilespmem:s30+$0x9010];
	v2 =	vand.u32 $0xFFFF0000, v2  }
0x3e: {  	v0 =	vadd.f32 v1, v0;
	v10 =	vld [tilespmem:s30+$0x4020];
	v1 =	vadd.f32 v8, v3;
	v2 =	vor.u32 v4, v2  }
0x3f: {  	v3 =	vld [tilespmem:s30+$0x9020];
	[tilespmem:s29+$0xE020] =	vst v2;
	s29 =	smov.u32 s30  }
0x40: {  	v0 =	vadd.s32 $0x8000, v0;
	v2 =	vadd.f32 v6, v9;
	v6 =	vld [tilespmem:s29+$0x4030];
	v1 =	vadd.s32 $0x8000, v1  }
0x41: {  	v0 =	vshrl.u32 v0, $0x10;
	v8 =	vld [tilespmem:s29+$0x9030];
	v1 =	vand.u32 $0xFFFF0000, v1  }
0x42: {  	v4 =	vadd.f32 v7, v5;
	v2 =	vadd.s32 $0x8000, v2;
	v9 =	vld [tilespmem:s29+$0x4040];
	v0 =	vor.u32 v0, v1  }
0x43: {  	v1 =	vshrl.u32 v2, $0x10;
	v11 =	vld [tilespmem:s29+$0x9040];
	[tilespmem:s29+$0xE030] =	vst v0  }
.Ltmp0:
0x44: {  	v0 =	vadd.s32 $0x8000, v4;
	v3 =	vadd.f32 v3, v10;
	v2 =	vld [tilespmem:s29+$0x4050];
	(pc) =	sbr.rel @p0 .LBB2_3-.Ltmp0, $4  }
0x45: {  	s30 =	sshra.s32 s31, $0x2;
	v5 =	vand.u32 $0xFFFF0000, v0;
	v4 =	vld [tilespmem:s29+$0x9050]  }
0x46: {  	v0 =	vld [tilespmem:s30+$0x4060];
	v5 =	vor.u32 v1, v5;
	v6 =	vadd.f32 v8, v6;
	v3 =	vadd.s32 $0x8000, v3  }
0x47: {  	v1 =	vld [tilespmem:s30+$0x9060];
	[tilespmem:s29+$0xE000] =	vst v5;
	v5 =	vshrl.u32 v3, $0x10  }
0x48: {  	s31 =	sadd.s32 $0x200, s31;
	v3 =	vld [tilespmem:s30+$0x4070];
	v7 =	vadd.s32 $0x8000, v6;
	v6 =	vadd.f32 v11, v9  }
0x49: {  	v8 =	vld [tilespmem:s30+$0x9070];
	v7 =	vand.u32 $0xFFFF0000, v7  }
0x4a: {  	v9 =	vld [tilespmem:s30+$0x4000];
	v5 =	vor.u32 v5, v7;
	v2 =	vadd.f32 v4, v2  }
0x4b: {  	v7 =	vld [tilespmem:s30+$0x9000];
	[tilespmem:s29+$0xE010] =	vst v5  }
0x4c: {  	v5 =	vadd.s32 $0x8000, v6;
	v4 =	vld [tilespmem:s30+$0x4010];
	v2 =	vadd.s32 $0x8000, v2  }
0x4d: {  	v6 =	vld [tilespmem:s30+$0x9010];
	v5 =	vshrl.u32 v5, $0x10;
	v2 =	vand.u32 $0xFFFF0000, v2  }
0x4e: {  	v10 =	vld [tilespmem:s30+$0x4020];
	v2 =	vor.u32 v5, v2  }
0x4f: {  	v5 =	vld [tilespmem:s30+$0x9020];
	[tilespmem:s29+$0xE020] =	vst v2  }
0x50: {  	v0 =	vadd.f32 v1, v0;
	v1 =	vadd.f32 v8, v3;
	v2 =	vld [tilespmem:s30+$0x4030]  }
0x51: {  	v3 =	vld [tilespmem:s30+$0x9030]  }
0x52: {  	v0 =	vadd.s32 $0x8000, v0;
	v1 =	vadd.s32 $0x8000, v1;
	v8 =	vld [tilespmem:s30+$0x4040]  }
0x53: {  	v0 =	vshrl.u32 v0, $0x10;
	v11 =	vld [tilespmem:s30+$0x9050];
	v1 =	vand.u32 $0xFFFF0000, v1  }
0x54: {  	v0 =	vor.u32 v0, v1;
	v1 =	vld [tilespmem:s30+$0x9040]  }
0x55: {  	[tilespmem:s30+$0xE030] =	vst v0;
	v0 =	vld [tilespmem:s30+$0x4050]  }
0x56: {  	v7 =	vadd.f32 v7, v9;
	v4 =	vadd.f32 v6, v4;
	_ =	sdelay $0x1  }
0x57: {  	v6 =	vadd.s32 $0x8000, v7;
	v4 =	vadd.s32 $0x8000, v4;
	v5 =	vadd.f32 v5, v10  }
0x58: {  	v6 =	vshrl.u32 v6, $0x10;
	v4 =	vand.u32 $0xFFFF0000, v4;
	v2 =	vadd.f32 v3, v2  }
0x59: {  	v3 =	vadd.s32 $0x8000, v5;
	v1 =	vadd.f32 v1, v8;
	v0 =	vadd.f32 v11, v0  }
0x5a: {  	s29 =	smul.u32 $0xA0, s26;
	v4 =	vor.u32 v6, v4;
	v3 =	vshrl.u32 v3, $0x10;
	v2 =	vadd.s32 $0x8000, v2  }
0x5b: {  	v2 =	vand.u32 $0xFFFF0000, v2;
	v1 =	vadd.s32 $0x8000, v1;
	v0 =	vadd.s32 $0x8000, v0  }
0x5c: {  	s29 =	sadd.s32 s6, s29;
	[tilespmem:s30+$0xE000] =	vst v4;
	v2 =	vor.u32 v3, v2;
	v1 =	vshrl.u32 v1, $0x10;
	v0 =	vand.u32 $0xFFFF0000, v0  }
0x5d: {  	s29 =	sshll.u32 s29, $0x4;
	[tilespmem:s30+$0xE010] =	vst v2;
	v0 =	vor.u32 v1, v0  }
0x5e: {  	s29 =	sadd.s32 s5, s29;
	[tilespmem:s30+$0xE020] =	vst v0  }
0x5f: {  	[hbm4b:s29+s2] =	stream.linear.scatter [tilespmem:s19], [sflag:$0x5], $0x2800, $0x38;
	[tilespmem:$0x13000] =	vst v63  }
0x60: {  	_ =	swait.ge [sflag:s20], $0x2800  }
0x61: {  	[sflag:s20] =	ssyncset.done $0x0  }
0x62: {  	[sflag:s20] =	ssyncadd.s32 $0xFFFFD800  }
0x63: {  	p0 =	seq.s32 s26, $0x1E;
	_ =	swait.ge [sflag:s21], $0x2800  }
0x64: {  	s31 =	simm.s32 @!p0 $0x50;
	s29 =	sshll.u32 @!p0 s26, $0x8;
	[sflag:s21] =	ssyncset.done $0x0  }
0x65: {  	s0 =	simm.s32 @!p0 $0x4000;
	s30 =	sadd.s32 @!p0 $0x100, s29;
	[sflag:s21] =	ssyncadd.s32 $0xFFFFD800  }
0x66: {  	[tilespmem:s0], [sflag:$0x1] =	stream.indirect.gather @!p0 [hbm4b:s3+s31], $0x80, s30, s31, $0xb8;
	[tilespmem:$0x13000] =	vst v63  }
0x67: {  	p1 =	seq.s32 @!p0 s26, $0x0;
	s0 =	sadd.s32 @!p0 $0x2100, s29;
	s29 =	simm.s32 @!p0 $0x9000  }
0x68: {  	[tilespmem:s29], [sflag:$0x3] =	stream.indirect.gather @!p0 [hbm4b:s4+s31], $0x80, s0, s31, $0xb8;
	[tilespmem:$0x13000] =	vst v63  }
0x69: {  	p0 =	por p0, !p1  }
0x6a: {  	_ =	swait.ge @p0 [sflag:s24], $0x2800  }
0x6b: {  	[sflag:s24] =	ssyncset.done @p0 $0x0  }
0x6c: {  	s29 =	simm.s32 $0x0;
	[sflag:s24] =	ssyncadd.s32 @p0 $0xFFFFD800  }
0x6d: {  	v0 =	vld [tilespmem:s29+$0x6860]  }
0x6e: {  	v1 =	vld [tilespmem:s29+$0xB860]  }
0x6f: {  	v2 =	vld [tilespmem:s29+$0x6870]  }
0x70: {  	v3 =	vld [tilespmem:s29+$0xB870]  }
0x71: {  	v4 =	vld [tilespmem:s29+$0x6800]  }
0x72: {  	v5 =	vld [tilespmem:s29+$0xB800]  }
0x73: {  	v6 =	vld [tilespmem:s29+$0x6810]  }
0x74: {  	v7 =	vld [tilespmem:s29+$0xB810]  }
0x75: {  	v8 =	vld [tilespmem:s29+$0x6820];
	v0 =	vadd.f32 v1, v0;
	v1 =	vadd.f32 v3, v2  }
0x76: {  	v61 =	vld [tilespmem:s29+$0x6830]  }
0x77: {  	v3 =	vld [tilespmem:s29+$0xB820];
	v0 =	vadd.s32 $0x8000, v0;
	v1 =	vadd.s32 $0x8000, v1  }
0x78: {  	v62 =	vld [tilespmem:s29+$0xB830];
	v0 =	vshrl.u32 v0, $0x10;
	v1 =	vand.u32 $0xFFFF0000, v1  }
0x79: {  	v63 =	vld [tilespmem:s29+$0x6840];
	v0 =	vor.u32 v0, v1;
	v1 =	vadd.f32 v5, v4;
	v4 =	vadd.f32 v7, v6  }
0x7a: {  	v12 =	vld [tilespmem:s29+$0xB840]  }
0x7b: {  	v2 =	vld [tilespmem:s29+$0x6850];
	[tilespmem:s29+$0x10830] =	vst v0;
	v0 =	vadd.s32 $0x8000, v1;
	v1 =	vadd.s32 $0x8000, v4  }
0x7c: {  	s30 =	simm.s32 $0x80;
	v3 =	vadd.f32 v3, v8;
	v4 =	vld [tilespmem:s29+$0xB850];
	v5 =	vshrl.u32 v0, $0x10;
	v1 =	vand.u32 $0xFFFF0000, v1  }
0x7d: {  	v6 =	vadd.f32 v62, v61;
	v0 =	vld [tilespmem:s30+$0x6860];
	v5 =	vor.u32 v5, v1  }
0x7e: {  	v3 =	vadd.s32 $0x8000, v3;
	v1 =	vld [tilespmem:s30+$0xB860];
	[tilespmem:s29+$0x10800] =	vst v5  }
0x7f: {  	s31 =	simm.s32 $0x400;
	v7 =	vadd.s32 $0x8000, v6;
	v6 =	vadd.f32 v12, v63;
	v5 =	vshrl.u32 v3, $0x10;
	v3 =	vld [tilespmem:s30+$0x6870]  }
.LBB2_5:
0x80: {  	p0 =	sne.s32 s31, $0x9E00;
	v8 =	vld [tilespmem:s30+$0xB870];
	v7 =	vand.u32 $0xFFFF0000, v7  }
0x81: {  	v9 =	vld [tilespmem:s30+$0x6800];
	v5 =	vor.u32 v5, v7;
	v2 =	vadd.f32 v4, v2;
	v4 =	vadd.s32 $0x8000, v6  }
0x82: {  	v6 =	vld [tilespmem:s30+$0xB800];
	[tilespmem:s29+$0x10810] =	vst v5;
	v4 =	vshrl.u32 v4, $0x10  }
0x83: {  	v5 =	vld [tilespmem:s30+$0x6810];
	v2 =	vadd.s32 $0x8000, v2  }
0x84: {  	v7 =	vld [tilespmem:s30+$0xB810];
	v2 =	vand.u32 $0xFFFF0000, v2  }
0x85: {  	v0 =	vadd.f32 v1, v0;
	v10 =	vld [tilespmem:s30+$0x6820];
	v1 =	vadd.f32 v8, v3;
	v2 =	vor.u32 v4, v2  }
0x86: {  	v3 =	vld [tilespmem:s30+$0xB820];
	[tilespmem:s29+$0x10820] =	vst v2;
	s29 =	smov.u32 s30  }
0x87: {  	v0 =	vadd.s32 $0x8000, v0;
	v2 =	vadd.f32 v6, v9;
	v6 =	vld [tilespmem:s29+$0x6830];
	v1 =	vadd.s32 $0x8000, v1  }
0x88: {  	v0 =	vshrl.u32 v0, $0x10;
	v8 =	vld [tilespmem:s29+$0xB830];
	v1 =	vand.u32 $0xFFFF0000, v1  }
0x89: {  	v4 =	vadd.f32 v7, v5;
	v2 =	vadd.s32 $0x8000, v2;
	v9 =	vld [tilespmem:s29+$0x6840];
	v0 =	vor.u32 v0, v1  }
0x8a: {  	v1 =	vshrl.u32 v2, $0x10;
	v11 =	vld [tilespmem:s29+$0xB840];
	[tilespmem:s29+$0x10830] =	vst v0  }
.Ltmp1:
0x8b: {  	v0 =	vadd.s32 $0x8000, v4;
	v3 =	vadd.f32 v3, v10;
	v2 =	vld [tilespmem:s29+$0x6850];
	(pc) =	sbr.rel @p0 .LBB2_5-.Ltmp1, $4  }
0x8c: {  	s30 =	sshra.s32 s31, $0x2;
	v5 =	vand.u32 $0xFFFF0000, v0;
	v4 =	vld [tilespmem:s29+$0xB850]  }
0x8d: {  	v0 =	vld [tilespmem:s30+$0x6860];
	v5 =	vor.u32 v1, v5;
	v6 =	vadd.f32 v8, v6;
	v3 =	vadd.s32 $0x8000, v3  }
0x8e: {  	v1 =	vld [tilespmem:s30+$0xB860];
	[tilespmem:s29+$0x10800] =	vst v5;
	v5 =	vshrl.u32 v3, $0x10  }
0x8f: {  	s31 =	sadd.s32 $0x200, s31;
	v3 =	vld [tilespmem:s30+$0x6870];
	v7 =	vadd.s32 $0x8000, v6;
	v6 =	vadd.f32 v11, v9  }
0x90: {  	v8 =	vld [tilespmem:s30+$0xB870];
	v7 =	vand.u32 $0xFFFF0000, v7  }
0x91: {  	v9 =	vld [tilespmem:s30+$0x6800];
	v5 =	vor.u32 v5, v7;
	v2 =	vadd.f32 v4, v2  }
0x92: {  	v52 =	vld [tilespmem:s30+$0xB800];
	[tilespmem:s29+$0x10810] =	vst v5  }
0x93: {  	v54 =	vadd.s32 $0x8000, v6;
	v53 =	vld [tilespmem:s30+$0x6810];
	v2 =	vadd.s32 $0x8000, v2  }
0x94: {  	v5 =	vshrl.u32 v54, $0x10;
	v55 =	vld [tilespmem:s30+$0xB810];
	v2 =	vand.u32 $0xFFFF0000, v2  }
0x95: {  	v10 =	vld [tilespmem:s30+$0x6820];
	v2 =	vor.u32 v5, v2  }
0x96: {  	v56 =	vld [tilespmem:s30+$0xB820];
	[tilespmem:s29+$0x10820] =	vst v2  }
0x97: {  	v2 =	vld [tilespmem:s30+$0x6830]  }
0x98: {  	v58 =	vld [tilespmem:s30+$0xB830]  }
0x99: {  	v59 =	vld [tilespmem:s30+$0x6840]  }
0x9a: {  	v0 =	vadd.f32 v1, v0;
	v60 =	vld [tilespmem:s30+$0xB840]  }
0x9b: {  	v57 =	vadd.f32 v8, v3;
	v7 =	vadd.f32 v52, v9;
	v61 =	vld [tilespmem:s30+$0x6850]  }
0x9c: {  	v0 =	vadd.s32 $0x8000, v0;
	v11 =	vld [tilespmem:s30+$0xB850]  }
0x9d: {  	v0 =	vshrl.u32 v0, $0x10;
	v1 =	vadd.s32 $0x8000, v57;
	v62 =	vadd.s32 $0x8000, v7  }
0x9e: {  	v1 =	vand.u32 $0xFFFF0000, v1;
	v4 =	vadd.f32 v55, v53;
	v5 =	vadd.f32 v56, v10  }
0x9f: {  	v6 =	vshrl.u32 v62, $0x10;
	v0 =	vor.u32 v0, v1  }
0xa0: {  	v4 =	vadd.s32 $0x8000, v4;
	v63 =	vadd.s32 $0x8000, v5;
	v2 =	vadd.f32 v58, v2  }
0xa1: {  	s26 =	sadd.s32 $0x1, s26;
	[tilespmem:s30+$0x10830] =	vst v0;
	v4 =	vand.u32 $0xFFFF0000, v4;
	v1 =	vadd.f32 v60, v59;
	v0 =	vadd.f32 v11, v61  }
0xa2: {  	s0 =	smul.u32 $0x50, s28;
	p0 =	sne.s32 s26, $0x1F;
	v3 =	vshrl.u32 v63, $0x10;
	v4 =	vor.u32 v6, v4;
	v2 =	vadd.s32 $0x8000, v2  }
.Ltmp2:
0xa3: {  	v1 =	vadd.s32 $0x8000, v1;
	v0 =	vadd.s32 $0x8000, v0;
	v2 =	vand.u32 $0xFFFF0000, v2;
	(pc) =	sbr.rel @p0 .LBB2_2-.Ltmp2, $4  }
0xa4: {  	s0 =	sadd.s32 s6, s0;
	[tilespmem:s30+$0x10800] =	vst v4;
	v1 =	vshrl.u32 v1, $0x10;
	v0 =	vand.u32 $0xFFFF0000, v0;
	v2 =	vor.u32 v3, v2  }
0xa5: {  	s0 =	sshll.u32 s0, $0x4;
	v0 =	vor.u32 v1, v0;
	[tilespmem:s30+$0x10810] =	vst v2  }
0xa6: {  	s0 =	sadd.s32 s5, s0;
	[tilespmem:s30+$0x10820] =	vst v0  }
0xa7: {  	[hbm4b:s0+s2] =	stream.linear.scatter [tilespmem:s22], [sflag:$0x6], $0x2800, $0x38;
	[tilespmem:$0x13000] =	vst v63  }
0xa8: {  	s25 =	sadd.s32 $0x1, s25  }
0xa9: {  	_ =	swait.ge [sflag:s23], $0x2800;
	p0 =	sne.s32 s25, s9  }
.Ltmp3:
0xaa: {  	[sflag:s23] =	ssyncset.done $0x0;
	(pc) =	sbr.rel @p0 .LBB2_1-.Ltmp3, $4  }
0xab: {  	[sflag:s23] =	ssyncadd.s32 $0xFFFFD800  }
0xac: {  	_ =	swait.ge [sflag:s24], $0x2800  }
0xad: {  	[sflag:s24] =	ssyncset.done $0x0  }
0xae: {  	[sflag:s24] =	ssyncadd.s32 $0xFFFFD800  }
0xaf: {  	_ =	sfence.sel $0x180000  }
0xb0: {  	[bflag:$0x0] =	sbarrier.arrive $0xFFFF  }
0xb1: {  	_ =	strace $0x90000050  }
0xb2: {  	[bflag:$0x2] =	sbarrier.arrive $0xFFFF  }
0xb3: {  	p0 =	sne.s32 s1, $0x0;
	s0 =	rddreg [dreg:$0x1]  }
0xb4: {  	s0 =	sadd.s32 @!p0 $0x100000, s0  }
0xb5: {  	[sflag:s0] =	ssyncadd.tile.s32 @!p0 $0x1;
	_ =	shalt  }
.Lfunc_end2:
_tile_overlayer_lowered:
.L_overlay_start_2:
0xb6: {  	(tag) =	ssettag $0x2  }
0xb7: {  	s0 =	rddreg [dreg:$0x0];
	s2 =	stileid.u32  }
0xb8: {  	s1 =	rddreg [dreg:$0x1];
	p0 =	sne.s32 s2, $0x0  }
0xb9: {  	s3 =	rddreg [dreg:$0x2];
	[bflag:$0x3] =	sbarrier.arrive $0xFFFF;
	s2 =	simm.s32 @!p0 $0x1C07  }
0xba: {  	[timem:s3], [sflag:s2] =	dma.local @!p0 [hbm:s0], s1  }
0xbb: {  	s0 =	simm.s32 @!p0 $0x7  }
0xbc: {  	_ =	swait.ge @!p0 [sflag:s0], s1  }
0xbd: {  	s1 =	ssub.s32 @!p0 $0x0, s1;
	[sflag:s0] =	ssyncset.done @!p0 $0x0  }
0xbe: {  	[sflag:s0] =	ssyncadd.s32 @!p0 s1  }
0xbf: {  	[bflag:$0x3] =	sbarrier.arrive $0xFFFF  }
0xc0: {  	_ =	shalt  }

// kernel: kernel.20.cloned.1.call-start
scs
__scs_entry_jumppad:
0x0: {  	(pc) =	sbr.rel $0x88, $3  }
0x1: {  	(tag) =	ssettag $0x0;
	lr =	simm.s32 $0x1  }
0x2: {  	[smem:$0x3F95] =	sst lr;
	_ =	strace $0xD0000000  }
0x3: {  	_ = 	snop  }
0x4: {  	_ = 	snop  }
0x5: {  	_ = 	snop  }
0x6: {  	_ = 	snop  }
0x7: {  	_ = 	snop  }
__scs_overlays_trampoline_lowered:
0x8: {  	[smem:$0x3FA4] =	sst s0  }
0x9: {  	[smem:$0x3FA5] =	sst s1  }
0xa: {  	[smem:$0x3FA6] =	sst s2  }
0xb: {  	[smem:$0x3FA7] =	sst s3  }
0xc: {  	[smem:$0x3FA8] =	sst s4  }
0xd: {  	[smem:$0x3FA9] =	sst s5  }
0xe: {  	[smem:$0x3FAA] =	sst s6  }
0xf: {  	[smem:$0x3FAB] =	sst s7  }
0x10: {  	[smem:$0x3FAC] =	sst s8  }
0x11: {  	[smem:$0x3FAD] =	sst s9;
	s0 =	simm.s32 @!p0 $0x0  }
0x12: {  	s1 =	sld [smem:$0x3F93];
	s0 =	simm.s32 @p0 $0x1  }
0x13: {  	[smem:$0x3FAE] =	sst s0;
	s0 =	simm.s32 @!p1 $0x0  }
0x14: {  	s2 =	sld [smem:$0x3F92];
	s0 =	simm.s32 @p1 $0x1  }
0x15: {  	[smem:$0x3FAF] =	sst s0;
	s0 =	simm.s32 @!p2 $0x0  }
0x16: {  	s3 =	sld [smem:$0x3FDB];
	s0 =	simm.s32 @p2 $0x1  }
0x17: {  	s4 =	simm.s32 $0x1BF5;
	[smem:$0x3FB1] =	sst s0  }
0x18: {  	s0 =	sld [smem:$0x3F94];
	_ =	swait.ge [sflag:s4], $0x0  }
0x19: {  	s7 =	sld [smem:$0x3F95]  }
0x1a: {  	s8 =	sadd.s32 $0xFFFFE003, lr  }
0x1b: {  	s9 =	sadd.s32 $0xFFFFFEF7, lr;
	s5 =	simm.s32 $0xFFFFFFFF;
	p2 =	slt.u32 s8, $0xFFFFF086  }
0x1c: {  	p1 =	slt.u32 s9, $0xF7A;
	s5 =	simm.s32 @!p2 $0x0  }
0x1d: {  	s5 =	simm.s32 @p1 $0x1;
	p0 =	seq.s32 s7, s2  }
0x1e: {  	s7 =	smul.u32 @!p0 $0xF7A, s2;
	p2 =	seq.s32 @!p0 s5, $0x0  }
0x1f: {  	s9 =	smul.u32 $0xF7A, s1;
	s8 =	simm.s32 @!p0 $0x1BF5;
	p2 =	por !p2, p0  }
0x20: {  	[sflag:s8] =	ssyncset.s32 @!p0 $0xFFFFF086;
	s6 =	sadd.s32 @!p0 s3, s7;
	s7 =	simm.s32 @!p0 $0x108  }
0x21: {  	s3 =	sadd.s32 s3, s9;
	s6 =	sadd.s32 @!p0 $0x88, s6;
	s7 =	simm.s32 @p2 $0x1082  }
0x22: {  	[simem:s7], [sflag:s8] =	dma.local @!p0 [hbm:s6], $0xF7A  }
0x23: {  	s9 =	sor.u32 $0xD0000000, s2;
	s6 =	simm.s32 $0x108;
	_ =	swait.ge @!p0 [sflag:s8], $0x0  }
0x24: {  	s3 =	sadd.s32 $0x88, s3;
	s6 =	simm.s32 @!p1 $0x1082;
	[sflag:s4] =	ssyncset.s32 $0xFFFFF086  }
0x25: {  	[simem:s6], [sflag:s4] =	dma.local [hbm:s3], $0xF7A  }
0x26: {  	[smem:$0x3F95] =	sst s1;
	(tag) =	ssettag s2;
	_ =	strace s9  }
0x27: {  	s1 =	sld [smem:$0x3FA5]  }
0x28: {  	s2 =	sld [smem:$0x3FA6]  }
0x29: {  	s4 =	sld [smem:$0x3FA8]  }
0x2a: {  	p0 =	seq.s32 s5, $0x0;
	s5 =	sld [smem:$0x3FA9]  }
0x2b: {  	s6 =	sld [smem:$0x3FAA]  }
0x2c: {  	s7 =	sld [smem:$0x3FAB]  }
0x2d: {  	s3 =	simm.s32 $0x108;
	s8 =	sld [smem:$0x3FAC]  }
0x2e: {  	s3 =	simm.s32 @!p0 $0x1082;
	s9 =	sld [smem:$0x3FAD]  }
0x2f: {  	lr =	sadd.s32 s0, s3;
	s0 =	sld [smem:$0x3FA4]  }
0x30: {  	s3 =	sld [smem:$0x3FA7]  }
0x31: {  	[smem:$0x3FB0] =	sst s10  }
0x32: {  	s10 =	sld [smem:$0x3FAE];
	_ =	sdelay $0x3  }
0x33: {  	p0 =	seq.s32 s10, $0x1;
	s10 =	sld [smem:$0x3FB0];
	_ =	sdelay $0x3  }
0x34: {  	[smem:$0x3FB0] =	sst s10  }
0x35: {  	s10 =	sld [smem:$0x3FAF];
	_ =	sdelay $0x3  }
0x36: {  	p1 =	seq.s32 s10, $0x1;
	s10 =	sld [smem:$0x3FB0];
	_ =	sdelay $0x3  }
0x37: {  	[smem:$0x3FB0] =	sst s10  }
0x38: {  	s10 =	sld [smem:$0x3FB1]  }
0x39: {  	_ = 	snop;
	(pc) =	sbr.ind lr, $3  }
0x3a: {  	_ = 	snop  }
0x3b: {  	_ = 	snop  }
0x3c: {  	p2 =	seq.s32 s10, $0x1;
	s10 =	sld [smem:$0x3FB0]  }
0x3d: {  	_ =	shalt  }
0x3e: {  	_ =	shalt  }
0x3f: {  	_ =	shalt  }
0x40: {  	_ =	shalt  }
0x41: {  	_ =	shalt  }
0x42: {  	_ =	shalt  }
0x43: {  	_ =	shalt  }
0x44: {  	_ =	shalt  }
0x45: {  	_ =	shalt  }
0x46: {  	_ =	shalt  }
0x47: {  	_ =	shalt  }
0x48: {  	_ =	shalt  }
0x49: {  	_ =	shalt  }
0x4a: {  	_ =	shalt  }
0x4b: {  	_ =	shalt  }
0x4c: {  	_ =	shalt  }
0x4d: {  	_ =	shalt  }
0x4e: {  	_ =	shalt  }
0x4f: {  	_ =	shalt  }
0x50: {  	_ =	shalt  }
0x51: {  	_ =	shalt  }
0x52: {  	_ =	shalt  }
0x53: {  	_ =	shalt  }
0x54: {  	_ =	shalt  }
0x55: {  	_ =	shalt  }
0x56: {  	_ =	shalt  }
0x57: {  	_ =	shalt  }
0x58: {  	_ =	shalt  }
0x59: {  	_ =	shalt  }
0x5a: {  	_ =	shalt  }
0x5b: {  	_ =	shalt  }
0x5c: {  	_ =	shalt  }
0x5d: {  	_ =	shalt  }
0x5e: {  	_ =	shalt  }
0x5f: {  	_ =	shalt  }
0x60: {  	_ =	shalt  }
0x61: {  	_ =	shalt  }
0x62: {  	_ =	shalt  }
0x63: {  	_ =	shalt  }
0x64: {  	_ =	shalt  }
0x65: {  	_ =	shalt  }
0x66: {  	_ =	shalt  }
0x67: {  	_ =	shalt  }
0x68: {  	_ =	shalt  }
0x69: {  	_ =	shalt  }
0x6a: {  	_ =	shalt  }
0x6b: {  	_ =	shalt  }
0x6c: {  	_ =	shalt  }
0x6d: {  	_ =	shalt  }
0x6e: {  	_ =	shalt  }
0x6f: {  	_ =	shalt  }
0x70: {  	_ =	shalt  }
0x71: {  	_ =	shalt  }
0x72: {  	_ =	shalt  }
0x73: {  	_ =	shalt  }
0x74: {  	_ =	shalt  }
0x75: {  	_ =	shalt  }
0x76: {  	_ =	shalt  }
0x77: {  	_ =	shalt  }
0x78: {  	_ =	shalt  }
0x79: {  	_ =	shalt  }
0x7a: {  	_ =	shalt  }
0x7b: {  	_ =	shalt  }
0x7c: {  	_ =	shalt  }
0x7d: {  	_ =	shalt  }
0x7e: {  	_ =	shalt  }
0x7f: {  	_ =	shalt  }
0x80: {  	_ =	shalt  }
0x81: {  	_ =	shalt  }
0x82: {  	_ =	shalt  }
0x83: {  	_ =	shalt  }
0x84: {  	_ =	shalt  }
0x85: {  	_ =	shalt  }
0x86: {  	_ =	shalt  }
0x87: {  	_ =	shalt  }
.Lfunc_end0:
.L_simem_size_0:
called_computation.3_lowered:
.L_overlay_start_0:
0x88: {  	s2 =	sld [smem:$0x3FD9]  }
0x89: {  	s3 =	sld [smem:$0x3FFE];
	_ =	sdelay $0x1  }
0x8a: {  	s1 =	srdreg.scid  }
0x8b: {  	s0 =	sand.u32 $0x1, s1  }
0x8c: {  	s16 =	sshll.u32 s0, $0xA;
	s2 =	sadd.s32 s3, s2  }
0x8d: {  	s2 =	sadd.s32 s2, s16  }
0x8e: {  	[smem:$0x3FBC] =	sst s2  }
0x8f: {  	_ = 	snop  }
0x90: {  	(tm) =	ssettm $0x1  }
0x91: {  	s17 =	sld [smem:$0x3FFB];
	_ =	sdelay $0x3  }
0x92: {  	_ =	strace s17  }
0x93: {  	s2 =	sld [smem:$0x3FFC];
	_ =	sdelay $0x3  }
0x94: {  	_ =	strace s2  }
0x95: {  	s2 =	sld [smem:$0x3FFD];
	_ =	sdelay $0x3  }
0x96: {  	_ =	strace s2  }
0x97: {  	_ =	strace $0x8FFFFFFF  }
0x98: {  	s18 =	sld [smem:$0x3FDB];
	_ =	sdelay $0x1  }
0x99: {  	s19 =	simm.s32 $_scs_section_size  }
0x9a: {  	s4 =	simm.s32 $_size__tile_overlayer_lowered;
	s5 =	simm.s32 $_tile_overlayer_lowered  }
0x9b: {  	s22 =	simm.s32 $0x1BFF;
	s21 =	sshll.u32 s5, $0x1;
	s2 =	sadd.s32 s19, s18  }
0x9c: {  	s6 =	simm.s32 $0x0;
	s20 =	sshll.u32 s4, $0x1;
	s4 =	sadd.s32 s21, s2  }
0x9d: {  	[timem:s6], [sflag:s22] =	dma.local [hbm:s4], s20  }
0x9e: {  	_ =	swait.ge [sflag:s22], s20  }
0x9f: {  	s3 =	ssub.s32 $0x0, s20;
	[sflag:s22] =	ssyncset.done $0x0  }
0xa0: {  	[sflag:s22] =	ssyncadd.s32 s3;
	_ =	sdelay $0x1  }
0xa1: {  	s23 =	simm.s32 $0x1B8B  }
0xa2: {  	_ =	swait.ge [sflag:s23], $0x1  }
0xa3: {  	[sflag:s23] =	ssyncset.done $0x0  }
0xa4: {  	s25 =	simm.s32 $0x1B8E;
	s24 =	sld [smem:$0x3FFE];
	[sflag:s23] =	ssyncadd.s32 $0xFFFFFFFF  }
0xa5: {  	s26 =	simm.s32 $execute0_lowered;
	[smem:$0x3FD2] =	sst s25  }
0xa6: {  	s4 =	sshll.u32 s26, $0x1;
	_ =	strace $0x8000004C;
	[dreg:$0x1] =	wrdreg $0xFFFFFFFF  }
0xa7: {  	s28 =	simm.s32 $_size_execute0_lowered;
	s2 =	sadd.s32 s2, s4;
	[dreg:$0x0] =	wrdreg $0x0  }
0xa8: {  	s4 =	sshll.u32 s28, $0x1;
	[dreg:$0x2] =	wrdreg s2  }
0xa9: {  	[dreg:$0x3] =	wrdreg s4  }
0xaa: {  	[dreg:$0x4] =	wrdreg $0xC0  }
0xab: {  	_ =	task [dreg:s6], $0x5FFFF  }
0xac: {  	[dreg:$0x1] =	wrdreg $0xFFFFFFFF  }
0xad: {  	[dreg:$0x0] =	wrdreg $0x60  }
0xae: {  	[dreg:$0x2] =	wrdreg s24  }
0xaf: {  	[dreg:$0x3] =	wrdreg $0xA  }
0xb0: {  	_ =	task.clear_ibuf [dreg:s6], $0x4FFFF;
	_ =	strace $0x9000004C  }
0xb1: {  	s29 =	simm.s32 $0xA;
	_ =	strace $0x8000004E  }
0xb2: {  	_ =	swait.ge [sflag:s29], $0x1  }
0xb3: {  	[sflag:s29] =	ssyncadd.s32 $0xFFFFFFFF  }
0xb4: {  	_ =	strace $0x9000004E  }
0xb5: {  	_ =	sfence  }
0xb6: {  	s30 =	sld [smem:$0x0];
	_ =	sdelay $0x2  }
0xb7: {  	s31 =	sshll.u32 s1, $0xD;
	s1 =	sshrl.u32 s1, $0x2  }
0xb8: {  	s3 =	sand.u32 $0x4000, s31;
	s1 =	sadd.s32 s1, s30  }
0xb9: {  	s0 =	sor.u32 s3, s0;
	s1 =	sshll.u32 s1, $0x11  }
0xba: {  	s0 =	sor.u32 s1, s0  }
0xbb: {  	s0 =	sadd.s32 $0x8F2B, s0  }
0xbc: {  	[sflag:s0] =	ssyncadd.remote.s32 $0x1  }
0xbd: {  	_ =	sfence.sel $0xFFFF  }
0xbe: {  	[dreg:$0x0] =	wrdreg $0xFFFFFFFF;
	(pc) =	sbr.abs _section_cstart, $3  }
0xbf: {  	[dreg:$0x1] =	wrdreg $0xFFFFFFFF  }
0xc0: {  	_ =	task.clear_ibuf [dreg:s6], $0x2FFFF;
	_ =	strace $0x9FFFFFFF  }
0xc1: {  	(tm) =	ssettm $0x7FFFFFFF  }
tec
execute0_lowered:
.L_overlay_start_1:
0x0: {  	(tag) =	ssettag $0x1  }
0x1: {  	s0 =	srdreg.scid;
	s5 =	rddreg [dreg:$0x0]  }
0x2: {  	s1 =	stileid.u32;
	s2 =	simm.s32 $0x0;
	s11 =	simm.s32 $0x7  }
0x3: {  	s12 =	simm.s32 $0x2000;
	s13 =	simm.s32 $0x50;
	s14 =	simm.s32 $0x4000  }
0x4: {  	s15 =	simm.s32 $0x9000;
	s16 =	simm.s32 $0x1;
	s17 =	simm.s32 $0x3  }
0x5: {  	s18 =	simm.s32 $0x6800;
	s19 =	simm.s32 $0xB800;
	s20 =	simm.s32 $0xE000  }
0x6: {  	s21 =	simm.s32 $0x2;
	s22 =	simm.s32 $0x4;
	s23 =	simm.s32 $0x10800  }
0x7: {  	s24 =	simm.s32 $0x5;
	s25 =	simm.s32 $0x6;
	s0 =	sand.u32 $0x1, s0  }
0x8: {  	s26 =	simm.s32 $0x0;
	[smem:$0x7FF] =	sst s2;
	s3 =	sshll.u32 s0, $0x4  }
0x9: {  	s4 =	sadd.s32 $0x53400, s5;
	s0 =	ssub.s32 $0x2, s0;
	s6 =	sor.u32 s1, s3  }
0xa: {  	s9 =	sshrl.u32 s0, $0x1;
	s3 =	sshll.u32 s6, $0xA;
	s7 =	smul.u32 $0x9D800, s6  }
0xb: {  	_ =	strace $0x8000004D;
	s0 =	ssub.s32 s0, s9;
	s8 =	sadd.s32 s3, s5  }
0xc: {  	s3 =	sadd.s32 $0xDA00, s5;
	s5 =	sadd.s32 $0x7A600, s5;
	s31 =	sshrl.u32 s7, $0x3  }
0xd: {  	s6 =	smul.u32 $0x13B0, s6;
	s10 =	smax.u32 s0, $0x1;
	s9 =	sadd.s32 s5, s31  }
0xe: {  	s7 =	sadd.s32 $0x4B400, s8;
	s8 =	sadd.s32 $0x43400, s8;
	s9 =	sadd.s32 $0x13600, s9  }
.LBB2_1:
0xf: {  	[tilespmem:s2], [sflag:$0x7] =	stream.linear.gather [hbm4b:s7+s2], $0x1F80, $0x38;
	[tilespmem:$0x13000] =	vst v63  }
0x10: {  	_ =	swait.ge [sflag:s11], $0x1F80  }
0x11: {  	[sflag:s11] =	ssyncset.done $0x0  }
0x12: {  	[sflag:s11] =	ssyncadd.s32 $0xFFFFE080  }
0x13: {  	[tilespmem:s12], [sflag:$0x7] =	stream.linear.gather [hbm4b:s8+s2], $0x1F80, $0x38;
	[tilespmem:$0x13000] =	vst v63  }
0x14: {  	_ =	swait.ge [sflag:s11], $0x1F80  }
0x15: {  	[sflag:s11] =	ssyncset.done $0x0  }
0x16: {  	[sflag:s11] =	ssyncadd.s32 $0xFFFFE080  }
0x17: {  	[tilespmem:s14], [sflag:$0x1] =	stream.indirect.gather [hbm4b:s3+s13], $0x80, s2, s13, $0xb8;
	[tilespmem:$0x13000] =	vst v63  }
0x18: {  	s28 =	simm.s32 $0x0  }
0x19: {  	[tilespmem:s15], [sflag:$0x3] =	stream.indirect.gather [hbm4b:s4+s13], $0x80, s12, s13, $0xb8;
	[tilespmem:$0x13000] =	vst v63  }
.LBB2_2:
0x1a: {  	_ =	swait.ge [sflag:s16], $0x2800  }
0x1b: {  	[sflag:s16] =	ssyncset.done $0x0  }
0x1c: {  	[sflag:s16] =	ssyncadd.s32 $0xFFFFD800  }
0x1d: {  	_ =	swait.ge [sflag:s17], $0x2800  }
0x1e: {  	s29 =	sshllo.u32 s28, $0x1;
	[sflag:s17] =	ssyncset.done $0x0  }
0x1f: {  	s0 =	sshll.u32 s29, $0x7;
	[sflag:s17] =	ssyncadd.s32 $0xFFFFD800  }
0x20: {  	[tilespmem:s18], [sflag:$0x2] =	stream.indirect.gather [hbm4b:s3+s13], $0x80, s0, s13, $0xb8;
	[tilespmem:$0x13000] =	vst v63  }
0x21: {  	p0 =	seq.s32 s28, $0x0;
	s0 =	sadd.s32 $0x2000, s0  }
0x22: {  	[tilespmem:s19], [sflag:$0x4] =	stream.indirect.gather [hbm4b:s4+s13], $0x80, s0, s13, $0xb8;
	[tilespmem:$0x13000] =	vst v63  }
0x23: {  	s0 =	simm.s32 @!p0 $0x5  }
0x24: {  	_ =	swait.ge @!p0 [sflag:s0], $0x2800  }
0x25: {  	[sflag:s0] =	ssyncset.done @!p0 $0x0  }
0x26: {  	s30 =	simm.s32 $0x0;
	[sflag:s0] =	ssyncadd.s32 @!p0 $0xFFFFD800  }
0x27: {  	v0 =	vld [tilespmem:s30+$0x4060]  }
0x28: {  	v1 =	vld [tilespmem:s30+$0x9060]  }
0x29: {  	v2 =	vld [tilespmem:s30+$0x4070]  }
0x2a: {  	v3 =	vld [tilespmem:s30+$0x9070]  }
0x2b: {  	v4 =	vld [tilespmem:s30+$0x4000]  }
0x2c: {  	v5 =	vld [tilespmem:s30+$0x9000]  }
0x2d: {  	v6 =	vld [tilespmem:s30+$0x4010]  }
0x2e: {  	v7 =	vld [tilespmem:s30+$0x9010]  }
0x2f: {  	v8 =	vld [tilespmem:s30+$0x4020];
	v0 =	vadd.f32 v1, v0;
	v1 =	vadd.f32 v3, v2  }
0x30: {  	v9 =	vld [tilespmem:s30+$0x4030]  }
0x31: {  	v3 =	vld [tilespmem:s30+$0x9020];
	v0 =	vadd.s32 $0x8000, v0;
	v1 =	vadd.s32 $0x8000, v1  }
0x32: {  	v10 =	vld [tilespmem:s30+$0x9030];
	v0 =	vshrl.u32 v0, $0x10;
	v1 =	vand.u32 $0xFFFF0000, v1  }
0x33: {  	v11 =	vld [tilespmem:s30+$0x4040];
	v0 =	vor.u32 v0, v1;
	v1 =	vadd.f32 v5, v4;
	v4 =	vadd.f32 v7, v6  }
0x34: {  	v12 =	vld [tilespmem:s30+$0x9040]  }
0x35: {  	v2 =	vld [tilespmem:s30+$0x4050];
	[tilespmem:s30+$0xE030] =	vst v0;
	v0 =	vadd.s32 $0x8000, v1;
	v1 =	vadd.s32 $0x8000, v4  }
0x36: {  	s31 =	simm.s32 $0x80;
	v3 =	vadd.f32 v3, v8;
	v4 =	vld [tilespmem:s30+$0x9050];
	v5 =	vshrl.u32 v0, $0x10;
	v1 =	vand.u32 $0xFFFF0000, v1  }
0x37: {  	v6 =	vadd.f32 v10, v9;
	v0 =	vld [tilespmem:s31+$0x4060];
	v5 =	vor.u32 v5, v1  }
0x38: {  	v3 =	vadd.s32 $0x8000, v3;
	v1 =	vld [tilespmem:s31+$0x9060];
	[tilespmem:s30+$0xE000] =	vst v5  }
0x39: {  	s0 =	simm.s32 $0x400;
	v7 =	vadd.s32 $0x8000, v6;
	v6 =	vadd.f32 v12, v11;
	v5 =	vshrl.u32 v3, $0x10;
	v3 =	vld [tilespmem:s31+$0x4070]  }
.LBB2_3:
0x3a: {  	p1 =	sne.s32 s0, $0x9E00;
	v8 =	vld [tilespmem:s31+$0x9070];
	v7 =	vand.u32 $0xFFFF0000, v7  }
0x3b: {  	v9 =	vld [tilespmem:s31+$0x4000];
	v5 =	vor.u32 v5, v7;
	v2 =	vadd.f32 v4, v2;
	v4 =	vadd.s32 $0x8000, v6  }
0x3c: {  	v6 =	vld [tilespmem:s31+$0x9000];
	[tilespmem:s30+$0xE010] =	vst v5;
	v4 =	vshrl.u32 v4, $0x10  }
0x3d: {  	v5 =	vld [tilespmem:s31+$0x4010];
	v2 =	vadd.s32 $0x8000, v2  }
0x3e: {  	v7 =	vld [tilespmem:s31+$0x9010];
	v2 =	vand.u32 $0xFFFF0000, v2  }
0x3f: {  	v0 =	vadd.f32 v1, v0;
	v10 =	vld [tilespmem:s31+$0x4020];
	v1 =	vadd.f32 v8, v3;
	v2 =	vor.u32 v4, v2  }
0x40: {  	v3 =	vld [tilespmem:s31+$0x9020];
	[tilespmem:s30+$0xE020] =	vst v2;
	s30 =	smov.u32 s31  }
0x41: {  	v0 =	vadd.s32 $0x8000, v0;
	v2 =	vadd.f32 v6, v9;
	v6 =	vld [tilespmem:s30+$0x4030];
	v1 =	vadd.s32 $0x8000, v1  }
0x42: {  	v0 =	vshrl.u32 v0, $0x10;
	v8 =	vld [tilespmem:s30+$0x9030];
	v1 =	vand.u32 $0xFFFF0000, v1  }
0x43: {  	v4 =	vadd.f32 v7, v5;
	v2 =	vadd.s32 $0x8000, v2;
	v9 =	vld [tilespmem:s30+$0x4040];
	v0 =	vor.u32 v0, v1  }
0x44: {  	v1 =	vshrl.u32 v2, $0x10;
	v11 =	vld [tilespmem:s30+$0x9040];
	[tilespmem:s30+$0xE030] =	vst v0  }
.Ltmp0:
0x45: {  	v0 =	vadd.s32 $0x8000, v4;
	v3 =	vadd.f32 v3, v10;
	v2 =	vld [tilespmem:s30+$0x4050];
	(pc) =	sbr.rel @p1 .LBB2_3-.Ltmp0, $4  }
0x46: {  	s31 =	sshra.s32 s0, $0x2;
	v5 =	vand.u32 $0xFFFF0000, v0;
	v4 =	vld [tilespmem:s30+$0x9050]  }
0x47: {  	v0 =	vld [tilespmem:s31+$0x4060];
	v5 =	vor.u32 v1, v5;
	v6 =	vadd.f32 v8, v6;
	v3 =	vadd.s32 $0x8000, v3  }
0x48: {  	v1 =	vld [tilespmem:s31+$0x9060];
	[tilespmem:s30+$0xE000] =	vst v5;
	v5 =	vshrl.u32 v3, $0x10  }
0x49: {  	s0 =	sadd.s32 $0x200, s0;
	v3 =	vld [tilespmem:s31+$0x4070];
	v7 =	vadd.s32 $0x8000, v6;
	v6 =	vadd.f32 v11, v9  }
0x4a: {  	v8 =	vld [tilespmem:s31+$0x9070];
	v7 =	vand.u32 $0xFFFF0000, v7  }
0x4b: {  	v9 =	vld [tilespmem:s31+$0x4000];
	v5 =	vor.u32 v5, v7;
	v2 =	vadd.f32 v4, v2  }
0x4c: {  	v7 =	vld [tilespmem:s31+$0x9000];
	[tilespmem:s30+$0xE010] =	vst v5  }
0x4d: {  	v5 =	vadd.s32 $0x8000, v6;
	v4 =	vld [tilespmem:s31+$0x4010];
	v2 =	vadd.s32 $0x8000, v2  }
0x4e: {  	v6 =	vld [tilespmem:s31+$0x9010];
	v5 =	vshrl.u32 v5, $0x10;
	v2 =	vand.u32 $0xFFFF0000, v2  }
0x4f: {  	v10 =	vld [tilespmem:s31+$0x4020];
	v2 =	vor.u32 v5, v2  }
0x50: {  	v5 =	vld [tilespmem:s31+$0x9020];
	[tilespmem:s30+$0xE020] =	vst v2  }
0x51: {  	v0 =	vadd.f32 v1, v0;
	v1 =	vadd.f32 v8, v3;
	v2 =	vld [tilespmem:s31+$0x4030]  }
0x52: {  	v3 =	vld [tilespmem:s31+$0x9030]  }
0x53: {  	v0 =	vadd.s32 $0x8000, v0;
	v1 =	vadd.s32 $0x8000, v1;
	v8 =	vld [tilespmem:s31+$0x4040]  }
0x54: {  	v0 =	vshrl.u32 v0, $0x10;
	v11 =	vld [tilespmem:s31+$0x9050];
	v1 =	vand.u32 $0xFFFF0000, v1  }
0x55: {  	v0 =	vor.u32 v0, v1;
	v1 =	vld [tilespmem:s31+$0x9040]  }
0x56: {  	[tilespmem:s31+$0xE030] =	vst v0;
	v0 =	vld [tilespmem:s31+$0x4050]  }
0x57: {  	v7 =	vadd.f32 v7, v9;
	v4 =	vadd.f32 v6, v4;
	_ =	sdelay $0x1  }
0x58: {  	v6 =	vadd.s32 $0x8000, v7;
	v4 =	vadd.s32 $0x8000, v4;
	v5 =	vadd.f32 v5, v10  }
0x59: {  	v6 =	vshrl.u32 v6, $0x10;
	v4 =	vand.u32 $0xFFFF0000, v4;
	v2 =	vadd.f32 v3, v2  }
0x5a: {  	v3 =	vadd.s32 $0x8000, v5;
	v1 =	vadd.f32 v1, v8;
	v0 =	vadd.f32 v11, v0  }
0x5b: {  	s0 =	smul.u32 $0xA0, s28;
	v4 =	vor.u32 v6, v4;
	v3 =	vshrl.u32 v3, $0x10;
	v2 =	vadd.s32 $0x8000, v2  }
0x5c: {  	v2 =	vand.u32 $0xFFFF0000, v2;
	v1 =	vadd.s32 $0x8000, v1;
	v0 =	vadd.s32 $0x8000, v0  }
0x5d: {  	s0 =	sadd.s32 s6, s0;
	[tilespmem:s31+$0xE000] =	vst v4;
	v2 =	vor.u32 v3, v2;
	v1 =	vshrl.u32 v1, $0x10;
	v0 =	vand.u32 $0xFFFF0000, v0  }
0x5e: {  	s0 =	sshll.u32 s0, $0x4;
	[tilespmem:s31+$0xE010] =	vst v2;
	v0 =	vor.u32 v1, v0  }
0x5f: {  	s0 =	sadd.s32 s5, s0;
	[tilespmem:s31+$0xE020] =	vst v0  }
0x60: {  	[hbm4b:s0+s2] =	stream.linear.scatter [tilespmem:s20], [sflag:$0x5], $0x2800, $0x38;
	[tilespmem:$0x13000] =	vst v63  }
0x61: {  	_ =	swait.ge [sflag:s21], $0x2800  }
0x62: {  	[sflag:s21] =	ssyncset.done $0x0  }
0x63: {  	[sflag:s21] =	ssyncadd.s32 $0xFFFFD800  }
0x64: {  	_ =	swait.ge [sflag:s22], $0x2800  }
0x65: {  	s0 =	sshll.u32 s28, $0x8;
	[sflag:s22] =	ssyncset.done $0x0  }
0x66: {  	s30 =	sadd.s32 $0x100, s0;
	[sflag:s22] =	ssyncadd.s32 $0xFFFFD800  }
0x67: {  	[tilespmem:s14], [sflag:$0x1] =	stream.indirect.gather [hbm4b:s3+s13], $0x80, s30, s13, $0xb8;
	[tilespmem:$0x13000] =	vst v63  }
0x68: {  	s0 =	sadd.s32 $0x2100, s0  }
0x69: {  	[tilespmem:s15], [sflag:$0x3] =	stream.indirect.gather [hbm4b:s4+s13], $0x80, s0, s13, $0xb8;
	[tilespmem:$0x13000] =	vst v63  }
0x6a: {  	s0 =	simm.s32 @!p0 $0x6  }
0x6b: {  	_ =	swait.ge @!p0 [sflag:s0], $0x2800  }
0x6c: {  	[sflag:s0] =	ssyncset.done @!p0 $0x0  }
0x6d: {  	s30 =	simm.s32 $0x0;
	[sflag:s0] =	ssyncadd.s32 @!p0 $0xFFFFD800  }
0x6e: {  	v0 =	vld [tilespmem:s30+$0x6860]  }
0x6f: {  	v1 =	vld [tilespmem:s30+$0xB860]  }
0x70: {  	v2 =	vld [tilespmem:s30+$0x6870]  }
0x71: {  	v3 =	vld [tilespmem:s30+$0xB870]  }
0x72: {  	v4 =	vld [tilespmem:s30+$0x6800]  }
0x73: {  	v5 =	vld [tilespmem:s30+$0xB800]  }
0x74: {  	v6 =	vld [tilespmem:s30+$0x6810]  }
0x75: {  	v7 =	vld [tilespmem:s30+$0xB810]  }
0x76: {  	v8 =	vld [tilespmem:s30+$0x6820];
	v0 =	vadd.f32 v1, v0;
	v1 =	vadd.f32 v3, v2  }
0x77: {  	v61 =	vld [tilespmem:s30+$0x6830]  }
0x78: {  	v3 =	vld [tilespmem:s30+$0xB820];
	v0 =	vadd.s32 $0x8000, v0;
	v1 =	vadd.s32 $0x8000, v1  }
0x79: {  	v62 =	vld [tilespmem:s30+$0xB830];
	v0 =	vshrl.u32 v0, $0x10;
	v1 =	vand.u32 $0xFFFF0000, v1  }
0x7a: {  	v63 =	vld [tilespmem:s30+$0x6840];
	v0 =	vor.u32 v0, v1;
	v1 =	vadd.f32 v5, v4;
	v4 =	vadd.f32 v7, v6  }
0x7b: {  	v12 =	vld [tilespmem:s30+$0xB840]  }
0x7c: {  	v2 =	vld [tilespmem:s30+$0x6850];
	[tilespmem:s30+$0x10830] =	vst v0;
	v0 =	vadd.s32 $0x8000, v1;
	v1 =	vadd.s32 $0x8000, v4  }
0x7d: {  	s31 =	simm.s32 $0x80;
	v3 =	vadd.f32 v3, v8;
	v4 =	vld [tilespmem:s30+$0xB850];
	v5 =	vshrl.u32 v0, $0x10;
	v1 =	vand.u32 $0xFFFF0000, v1  }
0x7e: {  	v6 =	vadd.f32 v62, v61;
	v0 =	vld [tilespmem:s31+$0x6860];
	v5 =	vor.u32 v5, v1  }
0x7f: {  	v3 =	vadd.s32 $0x8000, v3;
	v1 =	vld [tilespmem:s31+$0xB860];
	[tilespmem:s30+$0x10800] =	vst v5  }
0x80: {  	s0 =	simm.s32 $0x400;
	v7 =	vadd.s32 $0x8000, v6;
	v6 =	vadd.f32 v12, v63;
	v5 =	vshrl.u32 v3, $0x10;
	v3 =	vld [tilespmem:s31+$0x6870]  }
.LBB2_5:
0x81: {  	p0 =	sne.s32 s0, $0x9E00;
	v8 =	vld [tilespmem:s31+$0xB870];
	v7 =	vand.u32 $0xFFFF0000, v7  }
0x82: {  	v9 =	vld [tilespmem:s31+$0x6800];
	v5 =	vor.u32 v5, v7;
	v2 =	vadd.f32 v4, v2;
	v4 =	vadd.s32 $0x8000, v6  }
0x83: {  	v6 =	vld [tilespmem:s31+$0xB800];
	[tilespmem:s30+$0x10810] =	vst v5;
	v4 =	vshrl.u32 v4, $0x10  }
0x84: {  	v5 =	vld [tilespmem:s31+$0x6810];
	v2 =	vadd.s32 $0x8000, v2  }
0x85: {  	v7 =	vld [tilespmem:s31+$0xB810];
	v2 =	vand.u32 $0xFFFF0000, v2  }
0x86: {  	v0 =	vadd.f32 v1, v0;
	v10 =	vld [tilespmem:s31+$0x6820];
	v1 =	vadd.f32 v8, v3;
	v2 =	vor.u32 v4, v2  }
0x87: {  	v3 =	vld [tilespmem:s31+$0xB820];
	[tilespmem:s30+$0x10820] =	vst v2;
	s30 =	smov.u32 s31  }
0x88: {  	v0 =	vadd.s32 $0x8000, v0;
	v2 =	vadd.f32 v6, v9;
	v6 =	vld [tilespmem:s30+$0x6830];
	v1 =	vadd.s32 $0x8000, v1  }
0x89: {  	v0 =	vshrl.u32 v0, $0x10;
	v8 =	vld [tilespmem:s30+$0xB830];
	v1 =	vand.u32 $0xFFFF0000, v1  }
0x8a: {  	v4 =	vadd.f32 v7, v5;
	v2 =	vadd.s32 $0x8000, v2;
	v9 =	vld [tilespmem:s30+$0x6840];
	v0 =	vor.u32 v0, v1  }
0x8b: {  	v1 =	vshrl.u32 v2, $0x10;
	v11 =	vld [tilespmem:s30+$0xB840];
	[tilespmem:s30+$0x10830] =	vst v0  }
.Ltmp1:
0x8c: {  	v0 =	vadd.s32 $0x8000, v4;
	v3 =	vadd.f32 v3, v10;
	v2 =	vld [tilespmem:s30+$0x6850];
	(pc) =	sbr.rel @p0 .LBB2_5-.Ltmp1, $4  }
0x8d: {  	s31 =	sshra.s32 s0, $0x2;
	v5 =	vand.u32 $0xFFFF0000, v0;
	v4 =	vld [tilespmem:s30+$0xB850]  }
0x8e: {  	v0 =	vld [tilespmem:s31+$0x6860];
	v5 =	vor.u32 v1, v5;
	v6 =	vadd.f32 v8, v6;
	v3 =	vadd.s32 $0x8000, v3  }
0x8f: {  	v1 =	vld [tilespmem:s31+$0xB860];
	[tilespmem:s30+$0x10800] =	vst v5;
	v5 =	vshrl.u32 v3, $0x10  }
0x90: {  	s0 =	sadd.s32 $0x200, s0;
	v3 =	vld [tilespmem:s31+$0x6870];
	v7 =	vadd.s32 $0x8000, v6;
	v6 =	vadd.f32 v11, v9  }
0x91: {  	v8 =	vld [tilespmem:s31+$0xB870];
	v7 =	vand.u32 $0xFFFF0000, v7  }
0x92: {  	v9 =	vld [tilespmem:s31+$0x6800];
	v5 =	vor.u32 v5, v7;
	v2 =	vadd.f32 v4, v2  }
0x93: {  	v52 =	vld [tilespmem:s31+$0xB800];
	[tilespmem:s30+$0x10810] =	vst v5  }
0x94: {  	v54 =	vadd.s32 $0x8000, v6;
	v53 =	vld [tilespmem:s31+$0x6810];
	v2 =	vadd.s32 $0x8000, v2  }
0x95: {  	v5 =	vshrl.u32 v54, $0x10;
	v55 =	vld [tilespmem:s31+$0xB810];
	v2 =	vand.u32 $0xFFFF0000, v2  }
0x96: {  	v10 =	vld [tilespmem:s31+$0x6820];
	v2 =	vor.u32 v5, v2  }
0x97: {  	v56 =	vld [tilespmem:s31+$0xB820];
	[tilespmem:s30+$0x10820] =	vst v2  }
0x98: {  	v2 =	vld [tilespmem:s31+$0x6830]  }
0x99: {  	v58 =	vld [tilespmem:s31+$0xB830]  }
0x9a: {  	v59 =	vld [tilespmem:s31+$0x6840]  }
0x9b: {  	v0 =	vadd.f32 v1, v0;
	v60 =	vld [tilespmem:s31+$0xB840]  }
0x9c: {  	v57 =	vadd.f32 v8, v3;
	v7 =	vadd.f32 v52, v9;
	v61 =	vld [tilespmem:s31+$0x6850]  }
0x9d: {  	v0 =	vadd.s32 $0x8000, v0;
	v11 =	vld [tilespmem:s31+$0xB850]  }
0x9e: {  	v0 =	vshrl.u32 v0, $0x10;
	v1 =	vadd.s32 $0x8000, v57;
	v62 =	vadd.s32 $0x8000, v7  }
0x9f: {  	v1 =	vand.u32 $0xFFFF0000, v1;
	v4 =	vadd.f32 v55, v53;
	v5 =	vadd.f32 v56, v10  }
0xa0: {  	v6 =	vshrl.u32 v62, $0x10;
	v0 =	vor.u32 v0, v1  }
0xa1: {  	v4 =	vadd.s32 $0x8000, v4;
	v63 =	vadd.s32 $0x8000, v5;
	v2 =	vadd.f32 v58, v2  }
0xa2: {  	s28 =	sadd.s32 $0x1, s28;
	[tilespmem:s31+$0x10830] =	vst v0;
	v4 =	vand.u32 $0xFFFF0000, v4;
	v1 =	vadd.f32 v60, v59;
	v0 =	vadd.f32 v11, v61  }
0xa3: {  	s0 =	smul.u32 $0x50, s29;
	p0 =	sne.s32 s28, $0x1F;
	v3 =	vshrl.u32 v63, $0x10;
	v4 =	vor.u32 v6, v4;
	v2 =	vadd.s32 $0x8000, v2  }
.Ltmp2:
0xa4: {  	v1 =	vadd.s32 $0x8000, v1;
	v0 =	vadd.s32 $0x8000, v0;
	v2 =	vand.u32 $0xFFFF0000, v2;
	(pc) =	sbr.rel @p0 .LBB2_2-.Ltmp2, $4  }
0xa5: {  	s0 =	sadd.s32 s6, s0;
	[tilespmem:s31+$0x10800] =	vst v4;
	v1 =	vshrl.u32 v1, $0x10;
	v0 =	vand.u32 $0xFFFF0000, v0;
	v2 =	vor.u32 v3, v2  }
0xa6: {  	s0 =	sshll.u32 s0, $0x4;
	v0 =	vor.u32 v1, v0;
	[tilespmem:s31+$0x10810] =	vst v2  }
0xa7: {  	s0 =	sadd.s32 s5, s0;
	[tilespmem:s31+$0x10820] =	vst v0  }
0xa8: {  	[hbm4b:s0+s2] =	stream.linear.scatter [tilespmem:s23], [sflag:$0x6], $0x2800, $0x38;
	[tilespmem:$0x13000] =	vst v63  }
0xa9: {  	_ =	swait.ge [sflag:s16], $0x2800  }
0xaa: {  	[sflag:s16] =	ssyncset.done $0x0  }
0xab: {  	[sflag:s16] =	ssyncadd.s32 $0xFFFFD800  }
0xac: {  	_ =	swait.ge [sflag:s17], $0x2800  }
0xad: {  	[sflag:s17] =	ssyncset.done $0x0  }
0xae: {  	[sflag:s17] =	ssyncadd.s32 $0xFFFFD800  }
0xaf: {  	_ =	swait.ge [sflag:s24], $0x2800  }
0xb0: {  	[sflag:s24] =	ssyncset.done $0x0  }
0xb1: {  	s28 =	simm.s32 $0x0;
	[sflag:s24] =	ssyncadd.s32 $0xFFFFD800  }
0xb2: {  	v0 =	vld [tilespmem:s28+$0x4060]  }
0xb3: {  	v1 =	vld [tilespmem:s28+$0x9060]  }
0xb4: {  	v2 =	vld [tilespmem:s28+$0x4070]  }
0xb5: {  	v3 =	vld [tilespmem:s28+$0x9070]  }
0xb6: {  	v4 =	vld [tilespmem:s28+$0x4000]  }
0xb7: {  	v5 =	vld [tilespmem:s28+$0x9000]  }
0xb8: {  	v6 =	vld [tilespmem:s28+$0x4010]  }
0xb9: {  	v7 =	vld [tilespmem:s28+$0x9010]  }
0xba: {  	v8 =	vld [tilespmem:s28+$0x4020];
	v0 =	vadd.f32 v1, v0;
	v1 =	vadd.f32 v3, v2  }
0xbb: {  	v9 =	vld [tilespmem:s28+$0x4030]  }
0xbc: {  	v3 =	vld [tilespmem:s28+$0x9020];
	v0 =	vadd.s32 $0x8000, v0;
	v1 =	vadd.s32 $0x8000, v1  }
0xbd: {  	v10 =	vld [tilespmem:s28+$0x9030];
	v0 =	vshrl.u32 v0, $0x10;
	v1 =	vand.u32 $0xFFFF0000, v1  }
0xbe: {  	v11 =	vld [tilespmem:s28+$0x4040];
	v0 =	vor.u32 v0, v1;
	v1 =	vadd.f32 v5, v4;
	v4 =	vadd.f32 v7, v6  }
0xbf: {  	v12 =	vld [tilespmem:s28+$0x9040]  }
0xc0: {  	v2 =	vld [tilespmem:s28+$0x4050];
	[tilespmem:s28+$0xE030] =	vst v0;
	v0 =	vadd.s32 $0x8000, v1;
	v1 =	vadd.s32 $0x8000, v4  }
0xc1: {  	s29 =	simm.s32 $0x80;
	v3 =	vadd.f32 v3, v8;
	v4 =	vld [tilespmem:s28+$0x9050];
	v5 =	vshrl.u32 v0, $0x10;
	v1 =	vand.u32 $0xFFFF0000, v1  }
0xc2: {  	v6 =	vadd.f32 v10, v9;
	v0 =	vld [tilespmem:s29+$0x4060];
	v5 =	vor.u32 v5, v1  }
0xc3: {  	v3 =	vadd.s32 $0x8000, v3;
	v1 =	vld [tilespmem:s29+$0x9060];
	[tilespmem:s28+$0xE000] =	vst v5  }
0xc4: {  	s0 =	simm.s32 $0x400;
	v7 =	vadd.s32 $0x8000, v6;
	v6 =	vadd.f32 v12, v11;
	v5 =	vshrl.u32 v3, $0x10;
	v3 =	vld [tilespmem:s29+$0x4070]  }
.LBB2_8:
0xc5: {  	p0 =	sne.s32 s0, $0x9E00;
	v8 =	vld [tilespmem:s29+$0x9070];
	v7 =	vand.u32 $0xFFFF0000, v7  }
0xc6: {  	v9 =	vld [tilespmem:s29+$0x4000];
	v5 =	vor.u32 v5, v7;
	v2 =	vadd.f32 v4, v2;
	v4 =	vadd.s32 $0x8000, v6  }
0xc7: {  	v6 =	vld [tilespmem:s29+$0x9000];
	[tilespmem:s28+$0xE010] =	vst v5;
	v4 =	vshrl.u32 v4, $0x10  }
0xc8: {  	v5 =	vld [tilespmem:s29+$0x4010];
	v2 =	vadd.s32 $0x8000, v2  }
0xc9: {  	v7 =	vld [tilespmem:s29+$0x9010];
	v2 =	vand.u32 $0xFFFF0000, v2  }
0xca: {  	v0 =	vadd.f32 v1, v0;
	v10 =	vld [tilespmem:s29+$0x4020];
	v1 =	vadd.f32 v8, v3;
	v2 =	vor.u32 v4, v2  }
0xcb: {  	v3 =	vld [tilespmem:s29+$0x9020];
	[tilespmem:s28+$0xE020] =	vst v2;
	s28 =	smov.u32 s29  }
0xcc: {  	v0 =	vadd.s32 $0x8000, v0;
	v2 =	vadd.f32 v6, v9;
	v6 =	vld [tilespmem:s28+$0x4030];
	v1 =	vadd.s32 $0x8000, v1  }
0xcd: {  	v0 =	vshrl.u32 v0, $0x10;
	v8 =	vld [tilespmem:s28+$0x9030];
	v1 =	vand.u32 $0xFFFF0000, v1  }
0xce: {  	v4 =	vadd.f32 v7, v5;
	v2 =	vadd.s32 $0x8000, v2;
	v9 =	vld [tilespmem:s28+$0x4040];
	v0 =	vor.u32 v0, v1  }
0xcf: {  	v1 =	vshrl.u32 v2, $0x10;
	v11 =	vld [tilespmem:s28+$0x9040];
	[tilespmem:s28+$0xE030] =	vst v0  }
.Ltmp3:
0xd0: {  	v0 =	vadd.s32 $0x8000, v4;
	v3 =	vadd.f32 v3, v10;
	v2 =	vld [tilespmem:s28+$0x4050];
	(pc) =	sbr.rel @p0 .LBB2_8-.Ltmp3, $4  }
0xd1: {  	s29 =	sshra.s32 s0, $0x2;
	v5 =	vand.u32 $0xFFFF0000, v0;
	v4 =	vld [tilespmem:s28+$0x9050]  }
0xd2: {  	v0 =	vld [tilespmem:s29+$0x4060];
	v5 =	vor.u32 v1, v5;
	v6 =	vadd.f32 v8, v6;
	v3 =	vadd.s32 $0x8000, v3  }
0xd3: {  	v1 =	vld [tilespmem:s29+$0x9060];
	[tilespmem:s28+$0xE000] =	vst v5;
	v5 =	vshrl.u32 v3, $0x10  }
0xd4: {  	s0 =	sadd.s32 $0x200, s0;
	v3 =	vld [tilespmem:s29+$0x4070];
	v7 =	vadd.s32 $0x8000, v6;
	v6 =	vadd.f32 v11, v9  }
0xd5: {  	v8 =	vld [tilespmem:s29+$0x9070];
	v7 =	vand.u32 $0xFFFF0000, v7  }
0xd6: {  	v9 =	vld [tilespmem:s29+$0x4000];
	v5 =	vor.u32 v5, v7;
	v2 =	vadd.f32 v4, v2  }
0xd7: {  	v52 =	vld [tilespmem:s29+$0x9000];
	[tilespmem:s28+$0xE010] =	vst v5  }
0xd8: {  	v54 =	vadd.s32 $0x8000, v6;
	v53 =	vld [tilespmem:s29+$0x4010];
	v2 =	vadd.s32 $0x8000, v2  }
0xd9: {  	v5 =	vshrl.u32 v54, $0x10;
	v55 =	vld [tilespmem:s29+$0x9010];
	v2 =	vand.u32 $0xFFFF0000, v2  }
0xda: {  	v10 =	vld [tilespmem:s29+$0x4020];
	v2 =	vor.u32 v5, v2  }
0xdb: {  	v56 =	vld [tilespmem:s29+$0x9020];
	[tilespmem:s28+$0xE020] =	vst v2  }
0xdc: {  	v2 =	vld [tilespmem:s29+$0x4030]  }
0xdd: {  	v58 =	vld [tilespmem:s29+$0x9030]  }
0xde: {  	v59 =	vld [tilespmem:s29+$0x4040]  }
0xdf: {  	v0 =	vadd.f32 v1, v0;
	v60 =	vld [tilespmem:s29+$0x9040]  }
0xe0: {  	v57 =	vadd.f32 v8, v3;
	v7 =	vadd.f32 v52, v9;
	v61 =	vld [tilespmem:s29+$0x4050]  }
0xe1: {  	v0 =	vadd.s32 $0x8000, v0;
	v11 =	vld [tilespmem:s29+$0x9050]  }
0xe2: {  	v0 =	vshrl.u32 v0, $0x10;
	v1 =	vadd.s32 $0x8000, v57;
	v62 =	vadd.s32 $0x8000, v7  }
0xe3: {  	v1 =	vand.u32 $0xFFFF0000, v1;
	v4 =	vadd.f32 v55, v53;
	v5 =	vadd.f32 v56, v10  }
0xe4: {  	v6 =	vshrl.u32 v62, $0x10;
	v0 =	vor.u32 v0, v1  }
0xe5: {  	v4 =	vadd.s32 $0x8000, v4;
	v63 =	vadd.s32 $0x8000, v5;
	v2 =	vadd.f32 v58, v2  }
0xe6: {  	[tilespmem:s29+$0xE030] =	vst v0;
	v4 =	vand.u32 $0xFFFF0000, v4;
	v1 =	vadd.f32 v60, v59;
	v0 =	vadd.f32 v11, v61  }
0xe7: {  	v3 =	vshrl.u32 v63, $0x10;
	v4 =	vor.u32 v6, v4;
	v2 =	vadd.s32 $0x8000, v2  }
0xe8: {  	v1 =	vadd.s32 $0x8000, v1;
	v0 =	vadd.s32 $0x8000, v0;
	v2 =	vand.u32 $0xFFFF0000, v2  }
0xe9: {  	[tilespmem:s29+$0xE000] =	vst v4;
	v1 =	vshrl.u32 v1, $0x10;
	v0 =	vand.u32 $0xFFFF0000, v0;
	v2 =	vor.u32 v3, v2  }
0xea: {  	v0 =	vor.u32 v1, v0;
	[tilespmem:s29+$0xE010] =	vst v2  }
0xeb: {  	s26 =	sadd.s32 $0x1, s26;
	[tilespmem:s29+$0xE020] =	vst v0  }
0xec: {  	[hbm4b:s9+s2] =	stream.linear.scatter [tilespmem:s20], [sflag:$0x7], $0x2800, $0x38;
	[tilespmem:$0x13000] =	vst v63  }
0xed: {  	p0 =	sne.s32 s26, s10;
	_ =	swait.ge [sflag:s11], $0x2800  }
.Ltmp4:
0xee: {  	[sflag:s11] =	ssyncset.done $0x0;
	(pc) =	sbr.rel @p0 .LBB2_1-.Ltmp4, $4  }
0xef: {  	[sflag:s11] =	ssyncadd.s32 $0xFFFFD800  }
0xf0: {  	_ =	swait.ge [sflag:s25], $0x2800  }
0xf1: {  	[sflag:s25] =	ssyncset.done $0x0  }
0xf2: {  	[sflag:s25] =	ssyncadd.s32 $0xFFFFD800  }
0xf3: {  	_ =	sfence.sel $0x180000  }
0xf4: {  	[bflag:$0x0] =	sbarrier.arrive $0xFFFF  }
0xf5: {  	_ =	strace $0x9000004D  }
0xf6: {  	[bflag:$0x2] =	sbarrier.arrive $0xFFFF  }
0xf7: {  	p0 =	sne.s32 s1, $0x0;
	s0 =	rddreg [dreg:$0x1]  }
0xf8: {  	s0 =	sadd.s32 @!p0 $0x100000, s0  }
0xf9: {  	[sflag:s0] =	ssyncadd.tile.s32 @!p0 $0x1;
	_ =	shalt  }
.Lfunc_end2:
_tile_overlayer_lowered:
.L_overlay_start_2:
0xfa: {  	(tag) =	ssettag $0x2  }
0xfb: {  	s0 =	rddreg [dreg:$0x0];
	s2 =	stileid.u32  }
0xfc: {  	s1 =	rddreg [dreg:$0x1];
	p0 =	sne.s32 s2, $0x0  }
0xfd: {  	s3 =	rddreg [dreg:$0x2];
	[bflag:$0x3] =	sbarrier.arrive $0xFFFF;
	s2 =	simm.s32 @!p0 $0x1C07  }
0xfe: {  	[timem:s3], [sflag:s2] =	dma.local @!p0 [hbm:s0], s1  }
0xff: {  	s0 =	simm.s32 @!p0 $0x7  }
0x100: {  	_ =	swait.ge @!p0 [sflag:s0], s1  }
0x101: {  	s1 =	ssub.s32 @!p0 $0x0, s1;
	[sflag:s0] =	ssyncset.done @!p0 $0x0  }
0x102: {  	[sflag:s0] =	ssyncadd.s32 @!p0 s1  }
0x103: {  	[bflag:$0x3] =	sbarrier.arrive $0xFFFF  }
0x104: {  	_ =	shalt  }

</sc_bundles>
